<compile_context>
chip_gen: v7x
topology: tpu7x:2x2x1
jax: 0.10.2.dev20260603
libtpu: 0.0.44.dev20260713+nightly
codegen_flags: <defaults>
</compile_context>

<pallas_src>
import functools

import jax
import jax.numpy as jnp
from jax import lax
from jax.experimental import pallas as pl
from jax.experimental.pallas import tpu as pltpu
from jax.experimental.pallas import tpu_sc as plsc

NC = 2
NS = 16
L = 16
NW = NC * NS
TB = 128
GPF = 16
VST = 128


@functools.cache
def _build(M, D, B):
    assert D % 8 == 0 and B % (NW * TB) == 0 and M % 8 == 0
    NBLK = M // TB
    TAILC = M - NBLK * TB
    BPW = NBLK // NW
    EXTRA = NBLK % NW
    PW = (BPW + 1) * TB + TB
    NB = B // L
    OC = B // NW

    mesh = plsc.VectorSubcoreMesh(
        core_axis_name="c", subcore_axis_name="s",
        num_cores=NC, num_subcores=NS)

    @functools.partial(
        pl.kernel,
        out_type=(
            jax.ShapeDtypeStruct((D, M), jnp.float32),
            jax.ShapeDtypeStruct((B,), jnp.int32),
            jax.ShapeDtypeStruct((max(TAILC, 8),), jnp.int32),
        ),
        mesh=mesh,
        compiler_params=pltpu.CompilerParams(needs_layout_passes=False),
        scratch_types=[
            pltpu.VMEM((B,), jnp.int32),
            pltpu.VMEM((PW,), jnp.int32),
            pltpu.VMEM((B + L,), jnp.int32),
            pltpu.VMEM((B + L,), jnp.int32),
            pltpu.VMEM((TB,), jnp.int32),
            pltpu.VMEM((TB,), jnp.int32),
            pltpu.VMEM((D, TB), jnp.float32),
            pltpu.VMEM((D, TB), jnp.float32),
            pltpu.VMEM((GPF,), jnp.int32),
            pltpu.VMEM((GPF,), jnp.int32),
            pltpu.VMEM((B + L,), jnp.int32),
            pltpu.VMEM((VST, 2 * D), jnp.float32),
            pltpu.SemaphoreType.DMA,
            pltpu.SemaphoreType.DMA,
            pltpu.SemaphoreType.DMA,
            pltpu.SemaphoreType.DMA,
            pltpu.SemaphoreType.DMA,
            pltpu.SemaphoreType.DMA,
        ],
    )
    def k1(mem_t, val2, idx_h, newmem_t, win_h, winrow_h,
           idx_v, pos, eibuf, evbuf, i128, v128,
           cb0, cb1, eb, pb, ppairs, stage,
           si0, si1, so0, so1, srf, sw):
        wid = lax.axis_index("s") * NC + lax.axis_index("c")
        lo_blk = BPW * wid + jnp.minimum(wid, EXTRA)
        nblk = BPW + (wid < EXTRA).astype(jnp.int32)
        lo = lo_blk * TB
        ncols = nblk * TB + jnp.where(wid == NW - 1, TAILC, 0)
        hi = lo + ncols
        nch = nblk
        iota = lax.iota(jnp.int32, L)

        pltpu.sync_copy(idx_h, idx_v)

        neg1 = iota * 0 - 1

        def init_body(kk, carry):
            pos[pl.ds(kk * L, L)] = neg1
            return carry

        lax.fori_loop(0, PW // L, init_body, jnp.int32(0))

        def scan_body(kk, carry):
            v = idx_v[pl.ds(kk * L, L)]
            i_vec = kk * L + iota
            inm = (v >= lo) & (v < hi)
            loc = jnp.minimum(jnp.maximum(v - lo, 0), PW - 1)
            plsc.store_scatter(pos, [loc], i_vec, mask=inm)
            p = plsc.load_gather(pos, [loc], mask=inm)
            lost = inm & (p != i_vec)

            @pl.when(jnp.sum(lost.astype(jnp.int32)) > 0)
            def _fix():
                for j in range(L):
                    plsc.store_scatter(pos, [loc], i_vec,
                                       mask=inm & (iota == j))

            return carry

        lax.fori_loop(0, NB, scan_body, jnp.int32(0))

        def exp_body(kk, ecnt):
            v = idx_v[pl.ds(kk * L, L)]
            i_vec = kk * L + iota
            inm = (v >= lo) & (v < hi)
            loc = jnp.minimum(jnp.maximum(v - lo, 0), PW - 1)
            w = plsc.load_gather(pos, [loc], mask=inm)
            offs = ecnt + lax.cumsum(inm.astype(jnp.int32), axis=0) - 1
            offs = jnp.maximum(offs, 0)
            plsc.store_scatter(eibuf, [offs], i_vec, mask=inm)
            plsc.store_scatter(evbuf, [offs], w, mask=inm)
            return ecnt + jnp.sum(inm.astype(jnp.int32))

        ecnt = lax.fori_loop(0, NB, exp_body, jnp.int32(0))

        def exp_flush(c, carry):
            last = ecnt - 1
            for g in range(TB // L):
                pj = jnp.minimum(c * TB + g * L + iota, last)
                i128[pl.ds(g * L, L)] = plsc.load_gather(eibuf, [pj])
                v128[pl.ds(g * L, L)] = plsc.load_gather(evbuf, [pj])
            pltpu.async_copy(v128, win_h.at[i128], sw).wait()
            return carry

        lax.fori_loop(0, (ecnt + TB - 1) // TB, exp_flush, jnp.int32(0))

        def pair_sweep(g, cnt):
            pv = pos[pl.ds(g * L, L)]
            upd = pv >= 0
            offs = cnt + lax.cumsum(upd.astype(jnp.int32), axis=0) - 1
            plsc.store_scatter(ppairs, [jnp.maximum(offs, 0)], pv >> 1,
                               mask=upd)
            return cnt + jnp.sum(upd.astype(jnp.int32))

        utotal = lax.fori_loop(0, nch * (TB // L), pair_sweep, jnp.int32(0))

        def refill(kstart):
            last = jnp.maximum(utotal - 1, 0)
            for g in range(VST // L):
                pj = jnp.minimum(kstart + g * L + iota, last)
                i128[pl.ds(g * L, L)] = plsc.load_gather(ppairs, [pj])
            pltpu.async_copy(val2.at[i128], stage, srf).wait()

        @pl.when(utotal > 0)
        def _prime_stage():
            refill(jnp.int32(0))

        def col_of(c):
            return lo + c * TB

        def cin(c, buf, sem):
            pltpu.async_copy(mem_t.at[:, pl.ds(col_of(c), TB)], buf, sem)

        def cin_wait(buf, sem):
            pltpu.make_async_copy(
                mem_t.at[:, pl.ds(lo, TB)], buf, sem).wait()

        def cout(c, buf, sem):
            pltpu.async_copy(buf, newmem_t.at[:, pl.ds(col_of(c), TB)], sem)

        def cout_wait(buf, sem):
            pltpu.make_async_copy(
                buf, newmem_t.at[:, pl.ds(lo, TB)], sem).wait()

        def merge(c, ks, base, buf):
            cbase = c * TB

            def csweep(g, u):
                pv = pos[pl.ds(cbase + g * L, L)]
                return u + jnp.sum((pv >= 0).astype(jnp.int32))

            u = lax.fori_loop(0, TB // L, csweep, jnp.int32(0))

            need = ks + u > base + VST
            nbase = jnp.where(need, ks, base)

            @pl.when(need)
            def _rf():
                refill(ks)

            nbatch = (u + GPF - 1) // GPF

            def batch(t, carry):
                def sweep(g, bcnt):
                    pv = pos[pl.ds(cbase + g * L, L)]
                    upd = pv >= 0
                    offs = bcnt + lax.cumsum(upd.astype(jnp.int32), axis=0) - 1
                    sel = upd & (offs >= t * GPF) & (offs < (t + 1) * GPF)
                    slot = jnp.clip(offs - t * GPF, 0, GPF - 1)
                    plsc.store_scatter(eb, [slot], g * L + iota, mask=sel)
                    plsc.store_scatter(pb, [slot], pv, mask=sel)
                    return bcnt + jnp.sum(upd.astype(jnp.int32))

                lax.fori_loop(0, TB // L, sweep, jnp.int32(0))
                e16 = plsc.load_gather(eb, [iota])
                pv16 = plsc.load_gather(pb, [iota])

                nhere = jnp.minimum(u - t * GPF, GPF)
                lane_ok = iota < nhere
                h64 = (pv16 & 1) * D
                e16c = jnp.clip(e16, 0, TB - 1)
                rows = jnp.clip(ks + t * GPF + iota - nbase, 0, VST - 1)

                def wloop(j, carry2):
                    x = plsc.load_gather(stage, [rows, h64 + j], mask=lane_ok)
                    plsc.store_scatter(
                        buf, [iota * 0 + j, e16c], x, mask=lane_ok)
                    return carry2

                lax.fori_loop(0, D, wloop, jnp.int32(0))
                return carry

            lax.fori_loop(0, nbatch, batch, jnp.int32(0))
            return ks + u, nbase

        cin(0, cb0, si0)
        cin(1, cb1, si1)

        def pair_body(j, st):
            ks, base = st
            c = 2 * j
            cin_wait(cb0, si0)
            ks, base = merge(c, ks, base, cb0)
            cout(c, cb0, so0)

            def do_b1(st2):
                ks2, base2 = st2
                cin_wait(cb1, si1)
                ks2, base2 = merge(c + 1, ks2, base2, cb1)
                cout(c + 1, cb1, so1)
                return ks2, base2

            ks, base = lax.cond(c + 1 < nch, do_b1, lambda s: s, (ks, base))

            @pl.when(c + 2 < nch)
            def _p0():
                cout_wait(cb0, so0)
                cin(c + 2, cb0, si0)

            @pl.when(c + 3 < nch)
            def _p1():
                cout_wait(cb1, so1)
                cin(c + 3, cb1, si1)

            return ks, base

        lax.fori_loop(0, (nch + 1) // 2, pair_body,
                      (jnp.int32(0), jnp.int32(0)))
        cout_wait(cb0, so0)

        @pl.when(nch > 1)
        def _drain1():
            cout_wait(cb1, so1)

        if TAILC:
            @pl.when(wid == NW - 1)
            def _winrow():
                pltpu.sync_copy(pos.at[pl.ds(nblk * TB, TAILC)],
                                winrow_h.at[pl.ds(0, TAILC)])

    @functools.partial(
        pl.kernel,
        out_type=jax.ShapeDtypeStruct((D, B), jnp.float32),
        mesh=mesh,
        compiler_params=pltpu.CompilerParams(needs_layout_passes=False),
        scratch_types=[
            pltpu.VMEM((OC,), jnp.int32),
            pltpu.VMEM((TB,), jnp.int32),
            pltpu.VMEM((TB, 2 * D), jnp.float32),
            pltpu.VMEM((D, OC), jnp.float32),
            pltpu.SemaphoreType.DMA,
        ],
    )
    def k2(val2, win_h, out_t, winv, p128, vstage, obuf, sem):
        wid = lax.axis_index("s") * NC + lax.axis_index("c")
        base = wid * OC
        iota = lax.iota(jnp.int32, L)
        pltpu.sync_copy(win_h.at[pl.ds(base, OC)], winv)

        for b in range(OC // TB):
            for g in range(TB // L):
                w = winv[pl.ds(b * TB + g * L, L)]
                p128[pl.ds(g * L, L)] = w >> 1
            pltpu.async_copy(val2.at[p128], vstage, sem).wait()
            for g in range(TB // L):
                w = winv[pl.ds(b * TB + g * L, L)]
                h64 = (w & 1) * D
                t16 = g * L + iota

                def wloop(j, carry, h64=h64, t16=t16, b=b):
                    x = plsc.load_gather(vstage, [t16, h64 + j])
                    plsc.store_scatter(
                        obuf, [iota * 0 + j, b * TB + t16], x)
                    return carry

                lax.fori_loop(0, D, wloop, jnp.int32(0))
        pltpu.sync_copy(obuf, out_t.at[:, pl.ds(base, OC)])

    return k1, k2


def kernel(mem, val, idx):
    M, D = mem.shape
    B = idx.shape[0]
    k1, k2 = _build(M, D, B)
    memf = mem.astype(jnp.float32)
    valf = val.astype(jnp.float32)
    val2 = valf.reshape(B // 2, 2 * D)
    idx32 = idx.astype(jnp.int32)
    newmem_t, win, winrow = k1(memf.T, val2, idx32)
    out_t = k2(val2, win)
    new_mem = newmem_t.T
    mtail = M // TB * TB
    if mtail < M:
        wr = winrow[:M - mtail]
        tail_new = jnp.where((wr >= 0)[:, None],
                             valf[jnp.clip(wr, 0, B - 1)], memf[mtail:])
        new_mem = new_mem.at[mtail:].set(tail_new)
    return out_t.T, new_mem

# --- scband reference (transcript-rebuilt; emitter-appended) ---
"""Pipeline reference for scband-memory-46548855554706 (READ-ONLY COPY).

The authoritative reference and input builder live on the scoring server;
editing this copy changes nothing except your own understanding.
"""

import jax, jax.numpy as jnp
import numpy as np

M = 1000000
D = 64
B = 16384

def setup_inputs(seed: int = 0) -> dict:
    key = jax.random.key(seed)
    k1, k2, k3 = jax.random.split(key, 3)
    mem = jax.random.normal(k1, (M, D), dtype=jnp.float32)
    val = jax.random.normal(k2, (B, D), dtype=jnp.float32)
    idx = jax.random.randint(k3, (B,), 0, M, dtype=jnp.int64) if jax.config.jax_enable_x64 else jax.random.randint(k3, (B,), 0, M, dtype=jnp.int32)
    return {"mem": mem, "val": val, "idx": idx}

def reference(mem, val, idx):
    # Faithful to Memory.set_memory followed by Memory.get_memory:
    # set_memory overwrites memory rows for the given node indices
    # (dict assignment semantics -> scatter-overwrite), then get_memory
    # gathers those rows back.
    new_mem = mem.at[idx].set(val)
    out = jnp.take(new_mem, idx, axis=0)
    return out, new_mem

if __name__ == "__main__":
    import jax
    _d = setup_inputs()
    print(jax.jit(kernel)(*tuple(_d.values())))

</pallas_src>

<mosaic_0001>
#map = affine_map<(d0, d1) -> (0, 0)>
#map1 = affine_map<(d0, d1) -> (0)>
module attributes {stable_mosaic.version = 14 : i64} {
  func.func @k1(%arg0: i32, %arg1: i32, %arg2: memref<64x1000000xf32, #tpu.memory_space<hbm>>, %arg3: memref<8192x128xf32, #tpu.memory_space<hbm>>, %arg4: memref<16384xi32, #tpu.memory_space<hbm>>, %arg5: memref<64x1000000xf32, #tpu.memory_space<hbm>>, %arg6: memref<16384xi32, #tpu.memory_space<hbm>>, %arg7: memref<64xi32, #tpu.memory_space<hbm>>, %arg8: memref<16384xi32, #tpu.memory_space<vmem>>, %arg9: memref<31488xi32, #tpu.memory_space<vmem>>, %arg10: memref<16400xi32, #tpu.memory_space<vmem>>, %arg11: memref<16400xi32, #tpu.memory_space<vmem>>, %arg12: memref<128xi32, #tpu.memory_space<vmem>>, %arg13: memref<128xi32, #tpu.memory_space<vmem>>, %arg14: memref<64x128xf32, #tpu.memory_space<vmem>>, %arg15: memref<64x128xf32, #tpu.memory_space<vmem>>, %arg16: memref<16xi32, #tpu.memory_space<vmem>>, %arg17: memref<16xi32, #tpu.memory_space<vmem>>, %arg18: memref<16400xi32, #tpu.memory_space<vmem>>, %arg19: memref<128x128xf32, #tpu.memory_space<vmem>>, %arg20: memref<!tpu.dma_semaphore, #tpu.memory_space<semaphore_mem>>, %arg21: memref<!tpu.dma_semaphore, #tpu.memory_space<semaphore_mem>>, %arg22: memref<!tpu.dma_semaphore, #tpu.memory_space<semaphore_mem>>, %arg23: memref<!tpu.dma_semaphore, #tpu.memory_space<semaphore_mem>>, %arg24: memref<!tpu.dma_semaphore, #tpu.memory_space<semaphore_mem>>, %arg25: memref<!tpu.dma_semaphore, #tpu.memory_space<semaphore_mem>>) attributes {dimension_semantics = [#tpu.dimension_semantics<core_parallel>, #tpu.dimension_semantics<subcore_parallel>], iteration_bounds = array<i64: 2, 16>, scalar_prefetch = 0 : i64, scratch_operands = 18 : i64, tpu.core_type = #tpu.core_type<sc_vector_subcore>, window_params = [{transform_indices = #map}, {transform_indices = #map}, {transform_indices = #map1}, {transform_indices = #map}, {transform_indices = #map1}, {transform_indices = #map1}]} {
    %mul3A = arith.constant 2 : i32
    %mul3A_0 = arith.muli %arg1, %mul3A : i32
    %add3A = arith.addi %mul3A_0, %arg0 : i32
    %mul3A_1 = arith.constant 244 : i32
    %mul3A_2 = arith.muli %mul3A_1, %add3A : i32
    %min3A = arith.constant 4 : i32
    %min3A_3 = arith.minsi %add3A, %min3A : i32
    %add3A_4 = arith.addi %mul3A_2, %min3A_3 : i32
    %lt3A = arith.constant 4 : i32
    %lt3A_5 = arith.cmpi slt, %add3A, %lt3A : i32
    %convert_element_type3A = arith.extui %lt3A_5 : i1 to i32
    %add3A_6 = arith.constant 244 : i32
    %add3A_7 = arith.addi %add3A_6, %convert_element_type3A : i32
    %mul3A_8 = arith.constant 128 : i32
    %mul3A_9 = arith.muli %add3A_4, %mul3A_8 : i32
    %mul3A_10 = arith.constant 128 : i32
    %mul3A_11 = arith.muli %add3A_7, %mul3A_10 : i32
    %eq3A = arith.constant 31 : i32
    %eq3A_12 = arith.cmpi eq, %add3A, %eq3A : i32
    %jit3A = arith.constant 64 : i32
    %jit3A_13 = arith.constant 0 : i32
    %select_n3A = arith.select %eq3A_12, %jit3A, %jit3A_13 : i32
    %add3A_14 = arith.addi %mul3A_11, %select_n3A : i32
    %add3A_15 = arith.addi %mul3A_9, %add3A_14 : i32
    %iota3A = tpu.iota {dimensions = array<i32: 0>} : vector<16xi32>
    "tpu.region"() ({
      %run_scoped3A = tpu.sem_alloc : memref<!tpu.dma_semaphore, #tpu.memory_space<semaphore_mem>>
      tpu.enqueue_dma source(%arg4 : memref<16384xi32, #tpu.memory_space<hbm>>) target(%arg8 : memref<16384xi32, #tpu.memory_space<vmem>>) target_semaphore(%run_scoped3A : memref<!tpu.dma_semaphore, #tpu.memory_space<semaphore_mem>>)
      tpu.wait_dma2 semaphore(%run_scoped3A : memref<!tpu.dma_semaphore, #tpu.memory_space<semaphore_mem>>) src(%arg4 : memref<16384xi32, #tpu.memory_space<hbm>>) dst(%arg8 : memref<16384xi32, #tpu.memory_space<vmem>>)
      tpu.yield
    }) : () -> ()
    %mul3A_16 = arith.constant 0 : i32
    %mul3A_17 = vector.broadcast %mul3A_16 : i32 to vector<16xi32>
    %mul3A_18 = arith.muli %iota3A, %mul3A_17 : vector<16xi32>
    %sub3A = arith.constant 1 : i32
    %sub3A_19 = vector.broadcast %sub3A : i32 to vector<16xi32>
    %sub3A_20 = arith.subi %mul3A_18, %sub3A_19 : vector<16xi32>
    %scan3A = arith.constant 0 : i32
    %scan3A_21 = arith.constant 0 : i32
    %scan3A_22 = arith.constant 1968 : i32
    %scan3A_23 = arith.addi %scan3A_21, %scan3A_22 : i32
    %scan3A_24 = arith.constant 1 : i32
    scf.for %scan3A_151 = %scan3A_21 to %scan3A_23 step %scan3A_24  : i32 {
      %mul3A_152 = arith.constant 16 : i32
      %mul3A_153 = arith.muli %scan3A_151, %mul3A_152 : i32
      %swap3A = arith.index_cast %mul3A_153 : i32 to index
      %swap3A_154 = tpu.vector_load %arg9[%swap3A] {strides = array<i32>} : memref<31488xi32, #tpu.memory_space<vmem>>, vector<16xi32>,
      tpu.vector_store %arg9[%swap3A], %sub3A_20 {strides = array<i32>} : memref<31488xi32, #tpu.memory_space<vmem>>, vector<16xi32>,
    }
    %scan3A_25 = arith.constant 1968 : i32
    %scan3A_26 = arith.constant 0 : i32
    %scan3A_27 = arith.constant 0 : i32
    %scan3A_28 = arith.constant 1024 : i32
    %scan3A_29 = arith.addi %scan3A_27, %scan3A_28 : i32
    %scan3A_30 = arith.constant 1 : i32
    scf.for %scan3A_151 = %scan3A_27 to %scan3A_29 step %scan3A_30  : i32 {
      %mul3A_152 = arith.constant 16 : i32
      %mul3A_153 = arith.muli %scan3A_151, %mul3A_152 : i32
      %get3A = arith.index_cast %mul3A_153 : i32 to index
      %get3A_154 = tpu.vector_load %arg8[%get3A] {strides = array<i32>} : memref<16384xi32, #tpu.memory_space<vmem>>, vector<16xi32>,
      %mul3A_155 = arith.constant 16 : i32
      %mul3A_156 = arith.muli %scan3A_151, %mul3A_155 : i32
      %add3A_157 = vector.broadcast %mul3A_156 : i32 to vector<16xi32>
      %add3A_158 = arith.addi %add3A_157, %iota3A : vector<16xi32>
      %ge3A = vector.broadcast %mul3A_9 : i32 to vector<16xi32>
      %ge3A_159 = arith.cmpi sge, %get3A_154, %ge3A : vector<16xi32>
      %lt3A_160 = vector.broadcast %add3A_15 : i32 to vector<16xi32>
      %lt3A_161 = arith.cmpi slt, %get3A_154, %lt3A_160 : vector<16xi32>
      %and3A_162 = arith.andi %ge3A_159, %lt3A_161 : vector<16xi1>
      %sub3A_163 = vector.broadcast %mul3A_9 : i32 to vector<16xi32>
      %sub3A_164 = arith.subi %get3A_154, %sub3A_163 : vector<16xi32>
      %max3A = arith.constant 0 : i32
      %max3A_165 = vector.broadcast %max3A : i32 to vector<16xi32>
      %max3A_166 = arith.maxsi %sub3A_164, %max3A_165 : vector<16xi32>
      %min3A_167 = arith.constant 31487 : i32
      %min3A_168 = vector.broadcast %min3A_167 : i32 to vector<16xi32>
      %min3A_169 = arith.minsi %max3A_166, %min3A_168 : vector<16xi32>
      tpu.vector_store_idx %arg9[%min3A_169], %add3A_158 masked %and3A_162 : memref<31488xi32, #tpu.memory_space<vmem>>[vector<16xi32>], vector<16xi32>, vector<16xi1>
      %gather3A = tpu.vector_load_idx %arg9[%min3A_169] masked %and3A_162 : memref<31488xi32, #tpu.memory_space<vmem>>[vector<16xi32>], vector<16xi32>, vector<16xi1>
      %ne3A_170 = arith.cmpi ne, %gather3A, %add3A_158 : vector<16xi32>
      %and3A_171 = arith.andi %and3A_162, %ne3A_170 : vector<16xi1>
      %convert_element_type3A_172 = arith.extui %and3A_171 : vector<16xi1> to vector<16xi32>
      %reduce_sum3A = arith.constant true
      %reduce_sum3A_173 = vector.broadcast %reduce_sum3A : i1 to vector<16xi1>
      %reduce_sum3A_174 = tpu.scan <sum>, %convert_element_type3A_172 masked %reduce_sum3A_173 : vector<16xi32>, vector<16xi1> -> vector<16xi32>
      %reduce_sum3A_175 = vector.extract %reduce_sum3A_174[15] : i32 from vector<16xi32>
      %gt3A_176 = arith.constant 0 : i32
      %gt3A_177 = arith.cmpi sgt, %reduce_sum3A_175, %gt3A_176 : i32
      %convert_element_type3A_178 = arith.extui %gt3A_177 : i1 to i32
      %cond3A_179 = arith.constant 0 : i32
      %cond3A_180 = arith.cmpi ne, %convert_element_type3A_178, %cond3A_179 : i32
      scf.if %cond3A_180 {
        %eq3A_181 = arith.constant 0 : i32
        %eq3A_182 = vector.broadcast %eq3A_181 : i32 to vector<16xi32>
        %eq3A_183 = arith.cmpi eq, %iota3A, %eq3A_182 : vector<16xi32>
        %and3A_184 = arith.andi %and3A_162, %eq3A_183 : vector<16xi1>
        tpu.vector_store_idx %arg9[%min3A_169], %add3A_158 masked %and3A_184 : memref<31488xi32, #tpu.memory_space<vmem>>[vector<16xi32>], vector<16xi32>, vector<16xi1>
        %eq3A_185 = arith.constant 1 : i32
        %eq3A_186 = vector.broadcast %eq3A_185 : i32 to vector<16xi32>
        %eq3A_187 = arith.cmpi eq, %iota3A, %eq3A_186 : vector<16xi32>
        %and3A_188 = arith.andi %and3A_162, %eq3A_187 : vector<16xi1>
        tpu.vector_store_idx %arg9[%min3A_169], %add3A_158 masked %and3A_188 : memref<31488xi32, #tpu.memory_space<vmem>>[vector<16xi32>], vector<16xi32>, vector<16xi1>
        %eq3A_189 = arith.constant 2 : i32
        %eq3A_190 = vector.broadcast %eq3A_189 : i32 to vector<16xi32>
        %eq3A_191 = arith.cmpi eq, %iota3A, %eq3A_190 : vector<16xi32>
        %and3A_192 = arith.andi %and3A_162, %eq3A_191 : vector<16xi1>
        tpu.vector_store_idx %arg9[%min3A_169], %add3A_158 masked %and3A_192 : memref<31488xi32, #tpu.memory_space<vmem>>[vector<16xi32>], vector<16xi32>, vector<16xi1>
        %eq3A_193 = arith.constant 3 : i32
        %eq3A_194 = vector.broadcast %eq3A_193 : i32 to vector<16xi32>
        %eq3A_195 = arith.cmpi eq, %iota3A, %eq3A_194 : vector<16xi32>
        %and3A_196 = arith.andi %and3A_162, %eq3A_195 : vector<16xi1>
        tpu.vector_store_idx %arg9[%min3A_169], %add3A_158 masked %and3A_196 : memref<31488xi32, #tpu.memory_space<vmem>>[vector<16xi32>], vector<16xi32>, vector<16xi1>
        %eq3A_197 = arith.constant 4 : i32
        %eq3A_198 = vector.broadcast %eq3A_197 : i32 to vector<16xi32>
        %eq3A_199 = arith.cmpi eq, %iota3A, %eq3A_198 : vector<16xi32>
        %and3A_200 = arith.andi %and3A_162, %eq3A_199 : vector<16xi1>
        tpu.vector_store_idx %arg9[%min3A_169], %add3A_158 masked %and3A_200 : memref<31488xi32, #tpu.memory_space<vmem>>[vector<16xi32>], vector<16xi32>, vector<16xi1>
        %eq3A_201 = arith.constant 5 : i32
        %eq3A_202 = vector.broadcast %eq3A_201 : i32 to vector<16xi32>
        %eq3A_203 = arith.cmpi eq, %iota3A, %eq3A_202 : vector<16xi32>
        %and3A_204 = arith.andi %and3A_162, %eq3A_203 : vector<16xi1>
        tpu.vector_store_idx %arg9[%min3A_169], %add3A_158 masked %and3A_204 : memref<31488xi32, #tpu.memory_space<vmem>>[vector<16xi32>], vector<16xi32>, vector<16xi1>
        %eq3A_205 = arith.constant 6 : i32
        %eq3A_206 = vector.broadcast %eq3A_205 : i32 to vector<16xi32>
        %eq3A_207 = arith.cmpi eq, %iota3A, %eq3A_206 : vector<16xi32>
        %and3A_208 = arith.andi %and3A_162, %eq3A_207 : vector<16xi1>
        tpu.vector_store_idx %arg9[%min3A_169], %add3A_158 masked %and3A_208 : memref<31488xi32, #tpu.memory_space<vmem>>[vector<16xi32>], vector<16xi32>, vector<16xi1>
        %eq3A_209 = arith.constant 7 : i32
        %eq3A_210 = vector.broadcast %eq3A_209 : i32 to vector<16xi32>
        %eq3A_211 = arith.cmpi eq, %iota3A, %eq3A_210 : vector<16xi32>
        %and3A_212 = arith.andi %and3A_162, %eq3A_211 : vector<16xi1>
        tpu.vector_store_idx %arg9[%min3A_169], %add3A_158 masked %and3A_212 : memref<31488xi32, #tpu.memory_space<vmem>>[vector<16xi32>], vector<16xi32>, vector<16xi1>
        %eq3A_213 = arith.constant 8 : i32
        %eq3A_214 = vector.broadcast %eq3A_213 : i32 to vector<16xi32>
        %eq3A_215 = arith.cmpi eq, %iota3A, %eq3A_214 : vector<16xi32>
        %and3A_216 = arith.andi %and3A_162, %eq3A_215 : vector<16xi1>
        tpu.vector_store_idx %arg9[%min3A_169], %add3A_158 masked %and3A_216 : memref<31488xi32, #tpu.memory_space<vmem>>[vector<16xi32>], vector<16xi32>, vector<16xi1>
        %eq3A_217 = arith.constant 9 : i32
        %eq3A_218 = vector.broadcast %eq3A_217 : i32 to vector<16xi32>
        %eq3A_219 = arith.cmpi eq, %iota3A, %eq3A_218 : vector<16xi32>
        %and3A_220 = arith.andi %and3A_162, %eq3A_219 : vector<16xi1>
        tpu.vector_store_idx %arg9[%min3A_169], %add3A_158 masked %and3A_220 : memref<31488xi32, #tpu.memory_space<vmem>>[vector<16xi32>], vector<16xi32>, vector<16xi1>
        %eq3A_221 = arith.constant 10 : i32
        %eq3A_222 = vector.broadcast %eq3A_221 : i32 to vector<16xi32>
        %eq3A_223 = arith.cmpi eq, %iota3A, %eq3A_222 : vector<16xi32>
        %and3A_224 = arith.andi %and3A_162, %eq3A_223 : vector<16xi1>
        tpu.vector_store_idx %arg9[%min3A_169], %add3A_158 masked %and3A_224 : memref<31488xi32, #tpu.memory_space<vmem>>[vector<16xi32>], vector<16xi32>, vector<16xi1>
        %eq3A_225 = arith.constant 11 : i32
        %eq3A_226 = vector.broadcast %eq3A_225 : i32 to vector<16xi32>
        %eq3A_227 = arith.cmpi eq, %iota3A, %eq3A_226 : vector<16xi32>
        %and3A_228 = arith.andi %and3A_162, %eq3A_227 : vector<16xi1>
        tpu.vector_store_idx %arg9[%min3A_169], %add3A_158 masked %and3A_228 : memref<31488xi32, #tpu.memory_space<vmem>>[vector<16xi32>], vector<16xi32>, vector<16xi1>
        %eq3A_229 = arith.constant 12 : i32
        %eq3A_230 = vector.broadcast %eq3A_229 : i32 to vector<16xi32>
        %eq3A_231 = arith.cmpi eq, %iota3A, %eq3A_230 : vector<16xi32>
        %and3A_232 = arith.andi %and3A_162, %eq3A_231 : vector<16xi1>
        tpu.vector_store_idx %arg9[%min3A_169], %add3A_158 masked %and3A_232 : memref<31488xi32, #tpu.memory_space<vmem>>[vector<16xi32>], vector<16xi32>, vector<16xi1>
        %eq3A_233 = arith.constant 13 : i32
        %eq3A_234 = vector.broadcast %eq3A_233 : i32 to vector<16xi32>
        %eq3A_235 = arith.cmpi eq, %iota3A, %eq3A_234 : vector<16xi32>
        %and3A_236 = arith.andi %and3A_162, %eq3A_235 : vector<16xi1>
        tpu.vector_store_idx %arg9[%min3A_169], %add3A_158 masked %and3A_236 : memref<31488xi32, #tpu.memory_space<vmem>>[vector<16xi32>], vector<16xi32>, vector<16xi1>
        %eq3A_237 = arith.constant 14 : i32
        %eq3A_238 = vector.broadcast %eq3A_237 : i32 to vector<16xi32>
        %eq3A_239 = arith.cmpi eq, %iota3A, %eq3A_238 : vector<16xi32>
        %and3A_240 = arith.andi %and3A_162, %eq3A_239 : vector<16xi1>
        tpu.vector_store_idx %arg9[%min3A_169], %add3A_158 masked %and3A_240 : memref<31488xi32, #tpu.memory_space<vmem>>[vector<16xi32>], vector<16xi32>, vector<16xi1>
        %eq3A_241 = arith.constant 15 : i32
        %eq3A_242 = vector.broadcast %eq3A_241 : i32 to vector<16xi32>
        %eq3A_243 = arith.cmpi eq, %iota3A, %eq3A_242 : vector<16xi32>
        %and3A_244 = arith.andi %and3A_162, %eq3A_243 : vector<16xi1>
        tpu.vector_store_idx %arg9[%min3A_169], %add3A_158 masked %and3A_244 : memref<31488xi32, #tpu.memory_space<vmem>>[vector<16xi32>], vector<16xi32>, vector<16xi1>
      } else {
      }
    }
    %scan3A_31 = arith.constant 1024 : i32
    %scan3A_32 = arith.constant 0 : i32
    %scan3A_33 = arith.constant 0 : i32
    %scan3A_34 = arith.constant 1024 : i32
    %scan3A_35 = arith.addi %scan3A_33, %scan3A_34 : i32
    %scan3A_36 = arith.constant 1 : i32
    %scan3A_37 = scf.for %scan3A_151 = %scan3A_33 to %scan3A_35 step %scan3A_36 iter_args(%scan3A_152 = %scan3A_32) -> (i32)  : i32 {
      %mul3A_153 = arith.constant 16 : i32
      %mul3A_154 = arith.muli %scan3A_151, %mul3A_153 : i32
      %get3A = arith.index_cast %mul3A_154 : i32 to index
      %get3A_155 = tpu.vector_load %arg8[%get3A] {strides = array<i32>} : memref<16384xi32, #tpu.memory_space<vmem>>, vector<16xi32>,
      %mul3A_156 = arith.constant 16 : i32
      %mul3A_157 = arith.muli %scan3A_151, %mul3A_156 : i32
      %add3A_158 = vector.broadcast %mul3A_157 : i32 to vector<16xi32>
      %add3A_159 = arith.addi %add3A_158, %iota3A : vector<16xi32>
      %ge3A = vector.broadcast %mul3A_9 : i32 to vector<16xi32>
      %ge3A_160 = arith.cmpi sge, %get3A_155, %ge3A : vector<16xi32>
      %lt3A_161 = vector.broadcast %add3A_15 : i32 to vector<16xi32>
      %lt3A_162 = arith.cmpi slt, %get3A_155, %lt3A_161 : vector<16xi32>
      %and3A_163 = arith.andi %ge3A_160, %lt3A_162 : vector<16xi1>
      %sub3A_164 = vector.broadcast %mul3A_9 : i32 to vector<16xi32>
      %sub3A_165 = arith.subi %get3A_155, %sub3A_164 : vector<16xi32>
      %max3A = arith.constant 0 : i32
      %max3A_166 = vector.broadcast %max3A : i32 to vector<16xi32>
      %max3A_167 = arith.maxsi %sub3A_165, %max3A_166 : vector<16xi32>
      %min3A_168 = arith.constant 31487 : i32
      %min3A_169 = vector.broadcast %min3A_168 : i32 to vector<16xi32>
      %min3A_170 = arith.minsi %max3A_167, %min3A_169 : vector<16xi32>
      %gather3A = tpu.vector_load_idx %arg9[%min3A_170] masked %and3A_163 : memref<31488xi32, #tpu.memory_space<vmem>>[vector<16xi32>], vector<16xi32>, vector<16xi1>
      %convert_element_type3A_171 = arith.extui %and3A_163 : vector<16xi1> to vector<16xi32>
      %cumsum3A = arith.constant true
      %cumsum3A_172 = vector.broadcast %cumsum3A : i1 to vector<16xi1>
      %cumsum3A_173 = tpu.scan <sum>, %convert_element_type3A_171 masked %cumsum3A_172 : vector<16xi32>, vector<16xi1> -> vector<16xi32>
      %add3A_174 = vector.broadcast %scan3A_152 : i32 to vector<16xi32>
      %add3A_175 = arith.addi %add3A_174, %cumsum3A_173 : vector<16xi32>
      %sub3A_176 = arith.constant 1 : i32
      %sub3A_177 = vector.broadcast %sub3A_176 : i32 to vector<16xi32>
      %sub3A_178 = arith.subi %add3A_175, %sub3A_177 : vector<16xi32>
      %max3A_179 = arith.constant 0 : i32
      %max3A_180 = vector.broadcast %max3A_179 : i32 to vector<16xi32>
      %max3A_181 = arith.maxsi %sub3A_178, %max3A_180 : vector<16xi32>
      tpu.vector_store_idx %arg10[%max3A_181], %add3A_159 masked %and3A_163 : memref<16400xi32, #tpu.memory_space<vmem>>[vector<16xi32>], vector<16xi32>, vector<16xi1>
      tpu.vector_store_idx %arg11[%max3A_181], %gather3A masked %and3A_163 : memref<16400xi32, #tpu.memory_space<vmem>>[vector<16xi32>], vector<16xi32>, vector<16xi1>
      %convert_element_type3A_182 = arith.extui %and3A_163 : vector<16xi1> to vector<16xi32>
      %reduce_sum3A = arith.constant true
      %reduce_sum3A_183 = vector.broadcast %reduce_sum3A : i1 to vector<16xi1>
      %reduce_sum3A_184 = tpu.scan <sum>, %convert_element_type3A_182 masked %reduce_sum3A_183 : vector<16xi32>, vector<16xi1> -> vector<16xi32>
      %reduce_sum3A_185 = vector.extract %reduce_sum3A_184[15] : i32 from vector<16xi32>
      %add3A_186 = arith.addi %scan3A_152, %reduce_sum3A_185 : i32
      scf.yield %add3A_186 : i32
    }
    %scan3A_38 = arith.constant 1024 : i32
    %add3A_39 = arith.constant 128 : i32
    %add3A_40 = arith.addi %scan3A_37, %add3A_39 : i32
    %sub3A_41 = arith.constant 1 : i32
    %sub3A_42 = arith.subi %add3A_40, %sub3A_41 : i32
    %jit3A_43 = arith.constant 128 : i32
    %div3A = arith.divsi %sub3A_42, %jit3A_43 : i32
    %sign3A = arith.constant 0 : i32
    %sign3A_44 = arith.cmpi sgt, %sub3A_42, %sign3A : i32
    %sign3A_45 = arith.extui %sign3A_44 : i1 to i32
    %sign3A_46 = arith.constant 0 : i32
    %sign3A_47 = arith.cmpi slt, %sub3A_42, %sign3A_46 : i32
    %sign3A_48 = arith.extui %sign3A_47 : i1 to i32
    %sign3A_49 = arith.subi %sign3A_45, %sign3A_48 : i32
    %sign3A_50 = arith.constant 0 : i32
    %sign3A_51 = arith.cmpi sgt, %jit3A_43, %sign3A_50 : i32
    %sign3A_52 = arith.extui %sign3A_51 : i1 to i32
    %sign3A_53 = arith.constant 0 : i32
    %sign3A_54 = arith.cmpi slt, %jit3A_43, %sign3A_53 : i32
    %sign3A_55 = arith.extui %sign3A_54 : i1 to i32
    %sign3A_56 = arith.subi %sign3A_52, %sign3A_55 : i32
    %ne3A = arith.cmpi ne, %sign3A_49, %sign3A_56 : i32
    %rem3A = arith.remsi %sub3A_42, %jit3A_43 : i32
    %ne3A_57 = arith.constant 0 : i32
    %ne3A_58 = arith.cmpi ne, %rem3A, %ne3A_57 : i32
    %and3A = arith.andi %ne3A, %ne3A_58 : i1
    %sub3A_59 = arith.constant 1 : i32
    %sub3A_60 = arith.subi %div3A, %sub3A_59 : i32
    %select_n3A_61 = arith.select %and3A, %sub3A_60, %div3A : i32
    %while3A = arith.constant 0 : i32
    %while3A_62 = arith.constant 0 : i32
    %while3A_63 = arith.subi %select_n3A_61, %while3A_62 : i32
    %while3A_64 = arith.addi %while3A_62, %while3A_63 : i32
    %while3A_65 = arith.constant 1 : i32
    %while3A_66 = arith.divsi %while3A_63, %while3A_65 : i32
    %while3A_67 = arith.muli %while3A_66, %while3A_65 : i32
    %while3A_68 = arith.addi %while3A_62, %while3A_67 : i32
    %while3A_69 = arith.constant 1 : i32
    scf.for %while3A_151 = %while3A_62 to %while3A_68 step %while3A_69  : i32 {
      %sub3A_152 = arith.constant 1 : i32
      %sub3A_153 = arith.subi %scan3A_37, %sub3A_152 : i32
      %mul3A_154 = arith.constant 128 : i32
      %mul3A_155 = arith.muli %while3A_151, %mul3A_154 : i32
      %add3A_156 = arith.constant 0 : i32
      %add3A_157 = arith.addi %mul3A_155, %add3A_156 : i32
      %add3A_158 = vector.broadcast %add3A_157 : i32 to vector<16xi32>
      %add3A_159 = arith.addi %add3A_158, %iota3A : vector<16xi32>
      %min3A_160 = vector.broadcast %sub3A_153 : i32 to vector<16xi32>
      %min3A_161 = arith.minsi %add3A_159, %min3A_160 : vector<16xi32>
      %gather3A = tpu.vector_load_idx %arg10[%min3A_161] : memref<16400xi32, #tpu.memory_space<vmem>>[vector<16xi32>], vector<16xi32>,
      %swap3A = arith.constant 0 : index
      %swap3A_162 = tpu.vector_load %arg12[%swap3A] {strides = array<i32>} : memref<128xi32, #tpu.memory_space<vmem>>, vector<16xi32>,
      tpu.vector_store %arg12[%swap3A], %gather3A {strides = array<i32>} : memref<128xi32, #tpu.memory_space<vmem>>, vector<16xi32>,
      %gather3A_163 = tpu.vector_load_idx %arg11[%min3A_161] : memref<16400xi32, #tpu.memory_space<vmem>>[vector<16xi32>], vector<16xi32>,
      %swap3A_164 = arith.constant 0 : index
      %swap3A_165 = tpu.vector_load %arg13[%swap3A_164] {strides = array<i32>} : memref<128xi32, #tpu.memory_space<vmem>>, vector<16xi32>,
      tpu.vector_store %arg13[%swap3A_164], %gather3A_163 {strides = array<i32>} : memref<128xi32, #tpu.memory_space<vmem>>, vector<16xi32>,
      %mul3A_166 = arith.constant 128 : i32
      %mul3A_167 = arith.muli %while3A_151, %mul3A_166 : i32
      %add3A_168 = arith.constant 16 : i32
      %add3A_169 = arith.addi %mul3A_167, %add3A_168 : i32
      %add3A_170 = vector.broadcast %add3A_169 : i32 to vector<16xi32>
      %add3A_171 = arith.addi %add3A_170, %iota3A : vector<16xi32>
      %min3A_172 = vector.broadcast %sub3A_153 : i32 to vector<16xi32>
      %min3A_173 = arith.minsi %add3A_171, %min3A_172 : vector<16xi32>
      %gather3A_174 = tpu.vector_load_idx %arg10[%min3A_173] : memref<16400xi32, #tpu.memory_space<vmem>>[vector<16xi32>], vector<16xi32>,
      %swap3A_175 = arith.constant 16 : index
      %swap3A_176 = tpu.vector_load %arg12[%swap3A_175] {strides = array<i32>} : memref<128xi32, #tpu.memory_space<vmem>>, vector<16xi32>,
      tpu.vector_store %arg12[%swap3A_175], %gather3A_174 {strides = array<i32>} : memref<128xi32, #tpu.memory_space<vmem>>, vector<16xi32>,
      %gather3A_177 = tpu.vector_load_idx %arg11[%min3A_173] : memref<16400xi32, #tpu.memory_space<vmem>>[vector<16xi32>], vector<16xi32>,
      %swap3A_178 = arith.constant 16 : index
      %swap3A_179 = tpu.vector_load %arg13[%swap3A_178] {strides = array<i32>} : memref<128xi32, #tpu.memory_space<vmem>>, vector<16xi32>,
      tpu.vector_store %arg13[%swap3A_178], %gather3A_177 {strides = array<i32>} : memref<128xi32, #tpu.memory_space<vmem>>, vector<16xi32>,
      %mul3A_180 = arith.constant 128 : i32
      %mul3A_181 = arith.muli %while3A_151, %mul3A_180 : i32
      %add3A_182 = arith.constant 32 : i32
      %add3A_183 = arith.addi %mul3A_181, %add3A_182 : i32
      %add3A_184 = vector.broadcast %add3A_183 : i32 to vector<16xi32>
      %add3A_185 = arith.addi %add3A_184, %iota3A : vector<16xi32>
      %min3A_186 = vector.broadcast %sub3A_153 : i32 to vector<16xi32>
      %min3A_187 = arith.minsi %add3A_185, %min3A_186 : vector<16xi32>
      %gather3A_188 = tpu.vector_load_idx %arg10[%min3A_187] : memref<16400xi32, #tpu.memory_space<vmem>>[vector<16xi32>], vector<16xi32>,
      %swap3A_189 = arith.constant 32 : index
      %swap3A_190 = tpu.vector_load %arg12[%swap3A_189] {strides = array<i32>} : memref<128xi32, #tpu.memory_space<vmem>>, vector<16xi32>,
      tpu.vector_store %arg12[%swap3A_189], %gather3A_188 {strides = array<i32>} : memref<128xi32, #tpu.memory_space<vmem>>, vector<16xi32>,
      %gather3A_191 = tpu.vector_load_idx %arg11[%min3A_187] : memref<16400xi32, #tpu.memory_space<vmem>>[vector<16xi32>], vector<16xi32>,
      %swap3A_192 = arith.constant 32 : index
      %swap3A_193 = tpu.vector_load %arg13[%swap3A_192] {strides = array<i32>} : memref<128xi32, #tpu.memory_space<vmem>>, vector<16xi32>,
      tpu.vector_store %arg13[%swap3A_192], %gather3A_191 {strides = array<i32>} : memref<128xi32, #tpu.memory_space<vmem>>, vector<16xi32>,
      %mul3A_194 = arith.constant 128 : i32
      %mul3A_195 = arith.muli %while3A_151, %mul3A_194 : i32
      %add3A_196 = arith.constant 48 : i32
      %add3A_197 = arith.addi %mul3A_195, %add3A_196 : i32
      %add3A_198 = vector.broadcast %add3A_197 : i32 to vector<16xi32>
      %add3A_199 = arith.addi %add3A_198, %iota3A : vector<16xi32>
      %min3A_200 = vector.broadcast %sub3A_153 : i32 to vector<16xi32>
      %min3A_201 = arith.minsi %add3A_199, %min3A_200 : vector<16xi32>
      %gather3A_202 = tpu.vector_load_idx %arg10[%min3A_201] : memref<16400xi32, #tpu.memory_space<vmem>>[vector<16xi32>], vector<16xi32>,
      %swap3A_203 = arith.constant 48 : index
      %swap3A_204 = tpu.vector_load %arg12[%swap3A_203] {strides = array<i32>} : memref<128xi32, #tpu.memory_space<vmem>>, vector<16xi32>,
      tpu.vector_store %arg12[%swap3A_203], %gather3A_202 {strides = array<i32>} : memref<128xi32, #tpu.memory_space<vmem>>, vector<16xi32>,
      %gather3A_205 = tpu.vector_load_idx %arg11[%min3A_201] : memref<16400xi32, #tpu.memory_space<vmem>>[vector<16xi32>], vector<16xi32>,
      %swap3A_206 = arith.constant 48 : index
      %swap3A_207 = tpu.vector_load %arg13[%swap3A_206] {strides = array<i32>} : memref<128xi32, #tpu.memory_space<vmem>>, vector<16xi32>,
      tpu.vector_store %arg13[%swap3A_206], %gather3A_205 {strides = array<i32>} : memref<128xi32, #tpu.memory_space<vmem>>, vector<16xi32>,
      %mul3A_208 = arith.constant 128 : i32
      %mul3A_209 = arith.muli %while3A_151, %mul3A_208 : i32
      %add3A_210 = arith.constant 64 : i32
      %add3A_211 = arith.addi %mul3A_209, %add3A_210 : i32
      %add3A_212 = vector.broadcast %add3A_211 : i32 to vector<16xi32>
      %add3A_213 = arith.addi %add3A_212, %iota3A : vector<16xi32>
      %min3A_214 = vector.broadcast %sub3A_153 : i32 to vector<16xi32>
      %min3A_215 = arith.minsi %add3A_213, %min3A_214 : vector<16xi32>
      %gather3A_216 = tpu.vector_load_idx %arg10[%min3A_215] : memref<16400xi32, #tpu.memory_space<vmem>>[vector<16xi32>], vector<16xi32>,
      %swap3A_217 = arith.constant 64 : index
      %swap3A_218 = tpu.vector_load %arg12[%swap3A_217] {strides = array<i32>} : memref<128xi32, #tpu.memory_space<vmem>>, vector<16xi32>,
      tpu.vector_store %arg12[%swap3A_217], %gather3A_216 {strides = array<i32>} : memref<128xi32, #tpu.memory_space<vmem>>, vector<16xi32>,
      %gather3A_219 = tpu.vector_load_idx %arg11[%min3A_215] : memref<16400xi32, #tpu.memory_space<vmem>>[vector<16xi32>], vector<16xi32>,
      %swap3A_220 = arith.constant 64 : index
      %swap3A_221 = tpu.vector_load %arg13[%swap3A_220] {strides = array<i32>} : memref<128xi32, #tpu.memory_space<vmem>>, vector<16xi32>,
      tpu.vector_store %arg13[%swap3A_220], %gather3A_219 {strides = array<i32>} : memref<128xi32, #tpu.memory_space<vmem>>, vector<16xi32>,
      %mul3A_222 = arith.constant 128 : i32
      %mul3A_223 = arith.muli %while3A_151, %mul3A_222 : i32
      %add3A_224 = arith.constant 80 : i32
      %add3A_225 = arith.addi %mul3A_223, %add3A_224 : i32
      %add3A_226 = vector.broadcast %add3A_225 : i32 to vector<16xi32>
      %add3A_227 = arith.addi %add3A_226, %iota3A : vector<16xi32>
      %min3A_228 = vector.broadcast %sub3A_153 : i32 to vector<16xi32>
      %min3A_229 = arith.minsi %add3A_227, %min3A_228 : vector<16xi32>
      %gather3A_230 = tpu.vector_load_idx %arg10[%min3A_229] : memref<16400xi32, #tpu.memory_space<vmem>>[vector<16xi32>], vector<16xi32>,
      %swap3A_231 = arith.constant 80 : index
      %swap3A_232 = tpu.vector_load %arg12[%swap3A_231] {strides = array<i32>} : memref<128xi32, #tpu.memory_space<vmem>>, vector<16xi32>,
      tpu.vector_store %arg12[%swap3A_231], %gather3A_230 {strides = array<i32>} : memref<128xi32, #tpu.memory_space<vmem>>, vector<16xi32>,
      %gather3A_233 = tpu.vector_load_idx %arg11[%min3A_229] : memref<16400xi32, #tpu.memory_space<vmem>>[vector<16xi32>], vector<16xi32>,
      %swap3A_234 = arith.constant 80 : index
      %swap3A_235 = tpu.vector_load %arg13[%swap3A_234] {strides = array<i32>} : memref<128xi32, #tpu.memory_space<vmem>>, vector<16xi32>,
      tpu.vector_store %arg13[%swap3A_234], %gather3A_233 {strides = array<i32>} : memref<128xi32, #tpu.memory_space<vmem>>, vector<16xi32>,
      %mul3A_236 = arith.constant 128 : i32
      %mul3A_237 = arith.muli %while3A_151, %mul3A_236 : i32
      %add3A_238 = arith.constant 96 : i32
      %add3A_239 = arith.addi %mul3A_237, %add3A_238 : i32
      %add3A_240 = vector.broadcast %add3A_239 : i32 to vector<16xi32>
      %add3A_241 = arith.addi %add3A_240, %iota3A : vector<16xi32>
      %min3A_242 = vector.broadcast %sub3A_153 : i32 to vector<16xi32>
      %min3A_243 = arith.minsi %add3A_241, %min3A_242 : vector<16xi32>
      %gather3A_244 = tpu.vector_load_idx %arg10[%min3A_243] : memref<16400xi32, #tpu.memory_space<vmem>>[vector<16xi32>], vector<16xi32>,
      %swap3A_245 = arith.constant 96 : index
      %swap3A_246 = tpu.vector_load %arg12[%swap3A_245] {strides = array<i32>} : memref<128xi32, #tpu.memory_space<vmem>>, vector<16xi32>,
      tpu.vector_store %arg12[%swap3A_245], %gather3A_244 {strides = array<i32>} : memref<128xi32, #tpu.memory_space<vmem>>, vector<16xi32>,
      %gather3A_247 = tpu.vector_load_idx %arg11[%min3A_243] : memref<16400xi32, #tpu.memory_space<vmem>>[vector<16xi32>], vector<16xi32>,
      %swap3A_248 = arith.constant 96 : index
      %swap3A_249 = tpu.vector_load %arg13[%swap3A_248] {strides = array<i32>} : memref<128xi32, #tpu.memory_space<vmem>>, vector<16xi32>,
      tpu.vector_store %arg13[%swap3A_248], %gather3A_247 {strides = array<i32>} : memref<128xi32, #tpu.memory_space<vmem>>, vector<16xi32>,
      %mul3A_250 = arith.constant 128 : i32
      %mul3A_251 = arith.muli %while3A_151, %mul3A_250 : i32
      %add3A_252 = arith.constant 112 : i32
      %add3A_253 = arith.addi %mul3A_251, %add3A_252 : i32
      %add3A_254 = vector.broadcast %add3A_253 : i32 to vector<16xi32>
      %add3A_255 = arith.addi %add3A_254, %iota3A : vector<16xi32>
      %min3A_256 = vector.broadcast %sub3A_153 : i32 to vector<16xi32>
      %min3A_257 = arith.minsi %add3A_255, %min3A_256 : vector<16xi32>
      %gather3A_258 = tpu.vector_load_idx %arg10[%min3A_257] : memref<16400xi32, #tpu.memory_space<vmem>>[vector<16xi32>], vector<16xi32>,
      %swap3A_259 = arith.constant 112 : index
      %swap3A_260 = tpu.vector_load %arg12[%swap3A_259] {strides = array<i32>} : memref<128xi32, #tpu.memory_space<vmem>>, vector<16xi32>,
      tpu.vector_store %arg12[%swap3A_259], %gather3A_258 {strides = array<i32>} : memref<128xi32, #tpu.memory_space<vmem>>, vector<16xi32>,
      %gather3A_261 = tpu.vector_load_idx %arg11[%min3A_257] : memref<16400xi32, #tpu.memory_space<vmem>>[vector<16xi32>], vector<16xi32>,
      %swap3A_262 = arith.constant 112 : index
      %swap3A_263 = tpu.vector_load %arg13[%swap3A_262] {strides = array<i32>} : memref<128xi32, #tpu.memory_space<vmem>>, vector<16xi32>,
      tpu.vector_store %arg13[%swap3A_262], %gather3A_261 {strides = array<i32>} : memref<128xi32, #tpu.memory_space<vmem>>, vector<16xi32>,
      %dma_start3A_264 = arith.constant 0 : i32
      %dma_start3A_265 = tpu.memref_slice %arg6[%dma_start3A_264] : memref<16384xi32, #tpu.memory_space<hbm>> -> memref<16384xi32, #tpu.memory_space<hbm>>
      tpu.enqueue_indirect_dma source(%arg13 : memref<128xi32, #tpu.memory_space<vmem>>) target(%dma_start3A_265 : memref<16384xi32, #tpu.memory_space<hbm>>) offsets(%arg12 : memref<128xi32, #tpu.memory_space<vmem>>) semaphore(%arg25 : memref<!tpu.dma_semaphore, #tpu.memory_space<semaphore_mem>>)
      %dma_wait3A_266 = arith.constant 0 : i32
      %dma_wait3A_267 = tpu.memref_slice %arg6[%dma_wait3A_266] : memref<16384xi32, #tpu.memory_space<hbm>> -> memref<16384xi32, #tpu.memory_space<hbm>>
      tpu.wait_indirect_dma semaphore(%arg25 : memref<!tpu.dma_semaphore, #tpu.memory_space<semaphore_mem>>) src(%arg13 : memref<128xi32, #tpu.memory_space<vmem>>) dst(%dma_wait3A_267 : memref<16384xi32, #tpu.memory_space<hbm>>)
    }
    %while3A_70 = arith.constant 1 : i32
    scf.for %while3A_151 = %while3A_68 to %while3A_64 step %while3A_70  : i32 {
      %sub3A_152 = arith.constant 1 : i32
      %sub3A_153 = arith.subi %scan3A_37, %sub3A_152 : i32
      %mul3A_154 = arith.constant 128 : i32
      %mul3A_155 = arith.muli %while3A_151, %mul3A_154 : i32
      %add3A_156 = arith.constant 0 : i32
      %add3A_157 = arith.addi %mul3A_155, %add3A_156 : i32
      %add3A_158 = vector.broadcast %add3A_157 : i32 to vector<16xi32>
      %add3A_159 = arith.addi %add3A_158, %iota3A : vector<16xi32>
      %min3A_160 = vector.broadcast %sub3A_153 : i32 to vector<16xi32>
      %min3A_161 = arith.minsi %add3A_159, %min3A_160 : vector<16xi32>
      %gather3A = tpu.vector_load_idx %arg10[%min3A_161] : memref<16400xi32, #tpu.memory_space<vmem>>[vector<16xi32>], vector<16xi32>,
      %swap3A = arith.constant 0 : index
      %swap3A_162 = tpu.vector_load %arg12[%swap3A] {strides = array<i32>} : memref<128xi32, #tpu.memory_space<vmem>>, vector<16xi32>,
      tpu.vector_store %arg12[%swap3A], %gather3A {strides = array<i32>} : memref<128xi32, #tpu.memory_space<vmem>>, vector<16xi32>,
      %gather3A_163 = tpu.vector_load_idx %arg11[%min3A_161] : memref<16400xi32, #tpu.memory_space<vmem>>[vector<16xi32>], vector<16xi32>,
      %swap3A_164 = arith.constant 0 : index
      %swap3A_165 = tpu.vector_load %arg13[%swap3A_164] {strides = array<i32>} : memref<128xi32, #tpu.memory_space<vmem>>, vector<16xi32>,
      tpu.vector_store %arg13[%swap3A_164], %gather3A_163 {strides = array<i32>} : memref<128xi32, #tpu.memory_space<vmem>>, vector<16xi32>,
      %mul3A_166 = arith.constant 128 : i32
      %mul3A_167 = arith.muli %while3A_151, %mul3A_166 : i32
      %add3A_168 = arith.constant 16 : i32
      %add3A_169 = arith.addi %mul3A_167, %add3A_168 : i32
      %add3A_170 = vector.broadcast %add3A_169 : i32 to vector<16xi32>
      %add3A_171 = arith.addi %add3A_170, %iota3A : vector<16xi32>
      %min3A_172 = vector.broadcast %sub3A_153 : i32 to vector<16xi32>
      %min3A_173 = arith.minsi %add3A_171, %min3A_172 : vector<16xi32>
      %gather3A_174 = tpu.vector_load_idx %arg10[%min3A_173] : memref<16400xi32, #tpu.memory_space<vmem>>[vector<16xi32>], vector<16xi32>,
      %swap3A_175 = arith.constant 16 : index
      %swap3A_176 = tpu.vector_load %arg12[%swap3A_175] {strides = array<i32>} : memref<128xi32, #tpu.memory_space<vmem>>, vector<16xi32>,
      tpu.vector_store %arg12[%swap3A_175], %gather3A_174 {strides = array<i32>} : memref<128xi32, #tpu.memory_space<vmem>>, vector<16xi32>,
      %gather3A_177 = tpu.vector_load_idx %arg11[%min3A_173] : memref<16400xi32, #tpu.memory_space<vmem>>[vector<16xi32>], vector<16xi32>,
      %swap3A_178 = arith.constant 16 : index
      %swap3A_179 = tpu.vector_load %arg13[%swap3A_178] {strides = array<i32>} : memref<128xi32, #tpu.memory_space<vmem>>, vector<16xi32>,
      tpu.vector_store %arg13[%swap3A_178], %gather3A_177 {strides = array<i32>} : memref<128xi32, #tpu.memory_space<vmem>>, vector<16xi32>,
      %mul3A_180 = arith.constant 128 : i32
      %mul3A_181 = arith.muli %while3A_151, %mul3A_180 : i32
      %add3A_182 = arith.constant 32 : i32
      %add3A_183 = arith.addi %mul3A_181, %add3A_182 : i32
      %add3A_184 = vector.broadcast %add3A_183 : i32 to vector<16xi32>
      %add3A_185 = arith.addi %add3A_184, %iota3A : vector<16xi32>
      %min3A_186 = vector.broadcast %sub3A_153 : i32 to vector<16xi32>
      %min3A_187 = arith.minsi %add3A_185, %min3A_186 : vector<16xi32>
      %gather3A_188 = tpu.vector_load_idx %arg10[%min3A_187] : memref<16400xi32, #tpu.memory_space<vmem>>[vector<16xi32>], vector<16xi32>,
      %swap3A_189 = arith.constant 32 : index
      %swap3A_190 = tpu.vector_load %arg12[%swap3A_189] {strides = array<i32>} : memref<128xi32, #tpu.memory_space<vmem>>, vector<16xi32>,
      tpu.vector_store %arg12[%swap3A_189], %gather3A_188 {strides = array<i32>} : memref<128xi32, #tpu.memory_space<vmem>>, vector<16xi32>,
      %gather3A_191 = tpu.vector_load_idx %arg11[%min3A_187] : memref<16400xi32, #tpu.memory_space<vmem>>[vector<16xi32>], vector<16xi32>,
      %swap3A_192 = arith.constant 32 : index
      %swap3A_193 = tpu.vector_load %arg13[%swap3A_192] {strides = array<i32>} : memref<128xi32, #tpu.memory_space<vmem>>, vector<16xi32>,
      tpu.vector_store %arg13[%swap3A_192], %gather3A_191 {strides = array<i32>} : memref<128xi32, #tpu.memory_space<vmem>>, vector<16xi32>,
      %mul3A_194 = arith.constant 128 : i32
      %mul3A_195 = arith.muli %while3A_151, %mul3A_194 : i32
      %add3A_196 = arith.constant 48 : i32
      %add3A_197 = arith.addi %mul3A_195, %add3A_196 : i32
      %add3A_198 = vector.broadcast %add3A_197 : i32 to vector<16xi32>
      %add3A_199 = arith.addi %add3A_198, %iota3A : vector<16xi32>
      %min3A_200 = vector.broadcast %sub3A_153 : i32 to vector<16xi32>
      %min3A_201 = arith.minsi %add3A_199, %min3A_200 : vector<16xi32>
      %gather3A_202 = tpu.vector_load_idx %arg10[%min3A_201] : memref<16400xi32, #tpu.memory_space<vmem>>[vector<16xi32>], vector<16xi32>,
      %swap3A_203 = arith.constant 48 : index
      %swap3A_204 = tpu.vector_load %arg12[%swap3A_203] {strides = array<i32>} : memref<128xi32, #tpu.memory_space<vmem>>, vector<16xi32>,
      tpu.vector_store %arg12[%swap3A_203], %gather3A_202 {strides = array<i32>} : memref<128xi32, #tpu.memory_space<vmem>>, vector<16xi32>,
      %gather3A_205 = tpu.vector_load_idx %arg11[%min3A_201] : memref<16400xi32, #tpu.memory_space<vmem>>[vector<16xi32>], vector<16xi32>,
      %swap3A_206 = arith.constant 48 : index
      %swap3A_207 = tpu.vector_load %arg13[%swap3A_206] {strides = array<i32>} : memref<128xi32, #tpu.memory_space<vmem>>, vector<16xi32>,
      tpu.vector_store %arg13[%swap3A_206], %gather3A_205 {strides = array<i32>} : memref<128xi32, #tpu.memory_space<vmem>>, vector<16xi32>,
      %mul3A_208 = arith.constant 128 : i32
      %mul3A_209 = arith.muli %while3A_151, %mul3A_208 : i32
      %add3A_210 = arith.constant 64 : i32
      %add3A_211 = arith.addi %mul3A_209, %add3A_210 : i32
      %add3A_212 = vector.broadcast %add3A_211 : i32 to vector<16xi32>
      %add3A_213 = arith.addi %add3A_212, %iota3A : vector<16xi32>
      %min3A_214 = vector.broadcast %sub3A_153 : i32 to vector<16xi32>
      %min3A_215 = arith.minsi %add3A_213, %min3A_214 : vector<16xi32>
      %gather3A_216 = tpu.vector_load_idx %arg10[%min3A_215] : memref<16400xi32, #tpu.memory_space<vmem>>[vector<16xi32>], vector<16xi32>,
      %swap3A_217 = arith.constant 64 : index
      %swap3A_218 = tpu.vector_load %arg12[%swap3A_217] {strides = array<i32>} : memref<128xi32, #tpu.memory_space<vmem>>, vector<16xi32>,
      tpu.vector_store %arg12[%swap3A_217], %gather3A_216 {strides = array<i32>} : memref<128xi32, #tpu.memory_space<vmem>>, vector<16xi32>,
      %gather3A_219 = tpu.vector_load_idx %arg11[%min3A_215] : memref<16400xi32, #tpu.memory_space<vmem>>[vector<16xi32>], vector<16xi32>,
      %swap3A_220 = arith.constant 64 : index
      %swap3A_221 = tpu.vector_load %arg13[%swap3A_220] {strides = array<i32>} : memref<128xi32, #tpu.memory_space<vmem>>, vector<16xi32>,
      tpu.vector_store %arg13[%swap3A_220], %gather3A_219 {strides = array<i32>} : memref<128xi32, #tpu.memory_space<vmem>>, vector<16xi32>,
      %mul3A_222 = arith.constant 128 : i32
      %mul3A_223 = arith.muli %while3A_151, %mul3A_222 : i32
      %add3A_224 = arith.constant 80 : i32
      %add3A_225 = arith.addi %mul3A_223, %add3A_224 : i32
      %add3A_226 = vector.broadcast %add3A_225 : i32 to vector<16xi32>
      %add3A_227 = arith.addi %add3A_226, %iota3A : vector<16xi32>
      %min3A_228 = vector.broadcast %sub3A_153 : i32 to vector<16xi32>
      %min3A_229 = arith.minsi %add3A_227, %min3A_228 : vector<16xi32>
      %gather3A_230 = tpu.vector_load_idx %arg10[%min3A_229] : memref<16400xi32, #tpu.memory_space<vmem>>[vector<16xi32>], vector<16xi32>,
      %swap3A_231 = arith.constant 80 : index
      %swap3A_232 = tpu.vector_load %arg12[%swap3A_231] {strides = array<i32>} : memref<128xi32, #tpu.memory_space<vmem>>, vector<16xi32>,
      tpu.vector_store %arg12[%swap3A_231], %gather3A_230 {strides = array<i32>} : memref<128xi32, #tpu.memory_space<vmem>>, vector<16xi32>,
      %gather3A_233 = tpu.vector_load_idx %arg11[%min3A_229] : memref<16400xi32, #tpu.memory_space<vmem>>[vector<16xi32>], vector<16xi32>,
      %swap3A_234 = arith.constant 80 : index
      %swap3A_235 = tpu.vector_load %arg13[%swap3A_234] {strides = array<i32>} : memref<128xi32, #tpu.memory_space<vmem>>, vector<16xi32>,
      tpu.vector_store %arg13[%swap3A_234], %gather3A_233 {strides = array<i32>} : memref<128xi32, #tpu.memory_space<vmem>>, vector<16xi32>,
      %mul3A_236 = arith.constant 128 : i32
      %mul3A_237 = arith.muli %while3A_151, %mul3A_236 : i32
      %add3A_238 = arith.constant 96 : i32
      %add3A_239 = arith.addi %mul3A_237, %add3A_238 : i32
      %add3A_240 = vector.broadcast %add3A_239 : i32 to vector<16xi32>
      %add3A_241 = arith.addi %add3A_240, %iota3A : vector<16xi32>
      %min3A_242 = vector.broadcast %sub3A_153 : i32 to vector<16xi32>
      %min3A_243 = arith.minsi %add3A_241, %min3A_242 : vector<16xi32>
      %gather3A_244 = tpu.vector_load_idx %arg10[%min3A_243] : memref<16400xi32, #tpu.memory_space<vmem>>[vector<16xi32>], vector<16xi32>,
      %swap3A_245 = arith.constant 96 : index
      %swap3A_246 = tpu.vector_load %arg12[%swap3A_245] {strides = array<i32>} : memref<128xi32, #tpu.memory_space<vmem>>, vector<16xi32>,
      tpu.vector_store %arg12[%swap3A_245], %gather3A_244 {strides = array<i32>} : memref<128xi32, #tpu.memory_space<vmem>>, vector<16xi32>,
      %gather3A_247 = tpu.vector_load_idx %arg11[%min3A_243] : memref<16400xi32, #tpu.memory_space<vmem>>[vector<16xi32>], vector<16xi32>,
      %swap3A_248 = arith.constant 96 : index
      %swap3A_249 = tpu.vector_load %arg13[%swap3A_248] {strides = array<i32>} : memref<128xi32, #tpu.memory_space<vmem>>, vector<16xi32>,
      tpu.vector_store %arg13[%swap3A_248], %gather3A_247 {strides = array<i32>} : memref<128xi32, #tpu.memory_space<vmem>>, vector<16xi32>,
      %mul3A_250 = arith.constant 128 : i32
      %mul3A_251 = arith.muli %while3A_151, %mul3A_250 : i32
      %add3A_252 = arith.constant 112 : i32
      %add3A_253 = arith.addi %mul3A_251, %add3A_252 : i32
      %add3A_254 = vector.broadcast %add3A_253 : i32 to vector<16xi32>
      %add3A_255 = arith.addi %add3A_254, %iota3A : vector<16xi32>
      %min3A_256 = vector.broadcast %sub3A_153 : i32 to vector<16xi32>
      %min3A_257 = arith.minsi %add3A_255, %min3A_256 : vector<16xi32>
      %gather3A_258 = tpu.vector_load_idx %arg10[%min3A_257] : memref<16400xi32, #tpu.memory_space<vmem>>[vector<16xi32>], vector<16xi32>,
      %swap3A_259 = arith.constant 112 : index
      %swap3A_260 = tpu.vector_load %arg12[%swap3A_259] {strides = array<i32>} : memref<128xi32, #tpu.memory_space<vmem>>, vector<16xi32>,
      tpu.vector_store %arg12[%swap3A_259], %gather3A_258 {strides = array<i32>} : memref<128xi32, #tpu.memory_space<vmem>>, vector<16xi32>,
      %gather3A_261 = tpu.vector_load_idx %arg11[%min3A_257] : memref<16400xi32, #tpu.memory_space<vmem>>[vector<16xi32>], vector<16xi32>,
      %swap3A_262 = arith.constant 112 : index
      %swap3A_263 = tpu.vector_load %arg13[%swap3A_262] {strides = array<i32>} : memref<128xi32, #tpu.memory_space<vmem>>, vector<16xi32>,
      tpu.vector_store %arg13[%swap3A_262], %gather3A_261 {strides = array<i32>} : memref<128xi32, #tpu.memory_space<vmem>>, vector<16xi32>,
      %dma_start3A_264 = arith.constant 0 : i32
      %dma_start3A_265 = tpu.memref_slice %arg6[%dma_start3A_264] : memref<16384xi32, #tpu.memory_space<hbm>> -> memref<16384xi32, #tpu.memory_space<hbm>>
      tpu.enqueue_indirect_dma source(%arg13 : memref<128xi32, #tpu.memory_space<vmem>>) target(%dma_start3A_265 : memref<16384xi32, #tpu.memory_space<hbm>>) offsets(%arg12 : memref<128xi32, #tpu.memory_space<vmem>>) semaphore(%arg25 : memref<!tpu.dma_semaphore, #tpu.memory_space<semaphore_mem>>)
      %dma_wait3A_266 = arith.constant 0 : i32
      %dma_wait3A_267 = tpu.memref_slice %arg6[%dma_wait3A_266] : memref<16384xi32, #tpu.memory_space<hbm>> -> memref<16384xi32, #tpu.memory_space<hbm>>
      tpu.wait_indirect_dma semaphore(%arg25 : memref<!tpu.dma_semaphore, #tpu.memory_space<semaphore_mem>>) src(%arg13 : memref<128xi32, #tpu.memory_space<vmem>>) dst(%dma_wait3A_267 : memref<16384xi32, #tpu.memory_space<hbm>>)
    }
    %mul3A_71 = arith.constant 8 : i32
    %mul3A_72 = arith.muli %add3A_7, %mul3A_71 : i32
    %while3A_73 = arith.constant 0 : i32
    %while3A_74 = arith.constant 0 : i32
    %while3A_75 = arith.subi %mul3A_72, %while3A_73 : i32
    %while3A_76 = arith.addi %while3A_73, %while3A_75 : i32
    %while3A_77 = arith.constant 1 : i32
    %while3A_78 = arith.divsi %while3A_75, %while3A_77 : i32
    %while3A_79 = arith.muli %while3A_78, %while3A_77 : i32
    %while3A_80 = arith.addi %while3A_73, %while3A_79 : i32
    %while3A_81 = arith.constant 1 : i32
    %while3A_82 = scf.for %while3A_151 = %while3A_73 to %while3A_80 step %while3A_81 iter_args(%while3A_152 = %while3A_74) -> (i32)  : i32 {
      %mul3A_153 = arith.constant 16 : i32
      %mul3A_154 = arith.muli %while3A_151, %mul3A_153 : i32
      %get3A = arith.index_cast %mul3A_154 : i32 to index
      %get3A_155 = tpu.vector_load %arg9[%get3A] {strides = array<i32>} : memref<31488xi32, #tpu.memory_space<vmem>>, vector<16xi32>,
      %ge3A = arith.constant 0 : i32
      %ge3A_156 = vector.broadcast %ge3A : i32 to vector<16xi32>
      %ge3A_157 = arith.cmpi sge, %get3A_155, %ge3A_156 : vector<16xi32>
      %convert_element_type3A_158 = arith.extui %ge3A_157 : vector<16xi1> to vector<16xi32>
      %cumsum3A = arith.constant true
      %cumsum3A_159 = vector.broadcast %cumsum3A : i1 to vector<16xi1>
      %cumsum3A_160 = tpu.scan <sum>, %convert_element_type3A_158 masked %cumsum3A_159 : vector<16xi32>, vector<16xi1> -> vector<16xi32>
      %add3A_161 = vector.broadcast %while3A_152 : i32 to vector<16xi32>
      %add3A_162 = arith.addi %add3A_161, %cumsum3A_160 : vector<16xi32>
      %sub3A_163 = arith.constant 1 : i32
      %sub3A_164 = vector.broadcast %sub3A_163 : i32 to vector<16xi32>
      %sub3A_165 = arith.subi %add3A_162, %sub3A_164 : vector<16xi32>
      %max3A = arith.constant 0 : i32
      %max3A_166 = vector.broadcast %max3A : i32 to vector<16xi32>
      %max3A_167 = arith.maxsi %sub3A_165, %max3A_166 : vector<16xi32>
      %shift_right_arithmetic3A = arith.constant 1 : i32
      %shift_right_arithmetic3A_168 = vector.broadcast %shift_right_arithmetic3A : i32 to vector<16xi32>
      %shift_right_arithmetic3A_169 = arith.shrsi %get3A_155, %shift_right_arithmetic3A_168 : vector<16xi32>
      tpu.vector_store_idx %arg18[%max3A_167], %shift_right_arithmetic3A_169 masked %ge3A_157 : memref<16400xi32, #tpu.memory_space<vmem>>[vector<16xi32>], vector<16xi32>, vector<16xi1>
      %convert_element_type3A_170 = arith.extui %ge3A_157 : vector<16xi1> to vector<16xi32>
      %reduce_sum3A = arith.constant true
      %reduce_sum3A_171 = vector.broadcast %reduce_sum3A : i1 to vector<16xi1>
      %reduce_sum3A_172 = tpu.scan <sum>, %convert_element_type3A_170 masked %reduce_sum3A_171 : vector<16xi32>, vector<16xi1> -> vector<16xi32>
      %reduce_sum3A_173 = vector.extract %reduce_sum3A_172[15] : i32 from vector<16xi32>
      %add3A_174 = arith.addi %while3A_152, %reduce_sum3A_173 : i32
      scf.yield %add3A_174 : i32
    }
    %while3A_83 = arith.constant 1 : i32
    %while3A_84 = scf.for %while3A_151 = %while3A_80 to %while3A_76 step %while3A_83 iter_args(%while3A_152 = %while3A_82) -> (i32)  : i32 {
      %mul3A_153 = arith.constant 16 : i32
      %mul3A_154 = arith.muli %while3A_151, %mul3A_153 : i32
      %get3A = arith.index_cast %mul3A_154 : i32 to index
      %get3A_155 = tpu.vector_load %arg9[%get3A] {strides = array<i32>} : memref<31488xi32, #tpu.memory_space<vmem>>, vector<16xi32>,
      %ge3A = arith.constant 0 : i32
      %ge3A_156 = vector.broadcast %ge3A : i32 to vector<16xi32>
      %ge3A_157 = arith.cmpi sge, %get3A_155, %ge3A_156 : vector<16xi32>
      %convert_element_type3A_158 = arith.extui %ge3A_157 : vector<16xi1> to vector<16xi32>
      %cumsum3A = arith.constant true
      %cumsum3A_159 = vector.broadcast %cumsum3A : i1 to vector<16xi1>
      %cumsum3A_160 = tpu.scan <sum>, %convert_element_type3A_158 masked %cumsum3A_159 : vector<16xi32>, vector<16xi1> -> vector<16xi32>
      %add3A_161 = vector.broadcast %while3A_152 : i32 to vector<16xi32>
      %add3A_162 = arith.addi %add3A_161, %cumsum3A_160 : vector<16xi32>
      %sub3A_163 = arith.constant 1 : i32
      %sub3A_164 = vector.broadcast %sub3A_163 : i32 to vector<16xi32>
      %sub3A_165 = arith.subi %add3A_162, %sub3A_164 : vector<16xi32>
      %max3A = arith.constant 0 : i32
      %max3A_166 = vector.broadcast %max3A : i32 to vector<16xi32>
      %max3A_167 = arith.maxsi %sub3A_165, %max3A_166 : vector<16xi32>
      %shift_right_arithmetic3A = arith.constant 1 : i32
      %shift_right_arithmetic3A_168 = vector.broadcast %shift_right_arithmetic3A : i32 to vector<16xi32>
      %shift_right_arithmetic3A_169 = arith.shrsi %get3A_155, %shift_right_arithmetic3A_168 : vector<16xi32>
      tpu.vector_store_idx %arg18[%max3A_167], %shift_right_arithmetic3A_169 masked %ge3A_157 : memref<16400xi32, #tpu.memory_space<vmem>>[vector<16xi32>], vector<16xi32>, vector<16xi1>
      %convert_element_type3A_170 = arith.extui %ge3A_157 : vector<16xi1> to vector<16xi32>
      %reduce_sum3A = arith.constant true
      %reduce_sum3A_171 = vector.broadcast %reduce_sum3A : i1 to vector<16xi1>
      %reduce_sum3A_172 = tpu.scan <sum>, %convert_element_type3A_170 masked %reduce_sum3A_171 : vector<16xi32>, vector<16xi1> -> vector<16xi32>
      %reduce_sum3A_173 = vector.extract %reduce_sum3A_172[15] : i32 from vector<16xi32>
      %add3A_174 = arith.addi %while3A_152, %reduce_sum3A_173 : i32
      scf.yield %add3A_174 : i32
    }
    %gt3A = arith.constant 0 : i32
    %gt3A_85 = arith.cmpi sgt, %while3A_84, %gt3A : i32
    %convert_element_type3A_86 = arith.extui %gt3A_85 : i1 to i32
    %cond3A = arith.constant 0 : i32
    %cond3A_87 = arith.cmpi ne, %convert_element_type3A_86, %cond3A : i32
    scf.if %cond3A_87 {
      %sub3A_151 = arith.constant 1 : i32
      %sub3A_152 = arith.subi %while3A_84, %sub3A_151 : i32
      %max3A = arith.constant 0 : i32
      %max3A_153 = arith.maxsi %sub3A_152, %max3A : i32
      %add3A_154 = arith.constant 0 : i32
      %add3A_155 = arith.constant 0 : i32
      %add3A_156 = arith.addi %add3A_154, %add3A_155 : i32
      %add3A_157 = vector.broadcast %add3A_156 : i32 to vector<16xi32>
      %add3A_158 = arith.addi %add3A_157, %iota3A : vector<16xi32>
      %min3A_159 = vector.broadcast %max3A_153 : i32 to vector<16xi32>
      %min3A_160 = arith.minsi %add3A_158, %min3A_159 : vector<16xi32>
      %gather3A = tpu.vector_load_idx %arg18[%min3A_160] : memref<16400xi32, #tpu.memory_space<vmem>>[vector<16xi32>], vector<16xi32>,
      %swap3A = arith.constant 0 : index
      %swap3A_161 = tpu.vector_load %arg12[%swap3A] {strides = array<i32>} : memref<128xi32, #tpu.memory_space<vmem>>, vector<16xi32>,
      tpu.vector_store %arg12[%swap3A], %gather3A {strides = array<i32>} : memref<128xi32, #tpu.memory_space<vmem>>, vector<16xi32>,
      %add3A_162 = arith.constant 0 : i32
      %add3A_163 = arith.constant 16 : i32
      %add3A_164 = arith.addi %add3A_162, %add3A_163 : i32
      %add3A_165 = vector.broadcast %add3A_164 : i32 to vector<16xi32>
      %add3A_166 = arith.addi %add3A_165, %iota3A : vector<16xi32>
      %min3A_167 = vector.broadcast %max3A_153 : i32 to vector<16xi32>
      %min3A_168 = arith.minsi %add3A_166, %min3A_167 : vector<16xi32>
      %gather3A_169 = tpu.vector_load_idx %arg18[%min3A_168] : memref<16400xi32, #tpu.memory_space<vmem>>[vector<16xi32>], vector<16xi32>,
      %swap3A_170 = arith.constant 16 : index
      %swap3A_171 = tpu.vector_load %arg12[%swap3A_170] {strides = array<i32>} : memref<128xi32, #tpu.memory_space<vmem>>, vector<16xi32>,
      tpu.vector_store %arg12[%swap3A_170], %gather3A_169 {strides = array<i32>} : memref<128xi32, #tpu.memory_space<vmem>>, vector<16xi32>,
      %add3A_172 = arith.constant 0 : i32
      %add3A_173 = arith.constant 32 : i32
      %add3A_174 = arith.addi %add3A_172, %add3A_173 : i32
      %add3A_175 = vector.broadcast %add3A_174 : i32 to vector<16xi32>
      %add3A_176 = arith.addi %add3A_175, %iota3A : vector<16xi32>
      %min3A_177 = vector.broadcast %max3A_153 : i32 to vector<16xi32>
      %min3A_178 = arith.minsi %add3A_176, %min3A_177 : vector<16xi32>
      %gather3A_179 = tpu.vector_load_idx %arg18[%min3A_178] : memref<16400xi32, #tpu.memory_space<vmem>>[vector<16xi32>], vector<16xi32>,
      %swap3A_180 = arith.constant 32 : index
      %swap3A_181 = tpu.vector_load %arg12[%swap3A_180] {strides = array<i32>} : memref<128xi32, #tpu.memory_space<vmem>>, vector<16xi32>,
      tpu.vector_store %arg12[%swap3A_180], %gather3A_179 {strides = array<i32>} : memref<128xi32, #tpu.memory_space<vmem>>, vector<16xi32>,
      %add3A_182 = arith.constant 0 : i32
      %add3A_183 = arith.constant 48 : i32
      %add3A_184 = arith.addi %add3A_182, %add3A_183 : i32
      %add3A_185 = vector.broadcast %add3A_184 : i32 to vector<16xi32>
      %add3A_186 = arith.addi %add3A_185, %iota3A : vector<16xi32>
      %min3A_187 = vector.broadcast %max3A_153 : i32 to vector<16xi32>
      %min3A_188 = arith.minsi %add3A_186, %min3A_187 : vector<16xi32>
      %gather3A_189 = tpu.vector_load_idx %arg18[%min3A_188] : memref<16400xi32, #tpu.memory_space<vmem>>[vector<16xi32>], vector<16xi32>,
      %swap3A_190 = arith.constant 48 : index
      %swap3A_191 = tpu.vector_load %arg12[%swap3A_190] {strides = array<i32>} : memref<128xi32, #tpu.memory_space<vmem>>, vector<16xi32>,
      tpu.vector_store %arg12[%swap3A_190], %gather3A_189 {strides = array<i32>} : memref<128xi32, #tpu.memory_space<vmem>>, vector<16xi32>,
      %add3A_192 = arith.constant 0 : i32
      %add3A_193 = arith.constant 64 : i32
      %add3A_194 = arith.addi %add3A_192, %add3A_193 : i32
      %add3A_195 = vector.broadcast %add3A_194 : i32 to vector<16xi32>
      %add3A_196 = arith.addi %add3A_195, %iota3A : vector<16xi32>
      %min3A_197 = vector.broadcast %max3A_153 : i32 to vector<16xi32>
      %min3A_198 = arith.minsi %add3A_196, %min3A_197 : vector<16xi32>
      %gather3A_199 = tpu.vector_load_idx %arg18[%min3A_198] : memref<16400xi32, #tpu.memory_space<vmem>>[vector<16xi32>], vector<16xi32>,
      %swap3A_200 = arith.constant 64 : index
      %swap3A_201 = tpu.vector_load %arg12[%swap3A_200] {strides = array<i32>} : memref<128xi32, #tpu.memory_space<vmem>>, vector<16xi32>,
      tpu.vector_store %arg12[%swap3A_200], %gather3A_199 {strides = array<i32>} : memref<128xi32, #tpu.memory_space<vmem>>, vector<16xi32>,
      %add3A_202 = arith.constant 0 : i32
      %add3A_203 = arith.constant 80 : i32
      %add3A_204 = arith.addi %add3A_202, %add3A_203 : i32
      %add3A_205 = vector.broadcast %add3A_204 : i32 to vector<16xi32>
      %add3A_206 = arith.addi %add3A_205, %iota3A : vector<16xi32>
      %min3A_207 = vector.broadcast %max3A_153 : i32 to vector<16xi32>
      %min3A_208 = arith.minsi %add3A_206, %min3A_207 : vector<16xi32>
      %gather3A_209 = tpu.vector_load_idx %arg18[%min3A_208] : memref<16400xi32, #tpu.memory_space<vmem>>[vector<16xi32>], vector<16xi32>,
      %swap3A_210 = arith.constant 80 : index
      %swap3A_211 = tpu.vector_load %arg12[%swap3A_210] {strides = array<i32>} : memref<128xi32, #tpu.memory_space<vmem>>, vector<16xi32>,
      tpu.vector_store %arg12[%swap3A_210], %gather3A_209 {strides = array<i32>} : memref<128xi32, #tpu.memory_space<vmem>>, vector<16xi32>,
      %add3A_212 = arith.constant 0 : i32
      %add3A_213 = arith.constant 96 : i32
      %add3A_214 = arith.addi %add3A_212, %add3A_213 : i32
      %add3A_215 = vector.broadcast %add3A_214 : i32 to vector<16xi32>
      %add3A_216 = arith.addi %add3A_215, %iota3A : vector<16xi32>
      %min3A_217 = vector.broadcast %max3A_153 : i32 to vector<16xi32>
      %min3A_218 = arith.minsi %add3A_216, %min3A_217 : vector<16xi32>
      %gather3A_219 = tpu.vector_load_idx %arg18[%min3A_218] : memref<16400xi32, #tpu.memory_space<vmem>>[vector<16xi32>], vector<16xi32>,
      %swap3A_220 = arith.constant 96 : index
      %swap3A_221 = tpu.vector_load %arg12[%swap3A_220] {strides = array<i32>} : memref<128xi32, #tpu.memory_space<vmem>>, vector<16xi32>,
      tpu.vector_store %arg12[%swap3A_220], %gather3A_219 {strides = array<i32>} : memref<128xi32, #tpu.memory_space<vmem>>, vector<16xi32>,
      %add3A_222 = arith.constant 0 : i32
      %add3A_223 = arith.constant 112 : i32
      %add3A_224 = arith.addi %add3A_222, %add3A_223 : i32
      %add3A_225 = vector.broadcast %add3A_224 : i32 to vector<16xi32>
      %add3A_226 = arith.addi %add3A_225, %iota3A : vector<16xi32>
      %min3A_227 = vector.broadcast %max3A_153 : i32 to vector<16xi32>
      %min3A_228 = arith.minsi %add3A_226, %min3A_227 : vector<16xi32>
      %gather3A_229 = tpu.vector_load_idx %arg18[%min3A_228] : memref<16400xi32, #tpu.memory_space<vmem>>[vector<16xi32>], vector<16xi32>,
      %swap3A_230 = arith.constant 112 : index
      %swap3A_231 = tpu.vector_load %arg12[%swap3A_230] {strides = array<i32>} : memref<128xi32, #tpu.memory_space<vmem>>, vector<16xi32>,
      tpu.vector_store %arg12[%swap3A_230], %gather3A_229 {strides = array<i32>} : memref<128xi32, #tpu.memory_space<vmem>>, vector<16xi32>,
      %dma_start3A_232 = arith.constant 0 : i32
      %dma_start3A_233 = arith.constant 0 : i32
      %dma_start3A_234 = tpu.memref_slice %arg3[%dma_start3A_232, %dma_start3A_233] : memref<8192x128xf32, #tpu.memory_space<hbm>> -> memref<8192x128xf32, #tpu.memory_space<hbm>>
      tpu.enqueue_indirect_dma source(%dma_start3A_234 : memref<8192x128xf32, #tpu.memory_space<hbm>>) target(%arg19 : memref<128x128xf32, #tpu.memory_space<vmem>>) offsets(%arg12 : memref<128xi32, #tpu.memory_space<vmem>>) semaphore(%arg24 : memref<!tpu.dma_semaphore, #tpu.memory_space<semaphore_mem>>)
      %dma_wait3A_235 = arith.constant 0 : i32
      %dma_wait3A_236 = arith.constant 0 : i32
      %dma_wait3A_237 = tpu.memref_slice %arg3[%dma_wait3A_235, %dma_wait3A_236] : memref<8192x128xf32, #tpu.memory_space<hbm>> -> memref<8192x128xf32, #tpu.memory_space<hbm>>
      tpu.wait_indirect_dma semaphore(%arg24 : memref<!tpu.dma_semaphore, #tpu.memory_space<semaphore_mem>>) src(%dma_wait3A_237 : memref<8192x128xf32, #tpu.memory_space<hbm>>) dst(%arg19 : memref<128x128xf32, #tpu.memory_space<vmem>>)
    } else {
    }
    %add3A_88 = arith.constant 0 : i32
    %add3A_89 = arith.addi %mul3A_9, %add3A_88 : i32
    %dma_start3A = arith.constant 0 : i32
    %dma_start3A_90 = tpu.memref_slice %arg2[%dma_start3A, %add3A_89] : memref<64x1000000xf32, #tpu.memory_space<hbm>> -> memref<64x128xf32, #tpu.memory_space<hbm>>
    %dma_start3A_91 = arith.constant 0 : i32
    %dma_start3A_92 = tpu.memref_slice %arg2[%dma_start3A_91, %add3A_89] : memref<64x1000000xf32, #tpu.memory_space<hbm>> -> memref<64x128xf32, #tpu.memory_space<hbm>>
    tpu.enqueue_dma source(%dma_start3A_92 : memref<64x128xf32, #tpu.memory_space<hbm>>) target(%arg14 : memref<64x128xf32, #tpu.memory_space<vmem>>) target_semaphore(%arg20 : memref<!tpu.dma_semaphore, #tpu.memory_space<semaphore_mem>>)
    %add3A_93 = arith.constant 128 : i32
    %add3A_94 = arith.addi %mul3A_9, %add3A_93 : i32
    %dma_start3A_95 = arith.constant 0 : i32
    %dma_start3A_96 = tpu.memref_slice %arg2[%dma_start3A_95, %add3A_94] : memref<64x1000000xf32, #tpu.memory_space<hbm>> -> memref<64x128xf32, #tpu.memory_space<hbm>>
    %dma_start3A_97 = arith.constant 0 : i32
    %dma_start3A_98 = tpu.memref_slice %arg2[%dma_start3A_97, %add3A_94] : memref<64x1000000xf32, #tpu.memory_space<hbm>> -> memref<64x128xf32, #tpu.memory_space<hbm>>
    tpu.enqueue_dma source(%dma_start3A_98 : memref<64x128xf32, #tpu.memory_space<hbm>>) target(%arg15 : memref<64x128xf32, #tpu.memory_space<vmem>>) target_semaphore(%arg21 : memref<!tpu.dma_semaphore, #tpu.memory_space<semaphore_mem>>)
    %add3A_99 = arith.constant 1 : i32
    %add3A_100 = arith.addi %add3A_7, %add3A_99 : i32
    %jit3A_101 = arith.constant 2 : i32
    %div3A_102 = arith.divsi %add3A_100, %jit3A_101 : i32
    %sign3A_103 = arith.constant 0 : i32
    %sign3A_104 = arith.cmpi sgt, %add3A_100, %sign3A_103 : i32
    %sign3A_105 = arith.extui %sign3A_104 : i1 to i32
    %sign3A_106 = arith.constant 0 : i32
    %sign3A_107 = arith.cmpi slt, %add3A_100, %sign3A_106 : i32
    %sign3A_108 = arith.extui %sign3A_107 : i1 to i32
    %sign3A_109 = arith.subi %sign3A_105, %sign3A_108 : i32
    %sign3A_110 = arith.constant 0 : i32
    %sign3A_111 = arith.cmpi sgt, %jit3A_101, %sign3A_110 : i32
    %sign3A_112 = arith.extui %sign3A_111 : i1 to i32
    %sign3A_113 = arith.constant 0 : i32
    %sign3A_114 = arith.cmpi slt, %jit3A_101, %sign3A_113 : i32
    %sign3A_115 = arith.extui %sign3A_114 : i1 to i32
    %sign3A_116 = arith.subi %sign3A_112, %sign3A_115 : i32
    %ne3A_117 = arith.cmpi ne, %sign3A_109, %sign3A_116 : i32
    %rem3A_118 = arith.remsi %add3A_100, %jit3A_101 : i32
    %ne3A_119 = arith.constant 0 : i32
    %ne3A_120 = arith.cmpi ne, %rem3A_118, %ne3A_119 : i32
    %and3A_121 = arith.andi %ne3A_117, %ne3A_120 : i1
    %sub3A_122 = arith.constant 1 : i32
    %sub3A_123 = arith.subi %div3A_102, %sub3A_122 : i32
    %select_n3A_124 = arith.select %and3A_121, %sub3A_123, %div3A_102 : i32
    %while3A_125 = arith.constant 0 : i32
    %while3A_126 = arith.constant 0 : i32
    %while3A_127 = arith.constant 0 : i32
    %while3A_128 = arith.subi %select_n3A_124, %while3A_125 : i32
    %while3A_129 = arith.addi %while3A_125, %while3A_128 : i32
    %while3A_130 = arith.constant 1 : i32
    %while3A_131 = arith.divsi %while3A_128, %while3A_130 : i32
    %while3A_132 = arith.muli %while3A_131, %while3A_130 : i32
    %while3A_133 = arith.addi %while3A_125, %while3A_132 : i32
    %while3A_134 = arith.constant 1 : i32
    %while3A_135:2 = scf.for %while3A_151 = %while3A_125 to %while3A_133 step %while3A_134 iter_args(%while3A_152 = %while3A_126, %while3A_153 = %while3A_127) -> (i32, i32)  : i32 {
      %mul3A_154 = arith.constant 2 : i32
      %mul3A_155 = arith.muli %mul3A_154, %while3A_151 : i32
      %dma_wait3A_156 = arith.constant 0 : i32
      %dma_wait3A_157 = tpu.memref_slice %arg2[%dma_wait3A_156, %mul3A_9] : memref<64x1000000xf32, #tpu.memory_space<hbm>> -> memref<64x128xf32, #tpu.memory_space<hbm>>
      %dma_wait3A_158 = arith.constant 0 : i32
      %dma_wait3A_159 = tpu.memref_slice %arg2[%dma_wait3A_158, %mul3A_9] : memref<64x1000000xf32, #tpu.memory_space<hbm>> -> memref<64x128xf32, #tpu.memory_space<hbm>>
      tpu.wait_dma2 semaphore(%arg20 : memref<!tpu.dma_semaphore, #tpu.memory_space<semaphore_mem>>) src(%dma_wait3A_159 : memref<64x128xf32, #tpu.memory_space<hbm>>) dst(%arg14 : memref<64x128xf32, #tpu.memory_space<vmem>>)
      %mul3A_160 = arith.constant 128 : i32
      %mul3A_161 = arith.muli %mul3A_155, %mul3A_160 : i32
      %scan3A_162 = arith.constant 0 : i32
      %scan3A_163 = arith.constant 0 : i32
      %scan3A_164 = arith.constant 8 : i32
      %scan3A_165 = arith.addi %scan3A_163, %scan3A_164 : i32
      %scan3A_166 = arith.constant 1 : i32
      %scan3A_167 = scf.for %scan3A_242 = %scan3A_163 to %scan3A_165 step %scan3A_166 iter_args(%scan3A_243 = %scan3A_162) -> (i32)  : i32 {
        %mul3A_244 = arith.constant 16 : i32
        %mul3A_245 = arith.muli %scan3A_242, %mul3A_244 : i32
        %add3A_246 = arith.addi %mul3A_161, %mul3A_245 : i32
        %get3A = arith.index_cast %add3A_246 : i32 to index
        %get3A_247 = tpu.vector_load %arg9[%get3A] {strides = array<i32>} : memref<31488xi32, #tpu.memory_space<vmem>>, vector<16xi32>,
        %ge3A = arith.constant 0 : i32
        %ge3A_248 = vector.broadcast %ge3A : i32 to vector<16xi32>
        %ge3A_249 = arith.cmpi sge, %get3A_247, %ge3A_248 : vector<16xi32>
        %convert_element_type3A_250 = arith.extui %ge3A_249 : vector<16xi1> to vector<16xi32>
        %reduce_sum3A = arith.constant true
        %reduce_sum3A_251 = vector.broadcast %reduce_sum3A : i1 to vector<16xi1>
        %reduce_sum3A_252 = tpu.scan <sum>, %convert_element_type3A_250 masked %reduce_sum3A_251 : vector<16xi32>, vector<16xi1> -> vector<16xi32>
        %reduce_sum3A_253 = vector.extract %reduce_sum3A_252[15] : i32 from vector<16xi32>
        %add3A_254 = arith.addi %scan3A_243, %reduce_sum3A_253 : i32
        scf.yield %add3A_254 : i32
      }
      %scan3A_168 = arith.constant 8 : i32
      %add3A_169 = arith.addi %while3A_152, %scan3A_167 : i32
      %add3A_170 = arith.constant 128 : i32
      %add3A_171 = arith.addi %while3A_153, %add3A_170 : i32
      %gt3A_172 = arith.cmpi sgt, %add3A_169, %add3A_171 : i32
      %select_n3A_173 = arith.select %gt3A_172, %while3A_152, %while3A_153 : i32
      %convert_element_type3A_174 = arith.extui %gt3A_172 : i1 to i32
      %cond3A_175 = arith.constant 0 : i32
      %cond3A_176 = arith.cmpi ne, %convert_element_type3A_174, %cond3A_175 : i32
      scf.if %cond3A_176 {
        %sub3A_242 = arith.constant 1 : i32
        %sub3A_243 = arith.subi %while3A_84, %sub3A_242 : i32
        %max3A = arith.constant 0 : i32
        %max3A_244 = arith.maxsi %sub3A_243, %max3A : i32
        %add3A_245 = arith.constant 0 : i32
        %add3A_246 = arith.addi %while3A_152, %add3A_245 : i32
        %add3A_247 = vector.broadcast %add3A_246 : i32 to vector<16xi32>
        %add3A_248 = arith.addi %add3A_247, %iota3A : vector<16xi32>
        %min3A_249 = vector.broadcast %max3A_244 : i32 to vector<16xi32>
        %min3A_250 = arith.minsi %add3A_248, %min3A_249 : vector<16xi32>
        %gather3A = tpu.vector_load_idx %arg18[%min3A_250] : memref<16400xi32, #tpu.memory_space<vmem>>[vector<16xi32>], vector<16xi32>,
        %swap3A = arith.constant 0 : index
        %swap3A_251 = tpu.vector_load %arg12[%swap3A] {strides = array<i32>} : memref<128xi32, #tpu.memory_space<vmem>>, vector<16xi32>,
        tpu.vector_store %arg12[%swap3A], %gather3A {strides = array<i32>} : memref<128xi32, #tpu.memory_space<vmem>>, vector<16xi32>,
        %add3A_252 = arith.constant 16 : i32
        %add3A_253 = arith.addi %while3A_152, %add3A_252 : i32
        %add3A_254 = vector.broadcast %add3A_253 : i32 to vector<16xi32>
        %add3A_255 = arith.addi %add3A_254, %iota3A : vector<16xi32>
        %min3A_256 = vector.broadcast %max3A_244 : i32 to vector<16xi32>
        %min3A_257 = arith.minsi %add3A_255, %min3A_256 : vector<16xi32>
        %gather3A_258 = tpu.vector_load_idx %arg18[%min3A_257] : memref<16400xi32, #tpu.memory_space<vmem>>[vector<16xi32>], vector<16xi32>,
        %swap3A_259 = arith.constant 16 : index
        %swap3A_260 = tpu.vector_load %arg12[%swap3A_259] {strides = array<i32>} : memref<128xi32, #tpu.memory_space<vmem>>, vector<16xi32>,
        tpu.vector_store %arg12[%swap3A_259], %gather3A_258 {strides = array<i32>} : memref<128xi32, #tpu.memory_space<vmem>>, vector<16xi32>,
        %add3A_261 = arith.constant 32 : i32
        %add3A_262 = arith.addi %while3A_152, %add3A_261 : i32
        %add3A_263 = vector.broadcast %add3A_262 : i32 to vector<16xi32>
        %add3A_264 = arith.addi %add3A_263, %iota3A : vector<16xi32>
        %min3A_265 = vector.broadcast %max3A_244 : i32 to vector<16xi32>
        %min3A_266 = arith.minsi %add3A_264, %min3A_265 : vector<16xi32>
        %gather3A_267 = tpu.vector_load_idx %arg18[%min3A_266] : memref<16400xi32, #tpu.memory_space<vmem>>[vector<16xi32>], vector<16xi32>,
        %swap3A_268 = arith.constant 32 : index
        %swap3A_269 = tpu.vector_load %arg12[%swap3A_268] {strides = array<i32>} : memref<128xi32, #tpu.memory_space<vmem>>, vector<16xi32>,
        tpu.vector_store %arg12[%swap3A_268], %gather3A_267 {strides = array<i32>} : memref<128xi32, #tpu.memory_space<vmem>>, vector<16xi32>,
        %add3A_270 = arith.constant 48 : i32
        %add3A_271 = arith.addi %while3A_152, %add3A_270 : i32
        %add3A_272 = vector.broadcast %add3A_271 : i32 to vector<16xi32>
        %add3A_273 = arith.addi %add3A_272, %iota3A : vector<16xi32>
        %min3A_274 = vector.broadcast %max3A_244 : i32 to vector<16xi32>
        %min3A_275 = arith.minsi %add3A_273, %min3A_274 : vector<16xi32>
        %gather3A_276 = tpu.vector_load_idx %arg18[%min3A_275] : memref<16400xi32, #tpu.memory_space<vmem>>[vector<16xi32>], vector<16xi32>,
        %swap3A_277 = arith.constant 48 : index
        %swap3A_278 = tpu.vector_load %arg12[%swap3A_277] {strides = array<i32>} : memref<128xi32, #tpu.memory_space<vmem>>, vector<16xi32>,
        tpu.vector_store %arg12[%swap3A_277], %gather3A_276 {strides = array<i32>} : memref<128xi32, #tpu.memory_space<vmem>>, vector<16xi32>,
        %add3A_279 = arith.constant 64 : i32
        %add3A_280 = arith.addi %while3A_152, %add3A_279 : i32
        %add3A_281 = vector.broadcast %add3A_280 : i32 to vector<16xi32>
        %add3A_282 = arith.addi %add3A_281, %iota3A : vector<16xi32>
        %min3A_283 = vector.broadcast %max3A_244 : i32 to vector<16xi32>
        %min3A_284 = arith.minsi %add3A_282, %min3A_283 : vector<16xi32>
        %gather3A_285 = tpu.vector_load_idx %arg18[%min3A_284] : memref<16400xi32, #tpu.memory_space<vmem>>[vector<16xi32>], vector<16xi32>,
        %swap3A_286 = arith.constant 64 : index
        %swap3A_287 = tpu.vector_load %arg12[%swap3A_286] {strides = array<i32>} : memref<128xi32, #tpu.memory_space<vmem>>, vector<16xi32>,
        tpu.vector_store %arg12[%swap3A_286], %gather3A_285 {strides = array<i32>} : memref<128xi32, #tpu.memory_space<vmem>>, vector<16xi32>,
        %add3A_288 = arith.constant 80 : i32
        %add3A_289 = arith.addi %while3A_152, %add3A_288 : i32
        %add3A_290 = vector.broadcast %add3A_289 : i32 to vector<16xi32>
        %add3A_291 = arith.addi %add3A_290, %iota3A : vector<16xi32>
        %min3A_292 = vector.broadcast %max3A_244 : i32 to vector<16xi32>
        %min3A_293 = arith.minsi %add3A_291, %min3A_292 : vector<16xi32>
        %gather3A_294 = tpu.vector_load_idx %arg18[%min3A_293] : memref<16400xi32, #tpu.memory_space<vmem>>[vector<16xi32>], vector<16xi32>,
        %swap3A_295 = arith.constant 80 : index
        %swap3A_296 = tpu.vector_load %arg12[%swap3A_295] {strides = array<i32>} : memref<128xi32, #tpu.memory_space<vmem>>, vector<16xi32>,
        tpu.vector_store %arg12[%swap3A_295], %gather3A_294 {strides = array<i32>} : memref<128xi32, #tpu.memory_space<vmem>>, vector<16xi32>,
        %add3A_297 = arith.constant 96 : i32
        %add3A_298 = arith.addi %while3A_152, %add3A_297 : i32
        %add3A_299 = vector.broadcast %add3A_298 : i32 to vector<16xi32>
        %add3A_300 = arith.addi %add3A_299, %iota3A : vector<16xi32>
        %min3A_301 = vector.broadcast %max3A_244 : i32 to vector<16xi32>
        %min3A_302 = arith.minsi %add3A_300, %min3A_301 : vector<16xi32>
        %gather3A_303 = tpu.vector_load_idx %arg18[%min3A_302] : memref<16400xi32, #tpu.memory_space<vmem>>[vector<16xi32>], vector<16xi32>,
        %swap3A_304 = arith.constant 96 : index
        %swap3A_305 = tpu.vector_load %arg12[%swap3A_304] {strides = array<i32>} : memref<128xi32, #tpu.memory_space<vmem>>, vector<16xi32>,
        tpu.vector_store %arg12[%swap3A_304], %gather3A_303 {strides = array<i32>} : memref<128xi32, #tpu.memory_space<vmem>>, vector<16xi32>,
        %add3A_306 = arith.constant 112 : i32
        %add3A_307 = arith.addi %while3A_152, %add3A_306 : i32
        %add3A_308 = vector.broadcast %add3A_307 : i32 to vector<16xi32>
        %add3A_309 = arith.addi %add3A_308, %iota3A : vector<16xi32>
        %min3A_310 = vector.broadcast %max3A_244 : i32 to vector<16xi32>
        %min3A_311 = arith.minsi %add3A_309, %min3A_310 : vector<16xi32>
        %gather3A_312 = tpu.vector_load_idx %arg18[%min3A_311] : memref<16400xi32, #tpu.memory_space<vmem>>[vector<16xi32>], vector<16xi32>,
        %swap3A_313 = arith.constant 112 : index
        %swap3A_314 = tpu.vector_load %arg12[%swap3A_313] {strides = array<i32>} : memref<128xi32, #tpu.memory_space<vmem>>, vector<16xi32>,
        tpu.vector_store %arg12[%swap3A_313], %gather3A_312 {strides = array<i32>} : memref<128xi32, #tpu.memory_space<vmem>>, vector<16xi32>,
        %dma_start3A_315 = arith.constant 0 : i32
        %dma_start3A_316 = arith.constant 0 : i32
        %dma_start3A_317 = tpu.memref_slice %arg3[%dma_start3A_315, %dma_start3A_316] : memref<8192x128xf32, #tpu.memory_space<hbm>> -> memref<8192x128xf32, #tpu.memory_space<hbm>>
        tpu.enqueue_indirect_dma source(%dma_start3A_317 : memref<8192x128xf32, #tpu.memory_space<hbm>>) target(%arg19 : memref<128x128xf32, #tpu.memory_space<vmem>>) offsets(%arg12 : memref<128xi32, #tpu.memory_space<vmem>>) semaphore(%arg24 : memref<!tpu.dma_semaphore, #tpu.memory_space<semaphore_mem>>)
        %dma_wait3A_318 = arith.constant 0 : i32
        %dma_wait3A_319 = arith.constant 0 : i32
        %dma_wait3A_320 = tpu.memref_slice %arg3[%dma_wait3A_318, %dma_wait3A_319] : memref<8192x128xf32, #tpu.memory_space<hbm>> -> memref<8192x128xf32, #tpu.memory_space<hbm>>
        tpu.wait_indirect_dma semaphore(%arg24 : memref<!tpu.dma_semaphore, #tpu.memory_space<semaphore_mem>>) src(%dma_wait3A_320 : memref<8192x128xf32, #tpu.memory_space<hbm>>) dst(%arg19 : memref<128x128xf32, #tpu.memory_space<vmem>>)
      } else {
      }
      %add3A_177 = arith.constant 16 : i32
      %add3A_178 = arith.addi %scan3A_167, %add3A_177 : i32
      %sub3A_179 = arith.constant 1 : i32
      %sub3A_180 = arith.subi %add3A_178, %sub3A_179 : i32
      %jit3A_181 = arith.constant 16 : i32
      %div3A_182 = arith.divsi %sub3A_180, %jit3A_181 : i32
      %sign3A_183 = arith.constant 0 : i32
      %sign3A_184 = arith.cmpi sgt, %sub3A_180, %sign3A_183 : i32
      %sign3A_185 = arith.extui %sign3A_184 : i1 to i32
      %sign3A_186 = arith.constant 0 : i32
      %sign3A_187 = arith.cmpi slt, %sub3A_180, %sign3A_186 : i32
      %sign3A_188 = arith.extui %sign3A_187 : i1 to i32
      %sign3A_189 = arith.subi %sign3A_185, %sign3A_188 : i32
      %sign3A_190 = arith.constant 0 : i32
      %sign3A_191 = arith.cmpi sgt, %jit3A_181, %sign3A_190 : i32
      %sign3A_192 = arith.extui %sign3A_191 : i1 to i32
      %sign3A_193 = arith.constant 0 : i32
      %sign3A_194 = arith.cmpi slt, %jit3A_181, %sign3A_193 : i32
      %sign3A_195 = arith.extui %sign3A_194 : i1 to i32
      %sign3A_196 = arith.subi %sign3A_192, %sign3A_195 : i32
      %ne3A_197 = arith.cmpi ne, %sign3A_189, %sign3A_196 : i32
      %rem3A_198 = arith.remsi %sub3A_180, %jit3A_181 : i32
      %ne3A_199 = arith.constant 0 : i32
      %ne3A_200 = arith.cmpi ne, %rem3A_198, %ne3A_199 : i32
      %and3A_201 = arith.andi %ne3A_197, %ne3A_200 : i1
      %sub3A_202 = arith.constant 1 : i32
      %sub3A_203 = arith.subi %div3A_182, %sub3A_202 : i32
      %select_n3A_204 = arith.select %and3A_201, %sub3A_203, %div3A_182 : i32
      %while3A_205 = arith.constant 0 : i32
      %while3A_206 = arith.constant 0 : i32
      %while3A_207 = arith.subi %select_n3A_204, %while3A_206 : i32
      %while3A_208 = arith.addi %while3A_206, %while3A_207 : i32
      %while3A_209 = arith.constant 1 : i32
      %while3A_210 = arith.divsi %while3A_207, %while3A_209 : i32
      %while3A_211 = arith.muli %while3A_210, %while3A_209 : i32
      %while3A_212 = arith.addi %while3A_206, %while3A_211 : i32
      %while3A_213 = arith.constant 1 : i32
      scf.for %while3A_242 = %while3A_206 to %while3A_212 step %while3A_213  : i32 {
        %scan3A_243 = arith.constant 0 : i32
        %scan3A_244 = arith.constant 0 : i32
        %scan3A_245 = arith.constant 8 : i32
        %scan3A_246 = arith.addi %scan3A_244, %scan3A_245 : i32
        %scan3A_247 = arith.constant 1 : i32
        %scan3A_248 = scf.for %scan3A_288 = %scan3A_244 to %scan3A_246 step %scan3A_247 iter_args(%scan3A_289 = %scan3A_243) -> (i32)  : i32 {
          %mul3A_290 = arith.constant 16 : i32
          %mul3A_291 = arith.muli %scan3A_288, %mul3A_290 : i32
          %add3A_292 = arith.addi %mul3A_161, %mul3A_291 : i32
          %get3A = arith.index_cast %add3A_292 : i32 to index
          %get3A_293 = tpu.vector_load %arg9[%get3A] {strides = array<i32>} : memref<31488xi32, #tpu.memory_space<vmem>>, vector<16xi32>,
          %ge3A = arith.constant 0 : i32
          %ge3A_294 = vector.broadcast %ge3A : i32 to vector<16xi32>
          %ge3A_295 = arith.cmpi sge, %get3A_293, %ge3A_294 : vector<16xi32>
          %convert_element_type3A_296 = arith.extui %ge3A_295 : vector<16xi1> to vector<16xi32>
          %cumsum3A = arith.constant true
          %cumsum3A_297 = vector.broadcast %cumsum3A : i1 to vector<16xi1>
          %cumsum3A_298 = tpu.scan <sum>, %convert_element_type3A_296 masked %cumsum3A_297 : vector<16xi32>, vector<16xi1> -> vector<16xi32>
          %add3A_299 = vector.broadcast %scan3A_289 : i32 to vector<16xi32>
          %add3A_300 = arith.addi %add3A_299, %cumsum3A_298 : vector<16xi32>
          %sub3A_301 = arith.constant 1 : i32
          %sub3A_302 = vector.broadcast %sub3A_301 : i32 to vector<16xi32>
          %sub3A_303 = arith.subi %add3A_300, %sub3A_302 : vector<16xi32>
          %mul3A_304 = arith.constant 16 : i32
          %mul3A_305 = arith.muli %while3A_242, %mul3A_304 : i32
          %ge3A_306 = vector.broadcast %mul3A_305 : i32 to vector<16xi32>
          %ge3A_307 = arith.cmpi sge, %sub3A_303, %ge3A_306 : vector<16xi32>
          %and3A_308 = arith.andi %ge3A_295, %ge3A_307 : vector<16xi1>
          %add3A_309 = arith.constant 1 : i32
          %add3A_310 = arith.addi %while3A_242, %add3A_309 : i32
          %mul3A_311 = arith.constant 16 : i32
          %mul3A_312 = arith.muli %add3A_310, %mul3A_311 : i32
          %lt3A_313 = vector.broadcast %mul3A_312 : i32 to vector<16xi32>
          %lt3A_314 = arith.cmpi slt, %sub3A_303, %lt3A_313 : vector<16xi32>
          %and3A_315 = arith.andi %and3A_308, %lt3A_314 : vector<16xi1>
          %mul3A_316 = arith.constant 16 : i32
          %mul3A_317 = arith.muli %while3A_242, %mul3A_316 : i32
          %sub3A_318 = vector.broadcast %mul3A_317 : i32 to vector<16xi32>
          %sub3A_319 = arith.subi %sub3A_303, %sub3A_318 : vector<16xi32>
          %jit3A_320 = arith.constant 0 : i32
          %jit3A_321 = arith.constant 15 : i32
          %max3A_322 = vector.broadcast %jit3A_320 : i32 to vector<16xi32>
          %max3A_323 = arith.maxsi %max3A_322, %sub3A_319 : vector<16xi32>
          %min3A_324 = vector.broadcast %jit3A_321 : i32 to vector<16xi32>
          %min3A_325 = arith.minsi %min3A_324, %max3A_323 : vector<16xi32>
          %mul3A_326 = arith.constant 16 : i32
          %mul3A_327 = arith.muli %scan3A_288, %mul3A_326 : i32
          %add3A_328 = vector.broadcast %mul3A_327 : i32 to vector<16xi32>
          %add3A_329 = arith.addi %add3A_328, %iota3A : vector<16xi32>
          tpu.vector_store_idx %arg16[%min3A_325], %add3A_329 masked %and3A_315 : memref<16xi32, #tpu.memory_space<vmem>>[vector<16xi32>], vector<16xi32>, vector<16xi1>
          tpu.vector_store_idx %arg17[%min3A_325], %get3A_293 masked %and3A_315 : memref<16xi32, #tpu.memory_space<vmem>>[vector<16xi32>], vector<16xi32>, vector<16xi1>
          %convert_element_type3A_330 = arith.extui %ge3A_295 : vector<16xi1> to vector<16xi32>
          %reduce_sum3A = arith.constant true
          %reduce_sum3A_331 = vector.broadcast %reduce_sum3A : i1 to vector<16xi1>
          %reduce_sum3A_332 = tpu.scan <sum>, %convert_element_type3A_330 masked %reduce_sum3A_331 : vector<16xi32>, vector<16xi1> -> vector<16xi32>
          %reduce_sum3A_333 = vector.extract %reduce_sum3A_332[15] : i32 from vector<16xi32>
          %add3A_334 = arith.addi %scan3A_289, %reduce_sum3A_333 : i32
          scf.yield %add3A_334 : i32
        }
        %scan3A_249 = arith.constant 8 : i32
        %gather3A = tpu.vector_load_idx %arg16[%iota3A] : memref<16xi32, #tpu.memory_space<vmem>>[vector<16xi32>], vector<16xi32>,
        %gather3A_250 = tpu.vector_load_idx %arg17[%iota3A] : memref<16xi32, #tpu.memory_space<vmem>>[vector<16xi32>], vector<16xi32>,
        %mul3A_251 = arith.constant 16 : i32
        %mul3A_252 = arith.muli %while3A_242, %mul3A_251 : i32
        %sub3A_253 = arith.subi %scan3A_167, %mul3A_252 : i32
        %min3A_254 = arith.constant 16 : i32
        %min3A_255 = arith.minsi %sub3A_253, %min3A_254 : i32
        %lt3A_256 = vector.broadcast %min3A_255 : i32 to vector<16xi32>
        %lt3A_257 = arith.cmpi slt, %iota3A, %lt3A_256 : vector<16xi32>
        %and3A_258 = arith.constant 1 : i32
        %and3A_259 = vector.broadcast %and3A_258 : i32 to vector<16xi32>
        %and3A_260 = arith.andi %gather3A_250, %and3A_259 : vector<16xi32>
        %mul3A_261 = arith.constant 64 : i32
        %mul3A_262 = vector.broadcast %mul3A_261 : i32 to vector<16xi32>
        %mul3A_263 = arith.muli %and3A_260, %mul3A_262 : vector<16xi32>
        %jit3A_264 = arith.constant 0 : i32
        %jit3A_265 = arith.constant 127 : i32
        %max3A = vector.broadcast %jit3A_264 : i32 to vector<16xi32>
        %max3A_266 = arith.maxsi %max3A, %gather3A : vector<16xi32>
        %min3A_267 = vector.broadcast %jit3A_265 : i32 to vector<16xi32>
        %min3A_268 = arith.minsi %min3A_267, %max3A_266 : vector<16xi32>
        %mul3A_269 = arith.constant 16 : i32
        %mul3A_270 = arith.muli %while3A_242, %mul3A_269 : i32
        %add3A_271 = arith.addi %while3A_152, %mul3A_270 : i32
        %add3A_272 = vector.broadcast %add3A_271 : i32 to vector<16xi32>
        %add3A_273 = arith.addi %add3A_272, %iota3A : vector<16xi32>
        %sub3A_274 = vector.broadcast %select_n3A_173 : i32 to vector<16xi32>
        %sub3A_275 = arith.subi %add3A_273, %sub3A_274 : vector<16xi32>
        %jit3A_276 = arith.constant 0 : i32
        %jit3A_277 = arith.constant 127 : i32
        %max3A_278 = vector.broadcast %jit3A_276 : i32 to vector<16xi32>
        %max3A_279 = arith.maxsi %max3A_278, %sub3A_275 : vector<16xi32>
        %min3A_280 = vector.broadcast %jit3A_277 : i32 to vector<16xi32>
        %min3A_281 = arith.minsi %min3A_280, %max3A_279 : vector<16xi32>
        %scan3A_282 = arith.constant 0 : i32
        %scan3A_283 = arith.constant 0 : i32
        %scan3A_284 = arith.constant 64 : i32
        %scan3A_285 = arith.addi %scan3A_283, %scan3A_284 : i32
        %scan3A_286 = arith.constant 1 : i32
        scf.for %scan3A_288 = %scan3A_283 to %scan3A_285 step %scan3A_286  : i32 {
          %add3A_289 = vector.broadcast %scan3A_288 : i32 to vector<16xi32>
          %add3A_290 = arith.addi %mul3A_263, %add3A_289 : vector<16xi32>
          %gather3A_291 = tpu.vector_load_idx %arg19[%min3A_281, %add3A_290] masked %lt3A_257 : memref<128x128xf32, #tpu.memory_space<vmem>>[vector<16xi32>, vector<16xi32>], vector<16xf32>, vector<16xi1>
          %mul3A_292 = arith.constant 0 : i32
          %mul3A_293 = vector.broadcast %mul3A_292 : i32 to vector<16xi32>
          %mul3A_294 = arith.muli %iota3A, %mul3A_293 : vector<16xi32>
          %add3A_295 = vector.broadcast %scan3A_288 : i32 to vector<16xi32>
          %add3A_296 = arith.addi %mul3A_294, %add3A_295 : vector<16xi32>
          tpu.vector_store_idx %arg14[%add3A_296, %min3A_268], %gather3A_291 masked %lt3A_257 : memref<64x128xf32, #tpu.memory_space<vmem>>[vector<16xi32>, vector<16xi32>], vector<16xf32>, vector<16xi1>
        }
        %scan3A_287 = arith.constant 64 : i32
      }
      %while3A_214 = arith.constant 1 : i32
      scf.for %while3A_242 = %while3A_212 to %while3A_208 step %while3A_214  : i32 {
        %scan3A_243 = arith.constant 0 : i32
        %scan3A_244 = arith.constant 0 : i32
        %scan3A_245 = arith.constant 8 : i32
        %scan3A_246 = arith.addi %scan3A_244, %scan3A_245 : i32
        %scan3A_247 = arith.constant 1 : i32
        %scan3A_248 = scf.for %scan3A_288 = %scan3A_244 to %scan3A_246 step %scan3A_247 iter_args(%scan3A_289 = %scan3A_243) -> (i32)  : i32 {
          %mul3A_290 = arith.constant 16 : i32
          %mul3A_291 = arith.muli %scan3A_288, %mul3A_290 : i32
          %add3A_292 = arith.addi %mul3A_161, %mul3A_291 : i32
          %get3A = arith.index_cast %add3A_292 : i32 to index
          %get3A_293 = tpu.vector_load %arg9[%get3A] {strides = array<i32>} : memref<31488xi32, #tpu.memory_space<vmem>>, vector<16xi32>,
          %ge3A = arith.constant 0 : i32
          %ge3A_294 = vector.broadcast %ge3A : i32 to vector<16xi32>
          %ge3A_295 = arith.cmpi sge, %get3A_293, %ge3A_294 : vector<16xi32>
          %convert_element_type3A_296 = arith.extui %ge3A_295 : vector<16xi1> to vector<16xi32>
          %cumsum3A = arith.constant true
          %cumsum3A_297 = vector.broadcast %cumsum3A : i1 to vector<16xi1>
          %cumsum3A_298 = tpu.scan <sum>, %convert_element_type3A_296 masked %cumsum3A_297 : vector<16xi32>, vector<16xi1> -> vector<16xi32>
          %add3A_299 = vector.broadcast %scan3A_289 : i32 to vector<16xi32>
          %add3A_300 = arith.addi %add3A_299, %cumsum3A_298 : vector<16xi32>
          %sub3A_301 = arith.constant 1 : i32
          %sub3A_302 = vector.broadcast %sub3A_301 : i32 to vector<16xi32>
          %sub3A_303 = arith.subi %add3A_300, %sub3A_302 : vector<16xi32>
          %mul3A_304 = arith.constant 16 : i32
          %mul3A_305 = arith.muli %while3A_242, %mul3A_304 : i32
          %ge3A_306 = vector.broadcast %mul3A_305 : i32 to vector<16xi32>
          %ge3A_307 = arith.cmpi sge, %sub3A_303, %ge3A_306 : vector<16xi32>
          %and3A_308 = arith.andi %ge3A_295, %ge3A_307 : vector<16xi1>
          %add3A_309 = arith.constant 1 : i32
          %add3A_310 = arith.addi %while3A_242, %add3A_309 : i32
          %mul3A_311 = arith.constant 16 : i32
          %mul3A_312 = arith.muli %add3A_310, %mul3A_311 : i32
          %lt3A_313 = vector.broadcast %mul3A_312 : i32 to vector<16xi32>
          %lt3A_314 = arith.cmpi slt, %sub3A_303, %lt3A_313 : vector<16xi32>
          %and3A_315 = arith.andi %and3A_308, %lt3A_314 : vector<16xi1>
          %mul3A_316 = arith.constant 16 : i32
          %mul3A_317 = arith.muli %while3A_242, %mul3A_316 : i32
          %sub3A_318 = vector.broadcast %mul3A_317 : i32 to vector<16xi32>
          %sub3A_319 = arith.subi %sub3A_303, %sub3A_318 : vector<16xi32>
          %jit3A_320 = arith.constant 0 : i32
          %jit3A_321 = arith.constant 15 : i32
          %max3A_322 = vector.broadcast %jit3A_320 : i32 to vector<16xi32>
          %max3A_323 = arith.maxsi %max3A_322, %sub3A_319 : vector<16xi32>
          %min3A_324 = vector.broadcast %jit3A_321 : i32 to vector<16xi32>
          %min3A_325 = arith.minsi %min3A_324, %max3A_323 : vector<16xi32>
          %mul3A_326 = arith.constant 16 : i32
          %mul3A_327 = arith.muli %scan3A_288, %mul3A_326 : i32
          %add3A_328 = vector.broadcast %mul3A_327 : i32 to vector<16xi32>
          %add3A_329 = arith.addi %add3A_328, %iota3A : vector<16xi32>
          tpu.vector_store_idx %arg16[%min3A_325], %add3A_329 masked %and3A_315 : memref<16xi32, #tpu.memory_space<vmem>>[vector<16xi32>], vector<16xi32>, vector<16xi1>
          tpu.vector_store_idx %arg17[%min3A_325], %get3A_293 masked %and3A_315 : memref<16xi32, #tpu.memory_space<vmem>>[vector<16xi32>], vector<16xi32>, vector<16xi1>
          %convert_element_type3A_330 = arith.extui %ge3A_295 : vector<16xi1> to vector<16xi32>
          %reduce_sum3A = arith.constant true
          %reduce_sum3A_331 = vector.broadcast %reduce_sum3A : i1 to vector<16xi1>
          %reduce_sum3A_332 = tpu.scan <sum>, %convert_element_type3A_330 masked %reduce_sum3A_331 : vector<16xi32>, vector<16xi1> -> vector<16xi32>
          %reduce_sum3A_333 = vector.extract %reduce_sum3A_332[15] : i32 from vector<16xi32>
          %add3A_334 = arith.addi %scan3A_289, %reduce_sum3A_333 : i32
          scf.yield %add3A_334 : i32
        }
        %scan3A_249 = arith.constant 8 : i32
        %gather3A = tpu.vector_load_idx %arg16[%iota3A] : memref<16xi32, #tpu.memory_space<vmem>>[vector<16xi32>], vector<16xi32>,
        %gather3A_250 = tpu.vector_load_idx %arg17[%iota3A] : memref<16xi32, #tpu.memory_space<vmem>>[vector<16xi32>], vector<16xi32>,
        %mul3A_251 = arith.constant 16 : i32
        %mul3A_252 = arith.muli %while3A_242, %mul3A_251 : i32
        %sub3A_253 = arith.subi %scan3A_167, %mul3A_252 : i32
        %min3A_254 = arith.constant 16 : i32
        %min3A_255 = arith.minsi %sub3A_253, %min3A_254 : i32
        %lt3A_256 = vector.broadcast %min3A_255 : i32 to vector<16xi32>
        %lt3A_257 = arith.cmpi slt, %iota3A, %lt3A_256 : vector<16xi32>
        %and3A_258 = arith.constant 1 : i32
        %and3A_259 = vector.broadcast %and3A_258 : i32 to vector<16xi32>
        %and3A_260 = arith.andi %gather3A_250, %and3A_259 : vector<16xi32>
        %mul3A_261 = arith.constant 64 : i32
        %mul3A_262 = vector.broadcast %mul3A_261 : i32 to vector<16xi32>
        %mul3A_263 = arith.muli %and3A_260, %mul3A_262 : vector<16xi32>
        %jit3A_264 = arith.constant 0 : i32
        %jit3A_265 = arith.constant 127 : i32
        %max3A = vector.broadcast %jit3A_264 : i32 to vector<16xi32>
        %max3A_266 = arith.maxsi %max3A, %gather3A : vector<16xi32>
        %min3A_267 = vector.broadcast %jit3A_265 : i32 to vector<16xi32>
        %min3A_268 = arith.minsi %min3A_267, %max3A_266 : vector<16xi32>
        %mul3A_269 = arith.constant 16 : i32
        %mul3A_270 = arith.muli %while3A_242, %mul3A_269 : i32
        %add3A_271 = arith.addi %while3A_152, %mul3A_270 : i32
        %add3A_272 = vector.broadcast %add3A_271 : i32 to vector<16xi32>
        %add3A_273 = arith.addi %add3A_272, %iota3A : vector<16xi32>
        %sub3A_274 = vector.broadcast %select_n3A_173 : i32 to vector<16xi32>
        %sub3A_275 = arith.subi %add3A_273, %sub3A_274 : vector<16xi32>
        %jit3A_276 = arith.constant 0 : i32
        %jit3A_277 = arith.constant 127 : i32
        %max3A_278 = vector.broadcast %jit3A_276 : i32 to vector<16xi32>
        %max3A_279 = arith.maxsi %max3A_278, %sub3A_275 : vector<16xi32>
        %min3A_280 = vector.broadcast %jit3A_277 : i32 to vector<16xi32>
        %min3A_281 = arith.minsi %min3A_280, %max3A_279 : vector<16xi32>
        %scan3A_282 = arith.constant 0 : i32
        %scan3A_283 = arith.constant 0 : i32
        %scan3A_284 = arith.constant 64 : i32
        %scan3A_285 = arith.addi %scan3A_283, %scan3A_284 : i32
        %scan3A_286 = arith.constant 1 : i32
        scf.for %scan3A_288 = %scan3A_283 to %scan3A_285 step %scan3A_286  : i32 {
          %add3A_289 = vector.broadcast %scan3A_288 : i32 to vector<16xi32>
          %add3A_290 = arith.addi %mul3A_263, %add3A_289 : vector<16xi32>
          %gather3A_291 = tpu.vector_load_idx %arg19[%min3A_281, %add3A_290] masked %lt3A_257 : memref<128x128xf32, #tpu.memory_space<vmem>>[vector<16xi32>, vector<16xi32>], vector<16xf32>, vector<16xi1>
          %mul3A_292 = arith.constant 0 : i32
          %mul3A_293 = vector.broadcast %mul3A_292 : i32 to vector<16xi32>
          %mul3A_294 = arith.muli %iota3A, %mul3A_293 : vector<16xi32>
          %add3A_295 = vector.broadcast %scan3A_288 : i32 to vector<16xi32>
          %add3A_296 = arith.addi %mul3A_294, %add3A_295 : vector<16xi32>
          tpu.vector_store_idx %arg14[%add3A_296, %min3A_268], %gather3A_291 masked %lt3A_257 : memref<64x128xf32, #tpu.memory_space<vmem>>[vector<16xi32>, vector<16xi32>], vector<16xf32>, vector<16xi1>
        }
        %scan3A_287 = arith.constant 64 : i32
      }
      %add3A_215 = arith.addi %while3A_152, %scan3A_167 : i32
      %mul3A_216 = arith.constant 128 : i32
      %mul3A_217 = arith.muli %mul3A_155, %mul3A_216 : i32
      %add3A_218 = arith.addi %mul3A_9, %mul3A_217 : i32
      %dma_start3A_219 = arith.constant 0 : i32
      %dma_start3A_220 = tpu.memref_slice %arg5[%dma_start3A_219, %add3A_218] : memref<64x1000000xf32, #tpu.memory_space<hbm>> -> memref<64x128xf32, #tpu.memory_space<hbm>>
      %dma_start3A_221 = arith.constant 0 : i32
      %dma_start3A_222 = tpu.memref_slice %arg5[%dma_start3A_221, %add3A_218] : memref<64x1000000xf32, #tpu.memory_space<hbm>> -> memref<64x128xf32, #tpu.memory_space<hbm>>
      tpu.enqueue_dma source(%arg14 : memref<64x128xf32, #tpu.memory_space<vmem>>) target(%dma_start3A_222 : memref<64x128xf32, #tpu.memory_space<hbm>>) target_semaphore(%arg22 : memref<!tpu.dma_semaphore, #tpu.memory_space<semaphore_mem>>)
      %add3A_223 = arith.constant 1 : i32
      %add3A_224 = arith.addi %mul3A_155, %add3A_223 : i32
      %lt3A_225 = arith.cmpi slt, %add3A_224, %add3A_7 : i32
      %convert_element_type3A_226 = arith.extui %lt3A_225 : i1 to i32
      %cond3A_227 = arith.constant 0 : i32
      %cond3A_228 = arith.cmpi ne, %convert_element_type3A_226, %cond3A_227 : i32
      %cond3A_229:2 = scf.if %cond3A_228 -> (i32, i32) {
        %dma_wait3A_242 = arith.constant 0 : i32
        %dma_wait3A_243 = tpu.memref_slice %arg2[%dma_wait3A_242, %mul3A_9] : memref<64x1000000xf32, #tpu.memory_space<hbm>> -> memref<64x128xf32, #tpu.memory_space<hbm>>
        %dma_wait3A_244 = arith.constant 0 : i32
        %dma_wait3A_245 = tpu.memref_slice %arg2[%dma_wait3A_244, %mul3A_9] : memref<64x1000000xf32, #tpu.memory_space<hbm>> -> memref<64x128xf32, #tpu.memory_space<hbm>>
        tpu.wait_dma2 semaphore(%arg21 : memref<!tpu.dma_semaphore, #tpu.memory_space<semaphore_mem>>) src(%dma_wait3A_245 : memref<64x128xf32, #tpu.memory_space<hbm>>) dst(%arg15 : memref<64x128xf32, #tpu.memory_space<vmem>>)
        %add3A_246 = arith.constant 1 : i32
        %add3A_247 = arith.addi %mul3A_155, %add3A_246 : i32
        %mul3A_248 = arith.constant 128 : i32
        %mul3A_249 = arith.muli %add3A_247, %mul3A_248 : i32
        %scan3A_250 = arith.constant 0 : i32
        %scan3A_251 = arith.constant 0 : i32
        %scan3A_252 = arith.constant 8 : i32
        %scan3A_253 = arith.addi %scan3A_251, %scan3A_252 : i32
        %scan3A_254 = arith.constant 1 : i32
        %scan3A_255 = scf.for %scan3A_313 = %scan3A_251 to %scan3A_253 step %scan3A_254 iter_args(%scan3A_314 = %scan3A_250) -> (i32)  : i32 {
          %mul3A_315 = arith.constant 16 : i32
          %mul3A_316 = arith.muli %scan3A_313, %mul3A_315 : i32
          %add3A_317 = arith.addi %mul3A_249, %mul3A_316 : i32
          %get3A = arith.index_cast %add3A_317 : i32 to index
          %get3A_318 = tpu.vector_load %arg9[%get3A] {strides = array<i32>} : memref<31488xi32, #tpu.memory_space<vmem>>, vector<16xi32>,
          %ge3A = arith.constant 0 : i32
          %ge3A_319 = vector.broadcast %ge3A : i32 to vector<16xi32>
          %ge3A_320 = arith.cmpi sge, %get3A_318, %ge3A_319 : vector<16xi32>
          %convert_element_type3A_321 = arith.extui %ge3A_320 : vector<16xi1> to vector<16xi32>
          %reduce_sum3A = arith.constant true
          %reduce_sum3A_322 = vector.broadcast %reduce_sum3A : i1 to vector<16xi1>
          %reduce_sum3A_323 = tpu.scan <sum>, %convert_element_type3A_321 masked %reduce_sum3A_322 : vector<16xi32>, vector<16xi1> -> vector<16xi32>
          %reduce_sum3A_324 = vector.extract %reduce_sum3A_323[15] : i32 from vector<16xi32>
          %add3A_325 = arith.addi %scan3A_314, %reduce_sum3A_324 : i32
          scf.yield %add3A_325 : i32
        }
        %scan3A_256 = arith.constant 8 : i32
        %add3A_257 = arith.addi %add3A_215, %scan3A_255 : i32
        %add3A_258 = arith.constant 128 : i32
        %add3A_259 = arith.addi %select_n3A_173, %add3A_258 : i32
        %gt3A_260 = arith.cmpi sgt, %add3A_257, %add3A_259 : i32
        %select_n3A_261 = arith.select %gt3A_260, %add3A_215, %select_n3A_173 : i32
        %convert_element_type3A_262 = arith.extui %gt3A_260 : i1 to i32
        %cond3A_263 = arith.constant 0 : i32
        %cond3A_264 = arith.cmpi ne, %convert_element_type3A_262, %cond3A_263 : i32
        scf.if %cond3A_264 {
          %sub3A_313 = arith.constant 1 : i32
          %sub3A_314 = arith.subi %while3A_84, %sub3A_313 : i32
          %max3A = arith.constant 0 : i32
          %max3A_315 = arith.maxsi %sub3A_314, %max3A : i32
          %add3A_316 = arith.constant 0 : i32
          %add3A_317 = arith.addi %add3A_215, %add3A_316 : i32
          %add3A_318 = vector.broadcast %add3A_317 : i32 to vector<16xi32>
          %add3A_319 = arith.addi %add3A_318, %iota3A : vector<16xi32>
          %min3A_320 = vector.broadcast %max3A_315 : i32 to vector<16xi32>
          %min3A_321 = arith.minsi %add3A_319, %min3A_320 : vector<16xi32>
          %gather3A = tpu.vector_load_idx %arg18[%min3A_321] : memref<16400xi32, #tpu.memory_space<vmem>>[vector<16xi32>], vector<16xi32>,
          %swap3A = arith.constant 0 : index
          %swap3A_322 = tpu.vector_load %arg12[%swap3A] {strides = array<i32>} : memref<128xi32, #tpu.memory_space<vmem>>, vector<16xi32>,
          tpu.vector_store %arg12[%swap3A], %gather3A {strides = array<i32>} : memref<128xi32, #tpu.memory_space<vmem>>, vector<16xi32>,
          %add3A_323 = arith.constant 16 : i32
          %add3A_324 = arith.addi %add3A_215, %add3A_323 : i32
          %add3A_325 = vector.broadcast %add3A_324 : i32 to vector<16xi32>
          %add3A_326 = arith.addi %add3A_325, %iota3A : vector<16xi32>
          %min3A_327 = vector.broadcast %max3A_315 : i32 to vector<16xi32>
          %min3A_328 = arith.minsi %add3A_326, %min3A_327 : vector<16xi32>
          %gather3A_329 = tpu.vector_load_idx %arg18[%min3A_328] : memref<16400xi32, #tpu.memory_space<vmem>>[vector<16xi32>], vector<16xi32>,
          %swap3A_330 = arith.constant 16 : index
          %swap3A_331 = tpu.vector_load %arg12[%swap3A_330] {strides = array<i32>} : memref<128xi32, #tpu.memory_space<vmem>>, vector<16xi32>,
          tpu.vector_store %arg12[%swap3A_330], %gather3A_329 {strides = array<i32>} : memref<128xi32, #tpu.memory_space<vmem>>, vector<16xi32>,
          %add3A_332 = arith.constant 32 : i32
          %add3A_333 = arith.addi %add3A_215, %add3A_332 : i32
          %add3A_334 = vector.broadcast %add3A_333 : i32 to vector<16xi32>
          %add3A_335 = arith.addi %add3A_334, %iota3A : vector<16xi32>
          %min3A_336 = vector.broadcast %max3A_315 : i32 to vector<16xi32>
          %min3A_337 = arith.minsi %add3A_335, %min3A_336 : vector<16xi32>
          %gather3A_338 = tpu.vector_load_idx %arg18[%min3A_337] : memref<16400xi32, #tpu.memory_space<vmem>>[vector<16xi32>], vector<16xi32>,
          %swap3A_339 = arith.constant 32 : index
          %swap3A_340 = tpu.vector_load %arg12[%swap3A_339] {strides = array<i32>} : memref<128xi32, #tpu.memory_space<vmem>>, vector<16xi32>,
          tpu.vector_store %arg12[%swap3A_339], %gather3A_338 {strides = array<i32>} : memref<128xi32, #tpu.memory_space<vmem>>, vector<16xi32>,
          %add3A_341 = arith.constant 48 : i32
          %add3A_342 = arith.addi %add3A_215, %add3A_341 : i32
          %add3A_343 = vector.broadcast %add3A_342 : i32 to vector<16xi32>
          %add3A_344 = arith.addi %add3A_343, %iota3A : vector<16xi32>
          %min3A_345 = vector.broadcast %max3A_315 : i32 to vector<16xi32>
          %min3A_346 = arith.minsi %add3A_344, %min3A_345 : vector<16xi32>
          %gather3A_347 = tpu.vector_load_idx %arg18[%min3A_346] : memref<16400xi32, #tpu.memory_space<vmem>>[vector<16xi32>], vector<16xi32>,
          %swap3A_348 = arith.constant 48 : index
          %swap3A_349 = tpu.vector_load %arg12[%swap3A_348] {strides = array<i32>} : memref<128xi32, #tpu.memory_space<vmem>>, vector<16xi32>,
          tpu.vector_store %arg12[%swap3A_348], %gather3A_347 {strides = array<i32>} : memref<128xi32, #tpu.memory_space<vmem>>, vector<16xi32>,
          %add3A_350 = arith.constant 64 : i32
          %add3A_351 = arith.addi %add3A_215, %add3A_350 : i32
          %add3A_352 = vector.broadcast %add3A_351 : i32 to vector<16xi32>
          %add3A_353 = arith.addi %add3A_352, %iota3A : vector<16xi32>
          %min3A_354 = vector.broadcast %max3A_315 : i32 to vector<16xi32>
          %min3A_355 = arith.minsi %add3A_353, %min3A_354 : vector<16xi32>
          %gather3A_356 = tpu.vector_load_idx %arg18[%min3A_355] : memref<16400xi32, #tpu.memory_space<vmem>>[vector<16xi32>], vector<16xi32>,
          %swap3A_357 = arith.constant 64 : index
          %swap3A_358 = tpu.vector_load %arg12[%swap3A_357] {strides = array<i32>} : memref<128xi32, #tpu.memory_space<vmem>>, vector<16xi32>,
          tpu.vector_store %arg12[%swap3A_357], %gather3A_356 {strides = array<i32>} : memref<128xi32, #tpu.memory_space<vmem>>, vector<16xi32>,
          %add3A_359 = arith.constant 80 : i32
          %add3A_360 = arith.addi %add3A_215, %add3A_359 : i32
          %add3A_361 = vector.broadcast %add3A_360 : i32 to vector<16xi32>
          %add3A_362 = arith.addi %add3A_361, %iota3A : vector<16xi32>
          %min3A_363 = vector.broadcast %max3A_315 : i32 to vector<16xi32>
          %min3A_364 = arith.minsi %add3A_362, %min3A_363 : vector<16xi32>
          %gather3A_365 = tpu.vector_load_idx %arg18[%min3A_364] : memref<16400xi32, #tpu.memory_space<vmem>>[vector<16xi32>], vector<16xi32>,
          %swap3A_366 = arith.constant 80 : index
          %swap3A_367 = tpu.vector_load %arg12[%swap3A_366] {strides = array<i32>} : memref<128xi32, #tpu.memory_space<vmem>>, vector<16xi32>,
          tpu.vector_store %arg12[%swap3A_366], %gather3A_365 {strides = array<i32>} : memref<128xi32, #tpu.memory_space<vmem>>, vector<16xi32>,
          %add3A_368 = arith.constant 96 : i32
          %add3A_369 = arith.addi %add3A_215, %add3A_368 : i32
          %add3A_370 = vector.broadcast %add3A_369 : i32 to vector<16xi32>
          %add3A_371 = arith.addi %add3A_370, %iota3A : vector<16xi32>
          %min3A_372 = vector.broadcast %max3A_315 : i32 to vector<16xi32>
          %min3A_373 = arith.minsi %add3A_371, %min3A_372 : vector<16xi32>
          %gather3A_374 = tpu.vector_load_idx %arg18[%min3A_373] : memref<16400xi32, #tpu.memory_space<vmem>>[vector<16xi32>], vector<16xi32>,
          %swap3A_375 = arith.constant 96 : index
          %swap3A_376 = tpu.vector_load %arg12[%swap3A_375] {strides = array<i32>} : memref<128xi32, #tpu.memory_space<vmem>>, vector<16xi32>,
          tpu.vector_store %arg12[%swap3A_375], %gather3A_374 {strides = array<i32>} : memref<128xi32, #tpu.memory_space<vmem>>, vector<16xi32>,
          %add3A_377 = arith.constant 112 : i32
          %add3A_378 = arith.addi %add3A_215, %add3A_377 : i32
          %add3A_379 = vector.broadcast %add3A_378 : i32 to vector<16xi32>
          %add3A_380 = arith.addi %add3A_379, %iota3A : vector<16xi32>
          %min3A_381 = vector.broadcast %max3A_315 : i32 to vector<16xi32>
          %min3A_382 = arith.minsi %add3A_380, %min3A_381 : vector<16xi32>
          %gather3A_383 = tpu.vector_load_idx %arg18[%min3A_382] : memref<16400xi32, #tpu.memory_space<vmem>>[vector<16xi32>], vector<16xi32>,
          %swap3A_384 = arith.constant 112 : index
          %swap3A_385 = tpu.vector_load %arg12[%swap3A_384] {strides = array<i32>} : memref<128xi32, #tpu.memory_space<vmem>>, vector<16xi32>,
          tpu.vector_store %arg12[%swap3A_384], %gather3A_383 {strides = array<i32>} : memref<128xi32, #tpu.memory_space<vmem>>, vector<16xi32>,
          %dma_start3A_386 = arith.constant 0 : i32
          %dma_start3A_387 = arith.constant 0 : i32
          %dma_start3A_388 = tpu.memref_slice %arg3[%dma_start3A_386, %dma_start3A_387] : memref<8192x128xf32, #tpu.memory_space<hbm>> -> memref<8192x128xf32, #tpu.memory_space<hbm>>
          tpu.enqueue_indirect_dma source(%dma_start3A_388 : memref<8192x128xf32, #tpu.memory_space<hbm>>) target(%arg19 : memref<128x128xf32, #tpu.memory_space<vmem>>) offsets(%arg12 : memref<128xi32, #tpu.memory_space<vmem>>) semaphore(%arg24 : memref<!tpu.dma_semaphore, #tpu.memory_space<semaphore_mem>>)
          %dma_wait3A_389 = arith.constant 0 : i32
          %dma_wait3A_390 = arith.constant 0 : i32
          %dma_wait3A_391 = tpu.memref_slice %arg3[%dma_wait3A_389, %dma_wait3A_390] : memref<8192x128xf32, #tpu.memory_space<hbm>> -> memref<8192x128xf32, #tpu.memory_space<hbm>>
          tpu.wait_indirect_dma semaphore(%arg24 : memref<!tpu.dma_semaphore, #tpu.memory_space<semaphore_mem>>) src(%dma_wait3A_391 : memref<8192x128xf32, #tpu.memory_space<hbm>>) dst(%arg19 : memref<128x128xf32, #tpu.memory_space<vmem>>)
        } else {
        }
        %add3A_265 = arith.constant 16 : i32
        %add3A_266 = arith.addi %scan3A_255, %add3A_265 : i32
        %sub3A_267 = arith.constant 1 : i32
        %sub3A_268 = arith.subi %add3A_266, %sub3A_267 : i32
        %jit3A_269 = arith.constant 16 : i32
        %div3A_270 = arith.divsi %sub3A_268, %jit3A_269 : i32
        %sign3A_271 = arith.constant 0 : i32
        %sign3A_272 = arith.cmpi sgt, %sub3A_268, %sign3A_271 : i32
        %sign3A_273 = arith.extui %sign3A_272 : i1 to i32
        %sign3A_274 = arith.constant 0 : i32
        %sign3A_275 = arith.cmpi slt, %sub3A_268, %sign3A_274 : i32
        %sign3A_276 = arith.extui %sign3A_275 : i1 to i32
        %sign3A_277 = arith.subi %sign3A_273, %sign3A_276 : i32
        %sign3A_278 = arith.constant 0 : i32
        %sign3A_279 = arith.cmpi sgt, %jit3A_269, %sign3A_278 : i32
        %sign3A_280 = arith.extui %sign3A_279 : i1 to i32
        %sign3A_281 = arith.constant 0 : i32
        %sign3A_282 = arith.cmpi slt, %jit3A_269, %sign3A_281 : i32
        %sign3A_283 = arith.extui %sign3A_282 : i1 to i32
        %sign3A_284 = arith.subi %sign3A_280, %sign3A_283 : i32
        %ne3A_285 = arith.cmpi ne, %sign3A_277, %sign3A_284 : i32
        %rem3A_286 = arith.remsi %sub3A_268, %jit3A_269 : i32
        %ne3A_287 = arith.constant 0 : i32
        %ne3A_288 = arith.cmpi ne, %rem3A_286, %ne3A_287 : i32
        %and3A_289 = arith.andi %ne3A_285, %ne3A_288 : i1
        %sub3A_290 = arith.constant 1 : i32
        %sub3A_291 = arith.subi %div3A_270, %sub3A_290 : i32
        %select_n3A_292 = arith.select %and3A_289, %sub3A_291, %div3A_270 : i32
        %while3A_293 = arith.constant 0 : i32
        %while3A_294 = arith.constant 0 : i32
        %while3A_295 = arith.subi %select_n3A_292, %while3A_294 : i32
        %while3A_296 = arith.addi %while3A_294, %while3A_295 : i32
        %while3A_297 = arith.constant 1 : i32
        %while3A_298 = arith.divsi %while3A_295, %while3A_297 : i32
        %while3A_299 = arith.muli %while3A_298, %while3A_297 : i32
        %while3A_300 = arith.addi %while3A_294, %while3A_299 : i32
        %while3A_301 = arith.constant 1 : i32
        scf.for %while3A_313 = %while3A_294 to %while3A_300 step %while3A_301  : i32 {
          %scan3A_314 = arith.constant 0 : i32
          %scan3A_315 = arith.constant 0 : i32
          %scan3A_316 = arith.constant 8 : i32
          %scan3A_317 = arith.addi %scan3A_315, %scan3A_316 : i32
          %scan3A_318 = arith.constant 1 : i32
          %scan3A_319 = scf.for %scan3A_359 = %scan3A_315 to %scan3A_317 step %scan3A_318 iter_args(%scan3A_360 = %scan3A_314) -> (i32)  : i32 {
            %mul3A_361 = arith.constant 16 : i32
            %mul3A_362 = arith.muli %scan3A_359, %mul3A_361 : i32
            %add3A_363 = arith.addi %mul3A_249, %mul3A_362 : i32
            %get3A = arith.index_cast %add3A_363 : i32 to index
            %get3A_364 = tpu.vector_load %arg9[%get3A] {strides = array<i32>} : memref<31488xi32, #tpu.memory_space<vmem>>, vector<16xi32>,
            %ge3A = arith.constant 0 : i32
            %ge3A_365 = vector.broadcast %ge3A : i32 to vector<16xi32>
            %ge3A_366 = arith.cmpi sge, %get3A_364, %ge3A_365 : vector<16xi32>
            %convert_element_type3A_367 = arith.extui %ge3A_366 : vector<16xi1> to vector<16xi32>
            %cumsum3A = arith.constant true
            %cumsum3A_368 = vector.broadcast %cumsum3A : i1 to vector<16xi1>
            %cumsum3A_369 = tpu.scan <sum>, %convert_element_type3A_367 masked %cumsum3A_368 : vector<16xi32>, vector<16xi1> -> vector<16xi32>
            %add3A_370 = vector.broadcast %scan3A_360 : i32 to vector<16xi32>
            %add3A_371 = arith.addi %add3A_370, %cumsum3A_369 : vector<16xi32>
            %sub3A_372 = arith.constant 1 : i32
            %sub3A_373 = vector.broadcast %sub3A_372 : i32 to vector<16xi32>
            %sub3A_374 = arith.subi %add3A_371, %sub3A_373 : vector<16xi32>
            %mul3A_375 = arith.constant 16 : i32
            %mul3A_376 = arith.muli %while3A_313, %mul3A_375 : i32
            %ge3A_377 = vector.broadcast %mul3A_376 : i32 to vector<16xi32>
            %ge3A_378 = arith.cmpi sge, %sub3A_374, %ge3A_377 : vector<16xi32>
            %and3A_379 = arith.andi %ge3A_366, %ge3A_378 : vector<16xi1>
            %add3A_380 = arith.constant 1 : i32
            %add3A_381 = arith.addi %while3A_313, %add3A_380 : i32
            %mul3A_382 = arith.constant 16 : i32
            %mul3A_383 = arith.muli %add3A_381, %mul3A_382 : i32
            %lt3A_384 = vector.broadcast %mul3A_383 : i32 to vector<16xi32>
            %lt3A_385 = arith.cmpi slt, %sub3A_374, %lt3A_384 : vector<16xi32>
            %and3A_386 = arith.andi %and3A_379, %lt3A_385 : vector<16xi1>
            %mul3A_387 = arith.constant 16 : i32
            %mul3A_388 = arith.muli %while3A_313, %mul3A_387 : i32
            %sub3A_389 = vector.broadcast %mul3A_388 : i32 to vector<16xi32>
            %sub3A_390 = arith.subi %sub3A_374, %sub3A_389 : vector<16xi32>
            %jit3A_391 = arith.constant 0 : i32
            %jit3A_392 = arith.constant 15 : i32
            %max3A_393 = vector.broadcast %jit3A_391 : i32 to vector<16xi32>
            %max3A_394 = arith.maxsi %max3A_393, %sub3A_390 : vector<16xi32>
            %min3A_395 = vector.broadcast %jit3A_392 : i32 to vector<16xi32>
            %min3A_396 = arith.minsi %min3A_395, %max3A_394 : vector<16xi32>
            %mul3A_397 = arith.constant 16 : i32
            %mul3A_398 = arith.muli %scan3A_359, %mul3A_397 : i32
            %add3A_399 = vector.broadcast %mul3A_398 : i32 to vector<16xi32>
            %add3A_400 = arith.addi %add3A_399, %iota3A : vector<16xi32>
            tpu.vector_store_idx %arg16[%min3A_396], %add3A_400 masked %and3A_386 : memref<16xi32, #tpu.memory_space<vmem>>[vector<16xi32>], vector<16xi32>, vector<16xi1>
            tpu.vector_store_idx %arg17[%min3A_396], %get3A_364 masked %and3A_386 : memref<16xi32, #tpu.memory_space<vmem>>[vector<16xi32>], vector<16xi32>, vector<16xi1>
            %convert_element_type3A_401 = arith.extui %ge3A_366 : vector<16xi1> to vector<16xi32>
            %reduce_sum3A = arith.constant true
            %reduce_sum3A_402 = vector.broadcast %reduce_sum3A : i1 to vector<16xi1>
            %reduce_sum3A_403 = tpu.scan <sum>, %convert_element_type3A_401 masked %reduce_sum3A_402 : vector<16xi32>, vector<16xi1> -> vector<16xi32>
            %reduce_sum3A_404 = vector.extract %reduce_sum3A_403[15] : i32 from vector<16xi32>
            %add3A_405 = arith.addi %scan3A_360, %reduce_sum3A_404 : i32
            scf.yield %add3A_405 : i32
          }
          %scan3A_320 = arith.constant 8 : i32
          %gather3A = tpu.vector_load_idx %arg16[%iota3A] : memref<16xi32, #tpu.memory_space<vmem>>[vector<16xi32>], vector<16xi32>,
          %gather3A_321 = tpu.vector_load_idx %arg17[%iota3A] : memref<16xi32, #tpu.memory_space<vmem>>[vector<16xi32>], vector<16xi32>,
          %mul3A_322 = arith.constant 16 : i32
          %mul3A_323 = arith.muli %while3A_313, %mul3A_322 : i32
          %sub3A_324 = arith.subi %scan3A_255, %mul3A_323 : i32
          %min3A_325 = arith.constant 16 : i32
          %min3A_326 = arith.minsi %sub3A_324, %min3A_325 : i32
          %lt3A_327 = vector.broadcast %min3A_326 : i32 to vector<16xi32>
          %lt3A_328 = arith.cmpi slt, %iota3A, %lt3A_327 : vector<16xi32>
          %and3A_329 = arith.constant 1 : i32
          %and3A_330 = vector.broadcast %and3A_329 : i32 to vector<16xi32>
          %and3A_331 = arith.andi %gather3A_321, %and3A_330 : vector<16xi32>
          %mul3A_332 = arith.constant 64 : i32
          %mul3A_333 = vector.broadcast %mul3A_332 : i32 to vector<16xi32>
          %mul3A_334 = arith.muli %and3A_331, %mul3A_333 : vector<16xi32>
          %jit3A_335 = arith.constant 0 : i32
          %jit3A_336 = arith.constant 127 : i32
          %max3A = vector.broadcast %jit3A_335 : i32 to vector<16xi32>
          %max3A_337 = arith.maxsi %max3A, %gather3A : vector<16xi32>
          %min3A_338 = vector.broadcast %jit3A_336 : i32 to vector<16xi32>
          %min3A_339 = arith.minsi %min3A_338, %max3A_337 : vector<16xi32>
          %mul3A_340 = arith.constant 16 : i32
          %mul3A_341 = arith.muli %while3A_313, %mul3A_340 : i32
          %add3A_342 = arith.addi %add3A_215, %mul3A_341 : i32
          %add3A_343 = vector.broadcast %add3A_342 : i32 to vector<16xi32>
          %add3A_344 = arith.addi %add3A_343, %iota3A : vector<16xi32>
          %sub3A_345 = vector.broadcast %select_n3A_261 : i32 to vector<16xi32>
          %sub3A_346 = arith.subi %add3A_344, %sub3A_345 : vector<16xi32>
          %jit3A_347 = arith.constant 0 : i32
          %jit3A_348 = arith.constant 127 : i32
          %max3A_349 = vector.broadcast %jit3A_347 : i32 to vector<16xi32>
          %max3A_350 = arith.maxsi %max3A_349, %sub3A_346 : vector<16xi32>
          %min3A_351 = vector.broadcast %jit3A_348 : i32 to vector<16xi32>
          %min3A_352 = arith.minsi %min3A_351, %max3A_350 : vector<16xi32>
          %scan3A_353 = arith.constant 0 : i32
          %scan3A_354 = arith.constant 0 : i32
          %scan3A_355 = arith.constant 64 : i32
          %scan3A_356 = arith.addi %scan3A_354, %scan3A_355 : i32
          %scan3A_357 = arith.constant 1 : i32
          scf.for %scan3A_359 = %scan3A_354 to %scan3A_356 step %scan3A_357  : i32 {
            %add3A_360 = vector.broadcast %scan3A_359 : i32 to vector<16xi32>
            %add3A_361 = arith.addi %mul3A_334, %add3A_360 : vector<16xi32>
            %gather3A_362 = tpu.vector_load_idx %arg19[%min3A_352, %add3A_361] masked %lt3A_328 : memref<128x128xf32, #tpu.memory_space<vmem>>[vector<16xi32>, vector<16xi32>], vector<16xf32>, vector<16xi1>
            %mul3A_363 = arith.constant 0 : i32
            %mul3A_364 = vector.broadcast %mul3A_363 : i32 to vector<16xi32>
            %mul3A_365 = arith.muli %iota3A, %mul3A_364 : vector<16xi32>
            %add3A_366 = vector.broadcast %scan3A_359 : i32 to vector<16xi32>
            %add3A_367 = arith.addi %mul3A_365, %add3A_366 : vector<16xi32>
            tpu.vector_store_idx %arg15[%add3A_367, %min3A_339], %gather3A_362 masked %lt3A_328 : memref<64x128xf32, #tpu.memory_space<vmem>>[vector<16xi32>, vector<16xi32>], vector<16xf32>, vector<16xi1>
          }
          %scan3A_358 = arith.constant 64 : i32
        }
        %while3A_302 = arith.constant 1 : i32
        scf.for %while3A_313 = %while3A_300 to %while3A_296 step %while3A_302  : i32 {
          %scan3A_314 = arith.constant 0 : i32
          %scan3A_315 = arith.constant 0 : i32
          %scan3A_316 = arith.constant 8 : i32
          %scan3A_317 = arith.addi %scan3A_315, %scan3A_316 : i32
          %scan3A_318 = arith.constant 1 : i32
          %scan3A_319 = scf.for %scan3A_359 = %scan3A_315 to %scan3A_317 step %scan3A_318 iter_args(%scan3A_360 = %scan3A_314) -> (i32)  : i32 {
            %mul3A_361 = arith.constant 16 : i32
            %mul3A_362 = arith.muli %scan3A_359, %mul3A_361 : i32
            %add3A_363 = arith.addi %mul3A_249, %mul3A_362 : i32
            %get3A = arith.index_cast %add3A_363 : i32 to index
            %get3A_364 = tpu.vector_load %arg9[%get3A] {strides = array<i32>} : memref<31488xi32, #tpu.memory_space<vmem>>, vector<16xi32>,
            %ge3A = arith.constant 0 : i32
            %ge3A_365 = vector.broadcast %ge3A : i32 to vector<16xi32>
            %ge3A_366 = arith.cmpi sge, %get3A_364, %ge3A_365 : vector<16xi32>
            %convert_element_type3A_367 = arith.extui %ge3A_366 : vector<16xi1> to vector<16xi32>
            %cumsum3A = arith.constant true
            %cumsum3A_368 = vector.broadcast %cumsum3A : i1 to vector<16xi1>
            %cumsum3A_369 = tpu.scan <sum>, %convert_element_type3A_367 masked %cumsum3A_368 : vector<16xi32>, vector<16xi1> -> vector<16xi32>
            %add3A_370 = vector.broadcast %scan3A_360 : i32 to vector<16xi32>
            %add3A_371 = arith.addi %add3A_370, %cumsum3A_369 : vector<16xi32>
            %sub3A_372 = arith.constant 1 : i32
            %sub3A_373 = vector.broadcast %sub3A_372 : i32 to vector<16xi32>
            %sub3A_374 = arith.subi %add3A_371, %sub3A_373 : vector<16xi32>
            %mul3A_375 = arith.constant 16 : i32
            %mul3A_376 = arith.muli %while3A_313, %mul3A_375 : i32
            %ge3A_377 = vector.broadcast %mul3A_376 : i32 to vector<16xi32>
            %ge3A_378 = arith.cmpi sge, %sub3A_374, %ge3A_377 : vector<16xi32>
            %and3A_379 = arith.andi %ge3A_366, %ge3A_378 : vector<16xi1>
            %add3A_380 = arith.constant 1 : i32
            %add3A_381 = arith.addi %while3A_313, %add3A_380 : i32
            %mul3A_382 = arith.constant 16 : i32
            %mul3A_383 = arith.muli %add3A_381, %mul3A_382 : i32
            %lt3A_384 = vector.broadcast %mul3A_383 : i32 to vector<16xi32>
            %lt3A_385 = arith.cmpi slt, %sub3A_374, %lt3A_384 : vector<16xi32>
            %and3A_386 = arith.andi %and3A_379, %lt3A_385 : vector<16xi1>
            %mul3A_387 = arith.constant 16 : i32
            %mul3A_388 = arith.muli %while3A_313, %mul3A_387 : i32
            %sub3A_389 = vector.broadcast %mul3A_388 : i32 to vector<16xi32>
            %sub3A_390 = arith.subi %sub3A_374, %sub3A_389 : vector<16xi32>
            %jit3A_391 = arith.constant 0 : i32
            %jit3A_392 = arith.constant 15 : i32
            %max3A_393 = vector.broadcast %jit3A_391 : i32 to vector<16xi32>
            %max3A_394 = arith.maxsi %max3A_393, %sub3A_390 : vector<16xi32>
            %min3A_395 = vector.broadcast %jit3A_392 : i32 to vector<16xi32>
            %min3A_396 = arith.minsi %min3A_395, %max3A_394 : vector<16xi32>
            %mul3A_397 = arith.constant 16 : i32
            %mul3A_398 = arith.muli %scan3A_359, %mul3A_397 : i32
            %add3A_399 = vector.broadcast %mul3A_398 : i32 to vector<16xi32>
            %add3A_400 = arith.addi %add3A_399, %iota3A : vector<16xi32>
            tpu.vector_store_idx %arg16[%min3A_396], %add3A_400 masked %and3A_386 : memref<16xi32, #tpu.memory_space<vmem>>[vector<16xi32>], vector<16xi32>, vector<16xi1>
            tpu.vector_store_idx %arg17[%min3A_396], %get3A_364 masked %and3A_386 : memref<16xi32, #tpu.memory_space<vmem>>[vector<16xi32>], vector<16xi32>, vector<16xi1>
            %convert_element_type3A_401 = arith.extui %ge3A_366 : vector<16xi1> to vector<16xi32>
            %reduce_sum3A = arith.constant true
            %reduce_sum3A_402 = vector.broadcast %reduce_sum3A : i1 to vector<16xi1>
            %reduce_sum3A_403 = tpu.scan <sum>, %convert_element_type3A_401 masked %reduce_sum3A_402 : vector<16xi32>, vector<16xi1> -> vector<16xi32>
            %reduce_sum3A_404 = vector.extract %reduce_sum3A_403[15] : i32 from vector<16xi32>
            %add3A_405 = arith.addi %scan3A_360, %reduce_sum3A_404 : i32
            scf.yield %add3A_405 : i32
          }
          %scan3A_320 = arith.constant 8 : i32
          %gather3A = tpu.vector_load_idx %arg16[%iota3A] : memref<16xi32, #tpu.memory_space<vmem>>[vector<16xi32>], vector<16xi32>,
          %gather3A_321 = tpu.vector_load_idx %arg17[%iota3A] : memref<16xi32, #tpu.memory_space<vmem>>[vector<16xi32>], vector<16xi32>,
          %mul3A_322 = arith.constant 16 : i32
          %mul3A_323 = arith.muli %while3A_313, %mul3A_322 : i32
          %sub3A_324 = arith.subi %scan3A_255, %mul3A_323 : i32
          %min3A_325 = arith.constant 16 : i32
          %min3A_326 = arith.minsi %sub3A_324, %min3A_325 : i32
          %lt3A_327 = vector.broadcast %min3A_326 : i32 to vector<16xi32>
          %lt3A_328 = arith.cmpi slt, %iota3A, %lt3A_327 : vector<16xi32>
          %and3A_329 = arith.constant 1 : i32
          %and3A_330 = vector.broadcast %and3A_329 : i32 to vector<16xi32>
          %and3A_331 = arith.andi %gather3A_321, %and3A_330 : vector<16xi32>
          %mul3A_332 = arith.constant 64 : i32
          %mul3A_333 = vector.broadcast %mul3A_332 : i32 to vector<16xi32>
          %mul3A_334 = arith.muli %and3A_331, %mul3A_333 : vector<16xi32>
          %jit3A_335 = arith.constant 0 : i32
          %jit3A_336 = arith.constant 127 : i32
          %max3A = vector.broadcast %jit3A_335 : i32 to vector<16xi32>
          %max3A_337 = arith.maxsi %max3A, %gather3A : vector<16xi32>
          %min3A_338 = vector.broadcast %jit3A_336 : i32 to vector<16xi32>
          %min3A_339 = arith.minsi %min3A_338, %max3A_337 : vector<16xi32>
          %mul3A_340 = arith.constant 16 : i32
          %mul3A_341 = arith.muli %while3A_313, %mul3A_340 : i32
          %add3A_342 = arith.addi %add3A_215, %mul3A_341 : i32
          %add3A_343 = vector.broadcast %add3A_342 : i32 to vector<16xi32>
          %add3A_344 = arith.addi %add3A_343, %iota3A : vector<16xi32>
          %sub3A_345 = vector.broadcast %select_n3A_261 : i32 to vector<16xi32>
          %sub3A_346 = arith.subi %add3A_344, %sub3A_345 : vector<16xi32>
          %jit3A_347 = arith.constant 0 : i32
          %jit3A_348 = arith.constant 127 : i32
          %max3A_349 = vector.broadcast %jit3A_347 : i32 to vector<16xi32>
          %max3A_350 = arith.maxsi %max3A_349, %sub3A_346 : vector<16xi32>
          %min3A_351 = vector.broadcast %jit3A_348 : i32 to vector<16xi32>
          %min3A_352 = arith.minsi %min3A_351, %max3A_350 : vector<16xi32>
          %scan3A_353 = arith.constant 0 : i32
          %scan3A_354 = arith.constant 0 : i32
          %scan3A_355 = arith.constant 64 : i32
          %scan3A_356 = arith.addi %scan3A_354, %scan3A_355 : i32
          %scan3A_357 = arith.constant 1 : i32
          scf.for %scan3A_359 = %scan3A_354 to %scan3A_356 step %scan3A_357  : i32 {
            %add3A_360 = vector.broadcast %scan3A_359 : i32 to vector<16xi32>
            %add3A_361 = arith.addi %mul3A_334, %add3A_360 : vector<16xi32>
            %gather3A_362 = tpu.vector_load_idx %arg19[%min3A_352, %add3A_361] masked %lt3A_328 : memref<128x128xf32, #tpu.memory_space<vmem>>[vector<16xi32>, vector<16xi32>], vector<16xf32>, vector<16xi1>
            %mul3A_363 = arith.constant 0 : i32
            %mul3A_364 = vector.broadcast %mul3A_363 : i32 to vector<16xi32>
            %mul3A_365 = arith.muli %iota3A, %mul3A_364 : vector<16xi32>
            %add3A_366 = vector.broadcast %scan3A_359 : i32 to vector<16xi32>
            %add3A_367 = arith.addi %mul3A_365, %add3A_366 : vector<16xi32>
            tpu.vector_store_idx %arg15[%add3A_367, %min3A_339], %gather3A_362 masked %lt3A_328 : memref<64x128xf32, #tpu.memory_space<vmem>>[vector<16xi32>, vector<16xi32>], vector<16xf32>, vector<16xi1>
          }
          %scan3A_358 = arith.constant 64 : i32
        }
        %add3A_303 = arith.addi %add3A_215, %scan3A_255 : i32
        %add3A_304 = arith.constant 1 : i32
        %add3A_305 = arith.addi %mul3A_155, %add3A_304 : i32
        %mul3A_306 = arith.constant 128 : i32
        %mul3A_307 = arith.muli %add3A_305, %mul3A_306 : i32
        %add3A_308 = arith.addi %mul3A_9, %mul3A_307 : i32
        %dma_start3A_309 = arith.constant 0 : i32
        %dma_start3A_310 = tpu.memref_slice %arg5[%dma_start3A_309, %add3A_308] : memref<64x1000000xf32, #tpu.memory_space<hbm>> -> memref<64x128xf32, #tpu.memory_space<hbm>>
        %dma_start3A_311 = arith.constant 0 : i32
        %dma_start3A_312 = tpu.memref_slice %arg5[%dma_start3A_311, %add3A_308] : memref<64x1000000xf32, #tpu.memory_space<hbm>> -> memref<64x128xf32, #tpu.memory_space<hbm>>
        tpu.enqueue_dma source(%arg15 : memref<64x128xf32, #tpu.memory_space<vmem>>) target(%dma_start3A_312 : memref<64x128xf32, #tpu.memory_space<hbm>>) target_semaphore(%arg23 : memref<!tpu.dma_semaphore, #tpu.memory_space<semaphore_mem>>)
        scf.yield %add3A_303, %select_n3A_261 : i32, i32
      } else {
        scf.yield %add3A_215, %select_n3A_173 : i32, i32
      }
      %add3A_230 = arith.constant 2 : i32
      %add3A_231 = arith.addi %mul3A_155, %add3A_230 : i32
      %lt3A_232 = arith.cmpi slt, %add3A_231, %add3A_7 : i32
      %convert_element_type3A_233 = arith.extui %lt3A_232 : i1 to i32
      %cond3A_234 = arith.constant 0 : i32
      %cond3A_235 = arith.cmpi ne, %convert_element_type3A_233, %cond3A_234 : i32
      scf.if %cond3A_235 {
        %dma_wait3A_242 = arith.constant 0 : i32
        %dma_wait3A_243 = tpu.memref_slice %arg5[%dma_wait3A_242, %mul3A_9] : memref<64x1000000xf32, #tpu.memory_space<hbm>> -> memref<64x128xf32, #tpu.memory_space<hbm>>
        %dma_wait3A_244 = arith.constant 0 : i32
        %dma_wait3A_245 = tpu.memref_slice %arg5[%dma_wait3A_244, %mul3A_9] : memref<64x1000000xf32, #tpu.memory_space<hbm>> -> memref<64x128xf32, #tpu.memory_space<hbm>>
        tpu.wait_dma2 semaphore(%arg22 : memref<!tpu.dma_semaphore, #tpu.memory_space<semaphore_mem>>) src(%arg14 : memref<64x128xf32, #tpu.memory_space<vmem>>) dst(%dma_wait3A_245 : memref<64x128xf32, #tpu.memory_space<hbm>>)
        %add3A_246 = arith.constant 2 : i32
        %add3A_247 = arith.addi %mul3A_155, %add3A_246 : i32
        %mul3A_248 = arith.constant 128 : i32
        %mul3A_249 = arith.muli %add3A_247, %mul3A_248 : i32
        %add3A_250 = arith.addi %mul3A_9, %mul3A_249 : i32
        %dma_start3A_251 = arith.constant 0 : i32
        %dma_start3A_252 = tpu.memref_slice %arg2[%dma_start3A_251, %add3A_250] : memref<64x1000000xf32, #tpu.memory_space<hbm>> -> memref<64x128xf32, #tpu.memory_space<hbm>>
        %dma_start3A_253 = arith.constant 0 : i32
        %dma_start3A_254 = tpu.memref_slice %arg2[%dma_start3A_253, %add3A_250] : memref<64x1000000xf32, #tpu.memory_space<hbm>> -> memref<64x128xf32, #tpu.memory_space<hbm>>
        tpu.enqueue_dma source(%dma_start3A_254 : memref<64x128xf32, #tpu.memory_space<hbm>>) target(%arg14 : memref<64x128xf32, #tpu.memory_space<vmem>>) target_semaphore(%arg20 : memref<!tpu.dma_semaphore, #tpu.memory_space<semaphore_mem>>)
      } else {
      }
      %add3A_236 = arith.constant 3 : i32
      %add3A_237 = arith.addi %mul3A_155, %add3A_236 : i32
      %lt3A_238 = arith.cmpi slt, %add3A_237, %add3A_7 : i32
      %convert_element_type3A_239 = arith.extui %lt3A_238 : i1 to i32
      %cond3A_240 = arith.constant 0 : i32
      %cond3A_241 = arith.cmpi ne, %convert_element_type3A_239, %cond3A_240 : i32
      scf.if %cond3A_241 {
        %dma_wait3A_242 = arith.constant 0 : i32
        %dma_wait3A_243 = tpu.memref_slice %arg5[%dma_wait3A_242, %mul3A_9] : memref<64x1000000xf32, #tpu.memory_space<hbm>> -> memref<64x128xf32, #tpu.memory_space<hbm>>
        %dma_wait3A_244 = arith.constant 0 : i32
        %dma_wait3A_245 = tpu.memref_slice %arg5[%dma_wait3A_244, %mul3A_9] : memref<64x1000000xf32, #tpu.memory_space<hbm>> -> memref<64x128xf32, #tpu.memory_space<hbm>>
        tpu.wait_dma2 semaphore(%arg23 : memref<!tpu.dma_semaphore, #tpu.memory_space<semaphore_mem>>) src(%arg15 : memref<64x128xf32, #tpu.memory_space<vmem>>) dst(%dma_wait3A_245 : memref<64x128xf32, #tpu.memory_space<hbm>>)
        %add3A_246 = arith.constant 3 : i32
        %add3A_247 = arith.addi %mul3A_155, %add3A_246 : i32
        %mul3A_248 = arith.constant 128 : i32
        %mul3A_249 = arith.muli %add3A_247, %mul3A_248 : i32
        %add3A_250 = arith.addi %mul3A_9, %mul3A_249 : i32
        %dma_start3A_251 = arith.constant 0 : i32
        %dma_start3A_252 = tpu.memref_slice %arg2[%dma_start3A_251, %add3A_250] : memref<64x1000000xf32, #tpu.memory_space<hbm>> -> memref<64x128xf32, #tpu.memory_space<hbm>>
        %dma_start3A_253 = arith.constant 0 : i32
        %dma_start3A_254 = tpu.memref_slice %arg2[%dma_start3A_253, %add3A_250] : memref<64x1000000xf32, #tpu.memory_space<hbm>> -> memref<64x128xf32, #tpu.memory_space<hbm>>
        tpu.enqueue_dma source(%dma_start3A_254 : memref<64x128xf32, #tpu.memory_space<hbm>>) target(%arg15 : memref<64x128xf32, #tpu.memory_space<vmem>>) target_semaphore(%arg21 : memref<!tpu.dma_semaphore, #tpu.memory_space<semaphore_mem>>)
      } else {
      }
      scf.yield %cond3A_229#0, %cond3A_229#1 : i32, i32
    }
    %while3A_136 = arith.constant 1 : i32
    %while3A_137:2 = scf.for %while3A_151 = %while3A_133 to %while3A_129 step %while3A_136 iter_args(%while3A_152 = %while3A_135#0, %while3A_153 = %while3A_135#1) -> (i32, i32)  : i32 {
      %mul3A_154 = arith.constant 2 : i32
      %mul3A_155 = arith.muli %mul3A_154, %while3A_151 : i32
      %dma_wait3A_156 = arith.constant 0 : i32
      %dma_wait3A_157 = tpu.memref_slice %arg2[%dma_wait3A_156, %mul3A_9] : memref<64x1000000xf32, #tpu.memory_space<hbm>> -> memref<64x128xf32, #tpu.memory_space<hbm>>
      %dma_wait3A_158 = arith.constant 0 : i32
      %dma_wait3A_159 = tpu.memref_slice %arg2[%dma_wait3A_158, %mul3A_9] : memref<64x1000000xf32, #tpu.memory_space<hbm>> -> memref<64x128xf32, #tpu.memory_space<hbm>>
      tpu.wait_dma2 semaphore(%arg20 : memref<!tpu.dma_semaphore, #tpu.memory_space<semaphore_mem>>) src(%dma_wait3A_159 : memref<64x128xf32, #tpu.memory_space<hbm>>) dst(%arg14 : memref<64x128xf32, #tpu.memory_space<vmem>>)
      %mul3A_160 = arith.constant 128 : i32
      %mul3A_161 = arith.muli %mul3A_155, %mul3A_160 : i32
      %scan3A_162 = arith.constant 0 : i32
      %scan3A_163 = arith.constant 0 : i32
      %scan3A_164 = arith.constant 8 : i32
      %scan3A_165 = arith.addi %scan3A_163, %scan3A_164 : i32
      %scan3A_166 = arith.constant 1 : i32
      %scan3A_167 = scf.for %scan3A_242 = %scan3A_163 to %scan3A_165 step %scan3A_166 iter_args(%scan3A_243 = %scan3A_162) -> (i32)  : i32 {
        %mul3A_244 = arith.constant 16 : i32
        %mul3A_245 = arith.muli %scan3A_242, %mul3A_244 : i32
        %add3A_246 = arith.addi %mul3A_161, %mul3A_245 : i32
        %get3A = arith.index_cast %add3A_246 : i32 to index
        %get3A_247 = tpu.vector_load %arg9[%get3A] {strides = array<i32>} : memref<31488xi32, #tpu.memory_space<vmem>>, vector<16xi32>,
        %ge3A = arith.constant 0 : i32
        %ge3A_248 = vector.broadcast %ge3A : i32 to vector<16xi32>
        %ge3A_249 = arith.cmpi sge, %get3A_247, %ge3A_248 : vector<16xi32>
        %convert_element_type3A_250 = arith.extui %ge3A_249 : vector<16xi1> to vector<16xi32>
        %reduce_sum3A = arith.constant true
        %reduce_sum3A_251 = vector.broadcast %reduce_sum3A : i1 to vector<16xi1>
        %reduce_sum3A_252 = tpu.scan <sum>, %convert_element_type3A_250 masked %reduce_sum3A_251 : vector<16xi32>, vector<16xi1> -> vector<16xi32>
        %reduce_sum3A_253 = vector.extract %reduce_sum3A_252[15] : i32 from vector<16xi32>
        %add3A_254 = arith.addi %scan3A_243, %reduce_sum3A_253 : i32
        scf.yield %add3A_254 : i32
      }
      %scan3A_168 = arith.constant 8 : i32
      %add3A_169 = arith.addi %while3A_152, %scan3A_167 : i32
      %add3A_170 = arith.constant 128 : i32
      %add3A_171 = arith.addi %while3A_153, %add3A_170 : i32
      %gt3A_172 = arith.cmpi sgt, %add3A_169, %add3A_171 : i32
      %select_n3A_173 = arith.select %gt3A_172, %while3A_152, %while3A_153 : i32
      %convert_element_type3A_174 = arith.extui %gt3A_172 : i1 to i32
      %cond3A_175 = arith.constant 0 : i32
      %cond3A_176 = arith.cmpi ne, %convert_element_type3A_174, %cond3A_175 : i32
      scf.if %cond3A_176 {
        %sub3A_242 = arith.constant 1 : i32
        %sub3A_243 = arith.subi %while3A_84, %sub3A_242 : i32
        %max3A = arith.constant 0 : i32
        %max3A_244 = arith.maxsi %sub3A_243, %max3A : i32
        %add3A_245 = arith.constant 0 : i32
        %add3A_246 = arith.addi %while3A_152, %add3A_245 : i32
        %add3A_247 = vector.broadcast %add3A_246 : i32 to vector<16xi32>
        %add3A_248 = arith.addi %add3A_247, %iota3A : vector<16xi32>
        %min3A_249 = vector.broadcast %max3A_244 : i32 to vector<16xi32>
        %min3A_250 = arith.minsi %add3A_248, %min3A_249 : vector<16xi32>
        %gather3A = tpu.vector_load_idx %arg18[%min3A_250] : memref<16400xi32, #tpu.memory_space<vmem>>[vector<16xi32>], vector<16xi32>,
        %swap3A = arith.constant 0 : index
        %swap3A_251 = tpu.vector_load %arg12[%swap3A] {strides = array<i32>} : memref<128xi32, #tpu.memory_space<vmem>>, vector<16xi32>,
        tpu.vector_store %arg12[%swap3A], %gather3A {strides = array<i32>} : memref<128xi32, #tpu.memory_space<vmem>>, vector<16xi32>,
        %add3A_252 = arith.constant 16 : i32
        %add3A_253 = arith.addi %while3A_152, %add3A_252 : i32
        %add3A_254 = vector.broadcast %add3A_253 : i32 to vector<16xi32>
        %add3A_255 = arith.addi %add3A_254, %iota3A : vector<16xi32>
        %min3A_256 = vector.broadcast %max3A_244 : i32 to vector<16xi32>
        %min3A_257 = arith.minsi %add3A_255, %min3A_256 : vector<16xi32>
        %gather3A_258 = tpu.vector_load_idx %arg18[%min3A_257] : memref<16400xi32, #tpu.memory_space<vmem>>[vector<16xi32>], vector<16xi32>,
        %swap3A_259 = arith.constant 16 : index
        %swap3A_260 = tpu.vector_load %arg12[%swap3A_259] {strides = array<i32>} : memref<128xi32, #tpu.memory_space<vmem>>, vector<16xi32>,
        tpu.vector_store %arg12[%swap3A_259], %gather3A_258 {strides = array<i32>} : memref<128xi32, #tpu.memory_space<vmem>>, vector<16xi32>,
        %add3A_261 = arith.constant 32 : i32
        %add3A_262 = arith.addi %while3A_152, %add3A_261 : i32
        %add3A_263 = vector.broadcast %add3A_262 : i32 to vector<16xi32>
        %add3A_264 = arith.addi %add3A_263, %iota3A : vector<16xi32>
        %min3A_265 = vector.broadcast %max3A_244 : i32 to vector<16xi32>
        %min3A_266 = arith.minsi %add3A_264, %min3A_265 : vector<16xi32>
        %gather3A_267 = tpu.vector_load_idx %arg18[%min3A_266] : memref<16400xi32, #tpu.memory_space<vmem>>[vector<16xi32>], vector<16xi32>,
        %swap3A_268 = arith.constant 32 : index
        %swap3A_269 = tpu.vector_load %arg12[%swap3A_268] {strides = array<i32>} : memref<128xi32, #tpu.memory_space<vmem>>, vector<16xi32>,
        tpu.vector_store %arg12[%swap3A_268], %gather3A_267 {strides = array<i32>} : memref<128xi32, #tpu.memory_space<vmem>>, vector<16xi32>,
        %add3A_270 = arith.constant 48 : i32
        %add3A_271 = arith.addi %while3A_152, %add3A_270 : i32
        %add3A_272 = vector.broadcast %add3A_271 : i32 to vector<16xi32>
        %add3A_273 = arith.addi %add3A_272, %iota3A : vector<16xi32>
        %min3A_274 = vector.broadcast %max3A_244 : i32 to vector<16xi32>
        %min3A_275 = arith.minsi %add3A_273, %min3A_274 : vector<16xi32>
        %gather3A_276 = tpu.vector_load_idx %arg18[%min3A_275] : memref<16400xi32, #tpu.memory_space<vmem>>[vector<16xi32>], vector<16xi32>,
        %swap3A_277 = arith.constant 48 : index
        %swap3A_278 = tpu.vector_load %arg12[%swap3A_277] {strides = array<i32>} : memref<128xi32, #tpu.memory_space<vmem>>, vector<16xi32>,
        tpu.vector_store %arg12[%swap3A_277], %gather3A_276 {strides = array<i32>} : memref<128xi32, #tpu.memory_space<vmem>>, vector<16xi32>,
        %add3A_279 = arith.constant 64 : i32
        %add3A_280 = arith.addi %while3A_152, %add3A_279 : i32
        %add3A_281 = vector.broadcast %add3A_280 : i32 to vector<16xi32>
        %add3A_282 = arith.addi %add3A_281, %iota3A : vector<16xi32>
        %min3A_283 = vector.broadcast %max3A_244 : i32 to vector<16xi32>
        %min3A_284 = arith.minsi %add3A_282, %min3A_283 : vector<16xi32>
        %gather3A_285 = tpu.vector_load_idx %arg18[%min3A_284] : memref<16400xi32, #tpu.memory_space<vmem>>[vector<16xi32>], vector<16xi32>,
        %swap3A_286 = arith.constant 64 : index
        %swap3A_287 = tpu.vector_load %arg12[%swap3A_286] {strides = array<i32>} : memref<128xi32, #tpu.memory_space<vmem>>, vector<16xi32>,
        tpu.vector_store %arg12[%swap3A_286], %gather3A_285 {strides = array<i32>} : memref<128xi32, #tpu.memory_space<vmem>>, vector<16xi32>,
        %add3A_288 = arith.constant 80 : i32
        %add3A_289 = arith.addi %while3A_152, %add3A_288 : i32
        %add3A_290 = vector.broadcast %add3A_289 : i32 to vector<16xi32>
        %add3A_291 = arith.addi %add3A_290, %iota3A : vector<16xi32>
        %min3A_292 = vector.broadcast %max3A_244 : i32 to vector<16xi32>
        %min3A_293 = arith.minsi %add3A_291, %min3A_292 : vector<16xi32>
        %gather3A_294 = tpu.vector_load_idx %arg18[%min3A_293] : memref<16400xi32, #tpu.memory_space<vmem>>[vector<16xi32>], vector<16xi32>,
        %swap3A_295 = arith.constant 80 : index
        %swap3A_296 = tpu.vector_load %arg12[%swap3A_295] {strides = array<i32>} : memref<128xi32, #tpu.memory_space<vmem>>, vector<16xi32>,
        tpu.vector_store %arg12[%swap3A_295], %gather3A_294 {strides = array<i32>} : memref<128xi32, #tpu.memory_space<vmem>>, vector<16xi32>,
        %add3A_297 = arith.constant 96 : i32
        %add3A_298 = arith.addi %while3A_152, %add3A_297 : i32
        %add3A_299 = vector.broadcast %add3A_298 : i32 to vector<16xi32>
        %add3A_300 = arith.addi %add3A_299, %iota3A : vector<16xi32>
        %min3A_301 = vector.broadcast %max3A_244 : i32 to vector<16xi32>
        %min3A_302 = arith.minsi %add3A_300, %min3A_301 : vector<16xi32>
        %gather3A_303 = tpu.vector_load_idx %arg18[%min3A_302] : memref<16400xi32, #tpu.memory_space<vmem>>[vector<16xi32>], vector<16xi32>,
        %swap3A_304 = arith.constant 96 : index
        %swap3A_305 = tpu.vector_load %arg12[%swap3A_304] {strides = array<i32>} : memref<128xi32, #tpu.memory_space<vmem>>, vector<16xi32>,
        tpu.vector_store %arg12[%swap3A_304], %gather3A_303 {strides = array<i32>} : memref<128xi32, #tpu.memory_space<vmem>>, vector<16xi32>,
        %add3A_306 = arith.constant 112 : i32
        %add3A_307 = arith.addi %while3A_152, %add3A_306 : i32
        %add3A_308 = vector.broadcast %add3A_307 : i32 to vector<16xi32>
        %add3A_309 = arith.addi %add3A_308, %iota3A : vector<16xi32>
        %min3A_310 = vector.broadcast %max3A_244 : i32 to vector<16xi32>
        %min3A_311 = arith.minsi %add3A_309, %min3A_310 : vector<16xi32>
        %gather3A_312 = tpu.vector_load_idx %arg18[%min3A_311] : memref<16400xi32, #tpu.memory_space<vmem>>[vector<16xi32>], vector<16xi32>,
        %swap3A_313 = arith.constant 112 : index
        %swap3A_314 = tpu.vector_load %arg12[%swap3A_313] {strides = array<i32>} : memref<128xi32, #tpu.memory_space<vmem>>, vector<16xi32>,
        tpu.vector_store %arg12[%swap3A_313], %gather3A_312 {strides = array<i32>} : memref<128xi32, #tpu.memory_space<vmem>>, vector<16xi32>,
        %dma_start3A_315 = arith.constant 0 : i32
        %dma_start3A_316 = arith.constant 0 : i32
        %dma_start3A_317 = tpu.memref_slice %arg3[%dma_start3A_315, %dma_start3A_316] : memref<8192x128xf32, #tpu.memory_space<hbm>> -> memref<8192x128xf32, #tpu.memory_space<hbm>>
        tpu.enqueue_indirect_dma source(%dma_start3A_317 : memref<8192x128xf32, #tpu.memory_space<hbm>>) target(%arg19 : memref<128x128xf32, #tpu.memory_space<vmem>>) offsets(%arg12 : memref<128xi32, #tpu.memory_space<vmem>>) semaphore(%arg24 : memref<!tpu.dma_semaphore, #tpu.memory_space<semaphore_mem>>)
        %dma_wait3A_318 = arith.constant 0 : i32
        %dma_wait3A_319 = arith.constant 0 : i32
        %dma_wait3A_320 = tpu.memref_slice %arg3[%dma_wait3A_318, %dma_wait3A_319] : memref<8192x128xf32, #tpu.memory_space<hbm>> -> memref<8192x128xf32, #tpu.memory_space<hbm>>
        tpu.wait_indirect_dma semaphore(%arg24 : memref<!tpu.dma_semaphore, #tpu.memory_space<semaphore_mem>>) src(%dma_wait3A_320 : memref<8192x128xf32, #tpu.memory_space<hbm>>) dst(%arg19 : memref<128x128xf32, #tpu.memory_space<vmem>>)
      } else {
      }
      %add3A_177 = arith.constant 16 : i32
      %add3A_178 = arith.addi %scan3A_167, %add3A_177 : i32
      %sub3A_179 = arith.constant 1 : i32
      %sub3A_180 = arith.subi %add3A_178, %sub3A_179 : i32
      %jit3A_181 = arith.constant 16 : i32
      %div3A_182 = arith.divsi %sub3A_180, %jit3A_181 : i32
      %sign3A_183 = arith.constant 0 : i32
      %sign3A_184 = arith.cmpi sgt, %sub3A_180, %sign3A_183 : i32
      %sign3A_185 = arith.extui %sign3A_184 : i1 to i32
      %sign3A_186 = arith.constant 0 : i32
      %sign3A_187 = arith.cmpi slt, %sub3A_180, %sign3A_186 : i32
      %sign3A_188 = arith.extui %sign3A_187 : i1 to i32
      %sign3A_189 = arith.subi %sign3A_185, %sign3A_188 : i32
      %sign3A_190 = arith.constant 0 : i32
      %sign3A_191 = arith.cmpi sgt, %jit3A_181, %sign3A_190 : i32
      %sign3A_192 = arith.extui %sign3A_191 : i1 to i32
      %sign3A_193 = arith.constant 0 : i32
      %sign3A_194 = arith.cmpi slt, %jit3A_181, %sign3A_193 : i32
      %sign3A_195 = arith.extui %sign3A_194 : i1 to i32
      %sign3A_196 = arith.subi %sign3A_192, %sign3A_195 : i32
      %ne3A_197 = arith.cmpi ne, %sign3A_189, %sign3A_196 : i32
      %rem3A_198 = arith.remsi %sub3A_180, %jit3A_181 : i32
      %ne3A_199 = arith.constant 0 : i32
      %ne3A_200 = arith.cmpi ne, %rem3A_198, %ne3A_199 : i32
      %and3A_201 = arith.andi %ne3A_197, %ne3A_200 : i1
      %sub3A_202 = arith.constant 1 : i32
      %sub3A_203 = arith.subi %div3A_182, %sub3A_202 : i32
      %select_n3A_204 = arith.select %and3A_201, %sub3A_203, %div3A_182 : i32
      %while3A_205 = arith.constant 0 : i32
      %while3A_206 = arith.constant 0 : i32
      %while3A_207 = arith.subi %select_n3A_204, %while3A_206 : i32
      %while3A_208 = arith.addi %while3A_206, %while3A_207 : i32
      %while3A_209 = arith.constant 1 : i32
      %while3A_210 = arith.divsi %while3A_207, %while3A_209 : i32
      %while3A_211 = arith.muli %while3A_210, %while3A_209 : i32
      %while3A_212 = arith.addi %while3A_206, %while3A_211 : i32
      %while3A_213 = arith.constant 1 : i32
      scf.for %while3A_242 = %while3A_206 to %while3A_212 step %while3A_213  : i32 {
        %scan3A_243 = arith.constant 0 : i32
        %scan3A_244 = arith.constant 0 : i32
        %scan3A_245 = arith.constant 8 : i32
        %scan3A_246 = arith.addi %scan3A_244, %scan3A_245 : i32
        %scan3A_247 = arith.constant 1 : i32
        %scan3A_248 = scf.for %scan3A_288 = %scan3A_244 to %scan3A_246 step %scan3A_247 iter_args(%scan3A_289 = %scan3A_243) -> (i32)  : i32 {
          %mul3A_290 = arith.constant 16 : i32
          %mul3A_291 = arith.muli %scan3A_288, %mul3A_290 : i32
          %add3A_292 = arith.addi %mul3A_161, %mul3A_291 : i32
          %get3A = arith.index_cast %add3A_292 : i32 to index
          %get3A_293 = tpu.vector_load %arg9[%get3A] {strides = array<i32>} : memref<31488xi32, #tpu.memory_space<vmem>>, vector<16xi32>,
          %ge3A = arith.constant 0 : i32
          %ge3A_294 = vector.broadcast %ge3A : i32 to vector<16xi32>
          %ge3A_295 = arith.cmpi sge, %get3A_293, %ge3A_294 : vector<16xi32>
          %convert_element_type3A_296 = arith.extui %ge3A_295 : vector<16xi1> to vector<16xi32>
          %cumsum3A = arith.constant true
          %cumsum3A_297 = vector.broadcast %cumsum3A : i1 to vector<16xi1>
          %cumsum3A_298 = tpu.scan <sum>, %convert_element_type3A_296 masked %cumsum3A_297 : vector<16xi32>, vector<16xi1> -> vector<16xi32>
          %add3A_299 = vector.broadcast %scan3A_289 : i32 to vector<16xi32>
          %add3A_300 = arith.addi %add3A_299, %cumsum3A_298 : vector<16xi32>
          %sub3A_301 = arith.constant 1 : i32
          %sub3A_302 = vector.broadcast %sub3A_301 : i32 to vector<16xi32>
          %sub3A_303 = arith.subi %add3A_300, %sub3A_302 : vector<16xi32>
          %mul3A_304 = arith.constant 16 : i32
          %mul3A_305 = arith.muli %while3A_242, %mul3A_304 : i32
          %ge3A_306 = vector.broadcast %mul3A_305 : i32 to vector<16xi32>
          %ge3A_307 = arith.cmpi sge, %sub3A_303, %ge3A_306 : vector<16xi32>
          %and3A_308 = arith.andi %ge3A_295, %ge3A_307 : vector<16xi1>
          %add3A_309 = arith.constant 1 : i32
          %add3A_310 = arith.addi %while3A_242, %add3A_309 : i32
          %mul3A_311 = arith.constant 16 : i32
          %mul3A_312 = arith.muli %add3A_310, %mul3A_311 : i32
          %lt3A_313 = vector.broadcast %mul3A_312 : i32 to vector<16xi32>
          %lt3A_314 = arith.cmpi slt, %sub3A_303, %lt3A_313 : vector<16xi32>
          %and3A_315 = arith.andi %and3A_308, %lt3A_314 : vector<16xi1>
          %mul3A_316 = arith.constant 16 : i32
          %mul3A_317 = arith.muli %while3A_242, %mul3A_316 : i32
          %sub3A_318 = vector.broadcast %mul3A_317 : i32 to vector<16xi32>
          %sub3A_319 = arith.subi %sub3A_303, %sub3A_318 : vector<16xi32>
          %jit3A_320 = arith.constant 0 : i32
          %jit3A_321 = arith.constant 15 : i32
          %max3A_322 = vector.broadcast %jit3A_320 : i32 to vector<16xi32>
          %max3A_323 = arith.maxsi %max3A_322, %sub3A_319 : vector<16xi32>
          %min3A_324 = vector.broadcast %jit3A_321 : i32 to vector<16xi32>
          %min3A_325 = arith.minsi %min3A_324, %max3A_323 : vector<16xi32>
          %mul3A_326 = arith.constant 16 : i32
          %mul3A_327 = arith.muli %scan3A_288, %mul3A_326 : i32
          %add3A_328 = vector.broadcast %mul3A_327 : i32 to vector<16xi32>
          %add3A_329 = arith.addi %add3A_328, %iota3A : vector<16xi32>
          tpu.vector_store_idx %arg16[%min3A_325], %add3A_329 masked %and3A_315 : memref<16xi32, #tpu.memory_space<vmem>>[vector<16xi32>], vector<16xi32>, vector<16xi1>
          tpu.vector_store_idx %arg17[%min3A_325], %get3A_293 masked %and3A_315 : memref<16xi32, #tpu.memory_space<vmem>>[vector<16xi32>], vector<16xi32>, vector<16xi1>
          %convert_element_type3A_330 = arith.extui %ge3A_295 : vector<16xi1> to vector<16xi32>
          %reduce_sum3A = arith.constant true
          %reduce_sum3A_331 = vector.broadcast %reduce_sum3A : i1 to vector<16xi1>
          %reduce_sum3A_332 = tpu.scan <sum>, %convert_element_type3A_330 masked %reduce_sum3A_331 : vector<16xi32>, vector<16xi1> -> vector<16xi32>
          %reduce_sum3A_333 = vector.extract %reduce_sum3A_332[15] : i32 from vector<16xi32>
          %add3A_334 = arith.addi %scan3A_289, %reduce_sum3A_333 : i32
          scf.yield %add3A_334 : i32
        }
        %scan3A_249 = arith.constant 8 : i32
        %gather3A = tpu.vector_load_idx %arg16[%iota3A] : memref<16xi32, #tpu.memory_space<vmem>>[vector<16xi32>], vector<16xi32>,
        %gather3A_250 = tpu.vector_load_idx %arg17[%iota3A] : memref<16xi32, #tpu.memory_space<vmem>>[vector<16xi32>], vector<16xi32>,
        %mul3A_251 = arith.constant 16 : i32
        %mul3A_252 = arith.muli %while3A_242, %mul3A_251 : i32
        %sub3A_253 = arith.subi %scan3A_167, %mul3A_252 : i32
        %min3A_254 = arith.constant 16 : i32
        %min3A_255 = arith.minsi %sub3A_253, %min3A_254 : i32
        %lt3A_256 = vector.broadcast %min3A_255 : i32 to vector<16xi32>
        %lt3A_257 = arith.cmpi slt, %iota3A, %lt3A_256 : vector<16xi32>
        %and3A_258 = arith.constant 1 : i32
        %and3A_259 = vector.broadcast %and3A_258 : i32 to vector<16xi32>
        %and3A_260 = arith.andi %gather3A_250, %and3A_259 : vector<16xi32>
        %mul3A_261 = arith.constant 64 : i32
        %mul3A_262 = vector.broadcast %mul3A_261 : i32 to vector<16xi32>
        %mul3A_263 = arith.muli %and3A_260, %mul3A_262 : vector<16xi32>
        %jit3A_264 = arith.constant 0 : i32
        %jit3A_265 = arith.constant 127 : i32
        %max3A = vector.broadcast %jit3A_264 : i32 to vector<16xi32>
        %max3A_266 = arith.maxsi %max3A, %gather3A : vector<16xi32>
        %min3A_267 = vector.broadcast %jit3A_265 : i32 to vector<16xi32>
        %min3A_268 = arith.minsi %min3A_267, %max3A_266 : vector<16xi32>
        %mul3A_269 = arith.constant 16 : i32
        %mul3A_270 = arith.muli %while3A_242, %mul3A_269 : i32
        %add3A_271 = arith.addi %while3A_152, %mul3A_270 : i32
        %add3A_272 = vector.broadcast %add3A_271 : i32 to vector<16xi32>
        %add3A_273 = arith.addi %add3A_272, %iota3A : vector<16xi32>
        %sub3A_274 = vector.broadcast %select_n3A_173 : i32 to vector<16xi32>
        %sub3A_275 = arith.subi %add3A_273, %sub3A_274 : vector<16xi32>
        %jit3A_276 = arith.constant 0 : i32
        %jit3A_277 = arith.constant 127 : i32
        %max3A_278 = vector.broadcast %jit3A_276 : i32 to vector<16xi32>
        %max3A_279 = arith.maxsi %max3A_278, %sub3A_275 : vector<16xi32>
        %min3A_280 = vector.broadcast %jit3A_277 : i32 to vector<16xi32>
        %min3A_281 = arith.minsi %min3A_280, %max3A_279 : vector<16xi32>
        %scan3A_282 = arith.constant 0 : i32
        %scan3A_283 = arith.constant 0 : i32
        %scan3A_284 = arith.constant 64 : i32
        %scan3A_285 = arith.addi %scan3A_283, %scan3A_284 : i32
        %scan3A_286 = arith.constant 1 : i32
        scf.for %scan3A_288 = %scan3A_283 to %scan3A_285 step %scan3A_286  : i32 {
          %add3A_289 = vector.broadcast %scan3A_288 : i32 to vector<16xi32>
          %add3A_290 = arith.addi %mul3A_263, %add3A_289 : vector<16xi32>
          %gather3A_291 = tpu.vector_load_idx %arg19[%min3A_281, %add3A_290] masked %lt3A_257 : memref<128x128xf32, #tpu.memory_space<vmem>>[vector<16xi32>, vector<16xi32>], vector<16xf32>, vector<16xi1>
          %mul3A_292 = arith.constant 0 : i32
          %mul3A_293 = vector.broadcast %mul3A_292 : i32 to vector<16xi32>
          %mul3A_294 = arith.muli %iota3A, %mul3A_293 : vector<16xi32>
          %add3A_295 = vector.broadcast %scan3A_288 : i32 to vector<16xi32>
          %add3A_296 = arith.addi %mul3A_294, %add3A_295 : vector<16xi32>
          tpu.vector_store_idx %arg14[%add3A_296, %min3A_268], %gather3A_291 masked %lt3A_257 : memref<64x128xf32, #tpu.memory_space<vmem>>[vector<16xi32>, vector<16xi32>], vector<16xf32>, vector<16xi1>
        }
        %scan3A_287 = arith.constant 64 : i32
      }
      %while3A_214 = arith.constant 1 : i32
      scf.for %while3A_242 = %while3A_212 to %while3A_208 step %while3A_214  : i32 {
        %scan3A_243 = arith.constant 0 : i32
        %scan3A_244 = arith.constant 0 : i32
        %scan3A_245 = arith.constant 8 : i32
        %scan3A_246 = arith.addi %scan3A_244, %scan3A_245 : i32
        %scan3A_247 = arith.constant 1 : i32
        %scan3A_248 = scf.for %scan3A_288 = %scan3A_244 to %scan3A_246 step %scan3A_247 iter_args(%scan3A_289 = %scan3A_243) -> (i32)  : i32 {
          %mul3A_290 = arith.constant 16 : i32
          %mul3A_291 = arith.muli %scan3A_288, %mul3A_290 : i32
          %add3A_292 = arith.addi %mul3A_161, %mul3A_291 : i32
          %get3A = arith.index_cast %add3A_292 : i32 to index
          %get3A_293 = tpu.vector_load %arg9[%get3A] {strides = array<i32>} : memref<31488xi32, #tpu.memory_space<vmem>>, vector<16xi32>,
          %ge3A = arith.constant 0 : i32
          %ge3A_294 = vector.broadcast %ge3A : i32 to vector<16xi32>
          %ge3A_295 = arith.cmpi sge, %get3A_293, %ge3A_294 : vector<16xi32>
          %convert_element_type3A_296 = arith.extui %ge3A_295 : vector<16xi1> to vector<16xi32>
          %cumsum3A = arith.constant true
          %cumsum3A_297 = vector.broadcast %cumsum3A : i1 to vector<16xi1>
          %cumsum3A_298 = tpu.scan <sum>, %convert_element_type3A_296 masked %cumsum3A_297 : vector<16xi32>, vector<16xi1> -> vector<16xi32>
          %add3A_299 = vector.broadcast %scan3A_289 : i32 to vector<16xi32>
          %add3A_300 = arith.addi %add3A_299, %cumsum3A_298 : vector<16xi32>
          %sub3A_301 = arith.constant 1 : i32
          %sub3A_302 = vector.broadcast %sub3A_301 : i32 to vector<16xi32>
          %sub3A_303 = arith.subi %add3A_300, %sub3A_302 : vector<16xi32>
          %mul3A_304 = arith.constant 16 : i32
          %mul3A_305 = arith.muli %while3A_242, %mul3A_304 : i32
          %ge3A_306 = vector.broadcast %mul3A_305 : i32 to vector<16xi32>
          %ge3A_307 = arith.cmpi sge, %sub3A_303, %ge3A_306 : vector<16xi32>
          %and3A_308 = arith.andi %ge3A_295, %ge3A_307 : vector<16xi1>
          %add3A_309 = arith.constant 1 : i32
          %add3A_310 = arith.addi %while3A_242, %add3A_309 : i32
          %mul3A_311 = arith.constant 16 : i32
          %mul3A_312 = arith.muli %add3A_310, %mul3A_311 : i32
          %lt3A_313 = vector.broadcast %mul3A_312 : i32 to vector<16xi32>
          %lt3A_314 = arith.cmpi slt, %sub3A_303, %lt3A_313 : vector<16xi32>
          %and3A_315 = arith.andi %and3A_308, %lt3A_314 : vector<16xi1>
          %mul3A_316 = arith.constant 16 : i32
          %mul3A_317 = arith.muli %while3A_242, %mul3A_316 : i32
          %sub3A_318 = vector.broadcast %mul3A_317 : i32 to vector<16xi32>
          %sub3A_319 = arith.subi %sub3A_303, %sub3A_318 : vector<16xi32>
          %jit3A_320 = arith.constant 0 : i32
          %jit3A_321 = arith.constant 15 : i32
          %max3A_322 = vector.broadcast %jit3A_320 : i32 to vector<16xi32>
          %max3A_323 = arith.maxsi %max3A_322, %sub3A_319 : vector<16xi32>
          %min3A_324 = vector.broadcast %jit3A_321 : i32 to vector<16xi32>
          %min3A_325 = arith.minsi %min3A_324, %max3A_323 : vector<16xi32>
          %mul3A_326 = arith.constant 16 : i32
          %mul3A_327 = arith.muli %scan3A_288, %mul3A_326 : i32
          %add3A_328 = vector.broadcast %mul3A_327 : i32 to vector<16xi32>
          %add3A_329 = arith.addi %add3A_328, %iota3A : vector<16xi32>
          tpu.vector_store_idx %arg16[%min3A_325], %add3A_329 masked %and3A_315 : memref<16xi32, #tpu.memory_space<vmem>>[vector<16xi32>], vector<16xi32>, vector<16xi1>
          tpu.vector_store_idx %arg17[%min3A_325], %get3A_293 masked %and3A_315 : memref<16xi32, #tpu.memory_space<vmem>>[vector<16xi32>], vector<16xi32>, vector<16xi1>
          %convert_element_type3A_330 = arith.extui %ge3A_295 : vector<16xi1> to vector<16xi32>
          %reduce_sum3A = arith.constant true
          %reduce_sum3A_331 = vector.broadcast %reduce_sum3A : i1 to vector<16xi1>
          %reduce_sum3A_332 = tpu.scan <sum>, %convert_element_type3A_330 masked %reduce_sum3A_331 : vector<16xi32>, vector<16xi1> -> vector<16xi32>
          %reduce_sum3A_333 = vector.extract %reduce_sum3A_332[15] : i32 from vector<16xi32>
          %add3A_334 = arith.addi %scan3A_289, %reduce_sum3A_333 : i32
          scf.yield %add3A_334 : i32
        }
        %scan3A_249 = arith.constant 8 : i32
        %gather3A = tpu.vector_load_idx %arg16[%iota3A] : memref<16xi32, #tpu.memory_space<vmem>>[vector<16xi32>], vector<16xi32>,
        %gather3A_250 = tpu.vector_load_idx %arg17[%iota3A] : memref<16xi32, #tpu.memory_space<vmem>>[vector<16xi32>], vector<16xi32>,
        %mul3A_251 = arith.constant 16 : i32
        %mul3A_252 = arith.muli %while3A_242, %mul3A_251 : i32
        %sub3A_253 = arith.subi %scan3A_167, %mul3A_252 : i32
        %min3A_254 = arith.constant 16 : i32
        %min3A_255 = arith.minsi %sub3A_253, %min3A_254 : i32
        %lt3A_256 = vector.broadcast %min3A_255 : i32 to vector<16xi32>
        %lt3A_257 = arith.cmpi slt, %iota3A, %lt3A_256 : vector<16xi32>
        %and3A_258 = arith.constant 1 : i32
        %and3A_259 = vector.broadcast %and3A_258 : i32 to vector<16xi32>
        %and3A_260 = arith.andi %gather3A_250, %and3A_259 : vector<16xi32>
        %mul3A_261 = arith.constant 64 : i32
        %mul3A_262 = vector.broadcast %mul3A_261 : i32 to vector<16xi32>
        %mul3A_263 = arith.muli %and3A_260, %mul3A_262 : vector<16xi32>
        %jit3A_264 = arith.constant 0 : i32
        %jit3A_265 = arith.constant 127 : i32
        %max3A = vector.broadcast %jit3A_264 : i32 to vector<16xi32>
        %max3A_266 = arith.maxsi %max3A, %gather3A : vector<16xi32>
        %min3A_267 = vector.broadcast %jit3A_265 : i32 to vector<16xi32>
        %min3A_268 = arith.minsi %min3A_267, %max3A_266 : vector<16xi32>
        %mul3A_269 = arith.constant 16 : i32
        %mul3A_270 = arith.muli %while3A_242, %mul3A_269 : i32
        %add3A_271 = arith.addi %while3A_152, %mul3A_270 : i32
        %add3A_272 = vector.broadcast %add3A_271 : i32 to vector<16xi32>
        %add3A_273 = arith.addi %add3A_272, %iota3A : vector<16xi32>
        %sub3A_274 = vector.broadcast %select_n3A_173 : i32 to vector<16xi32>
        %sub3A_275 = arith.subi %add3A_273, %sub3A_274 : vector<16xi32>
        %jit3A_276 = arith.constant 0 : i32
        %jit3A_277 = arith.constant 127 : i32
        %max3A_278 = vector.broadcast %jit3A_276 : i32 to vector<16xi32>
        %max3A_279 = arith.maxsi %max3A_278, %sub3A_275 : vector<16xi32>
        %min3A_280 = vector.broadcast %jit3A_277 : i32 to vector<16xi32>
        %min3A_281 = arith.minsi %min3A_280, %max3A_279 : vector<16xi32>
        %scan3A_282 = arith.constant 0 : i32
        %scan3A_283 = arith.constant 0 : i32
        %scan3A_284 = arith.constant 64 : i32
        %scan3A_285 = arith.addi %scan3A_283, %scan3A_284 : i32
        %scan3A_286 = arith.constant 1 : i32
        scf.for %scan3A_288 = %scan3A_283 to %scan3A_285 step %scan3A_286  : i32 {
          %add3A_289 = vector.broadcast %scan3A_288 : i32 to vector<16xi32>
          %add3A_290 = arith.addi %mul3A_263, %add3A_289 : vector<16xi32>
          %gather3A_291 = tpu.vector_load_idx %arg19[%min3A_281, %add3A_290] masked %lt3A_257 : memref<128x128xf32, #tpu.memory_space<vmem>>[vector<16xi32>, vector<16xi32>], vector<16xf32>, vector<16xi1>
          %mul3A_292 = arith.constant 0 : i32
          %mul3A_293 = vector.broadcast %mul3A_292 : i32 to vector<16xi32>
          %mul3A_294 = arith.muli %iota3A, %mul3A_293 : vector<16xi32>
          %add3A_295 = vector.broadcast %scan3A_288 : i32 to vector<16xi32>
          %add3A_296 = arith.addi %mul3A_294, %add3A_295 : vector<16xi32>
          tpu.vector_store_idx %arg14[%add3A_296, %min3A_268], %gather3A_291 masked %lt3A_257 : memref<64x128xf32, #tpu.memory_space<vmem>>[vector<16xi32>, vector<16xi32>], vector<16xf32>, vector<16xi1>
        }
        %scan3A_287 = arith.constant 64 : i32
      }
      %add3A_215 = arith.addi %while3A_152, %scan3A_167 : i32
      %mul3A_216 = arith.constant 128 : i32
      %mul3A_217 = arith.muli %mul3A_155, %mul3A_216 : i32
      %add3A_218 = arith.addi %mul3A_9, %mul3A_217 : i32
      %dma_start3A_219 = arith.constant 0 : i32
      %dma_start3A_220 = tpu.memref_slice %arg5[%dma_start3A_219, %add3A_218] : memref<64x1000000xf32, #tpu.memory_space<hbm>> -> memref<64x128xf32, #tpu.memory_space<hbm>>
      %dma_start3A_221 = arith.constant 0 : i32
      %dma_start3A_222 = tpu.memref_slice %arg5[%dma_start3A_221, %add3A_218] : memref<64x1000000xf32, #tpu.memory_space<hbm>> -> memref<64x128xf32, #tpu.memory_space<hbm>>
      tpu.enqueue_dma source(%arg14 : memref<64x128xf32, #tpu.memory_space<vmem>>) target(%dma_start3A_222 : memref<64x128xf32, #tpu.memory_space<hbm>>) target_semaphore(%arg22 : memref<!tpu.dma_semaphore, #tpu.memory_space<semaphore_mem>>)
      %add3A_223 = arith.constant 1 : i32
      %add3A_224 = arith.addi %mul3A_155, %add3A_223 : i32
      %lt3A_225 = arith.cmpi slt, %add3A_224, %add3A_7 : i32
      %convert_element_type3A_226 = arith.extui %lt3A_225 : i1 to i32
      %cond3A_227 = arith.constant 0 : i32
      %cond3A_228 = arith.cmpi ne, %convert_element_type3A_226, %cond3A_227 : i32
      %cond3A_229:2 = scf.if %cond3A_228 -> (i32, i32) {
        %dma_wait3A_242 = arith.constant 0 : i32
        %dma_wait3A_243 = tpu.memref_slice %arg2[%dma_wait3A_242, %mul3A_9] : memref<64x1000000xf32, #tpu.memory_space<hbm>> -> memref<64x128xf32, #tpu.memory_space<hbm>>
        %dma_wait3A_244 = arith.constant 0 : i32
        %dma_wait3A_245 = tpu.memref_slice %arg2[%dma_wait3A_244, %mul3A_9] : memref<64x1000000xf32, #tpu.memory_space<hbm>> -> memref<64x128xf32, #tpu.memory_space<hbm>>
        tpu.wait_dma2 semaphore(%arg21 : memref<!tpu.dma_semaphore, #tpu.memory_space<semaphore_mem>>) src(%dma_wait3A_245 : memref<64x128xf32, #tpu.memory_space<hbm>>) dst(%arg15 : memref<64x128xf32, #tpu.memory_space<vmem>>)
        %add3A_246 = arith.constant 1 : i32
        %add3A_247 = arith.addi %mul3A_155, %add3A_246 : i32
        %mul3A_248 = arith.constant 128 : i32
        %mul3A_249 = arith.muli %add3A_247, %mul3A_248 : i32
        %scan3A_250 = arith.constant 0 : i32
        %scan3A_251 = arith.constant 0 : i32
        %scan3A_252 = arith.constant 8 : i32
        %scan3A_253 = arith.addi %scan3A_251, %scan3A_252 : i32
        %scan3A_254 = arith.constant 1 : i32
        %scan3A_255 = scf.for %scan3A_313 = %scan3A_251 to %scan3A_253 step %scan3A_254 iter_args(%scan3A_314 = %scan3A_250) -> (i32)  : i32 {
          %mul3A_315 = arith.constant 16 : i32
          %mul3A_316 = arith.muli %scan3A_313, %mul3A_315 : i32
          %add3A_317 = arith.addi %mul3A_249, %mul3A_316 : i32
          %get3A = arith.index_cast %add3A_317 : i32 to index
          %get3A_318 = tpu.vector_load %arg9[%get3A] {strides = array<i32>} : memref<31488xi32, #tpu.memory_space<vmem>>, vector<16xi32>,
          %ge3A = arith.constant 0 : i32
          %ge3A_319 = vector.broadcast %ge3A : i32 to vector<16xi32>
          %ge3A_320 = arith.cmpi sge, %get3A_318, %ge3A_319 : vector<16xi32>
          %convert_element_type3A_321 = arith.extui %ge3A_320 : vector<16xi1> to vector<16xi32>
          %reduce_sum3A = arith.constant true
          %reduce_sum3A_322 = vector.broadcast %reduce_sum3A : i1 to vector<16xi1>
          %reduce_sum3A_323 = tpu.scan <sum>, %convert_element_type3A_321 masked %reduce_sum3A_322 : vector<16xi32>, vector<16xi1> -> vector<16xi32>
          %reduce_sum3A_324 = vector.extract %reduce_sum3A_323[15] : i32 from vector<16xi32>
          %add3A_325 = arith.addi %scan3A_314, %reduce_sum3A_324 : i32
          scf.yield %add3A_325 : i32
        }
        %scan3A_256 = arith.constant 8 : i32
        %add3A_257 = arith.addi %add3A_215, %scan3A_255 : i32
        %add3A_258 = arith.constant 128 : i32
        %add3A_259 = arith.addi %select_n3A_173, %add3A_258 : i32
        %gt3A_260 = arith.cmpi sgt, %add3A_257, %add3A_259 : i32
        %select_n3A_261 = arith.select %gt3A_260, %add3A_215, %select_n3A_173 : i32
        %convert_element_type3A_262 = arith.extui %gt3A_260 : i1 to i32
        %cond3A_263 = arith.constant 0 : i32
        %cond3A_264 = arith.cmpi ne, %convert_element_type3A_262, %cond3A_263 : i32
        scf.if %cond3A_264 {
          %sub3A_313 = arith.constant 1 : i32
          %sub3A_314 = arith.subi %while3A_84, %sub3A_313 : i32
          %max3A = arith.constant 0 : i32
          %max3A_315 = arith.maxsi %sub3A_314, %max3A : i32
          %add3A_316 = arith.constant 0 : i32
          %add3A_317 = arith.addi %add3A_215, %add3A_316 : i32
          %add3A_318 = vector.broadcast %add3A_317 : i32 to vector<16xi32>
          %add3A_319 = arith.addi %add3A_318, %iota3A : vector<16xi32>
          %min3A_320 = vector.broadcast %max3A_315 : i32 to vector<16xi32>
          %min3A_321 = arith.minsi %add3A_319, %min3A_320 : vector<16xi32>
          %gather3A = tpu.vector_load_idx %arg18[%min3A_321] : memref<16400xi32, #tpu.memory_space<vmem>>[vector<16xi32>], vector<16xi32>,
          %swap3A = arith.constant 0 : index
          %swap3A_322 = tpu.vector_load %arg12[%swap3A] {strides = array<i32>} : memref<128xi32, #tpu.memory_space<vmem>>, vector<16xi32>,
          tpu.vector_store %arg12[%swap3A], %gather3A {strides = array<i32>} : memref<128xi32, #tpu.memory_space<vmem>>, vector<16xi32>,
          %add3A_323 = arith.constant 16 : i32
          %add3A_324 = arith.addi %add3A_215, %add3A_323 : i32
          %add3A_325 = vector.broadcast %add3A_324 : i32 to vector<16xi32>
          %add3A_326 = arith.addi %add3A_325, %iota3A : vector<16xi32>
          %min3A_327 = vector.broadcast %max3A_315 : i32 to vector<16xi32>
          %min3A_328 = arith.minsi %add3A_326, %min3A_327 : vector<16xi32>
          %gather3A_329 = tpu.vector_load_idx %arg18[%min3A_328] : memref<16400xi32, #tpu.memory_space<vmem>>[vector<16xi32>], vector<16xi32>,
          %swap3A_330 = arith.constant 16 : index
          %swap3A_331 = tpu.vector_load %arg12[%swap3A_330] {strides = array<i32>} : memref<128xi32, #tpu.memory_space<vmem>>, vector<16xi32>,
          tpu.vector_store %arg12[%swap3A_330], %gather3A_329 {strides = array<i32>} : memref<128xi32, #tpu.memory_space<vmem>>, vector<16xi32>,
          %add3A_332 = arith.constant 32 : i32
          %add3A_333 = arith.addi %add3A_215, %add3A_332 : i32
          %add3A_334 = vector.broadcast %add3A_333 : i32 to vector<16xi32>
          %add3A_335 = arith.addi %add3A_334, %iota3A : vector<16xi32>
          %min3A_336 = vector.broadcast %max3A_315 : i32 to vector<16xi32>
          %min3A_337 = arith.minsi %add3A_335, %min3A_336 : vector<16xi32>
          %gather3A_338 = tpu.vector_load_idx %arg18[%min3A_337] : memref<16400xi32, #tpu.memory_space<vmem>>[vector<16xi32>], vector<16xi32>,
          %swap3A_339 = arith.constant 32 : index
          %swap3A_340 = tpu.vector_load %arg12[%swap3A_339] {strides = array<i32>} : memref<128xi32, #tpu.memory_space<vmem>>, vector<16xi32>,
          tpu.vector_store %arg12[%swap3A_339], %gather3A_338 {strides = array<i32>} : memref<128xi32, #tpu.memory_space<vmem>>, vector<16xi32>,
          %add3A_341 = arith.constant 48 : i32
          %add3A_342 = arith.addi %add3A_215, %add3A_341 : i32
          %add3A_343 = vector.broadcast %add3A_342 : i32 to vector<16xi32>
          %add3A_344 = arith.addi %add3A_343, %iota3A : vector<16xi32>
          %min3A_345 = vector.broadcast %max3A_315 : i32 to vector<16xi32>
          %min3A_346 = arith.minsi %add3A_344, %min3A_345 : vector<16xi32>
          %gather3A_347 = tpu.vector_load_idx %arg18[%min3A_346] : memref<16400xi32, #tpu.memory_space<vmem>>[vector<16xi32>], vector<16xi32>,
          %swap3A_348 = arith.constant 48 : index
          %swap3A_349 = tpu.vector_load %arg12[%swap3A_348] {strides = array<i32>} : memref<128xi32, #tpu.memory_space<vmem>>, vector<16xi32>,
          tpu.vector_store %arg12[%swap3A_348], %gather3A_347 {strides = array<i32>} : memref<128xi32, #tpu.memory_space<vmem>>, vector<16xi32>,
          %add3A_350 = arith.constant 64 : i32
          %add3A_351 = arith.addi %add3A_215, %add3A_350 : i32
          %add3A_352 = vector.broadcast %add3A_351 : i32 to vector<16xi32>
          %add3A_353 = arith.addi %add3A_352, %iota3A : vector<16xi32>
          %min3A_354 = vector.broadcast %max3A_315 : i32 to vector<16xi32>
          %min3A_355 = arith.minsi %add3A_353, %min3A_354 : vector<16xi32>
          %gather3A_356 = tpu.vector_load_idx %arg18[%min3A_355] : memref<16400xi32, #tpu.memory_space<vmem>>[vector<16xi32>], vector<16xi32>,
          %swap3A_357 = arith.constant 64 : index
          %swap3A_358 = tpu.vector_load %arg12[%swap3A_357] {strides = array<i32>} : memref<128xi32, #tpu.memory_space<vmem>>, vector<16xi32>,
          tpu.vector_store %arg12[%swap3A_357], %gather3A_356 {strides = array<i32>} : memref<128xi32, #tpu.memory_space<vmem>>, vector<16xi32>,
          %add3A_359 = arith.constant 80 : i32
          %add3A_360 = arith.addi %add3A_215, %add3A_359 : i32
          %add3A_361 = vector.broadcast %add3A_360 : i32 to vector<16xi32>
          %add3A_362 = arith.addi %add3A_361, %iota3A : vector<16xi32>
          %min3A_363 = vector.broadcast %max3A_315 : i32 to vector<16xi32>
          %min3A_364 = arith.minsi %add3A_362, %min3A_363 : vector<16xi32>
          %gather3A_365 = tpu.vector_load_idx %arg18[%min3A_364] : memref<16400xi32, #tpu.memory_space<vmem>>[vector<16xi32>], vector<16xi32>,
          %swap3A_366 = arith.constant 80 : index
          %swap3A_367 = tpu.vector_load %arg12[%swap3A_366] {strides = array<i32>} : memref<128xi32, #tpu.memory_space<vmem>>, vector<16xi32>,
          tpu.vector_store %arg12[%swap3A_366], %gather3A_365 {strides = array<i32>} : memref<128xi32, #tpu.memory_space<vmem>>, vector<16xi32>,
          %add3A_368 = arith.constant 96 : i32
          %add3A_369 = arith.addi %add3A_215, %add3A_368 : i32
          %add3A_370 = vector.broadcast %add3A_369 : i32 to vector<16xi32>
          %add3A_371 = arith.addi %add3A_370, %iota3A : vector<16xi32>
          %min3A_372 = vector.broadcast %max3A_315 : i32 to vector<16xi32>
          %min3A_373 = arith.minsi %add3A_371, %min3A_372 : vector<16xi32>
          %gather3A_374 = tpu.vector_load_idx %arg18[%min3A_373] : memref<16400xi32, #tpu.memory_space<vmem>>[vector<16xi32>], vector<16xi32>,
          %swap3A_375 = arith.constant 96 : index
          %swap3A_376 = tpu.vector_load %arg12[%swap3A_375] {strides = array<i32>} : memref<128xi32, #tpu.memory_space<vmem>>, vector<16xi32>,
          tpu.vector_store %arg12[%swap3A_375], %gather3A_374 {strides = array<i32>} : memref<128xi32, #tpu.memory_space<vmem>>, vector<16xi32>,
          %add3A_377 = arith.constant 112 : i32
          %add3A_378 = arith.addi %add3A_215, %add3A_377 : i32
          %add3A_379 = vector.broadcast %add3A_378 : i32 to vector<16xi32>
          %add3A_380 = arith.addi %add3A_379, %iota3A : vector<16xi32>
          %min3A_381 = vector.broadcast %max3A_315 : i32 to vector<16xi32>
          %min3A_382 = arith.minsi %add3A_380, %min3A_381 : vector<16xi32>
          %gather3A_383 = tpu.vector_load_idx %arg18[%min3A_382] : memref<16400xi32, #tpu.memory_space<vmem>>[vector<16xi32>], vector<16xi32>,
          %swap3A_384 = arith.constant 112 : index
          %swap3A_385 = tpu.vector_load %arg12[%swap3A_384] {strides = array<i32>} : memref<128xi32, #tpu.memory_space<vmem>>, vector<16xi32>,
          tpu.vector_store %arg12[%swap3A_384], %gather3A_383 {strides = array<i32>} : memref<128xi32, #tpu.memory_space<vmem>>, vector<16xi32>,
          %dma_start3A_386 = arith.constant 0 : i32
          %dma_start3A_387 = arith.constant 0 : i32
          %dma_start3A_388 = tpu.memref_slice %arg3[%dma_start3A_386, %dma_start3A_387] : memref<8192x128xf32, #tpu.memory_space<hbm>> -> memref<8192x128xf32, #tpu.memory_space<hbm>>
          tpu.enqueue_indirect_dma source(%dma_start3A_388 : memref<8192x128xf32, #tpu.memory_space<hbm>>) target(%arg19 : memref<128x128xf32, #tpu.memory_space<vmem>>) offsets(%arg12 : memref<128xi32, #tpu.memory_space<vmem>>) semaphore(%arg24 : memref<!tpu.dma_semaphore, #tpu.memory_space<semaphore_mem>>)
          %dma_wait3A_389 = arith.constant 0 : i32
          %dma_wait3A_390 = arith.constant 0 : i32
          %dma_wait3A_391 = tpu.memref_slice %arg3[%dma_wait3A_389, %dma_wait3A_390] : memref<8192x128xf32, #tpu.memory_space<hbm>> -> memref<8192x128xf32, #tpu.memory_space<hbm>>
          tpu.wait_indirect_dma semaphore(%arg24 : memref<!tpu.dma_semaphore, #tpu.memory_space<semaphore_mem>>) src(%dma_wait3A_391 : memref<8192x128xf32, #tpu.memory_space<hbm>>) dst(%arg19 : memref<128x128xf32, #tpu.memory_space<vmem>>)
        } else {
        }
        %add3A_265 = arith.constant 16 : i32
        %add3A_266 = arith.addi %scan3A_255, %add3A_265 : i32
        %sub3A_267 = arith.constant 1 : i32
        %sub3A_268 = arith.subi %add3A_266, %sub3A_267 : i32
        %jit3A_269 = arith.constant 16 : i32
        %div3A_270 = arith.divsi %sub3A_268, %jit3A_269 : i32
        %sign3A_271 = arith.constant 0 : i32
        %sign3A_272 = arith.cmpi sgt, %sub3A_268, %sign3A_271 : i32
        %sign3A_273 = arith.extui %sign3A_272 : i1 to i32
        %sign3A_274 = arith.constant 0 : i32
        %sign3A_275 = arith.cmpi slt, %sub3A_268, %sign3A_274 : i32
        %sign3A_276 = arith.extui %sign3A_275 : i1 to i32
        %sign3A_277 = arith.subi %sign3A_273, %sign3A_276 : i32
        %sign3A_278 = arith.constant 0 : i32
        %sign3A_279 = arith.cmpi sgt, %jit3A_269, %sign3A_278 : i32
        %sign3A_280 = arith.extui %sign3A_279 : i1 to i32
        %sign3A_281 = arith.constant 0 : i32
        %sign3A_282 = arith.cmpi slt, %jit3A_269, %sign3A_281 : i32
        %sign3A_283 = arith.extui %sign3A_282 : i1 to i32
        %sign3A_284 = arith.subi %sign3A_280, %sign3A_283 : i32
        %ne3A_285 = arith.cmpi ne, %sign3A_277, %sign3A_284 : i32
        %rem3A_286 = arith.remsi %sub3A_268, %jit3A_269 : i32
        %ne3A_287 = arith.constant 0 : i32
        %ne3A_288 = arith.cmpi ne, %rem3A_286, %ne3A_287 : i32
        %and3A_289 = arith.andi %ne3A_285, %ne3A_288 : i1
        %sub3A_290 = arith.constant 1 : i32
        %sub3A_291 = arith.subi %div3A_270, %sub3A_290 : i32
        %select_n3A_292 = arith.select %and3A_289, %sub3A_291, %div3A_270 : i32
        %while3A_293 = arith.constant 0 : i32
        %while3A_294 = arith.constant 0 : i32
        %while3A_295 = arith.subi %select_n3A_292, %while3A_294 : i32
        %while3A_296 = arith.addi %while3A_294, %while3A_295 : i32
        %while3A_297 = arith.constant 1 : i32
        %while3A_298 = arith.divsi %while3A_295, %while3A_297 : i32
        %while3A_299 = arith.muli %while3A_298, %while3A_297 : i32
        %while3A_300 = arith.addi %while3A_294, %while3A_299 : i32
        %while3A_301 = arith.constant 1 : i32
        scf.for %while3A_313 = %while3A_294 to %while3A_300 step %while3A_301  : i32 {
          %scan3A_314 = arith.constant 0 : i32
          %scan3A_315 = arith.constant 0 : i32
          %scan3A_316 = arith.constant 8 : i32
          %scan3A_317 = arith.addi %scan3A_315, %scan3A_316 : i32
          %scan3A_318 = arith.constant 1 : i32
          %scan3A_319 = scf.for %scan3A_359 = %scan3A_315 to %scan3A_317 step %scan3A_318 iter_args(%scan3A_360 = %scan3A_314) -> (i32)  : i32 {
            %mul3A_361 = arith.constant 16 : i32
            %mul3A_362 = arith.muli %scan3A_359, %mul3A_361 : i32
            %add3A_363 = arith.addi %mul3A_249, %mul3A_362 : i32
            %get3A = arith.index_cast %add3A_363 : i32 to index
            %get3A_364 = tpu.vector_load %arg9[%get3A] {strides = array<i32>} : memref<31488xi32, #tpu.memory_space<vmem>>, vector<16xi32>,
            %ge3A = arith.constant 0 : i32
            %ge3A_365 = vector.broadcast %ge3A : i32 to vector<16xi32>
            %ge3A_366 = arith.cmpi sge, %get3A_364, %ge3A_365 : vector<16xi32>
            %convert_element_type3A_367 = arith.extui %ge3A_366 : vector<16xi1> to vector<16xi32>
            %cumsum3A = arith.constant true
            %cumsum3A_368 = vector.broadcast %cumsum3A : i1 to vector<16xi1>
            %cumsum3A_369 = tpu.scan <sum>, %convert_element_type3A_367 masked %cumsum3A_368 : vector<16xi32>, vector<16xi1> -> vector<16xi32>
            %add3A_370 = vector.broadcast %scan3A_360 : i32 to vector<16xi32>
            %add3A_371 = arith.addi %add3A_370, %cumsum3A_369 : vector<16xi32>
            %sub3A_372 = arith.constant 1 : i32
            %sub3A_373 = vector.broadcast %sub3A_372 : i32 to vector<16xi32>
            %sub3A_374 = arith.subi %add3A_371, %sub3A_373 : vector<16xi32>
            %mul3A_375 = arith.constant 16 : i32
            %mul3A_376 = arith.muli %while3A_313, %mul3A_375 : i32
            %ge3A_377 = vector.broadcast %mul3A_376 : i32 to vector<16xi32>
            %ge3A_378 = arith.cmpi sge, %sub3A_374, %ge3A_377 : vector<16xi32>
            %and3A_379 = arith.andi %ge3A_366, %ge3A_378 : vector<16xi1>
            %add3A_380 = arith.constant 1 : i32
            %add3A_381 = arith.addi %while3A_313, %add3A_380 : i32
            %mul3A_382 = arith.constant 16 : i32
            %mul3A_383 = arith.muli %add3A_381, %mul3A_382 : i32
            %lt3A_384 = vector.broadcast %mul3A_383 : i32 to vector<16xi32>
            %lt3A_385 = arith.cmpi slt, %sub3A_374, %lt3A_384 : vector<16xi32>
            %and3A_386 = arith.andi %and3A_379, %lt3A_385 : vector<16xi1>
            %mul3A_387 = arith.constant 16 : i32
            %mul3A_388 = arith.muli %while3A_313, %mul3A_387 : i32
            %sub3A_389 = vector.broadcast %mul3A_388 : i32 to vector<16xi32>
            %sub3A_390 = arith.subi %sub3A_374, %sub3A_389 : vector<16xi32>
            %jit3A_391 = arith.constant 0 : i32
            %jit3A_392 = arith.constant 15 : i32
            %max3A_393 = vector.broadcast %jit3A_391 : i32 to vector<16xi32>
            %max3A_394 = arith.maxsi %max3A_393, %sub3A_390 : vector<16xi32>
            %min3A_395 = vector.broadcast %jit3A_392 : i32 to vector<16xi32>
            %min3A_396 = arith.minsi %min3A_395, %max3A_394 : vector<16xi32>
            %mul3A_397 = arith.constant 16 : i32
            %mul3A_398 = arith.muli %scan3A_359, %mul3A_397 : i32
            %add3A_399 = vector.broadcast %mul3A_398 : i32 to vector<16xi32>
            %add3A_400 = arith.addi %add3A_399, %iota3A : vector<16xi32>
            tpu.vector_store_idx %arg16[%min3A_396], %add3A_400 masked %and3A_386 : memref<16xi32, #tpu.memory_space<vmem>>[vector<16xi32>], vector<16xi32>, vector<16xi1>
            tpu.vector_store_idx %arg17[%min3A_396], %get3A_364 masked %and3A_386 : memref<16xi32, #tpu.memory_space<vmem>>[vector<16xi32>], vector<16xi32>, vector<16xi1>
            %convert_element_type3A_401 = arith.extui %ge3A_366 : vector<16xi1> to vector<16xi32>
            %reduce_sum3A = arith.constant true
            %reduce_sum3A_402 = vector.broadcast %reduce_sum3A : i1 to vector<16xi1>
            %reduce_sum3A_403 = tpu.scan <sum>, %convert_element_type3A_401 masked %reduce_sum3A_402 : vector<16xi32>, vector<16xi1> -> vector<16xi32>
            %reduce_sum3A_404 = vector.extract %reduce_sum3A_403[15] : i32 from vector<16xi32>
            %add3A_405 = arith.addi %scan3A_360, %reduce_sum3A_404 : i32
            scf.yield %add3A_405 : i32
          }
          %scan3A_320 = arith.constant 8 : i32
          %gather3A = tpu.vector_load_idx %arg16[%iota3A] : memref<16xi32, #tpu.memory_space<vmem>>[vector<16xi32>], vector<16xi32>,
          %gather3A_321 = tpu.vector_load_idx %arg17[%iota3A] : memref<16xi32, #tpu.memory_space<vmem>>[vector<16xi32>], vector<16xi32>,
          %mul3A_322 = arith.constant 16 : i32
          %mul3A_323 = arith.muli %while3A_313, %mul3A_322 : i32
          %sub3A_324 = arith.subi %scan3A_255, %mul3A_323 : i32
          %min3A_325 = arith.constant 16 : i32
          %min3A_326 = arith.minsi %sub3A_324, %min3A_325 : i32
          %lt3A_327 = vector.broadcast %min3A_326 : i32 to vector<16xi32>
          %lt3A_328 = arith.cmpi slt, %iota3A, %lt3A_327 : vector<16xi32>
          %and3A_329 = arith.constant 1 : i32
          %and3A_330 = vector.broadcast %and3A_329 : i32 to vector<16xi32>
          %and3A_331 = arith.andi %gather3A_321, %and3A_330 : vector<16xi32>
          %mul3A_332 = arith.constant 64 : i32
          %mul3A_333 = vector.broadcast %mul3A_332 : i32 to vector<16xi32>
          %mul3A_334 = arith.muli %and3A_331, %mul3A_333 : vector<16xi32>
          %jit3A_335 = arith.constant 0 : i32
          %jit3A_336 = arith.constant 127 : i32
          %max3A = vector.broadcast %jit3A_335 : i32 to vector<16xi32>
          %max3A_337 = arith.maxsi %max3A, %gather3A : vector<16xi32>
          %min3A_338 = vector.broadcast %jit3A_336 : i32 to vector<16xi32>
          %min3A_339 = arith.minsi %min3A_338, %max3A_337 : vector<16xi32>
          %mul3A_340 = arith.constant 16 : i32
          %mul3A_341 = arith.muli %while3A_313, %mul3A_340 : i32
          %add3A_342 = arith.addi %add3A_215, %mul3A_341 : i32
          %add3A_343 = vector.broadcast %add3A_342 : i32 to vector<16xi32>
          %add3A_344 = arith.addi %add3A_343, %iota3A : vector<16xi32>
          %sub3A_345 = vector.broadcast %select_n3A_261 : i32 to vector<16xi32>
          %sub3A_346 = arith.subi %add3A_344, %sub3A_345 : vector<16xi32>
          %jit3A_347 = arith.constant 0 : i32
          %jit3A_348 = arith.constant 127 : i32
          %max3A_349 = vector.broadcast %jit3A_347 : i32 to vector<16xi32>
          %max3A_350 = arith.maxsi %max3A_349, %sub3A_346 : vector<16xi32>
          %min3A_351 = vector.broadcast %jit3A_348 : i32 to vector<16xi32>
          %min3A_352 = arith.minsi %min3A_351, %max3A_350 : vector<16xi32>
          %scan3A_353 = arith.constant 0 : i32
          %scan3A_354 = arith.constant 0 : i32
          %scan3A_355 = arith.constant 64 : i32
          %scan3A_356 = arith.addi %scan3A_354, %scan3A_355 : i32
          %scan3A_357 = arith.constant 1 : i32
          scf.for %scan3A_359 = %scan3A_354 to %scan3A_356 step %scan3A_357  : i32 {
            %add3A_360 = vector.broadcast %scan3A_359 : i32 to vector<16xi32>
            %add3A_361 = arith.addi %mul3A_334, %add3A_360 : vector<16xi32>
            %gather3A_362 = tpu.vector_load_idx %arg19[%min3A_352, %add3A_361] masked %lt3A_328 : memref<128x128xf32, #tpu.memory_space<vmem>>[vector<16xi32>, vector<16xi32>], vector<16xf32>, vector<16xi1>
            %mul3A_363 = arith.constant 0 : i32
            %mul3A_364 = vector.broadcast %mul3A_363 : i32 to vector<16xi32>
            %mul3A_365 = arith.muli %iota3A, %mul3A_364 : vector<16xi32>
            %add3A_366 = vector.broadcast %scan3A_359 : i32 to vector<16xi32>
            %add3A_367 = arith.addi %mul3A_365, %add3A_366 : vector<16xi32>
            tpu.vector_store_idx %arg15[%add3A_367, %min3A_339], %gather3A_362 masked %lt3A_328 : memref<64x128xf32, #tpu.memory_space<vmem>>[vector<16xi32>, vector<16xi32>], vector<16xf32>, vector<16xi1>
          }
          %scan3A_358 = arith.constant 64 : i32
        }
        %while3A_302 = arith.constant 1 : i32
        scf.for %while3A_313 = %while3A_300 to %while3A_296 step %while3A_302  : i32 {
          %scan3A_314 = arith.constant 0 : i32
          %scan3A_315 = arith.constant 0 : i32
          %scan3A_316 = arith.constant 8 : i32
          %scan3A_317 = arith.addi %scan3A_315, %scan3A_316 : i32
          %scan3A_318 = arith.constant 1 : i32
          %scan3A_319 = scf.for %scan3A_359 = %scan3A_315 to %scan3A_317 step %scan3A_318 iter_args(%scan3A_360 = %scan3A_314) -> (i32)  : i32 {
            %mul3A_361 = arith.constant 16 : i32
            %mul3A_362 = arith.muli %scan3A_359, %mul3A_361 : i32
            %add3A_363 = arith.addi %mul3A_249, %mul3A_362 : i32
            %get3A = arith.index_cast %add3A_363 : i32 to index
            %get3A_364 = tpu.vector_load %arg9[%get3A] {strides = array<i32>} : memref<31488xi32, #tpu.memory_space<vmem>>, vector<16xi32>,
            %ge3A = arith.constant 0 : i32
            %ge3A_365 = vector.broadcast %ge3A : i32 to vector<16xi32>
            %ge3A_366 = arith.cmpi sge, %get3A_364, %ge3A_365 : vector<16xi32>
            %convert_element_type3A_367 = arith.extui %ge3A_366 : vector<16xi1> to vector<16xi32>
            %cumsum3A = arith.constant true
            %cumsum3A_368 = vector.broadcast %cumsum3A : i1 to vector<16xi1>
            %cumsum3A_369 = tpu.scan <sum>, %convert_element_type3A_367 masked %cumsum3A_368 : vector<16xi32>, vector<16xi1> -> vector<16xi32>
            %add3A_370 = vector.broadcast %scan3A_360 : i32 to vector<16xi32>
            %add3A_371 = arith.addi %add3A_370, %cumsum3A_369 : vector<16xi32>
            %sub3A_372 = arith.constant 1 : i32
            %sub3A_373 = vector.broadcast %sub3A_372 : i32 to vector<16xi32>
            %sub3A_374 = arith.subi %add3A_371, %sub3A_373 : vector<16xi32>
            %mul3A_375 = arith.constant 16 : i32
            %mul3A_376 = arith.muli %while3A_313, %mul3A_375 : i32
            %ge3A_377 = vector.broadcast %mul3A_376 : i32 to vector<16xi32>
            %ge3A_378 = arith.cmpi sge, %sub3A_374, %ge3A_377 : vector<16xi32>
            %and3A_379 = arith.andi %ge3A_366, %ge3A_378 : vector<16xi1>
            %add3A_380 = arith.constant 1 : i32
            %add3A_381 = arith.addi %while3A_313, %add3A_380 : i32
            %mul3A_382 = arith.constant 16 : i32
            %mul3A_383 = arith.muli %add3A_381, %mul3A_382 : i32
            %lt3A_384 = vector.broadcast %mul3A_383 : i32 to vector<16xi32>
            %lt3A_385 = arith.cmpi slt, %sub3A_374, %lt3A_384 : vector<16xi32>
            %and3A_386 = arith.andi %and3A_379, %lt3A_385 : vector<16xi1>
            %mul3A_387 = arith.constant 16 : i32
            %mul3A_388 = arith.muli %while3A_313, %mul3A_387 : i32
            %sub3A_389 = vector.broadcast %mul3A_388 : i32 to vector<16xi32>
            %sub3A_390 = arith.subi %sub3A_374, %sub3A_389 : vector<16xi32>
            %jit3A_391 = arith.constant 0 : i32
            %jit3A_392 = arith.constant 15 : i32
            %max3A_393 = vector.broadcast %jit3A_391 : i32 to vector<16xi32>
            %max3A_394 = arith.maxsi %max3A_393, %sub3A_390 : vector<16xi32>
            %min3A_395 = vector.broadcast %jit3A_392 : i32 to vector<16xi32>
            %min3A_396 = arith.minsi %min3A_395, %max3A_394 : vector<16xi32>
            %mul3A_397 = arith.constant 16 : i32
            %mul3A_398 = arith.muli %scan3A_359, %mul3A_397 : i32
            %add3A_399 = vector.broadcast %mul3A_398 : i32 to vector<16xi32>
            %add3A_400 = arith.addi %add3A_399, %iota3A : vector<16xi32>
            tpu.vector_store_idx %arg16[%min3A_396], %add3A_400 masked %and3A_386 : memref<16xi32, #tpu.memory_space<vmem>>[vector<16xi32>], vector<16xi32>, vector<16xi1>
            tpu.vector_store_idx %arg17[%min3A_396], %get3A_364 masked %and3A_386 : memref<16xi32, #tpu.memory_space<vmem>>[vector<16xi32>], vector<16xi32>, vector<16xi1>
            %convert_element_type3A_401 = arith.extui %ge3A_366 : vector<16xi1> to vector<16xi32>
            %reduce_sum3A = arith.constant true
            %reduce_sum3A_402 = vector.broadcast %reduce_sum3A : i1 to vector<16xi1>
            %reduce_sum3A_403 = tpu.scan <sum>, %convert_element_type3A_401 masked %reduce_sum3A_402 : vector<16xi32>, vector<16xi1> -> vector<16xi32>
            %reduce_sum3A_404 = vector.extract %reduce_sum3A_403[15] : i32 from vector<16xi32>
            %add3A_405 = arith.addi %scan3A_360, %reduce_sum3A_404 : i32
            scf.yield %add3A_405 : i32
          }
          %scan3A_320 = arith.constant 8 : i32
          %gather3A = tpu.vector_load_idx %arg16[%iota3A] : memref<16xi32, #tpu.memory_space<vmem>>[vector<16xi32>], vector<16xi32>,
          %gather3A_321 = tpu.vector_load_idx %arg17[%iota3A] : memref<16xi32, #tpu.memory_space<vmem>>[vector<16xi32>], vector<16xi32>,
          %mul3A_322 = arith.constant 16 : i32
          %mul3A_323 = arith.muli %while3A_313, %mul3A_322 : i32
          %sub3A_324 = arith.subi %scan3A_255, %mul3A_323 : i32
          %min3A_325 = arith.constant 16 : i32
          %min3A_326 = arith.minsi %sub3A_324, %min3A_325 : i32
          %lt3A_327 = vector.broadcast %min3A_326 : i32 to vector<16xi32>
          %lt3A_328 = arith.cmpi slt, %iota3A, %lt3A_327 : vector<16xi32>
          %and3A_329 = arith.constant 1 : i32
          %and3A_330 = vector.broadcast %and3A_329 : i32 to vector<16xi32>
          %and3A_331 = arith.andi %gather3A_321, %and3A_330 : vector<16xi32>
          %mul3A_332 = arith.constant 64 : i32
          %mul3A_333 = vector.broadcast %mul3A_332 : i32 to vector<16xi32>
          %mul3A_334 = arith.muli %and3A_331, %mul3A_333 : vector<16xi32>
          %jit3A_335 = arith.constant 0 : i32
          %jit3A_336 = arith.constant 127 : i32
          %max3A = vector.broadcast %jit3A_335 : i32 to vector<16xi32>
          %max3A_337 = arith.maxsi %max3A, %gather3A : vector<16xi32>
          %min3A_338 = vector.broadcast %jit3A_336 : i32 to vector<16xi32>
          %min3A_339 = arith.minsi %min3A_338, %max3A_337 : vector<16xi32>
          %mul3A_340 = arith.constant 16 : i32
          %mul3A_341 = arith.muli %while3A_313, %mul3A_340 : i32
          %add3A_342 = arith.addi %add3A_215, %mul3A_341 : i32
          %add3A_343 = vector.broadcast %add3A_342 : i32 to vector<16xi32>
          %add3A_344 = arith.addi %add3A_343, %iota3A : vector<16xi32>
          %sub3A_345 = vector.broadcast %select_n3A_261 : i32 to vector<16xi32>
          %sub3A_346 = arith.subi %add3A_344, %sub3A_345 : vector<16xi32>
          %jit3A_347 = arith.constant 0 : i32
          %jit3A_348 = arith.constant 127 : i32
          %max3A_349 = vector.broadcast %jit3A_347 : i32 to vector<16xi32>
          %max3A_350 = arith.maxsi %max3A_349, %sub3A_346 : vector<16xi32>
          %min3A_351 = vector.broadcast %jit3A_348 : i32 to vector<16xi32>
          %min3A_352 = arith.minsi %min3A_351, %max3A_350 : vector<16xi32>
          %scan3A_353 = arith.constant 0 : i32
          %scan3A_354 = arith.constant 0 : i32
          %scan3A_355 = arith.constant 64 : i32
          %scan3A_356 = arith.addi %scan3A_354, %scan3A_355 : i32
          %scan3A_357 = arith.constant 1 : i32
          scf.for %scan3A_359 = %scan3A_354 to %scan3A_356 step %scan3A_357  : i32 {
            %add3A_360 = vector.broadcast %scan3A_359 : i32 to vector<16xi32>
            %add3A_361 = arith.addi %mul3A_334, %add3A_360 : vector<16xi32>
            %gather3A_362 = tpu.vector_load_idx %arg19[%min3A_352, %add3A_361] masked %lt3A_328 : memref<128x128xf32, #tpu.memory_space<vmem>>[vector<16xi32>, vector<16xi32>], vector<16xf32>, vector<16xi1>
            %mul3A_363 = arith.constant 0 : i32
            %mul3A_364 = vector.broadcast %mul3A_363 : i32 to vector<16xi32>
            %mul3A_365 = arith.muli %iota3A, %mul3A_364 : vector<16xi32>
            %add3A_366 = vector.broadcast %scan3A_359 : i32 to vector<16xi32>
            %add3A_367 = arith.addi %mul3A_365, %add3A_366 : vector<16xi32>
            tpu.vector_store_idx %arg15[%add3A_367, %min3A_339], %gather3A_362 masked %lt3A_328 : memref<64x128xf32, #tpu.memory_space<vmem>>[vector<16xi32>, vector<16xi32>], vector<16xf32>, vector<16xi1>
          }
          %scan3A_358 = arith.constant 64 : i32
        }
        %add3A_303 = arith.addi %add3A_215, %scan3A_255 : i32
        %add3A_304 = arith.constant 1 : i32
        %add3A_305 = arith.addi %mul3A_155, %add3A_304 : i32
        %mul3A_306 = arith.constant 128 : i32
        %mul3A_307 = arith.muli %add3A_305, %mul3A_306 : i32
        %add3A_308 = arith.addi %mul3A_9, %mul3A_307 : i32
        %dma_start3A_309 = arith.constant 0 : i32
        %dma_start3A_310 = tpu.memref_slice %arg5[%dma_start3A_309, %add3A_308] : memref<64x1000000xf32, #tpu.memory_space<hbm>> -> memref<64x128xf32, #tpu.memory_space<hbm>>
        %dma_start3A_311 = arith.constant 0 : i32
        %dma_start3A_312 = tpu.memref_slice %arg5[%dma_start3A_311, %add3A_308] : memref<64x1000000xf32, #tpu.memory_space<hbm>> -> memref<64x128xf32, #tpu.memory_space<hbm>>
        tpu.enqueue_dma source(%arg15 : memref<64x128xf32, #tpu.memory_space<vmem>>) target(%dma_start3A_312 : memref<64x128xf32, #tpu.memory_space<hbm>>) target_semaphore(%arg23 : memref<!tpu.dma_semaphore, #tpu.memory_space<semaphore_mem>>)
        scf.yield %add3A_303, %select_n3A_261 : i32, i32
      } else {
        scf.yield %add3A_215, %select_n3A_173 : i32, i32
      }
      %add3A_230 = arith.constant 2 : i32
      %add3A_231 = arith.addi %mul3A_155, %add3A_230 : i32
      %lt3A_232 = arith.cmpi slt, %add3A_231, %add3A_7 : i32
      %convert_element_type3A_233 = arith.extui %lt3A_232 : i1 to i32
      %cond3A_234 = arith.constant 0 : i32
      %cond3A_235 = arith.cmpi ne, %convert_element_type3A_233, %cond3A_234 : i32
      scf.if %cond3A_235 {
        %dma_wait3A_242 = arith.constant 0 : i32
        %dma_wait3A_243 = tpu.memref_slice %arg5[%dma_wait3A_242, %mul3A_9] : memref<64x1000000xf32, #tpu.memory_space<hbm>> -> memref<64x128xf32, #tpu.memory_space<hbm>>
        %dma_wait3A_244 = arith.constant 0 : i32
        %dma_wait3A_245 = tpu.memref_slice %arg5[%dma_wait3A_244, %mul3A_9] : memref<64x1000000xf32, #tpu.memory_space<hbm>> -> memref<64x128xf32, #tpu.memory_space<hbm>>
        tpu.wait_dma2 semaphore(%arg22 : memref<!tpu.dma_semaphore, #tpu.memory_space<semaphore_mem>>) src(%arg14 : memref<64x128xf32, #tpu.memory_space<vmem>>) dst(%dma_wait3A_245 : memref<64x128xf32, #tpu.memory_space<hbm>>)
        %add3A_246 = arith.constant 2 : i32
        %add3A_247 = arith.addi %mul3A_155, %add3A_246 : i32
        %mul3A_248 = arith.constant 128 : i32
        %mul3A_249 = arith.muli %add3A_247, %mul3A_248 : i32
        %add3A_250 = arith.addi %mul3A_9, %mul3A_249 : i32
        %dma_start3A_251 = arith.constant 0 : i32
        %dma_start3A_252 = tpu.memref_slice %arg2[%dma_start3A_251, %add3A_250] : memref<64x1000000xf32, #tpu.memory_space<hbm>> -> memref<64x128xf32, #tpu.memory_space<hbm>>
        %dma_start3A_253 = arith.constant 0 : i32
        %dma_start3A_254 = tpu.memref_slice %arg2[%dma_start3A_253, %add3A_250] : memref<64x1000000xf32, #tpu.memory_space<hbm>> -> memref<64x128xf32, #tpu.memory_space<hbm>>
        tpu.enqueue_dma source(%dma_start3A_254 : memref<64x128xf32, #tpu.memory_space<hbm>>) target(%arg14 : memref<64x128xf32, #tpu.memory_space<vmem>>) target_semaphore(%arg20 : memref<!tpu.dma_semaphore, #tpu.memory_space<semaphore_mem>>)
      } else {
      }
      %add3A_236 = arith.constant 3 : i32
      %add3A_237 = arith.addi %mul3A_155, %add3A_236 : i32
      %lt3A_238 = arith.cmpi slt, %add3A_237, %add3A_7 : i32
      %convert_element_type3A_239 = arith.extui %lt3A_238 : i1 to i32
      %cond3A_240 = arith.constant 0 : i32
      %cond3A_241 = arith.cmpi ne, %convert_element_type3A_239, %cond3A_240 : i32
      scf.if %cond3A_241 {
        %dma_wait3A_242 = arith.constant 0 : i32
        %dma_wait3A_243 = tpu.memref_slice %arg5[%dma_wait3A_242, %mul3A_9] : memref<64x1000000xf32, #tpu.memory_space<hbm>> -> memref<64x128xf32, #tpu.memory_space<hbm>>
        %dma_wait3A_244 = arith.constant 0 : i32
        %dma_wait3A_245 = tpu.memref_slice %arg5[%dma_wait3A_244, %mul3A_9] : memref<64x1000000xf32, #tpu.memory_space<hbm>> -> memref<64x128xf32, #tpu.memory_space<hbm>>
        tpu.wait_dma2 semaphore(%arg23 : memref<!tpu.dma_semaphore, #tpu.memory_space<semaphore_mem>>) src(%arg15 : memref<64x128xf32, #tpu.memory_space<vmem>>) dst(%dma_wait3A_245 : memref<64x128xf32, #tpu.memory_space<hbm>>)
        %add3A_246 = arith.constant 3 : i32
        %add3A_247 = arith.addi %mul3A_155, %add3A_246 : i32
        %mul3A_248 = arith.constant 128 : i32
        %mul3A_249 = arith.muli %add3A_247, %mul3A_248 : i32
        %add3A_250 = arith.addi %mul3A_9, %mul3A_249 : i32
        %dma_start3A_251 = arith.constant 0 : i32
        %dma_start3A_252 = tpu.memref_slice %arg2[%dma_start3A_251, %add3A_250] : memref<64x1000000xf32, #tpu.memory_space<hbm>> -> memref<64x128xf32, #tpu.memory_space<hbm>>
        %dma_start3A_253 = arith.constant 0 : i32
        %dma_start3A_254 = tpu.memref_slice %arg2[%dma_start3A_253, %add3A_250] : memref<64x1000000xf32, #tpu.memory_space<hbm>> -> memref<64x128xf32, #tpu.memory_space<hbm>>
        tpu.enqueue_dma source(%dma_start3A_254 : memref<64x128xf32, #tpu.memory_space<hbm>>) target(%arg15 : memref<64x128xf32, #tpu.memory_space<vmem>>) target_semaphore(%arg21 : memref<!tpu.dma_semaphore, #tpu.memory_space<semaphore_mem>>)
      } else {
      }
      scf.yield %cond3A_229#0, %cond3A_229#1 : i32, i32
    }
    %dma_wait3A = arith.constant 0 : i32
    %dma_wait3A_138 = tpu.memref_slice %arg5[%dma_wait3A, %mul3A_9] : memref<64x1000000xf32, #tpu.memory_space<hbm>> -> memref<64x128xf32, #tpu.memory_space<hbm>>
    %dma_wait3A_139 = arith.constant 0 : i32
    %dma_wait3A_140 = tpu.memref_slice %arg5[%dma_wait3A_139, %mul3A_9] : memref<64x1000000xf32, #tpu.memory_space<hbm>> -> memref<64x128xf32, #tpu.memory_space<hbm>>
    tpu.wait_dma2 semaphore(%arg22 : memref<!tpu.dma_semaphore, #tpu.memory_space<semaphore_mem>>) src(%arg14 : memref<64x128xf32, #tpu.memory_space<vmem>>) dst(%dma_wait3A_140 : memref<64x128xf32, #tpu.memory_space<hbm>>)
    %gt3A_141 = arith.constant 1 : i32
    %gt3A_142 = arith.cmpi sgt, %add3A_7, %gt3A_141 : i32
    %convert_element_type3A_143 = arith.extui %gt3A_142 : i1 to i32
    %cond3A_144 = arith.constant 0 : i32
    %cond3A_145 = arith.cmpi ne, %convert_element_type3A_143, %cond3A_144 : i32
    scf.if %cond3A_145 {
      %dma_wait3A_151 = arith.constant 0 : i32
      %dma_wait3A_152 = tpu.memref_slice %arg5[%dma_wait3A_151, %mul3A_9] : memref<64x1000000xf32, #tpu.memory_space<hbm>> -> memref<64x128xf32, #tpu.memory_space<hbm>>
      %dma_wait3A_153 = arith.constant 0 : i32
      %dma_wait3A_154 = tpu.memref_slice %arg5[%dma_wait3A_153, %mul3A_9] : memref<64x1000000xf32, #tpu.memory_space<hbm>> -> memref<64x128xf32, #tpu.memory_space<hbm>>
      tpu.wait_dma2 semaphore(%arg23 : memref<!tpu.dma_semaphore, #tpu.memory_space<semaphore_mem>>) src(%arg15 : memref<64x128xf32, #tpu.memory_space<vmem>>) dst(%dma_wait3A_154 : memref<64x128xf32, #tpu.memory_space<hbm>>)
    } else {
    }
    %eq3A_146 = arith.constant 31 : i32
    %eq3A_147 = arith.cmpi eq, %add3A, %eq3A_146 : i32
    %convert_element_type3A_148 = arith.extui %eq3A_147 : i1 to i32
    %cond3A_149 = arith.constant 0 : i32
    %cond3A_150 = arith.cmpi ne, %convert_element_type3A_148, %cond3A_149 : i32
    scf.if %cond3A_150 {
      %mul3A_151 = arith.constant 128 : i32
      %mul3A_152 = arith.muli %add3A_7, %mul3A_151 : i32
      "tpu.region"() ({
        %run_scoped3A = tpu.sem_alloc : memref<!tpu.dma_semaphore, #tpu.memory_space<semaphore_mem>>
        %dma_start3A_153 = tpu.memref_slice %arg9[%mul3A_152] : memref<31488xi32, #tpu.memory_space<vmem>> -> memref<64xi32, #tpu.memory_space<vmem>>
        %dma_start3A_154 = arith.constant 0 : i32
        %dma_start3A_155 = tpu.memref_slice %arg7[%dma_start3A_154] : memref<64xi32, #tpu.memory_space<hbm>> -> memref<64xi32, #tpu.memory_space<hbm>>
        %dma_start3A_156 = arith.constant 0 : i32
        %dma_start3A_157 = tpu.memref_slice %arg7[%dma_start3A_156] : memref<64xi32, #tpu.memory_space<hbm>> -> memref<64xi32, #tpu.memory_space<hbm>>
        %dma_start3A_158 = tpu.memref_slice %arg9[%mul3A_152] : memref<31488xi32, #tpu.memory_space<vmem>> -> memref<64xi32, #tpu.memory_space<vmem>>
        tpu.enqueue_dma source(%dma_start3A_158 : memref<64xi32, #tpu.memory_space<vmem>>) target(%dma_start3A_157 : memref<64xi32, #tpu.memory_space<hbm>>) target_semaphore(%run_scoped3A : memref<!tpu.dma_semaphore, #tpu.memory_space<semaphore_mem>>)
        %dma_wait3A_159 = tpu.memref_slice %arg9[%mul3A_152] : memref<31488xi32, #tpu.memory_space<vmem>> -> memref<64xi32, #tpu.memory_space<vmem>>
        %dma_wait3A_160 = arith.constant 0 : i32
        %dma_wait3A_161 = tpu.memref_slice %arg7[%dma_wait3A_160] : memref<64xi32, #tpu.memory_space<hbm>> -> memref<64xi32, #tpu.memory_space<hbm>>
        %dma_wait3A_162 = arith.constant 0 : i32
        %dma_wait3A_163 = tpu.memref_slice %arg7[%dma_wait3A_162] : memref<64xi32, #tpu.memory_space<hbm>> -> memref<64xi32, #tpu.memory_space<hbm>>
        %dma_wait3A_164 = tpu.memref_slice %arg9[%mul3A_152] : memref<31488xi32, #tpu.memory_space<vmem>> -> memref<64xi32, #tpu.memory_space<vmem>>
        tpu.wait_dma2 semaphore(%run_scoped3A : memref<!tpu.dma_semaphore, #tpu.memory_space<semaphore_mem>>) src(%dma_wait3A_164 : memref<64xi32, #tpu.memory_space<vmem>>) dst(%dma_wait3A_163 : memref<64xi32, #tpu.memory_space<hbm>>)
        tpu.yield
      }) : () -> ()
    } else {
    }
    return
  }
}

#map = affine_map<(d0, d1) -> (0, 0)>
#map1 = affine_map<(d0, d1) -> (0)>
module attributes {stable_mosaic.version = 14 : i64} {
  func.func @k2(%arg0: i32, %arg1: i32, %arg2: memref<8192x128xf32, #tpu.memory_space<hbm>>, %arg3: memref<16384xi32, #tpu.memory_space<hbm>>, %arg4: memref<64x16384xf32, #tpu.memory_space<hbm>>, %arg5: memref<512xi32, #tpu.memory_space<vmem>>, %arg6: memref<128xi32, #tpu.memory_space<vmem>>, %arg7: memref<128x128xf32, #tpu.memory_space<vmem>>, %arg8: memref<64x512xf32, #tpu.memory_space<vmem>>, %arg9: memref<!tpu.dma_semaphore, #tpu.memory_space<semaphore_mem>>) attributes {dimension_semantics = [#tpu.dimension_semantics<core_parallel>, #tpu.dimension_semantics<subcore_parallel>], iteration_bounds = array<i64: 2, 16>, scalar_prefetch = 0 : i64, scratch_operands = 5 : i64, tpu.core_type = #tpu.core_type<sc_vector_subcore>, window_params = [{transform_indices = #map}, {transform_indices = #map1}, {transform_indices = #map}]} {
    %mul3A = arith.constant 2 : i32
    %mul3A_0 = arith.muli %arg1, %mul3A : i32
    %add3A = arith.addi %mul3A_0, %arg0 : i32
    %mul3A_1 = arith.constant 512 : i32
    %mul3A_2 = arith.muli %add3A, %mul3A_1 : i32
    %iota3A = tpu.iota {dimensions = array<i32: 0>} : vector<16xi32>
    "tpu.region"() ({
      %run_scoped3A = tpu.sem_alloc : memref<!tpu.dma_semaphore, #tpu.memory_space<semaphore_mem>>
      %dma_start3A_788 = tpu.memref_slice %arg3[%mul3A_2] : memref<16384xi32, #tpu.memory_space<hbm>> -> memref<512xi32, #tpu.memory_space<hbm>>
      %dma_start3A_789 = tpu.memref_slice %arg3[%mul3A_2] : memref<16384xi32, #tpu.memory_space<hbm>> -> memref<512xi32, #tpu.memory_space<hbm>>
      tpu.enqueue_dma source(%dma_start3A_789 : memref<512xi32, #tpu.memory_space<hbm>>) target(%arg5 : memref<512xi32, #tpu.memory_space<vmem>>) target_semaphore(%run_scoped3A : memref<!tpu.dma_semaphore, #tpu.memory_space<semaphore_mem>>)
      %dma_wait3A_790 = tpu.memref_slice %arg3[%mul3A_2] : memref<16384xi32, #tpu.memory_space<hbm>> -> memref<512xi32, #tpu.memory_space<hbm>>
      %dma_wait3A_791 = tpu.memref_slice %arg3[%mul3A_2] : memref<16384xi32, #tpu.memory_space<hbm>> -> memref<512xi32, #tpu.memory_space<hbm>>
      tpu.wait_dma2 semaphore(%run_scoped3A : memref<!tpu.dma_semaphore, #tpu.memory_space<semaphore_mem>>) src(%dma_wait3A_791 : memref<512xi32, #tpu.memory_space<hbm>>) dst(%arg5 : memref<512xi32, #tpu.memory_space<vmem>>)
      tpu.yield
    }) : () -> ()
    %get3A = arith.constant 0 : index
    %get3A_3 = tpu.vector_load %arg5[%get3A] {strides = array<i32>} : memref<512xi32, #tpu.memory_space<vmem>>, vector<16xi32>,
    %shift_right_arithmetic3A = arith.constant 1 : i32
    %shift_right_arithmetic3A_4 = vector.broadcast %shift_right_arithmetic3A : i32 to vector<16xi32>
    %shift_right_arithmetic3A_5 = arith.shrsi %get3A_3, %shift_right_arithmetic3A_4 : vector<16xi32>
    %swap3A = arith.constant 0 : index
    %swap3A_6 = tpu.vector_load %arg6[%swap3A] {strides = array<i32>} : memref<128xi32, #tpu.memory_space<vmem>>, vector<16xi32>,
    tpu.vector_store %arg6[%swap3A], %shift_right_arithmetic3A_5 {strides = array<i32>} : memref<128xi32, #tpu.memory_space<vmem>>, vector<16xi32>,
    %get3A_7 = arith.constant 16 : index
    %get3A_8 = tpu.vector_load %arg5[%get3A_7] {strides = array<i32>} : memref<512xi32, #tpu.memory_space<vmem>>, vector<16xi32>,
    %shift_right_arithmetic3A_9 = arith.constant 1 : i32
    %shift_right_arithmetic3A_10 = vector.broadcast %shift_right_arithmetic3A_9 : i32 to vector<16xi32>
    %shift_right_arithmetic3A_11 = arith.shrsi %get3A_8, %shift_right_arithmetic3A_10 : vector<16xi32>
    %swap3A_12 = arith.constant 16 : index
    %swap3A_13 = tpu.vector_load %arg6[%swap3A_12] {strides = array<i32>} : memref<128xi32, #tpu.memory_space<vmem>>, vector<16xi32>,
    tpu.vector_store %arg6[%swap3A_12], %shift_right_arithmetic3A_11 {strides = array<i32>} : memref<128xi32, #tpu.memory_space<vmem>>, vector<16xi32>,
    %get3A_14 = arith.constant 32 : index
    %get3A_15 = tpu.vector_load %arg5[%get3A_14] {strides = array<i32>} : memref<512xi32, #tpu.memory_space<vmem>>, vector<16xi32>,
    %shift_right_arithmetic3A_16 = arith.constant 1 : i32
    %shift_right_arithmetic3A_17 = vector.broadcast %shift_right_arithmetic3A_16 : i32 to vector<16xi32>
    %shift_right_arithmetic3A_18 = arith.shrsi %get3A_15, %shift_right_arithmetic3A_17 : vector<16xi32>
    %swap3A_19 = arith.constant 32 : index
    %swap3A_20 = tpu.vector_load %arg6[%swap3A_19] {strides = array<i32>} : memref<128xi32, #tpu.memory_space<vmem>>, vector<16xi32>,
    tpu.vector_store %arg6[%swap3A_19], %shift_right_arithmetic3A_18 {strides = array<i32>} : memref<128xi32, #tpu.memory_space<vmem>>, vector<16xi32>,
    %get3A_21 = arith.constant 48 : index
    %get3A_22 = tpu.vector_load %arg5[%get3A_21] {strides = array<i32>} : memref<512xi32, #tpu.memory_space<vmem>>, vector<16xi32>,
    %shift_right_arithmetic3A_23 = arith.constant 1 : i32
    %shift_right_arithmetic3A_24 = vector.broadcast %shift_right_arithmetic3A_23 : i32 to vector<16xi32>
    %shift_right_arithmetic3A_25 = arith.shrsi %get3A_22, %shift_right_arithmetic3A_24 : vector<16xi32>
    %swap3A_26 = arith.constant 48 : index
    %swap3A_27 = tpu.vector_load %arg6[%swap3A_26] {strides = array<i32>} : memref<128xi32, #tpu.memory_space<vmem>>, vector<16xi32>,
    tpu.vector_store %arg6[%swap3A_26], %shift_right_arithmetic3A_25 {strides = array<i32>} : memref<128xi32, #tpu.memory_space<vmem>>, vector<16xi32>,
    %get3A_28 = arith.constant 64 : index
    %get3A_29 = tpu.vector_load %arg5[%get3A_28] {strides = array<i32>} : memref<512xi32, #tpu.memory_space<vmem>>, vector<16xi32>,
    %shift_right_arithmetic3A_30 = arith.constant 1 : i32
    %shift_right_arithmetic3A_31 = vector.broadcast %shift_right_arithmetic3A_30 : i32 to vector<16xi32>
    %shift_right_arithmetic3A_32 = arith.shrsi %get3A_29, %shift_right_arithmetic3A_31 : vector<16xi32>
    %swap3A_33 = arith.constant 64 : index
    %swap3A_34 = tpu.vector_load %arg6[%swap3A_33] {strides = array<i32>} : memref<128xi32, #tpu.memory_space<vmem>>, vector<16xi32>,
    tpu.vector_store %arg6[%swap3A_33], %shift_right_arithmetic3A_32 {strides = array<i32>} : memref<128xi32, #tpu.memory_space<vmem>>, vector<16xi32>,
    %get3A_35 = arith.constant 80 : index
    %get3A_36 = tpu.vector_load %arg5[%get3A_35] {strides = array<i32>} : memref<512xi32, #tpu.memory_space<vmem>>, vector<16xi32>,
    %shift_right_arithmetic3A_37 = arith.constant 1 : i32
    %shift_right_arithmetic3A_38 = vector.broadcast %shift_right_arithmetic3A_37 : i32 to vector<16xi32>
    %shift_right_arithmetic3A_39 = arith.shrsi %get3A_36, %shift_right_arithmetic3A_38 : vector<16xi32>
    %swap3A_40 = arith.constant 80 : index
    %swap3A_41 = tpu.vector_load %arg6[%swap3A_40] {strides = array<i32>} : memref<128xi32, #tpu.memory_space<vmem>>, vector<16xi32>,
    tpu.vector_store %arg6[%swap3A_40], %shift_right_arithmetic3A_39 {strides = array<i32>} : memref<128xi32, #tpu.memory_space<vmem>>, vector<16xi32>,
    %get3A_42 = arith.constant 96 : index
    %get3A_43 = tpu.vector_load %arg5[%get3A_42] {strides = array<i32>} : memref<512xi32, #tpu.memory_space<vmem>>, vector<16xi32>,
    %shift_right_arithmetic3A_44 = arith.constant 1 : i32
    %shift_right_arithmetic3A_45 = vector.broadcast %shift_right_arithmetic3A_44 : i32 to vector<16xi32>
    %shift_right_arithmetic3A_46 = arith.shrsi %get3A_43, %shift_right_arithmetic3A_45 : vector<16xi32>
    %swap3A_47 = arith.constant 96 : index
    %swap3A_48 = tpu.vector_load %arg6[%swap3A_47] {strides = array<i32>} : memref<128xi32, #tpu.memory_space<vmem>>, vector<16xi32>,
    tpu.vector_store %arg6[%swap3A_47], %shift_right_arithmetic3A_46 {strides = array<i32>} : memref<128xi32, #tpu.memory_space<vmem>>, vector<16xi32>,
    %get3A_49 = arith.constant 112 : index
    %get3A_50 = tpu.vector_load %arg5[%get3A_49] {strides = array<i32>} : memref<512xi32, #tpu.memory_space<vmem>>, vector<16xi32>,
    %shift_right_arithmetic3A_51 = arith.constant 1 : i32
    %shift_right_arithmetic3A_52 = vector.broadcast %shift_right_arithmetic3A_51 : i32 to vector<16xi32>
    %shift_right_arithmetic3A_53 = arith.shrsi %get3A_50, %shift_right_arithmetic3A_52 : vector<16xi32>
    %swap3A_54 = arith.constant 112 : index
    %swap3A_55 = tpu.vector_load %arg6[%swap3A_54] {strides = array<i32>} : memref<128xi32, #tpu.memory_space<vmem>>, vector<16xi32>,
    tpu.vector_store %arg6[%swap3A_54], %shift_right_arithmetic3A_53 {strides = array<i32>} : memref<128xi32, #tpu.memory_space<vmem>>, vector<16xi32>,
    %dma_start3A = arith.constant 0 : i32
    %dma_start3A_56 = arith.constant 0 : i32
    %dma_start3A_57 = tpu.memref_slice %arg2[%dma_start3A, %dma_start3A_56] : memref<8192x128xf32, #tpu.memory_space<hbm>> -> memref<8192x128xf32, #tpu.memory_space<hbm>>
    tpu.enqueue_indirect_dma source(%dma_start3A_57 : memref<8192x128xf32, #tpu.memory_space<hbm>>) target(%arg7 : memref<128x128xf32, #tpu.memory_space<vmem>>) offsets(%arg6 : memref<128xi32, #tpu.memory_space<vmem>>) semaphore(%arg9 : memref<!tpu.dma_semaphore, #tpu.memory_space<semaphore_mem>>)
    %dma_wait3A = arith.constant 0 : i32
    %dma_wait3A_58 = arith.constant 0 : i32
    %dma_wait3A_59 = tpu.memref_slice %arg2[%dma_wait3A, %dma_wait3A_58] : memref<8192x128xf32, #tpu.memory_space<hbm>> -> memref<8192x128xf32, #tpu.memory_space<hbm>>
    tpu.wait_indirect_dma semaphore(%arg9 : memref<!tpu.dma_semaphore, #tpu.memory_space<semaphore_mem>>) src(%dma_wait3A_59 : memref<8192x128xf32, #tpu.memory_space<hbm>>) dst(%arg7 : memref<128x128xf32, #tpu.memory_space<vmem>>)
    %get3A_60 = arith.constant 0 : index
    %get3A_61 = tpu.vector_load %arg5[%get3A_60] {strides = array<i32>} : memref<512xi32, #tpu.memory_space<vmem>>, vector<16xi32>,
    %and3A = arith.constant 1 : i32
    %and3A_62 = vector.broadcast %and3A : i32 to vector<16xi32>
    %and3A_63 = arith.andi %get3A_61, %and3A_62 : vector<16xi32>
    %mul3A_64 = arith.constant 64 : i32
    %mul3A_65 = vector.broadcast %mul3A_64 : i32 to vector<16xi32>
    %mul3A_66 = arith.muli %and3A_63, %mul3A_65 : vector<16xi32>
    %add3A_67 = arith.constant 0 : i32
    %add3A_68 = vector.broadcast %add3A_67 : i32 to vector<16xi32>
    %add3A_69 = arith.addi %add3A_68, %iota3A : vector<16xi32>
    %scan3A = arith.constant 0 : i32
    %scan3A_70 = arith.constant 0 : i32
    %scan3A_71 = arith.constant 64 : i32
    %scan3A_72 = arith.addi %scan3A_70, %scan3A_71 : i32
    %scan3A_73 = arith.constant 1 : i32
    scf.for %scan3A_788 = %scan3A_70 to %scan3A_72 step %scan3A_73  : i32 {
      %add3A_789 = vector.broadcast %scan3A_788 : i32 to vector<16xi32>
      %add3A_790 = arith.addi %mul3A_66, %add3A_789 : vector<16xi32>
      %gather3A = tpu.vector_load_idx %arg7[%add3A_69, %add3A_790] : memref<128x128xf32, #tpu.memory_space<vmem>>[vector<16xi32>, vector<16xi32>], vector<16xf32>,
      %mul3A_791 = arith.constant 0 : i32
      %mul3A_792 = vector.broadcast %mul3A_791 : i32 to vector<16xi32>
      %mul3A_793 = arith.muli %iota3A, %mul3A_792 : vector<16xi32>
      %add3A_794 = vector.broadcast %scan3A_788 : i32 to vector<16xi32>
      %add3A_795 = arith.addi %mul3A_793, %add3A_794 : vector<16xi32>
      %add3A_796 = arith.constant 0 : i32
      %add3A_797 = vector.broadcast %add3A_796 : i32 to vector<16xi32>
      %add3A_798 = arith.addi %add3A_797, %add3A_69 : vector<16xi32>
      tpu.vector_store_idx %arg8[%add3A_795, %add3A_798], %gather3A : memref<64x512xf32, #tpu.memory_space<vmem>>[vector<16xi32>, vector<16xi32>], vector<16xf32>,
    }
    %scan3A_74 = arith.constant 64 : i32
    %get3A_75 = arith.constant 16 : index
    %get3A_76 = tpu.vector_load %arg5[%get3A_75] {strides = array<i32>} : memref<512xi32, #tpu.memory_space<vmem>>, vector<16xi32>,
    %and3A_77 = arith.constant 1 : i32
    %and3A_78 = vector.broadcast %and3A_77 : i32 to vector<16xi32>
    %and3A_79 = arith.andi %get3A_76, %and3A_78 : vector<16xi32>
    %mul3A_80 = arith.constant 64 : i32
    %mul3A_81 = vector.broadcast %mul3A_80 : i32 to vector<16xi32>
    %mul3A_82 = arith.muli %and3A_79, %mul3A_81 : vector<16xi32>
    %add3A_83 = arith.constant 16 : i32
    %add3A_84 = vector.broadcast %add3A_83 : i32 to vector<16xi32>
    %add3A_85 = arith.addi %add3A_84, %iota3A : vector<16xi32>
    %scan3A_86 = arith.constant 0 : i32
    %scan3A_87 = arith.constant 0 : i32
    %scan3A_88 = arith.constant 64 : i32
    %scan3A_89 = arith.addi %scan3A_87, %scan3A_88 : i32
    %scan3A_90 = arith.constant 1 : i32
    scf.for %scan3A_788 = %scan3A_87 to %scan3A_89 step %scan3A_90  : i32 {
      %add3A_789 = vector.broadcast %scan3A_788 : i32 to vector<16xi32>
      %add3A_790 = arith.addi %mul3A_82, %add3A_789 : vector<16xi32>
      %gather3A = tpu.vector_load_idx %arg7[%add3A_85, %add3A_790] : memref<128x128xf32, #tpu.memory_space<vmem>>[vector<16xi32>, vector<16xi32>], vector<16xf32>,
      %mul3A_791 = arith.constant 0 : i32
      %mul3A_792 = vector.broadcast %mul3A_791 : i32 to vector<16xi32>
      %mul3A_793 = arith.muli %iota3A, %mul3A_792 : vector<16xi32>
      %add3A_794 = vector.broadcast %scan3A_788 : i32 to vector<16xi32>
      %add3A_795 = arith.addi %mul3A_793, %add3A_794 : vector<16xi32>
      %add3A_796 = arith.constant 0 : i32
      %add3A_797 = vector.broadcast %add3A_796 : i32 to vector<16xi32>
      %add3A_798 = arith.addi %add3A_797, %add3A_85 : vector<16xi32>
      tpu.vector_store_idx %arg8[%add3A_795, %add3A_798], %gather3A : memref<64x512xf32, #tpu.memory_space<vmem>>[vector<16xi32>, vector<16xi32>], vector<16xf32>,
    }
    %scan3A_91 = arith.constant 64 : i32
    %get3A_92 = arith.constant 32 : index
    %get3A_93 = tpu.vector_load %arg5[%get3A_92] {strides = array<i32>} : memref<512xi32, #tpu.memory_space<vmem>>, vector<16xi32>,
    %and3A_94 = arith.constant 1 : i32
    %and3A_95 = vector.broadcast %and3A_94 : i32 to vector<16xi32>
    %and3A_96 = arith.andi %get3A_93, %and3A_95 : vector<16xi32>
    %mul3A_97 = arith.constant 64 : i32
    %mul3A_98 = vector.broadcast %mul3A_97 : i32 to vector<16xi32>
    %mul3A_99 = arith.muli %and3A_96, %mul3A_98 : vector<16xi32>
    %add3A_100 = arith.constant 32 : i32
    %add3A_101 = vector.broadcast %add3A_100 : i32 to vector<16xi32>
    %add3A_102 = arith.addi %add3A_101, %iota3A : vector<16xi32>
    %scan3A_103 = arith.constant 0 : i32
    %scan3A_104 = arith.constant 0 : i32
    %scan3A_105 = arith.constant 64 : i32
    %scan3A_106 = arith.addi %scan3A_104, %scan3A_105 : i32
    %scan3A_107 = arith.constant 1 : i32
    scf.for %scan3A_788 = %scan3A_104 to %scan3A_106 step %scan3A_107  : i32 {
      %add3A_789 = vector.broadcast %scan3A_788 : i32 to vector<16xi32>
      %add3A_790 = arith.addi %mul3A_99, %add3A_789 : vector<16xi32>
      %gather3A = tpu.vector_load_idx %arg7[%add3A_102, %add3A_790] : memref<128x128xf32, #tpu.memory_space<vmem>>[vector<16xi32>, vector<16xi32>], vector<16xf32>,
      %mul3A_791 = arith.constant 0 : i32
      %mul3A_792 = vector.broadcast %mul3A_791 : i32 to vector<16xi32>
      %mul3A_793 = arith.muli %iota3A, %mul3A_792 : vector<16xi32>
      %add3A_794 = vector.broadcast %scan3A_788 : i32 to vector<16xi32>
      %add3A_795 = arith.addi %mul3A_793, %add3A_794 : vector<16xi32>
      %add3A_796 = arith.constant 0 : i32
      %add3A_797 = vector.broadcast %add3A_796 : i32 to vector<16xi32>
      %add3A_798 = arith.addi %add3A_797, %add3A_102 : vector<16xi32>
      tpu.vector_store_idx %arg8[%add3A_795, %add3A_798], %gather3A : memref<64x512xf32, #tpu.memory_space<vmem>>[vector<16xi32>, vector<16xi32>], vector<16xf32>,
    }
    %scan3A_108 = arith.constant 64 : i32
    %get3A_109 = arith.constant 48 : index
    %get3A_110 = tpu.vector_load %arg5[%get3A_109] {strides = array<i32>} : memref<512xi32, #tpu.memory_space<vmem>>, vector<16xi32>,
    %and3A_111 = arith.constant 1 : i32
    %and3A_112 = vector.broadcast %and3A_111 : i32 to vector<16xi32>
    %and3A_113 = arith.andi %get3A_110, %and3A_112 : vector<16xi32>
    %mul3A_114 = arith.constant 64 : i32
    %mul3A_115 = vector.broadcast %mul3A_114 : i32 to vector<16xi32>
    %mul3A_116 = arith.muli %and3A_113, %mul3A_115 : vector<16xi32>
    %add3A_117 = arith.constant 48 : i32
    %add3A_118 = vector.broadcast %add3A_117 : i32 to vector<16xi32>
    %add3A_119 = arith.addi %add3A_118, %iota3A : vector<16xi32>
    %scan3A_120 = arith.constant 0 : i32
    %scan3A_121 = arith.constant 0 : i32
    %scan3A_122 = arith.constant 64 : i32
    %scan3A_123 = arith.addi %scan3A_121, %scan3A_122 : i32
    %scan3A_124 = arith.constant 1 : i32
    scf.for %scan3A_788 = %scan3A_121 to %scan3A_123 step %scan3A_124  : i32 {
      %add3A_789 = vector.broadcast %scan3A_788 : i32 to vector<16xi32>
      %add3A_790 = arith.addi %mul3A_116, %add3A_789 : vector<16xi32>
      %gather3A = tpu.vector_load_idx %arg7[%add3A_119, %add3A_790] : memref<128x128xf32, #tpu.memory_space<vmem>>[vector<16xi32>, vector<16xi32>], vector<16xf32>,
      %mul3A_791 = arith.constant 0 : i32
      %mul3A_792 = vector.broadcast %mul3A_791 : i32 to vector<16xi32>
      %mul3A_793 = arith.muli %iota3A, %mul3A_792 : vector<16xi32>
      %add3A_794 = vector.broadcast %scan3A_788 : i32 to vector<16xi32>
      %add3A_795 = arith.addi %mul3A_793, %add3A_794 : vector<16xi32>
      %add3A_796 = arith.constant 0 : i32
      %add3A_797 = vector.broadcast %add3A_796 : i32 to vector<16xi32>
      %add3A_798 = arith.addi %add3A_797, %add3A_119 : vector<16xi32>
      tpu.vector_store_idx %arg8[%add3A_795, %add3A_798], %gather3A : memref<64x512xf32, #tpu.memory_space<vmem>>[vector<16xi32>, vector<16xi32>], vector<16xf32>,
    }
    %scan3A_125 = arith.constant 64 : i32
    %get3A_126 = arith.constant 64 : index
    %get3A_127 = tpu.vector_load %arg5[%get3A_126] {strides = array<i32>} : memref<512xi32, #tpu.memory_space<vmem>>, vector<16xi32>,
    %and3A_128 = arith.constant 1 : i32
    %and3A_129 = vector.broadcast %and3A_128 : i32 to vector<16xi32>
    %and3A_130 = arith.andi %get3A_127, %and3A_129 : vector<16xi32>
    %mul3A_131 = arith.constant 64 : i32
    %mul3A_132 = vector.broadcast %mul3A_131 : i32 to vector<16xi32>
    %mul3A_133 = arith.muli %and3A_130, %mul3A_132 : vector<16xi32>
    %add3A_134 = arith.constant 64 : i32
    %add3A_135 = vector.broadcast %add3A_134 : i32 to vector<16xi32>
    %add3A_136 = arith.addi %add3A_135, %iota3A : vector<16xi32>
    %scan3A_137 = arith.constant 0 : i32
    %scan3A_138 = arith.constant 0 : i32
    %scan3A_139 = arith.constant 64 : i32
    %scan3A_140 = arith.addi %scan3A_138, %scan3A_139 : i32
    %scan3A_141 = arith.constant 1 : i32
    scf.for %scan3A_788 = %scan3A_138 to %scan3A_140 step %scan3A_141  : i32 {
      %add3A_789 = vector.broadcast %scan3A_788 : i32 to vector<16xi32>
      %add3A_790 = arith.addi %mul3A_133, %add3A_789 : vector<16xi32>
      %gather3A = tpu.vector_load_idx %arg7[%add3A_136, %add3A_790] : memref<128x128xf32, #tpu.memory_space<vmem>>[vector<16xi32>, vector<16xi32>], vector<16xf32>,
      %mul3A_791 = arith.constant 0 : i32
      %mul3A_792 = vector.broadcast %mul3A_791 : i32 to vector<16xi32>
      %mul3A_793 = arith.muli %iota3A, %mul3A_792 : vector<16xi32>
      %add3A_794 = vector.broadcast %scan3A_788 : i32 to vector<16xi32>
      %add3A_795 = arith.addi %mul3A_793, %add3A_794 : vector<16xi32>
      %add3A_796 = arith.constant 0 : i32
      %add3A_797 = vector.broadcast %add3A_796 : i32 to vector<16xi32>
      %add3A_798 = arith.addi %add3A_797, %add3A_136 : vector<16xi32>
      tpu.vector_store_idx %arg8[%add3A_795, %add3A_798], %gather3A : memref<64x512xf32, #tpu.memory_space<vmem>>[vector<16xi32>, vector<16xi32>], vector<16xf32>,
    }
    %scan3A_142 = arith.constant 64 : i32
    %get3A_143 = arith.constant 80 : index
    %get3A_144 = tpu.vector_load %arg5[%get3A_143] {strides = array<i32>} : memref<512xi32, #tpu.memory_space<vmem>>, vector<16xi32>,
    %and3A_145 = arith.constant 1 : i32
    %and3A_146 = vector.broadcast %and3A_145 : i32 to vector<16xi32>
    %and3A_147 = arith.andi %get3A_144, %and3A_146 : vector<16xi32>
    %mul3A_148 = arith.constant 64 : i32
    %mul3A_149 = vector.broadcast %mul3A_148 : i32 to vector<16xi32>
    %mul3A_150 = arith.muli %and3A_147, %mul3A_149 : vector<16xi32>
    %add3A_151 = arith.constant 80 : i32
    %add3A_152 = vector.broadcast %add3A_151 : i32 to vector<16xi32>
    %add3A_153 = arith.addi %add3A_152, %iota3A : vector<16xi32>
    %scan3A_154 = arith.constant 0 : i32
    %scan3A_155 = arith.constant 0 : i32
    %scan3A_156 = arith.constant 64 : i32
    %scan3A_157 = arith.addi %scan3A_155, %scan3A_156 : i32
    %scan3A_158 = arith.constant 1 : i32
    scf.for %scan3A_788 = %scan3A_155 to %scan3A_157 step %scan3A_158  : i32 {
      %add3A_789 = vector.broadcast %scan3A_788 : i32 to vector<16xi32>
      %add3A_790 = arith.addi %mul3A_150, %add3A_789 : vector<16xi32>
      %gather3A = tpu.vector_load_idx %arg7[%add3A_153, %add3A_790] : memref<128x128xf32, #tpu.memory_space<vmem>>[vector<16xi32>, vector<16xi32>], vector<16xf32>,
      %mul3A_791 = arith.constant 0 : i32
      %mul3A_792 = vector.broadcast %mul3A_791 : i32 to vector<16xi32>
      %mul3A_793 = arith.muli %iota3A, %mul3A_792 : vector<16xi32>
      %add3A_794 = vector.broadcast %scan3A_788 : i32 to vector<16xi32>
      %add3A_795 = arith.addi %mul3A_793, %add3A_794 : vector<16xi32>
      %add3A_796 = arith.constant 0 : i32
      %add3A_797 = vector.broadcast %add3A_796 : i32 to vector<16xi32>
      %add3A_798 = arith.addi %add3A_797, %add3A_153 : vector<16xi32>
      tpu.vector_store_idx %arg8[%add3A_795, %add3A_798], %gather3A : memref<64x512xf32, #tpu.memory_space<vmem>>[vector<16xi32>, vector<16xi32>], vector<16xf32>,
    }
    %scan3A_159 = arith.constant 64 : i32
    %get3A_160 = arith.constant 96 : index
    %get3A_161 = tpu.vector_load %arg5[%get3A_160] {strides = array<i32>} : memref<512xi32, #tpu.memory_space<vmem>>, vector<16xi32>,
    %and3A_162 = arith.constant 1 : i32
    %and3A_163 = vector.broadcast %and3A_162 : i32 to vector<16xi32>
    %and3A_164 = arith.andi %get3A_161, %and3A_163 : vector<16xi32>
    %mul3A_165 = arith.constant 64 : i32
    %mul3A_166 = vector.broadcast %mul3A_165 : i32 to vector<16xi32>
    %mul3A_167 = arith.muli %and3A_164, %mul3A_166 : vector<16xi32>
    %add3A_168 = arith.constant 96 : i32
    %add3A_169 = vector.broadcast %add3A_168 : i32 to vector<16xi32>
    %add3A_170 = arith.addi %add3A_169, %iota3A : vector<16xi32>
    %scan3A_171 = arith.constant 0 : i32
    %scan3A_172 = arith.constant 0 : i32
    %scan3A_173 = arith.constant 64 : i32
    %scan3A_174 = arith.addi %scan3A_172, %scan3A_173 : i32
    %scan3A_175 = arith.constant 1 : i32
    scf.for %scan3A_788 = %scan3A_172 to %scan3A_174 step %scan3A_175  : i32 {
      %add3A_789 = vector.broadcast %scan3A_788 : i32 to vector<16xi32>
      %add3A_790 = arith.addi %mul3A_167, %add3A_789 : vector<16xi32>
      %gather3A = tpu.vector_load_idx %arg7[%add3A_170, %add3A_790] : memref<128x128xf32, #tpu.memory_space<vmem>>[vector<16xi32>, vector<16xi32>], vector<16xf32>,
      %mul3A_791 = arith.constant 0 : i32
      %mul3A_792 = vector.broadcast %mul3A_791 : i32 to vector<16xi32>
      %mul3A_793 = arith.muli %iota3A, %mul3A_792 : vector<16xi32>
      %add3A_794 = vector.broadcast %scan3A_788 : i32 to vector<16xi32>
      %add3A_795 = arith.addi %mul3A_793, %add3A_794 : vector<16xi32>
      %add3A_796 = arith.constant 0 : i32
      %add3A_797 = vector.broadcast %add3A_796 : i32 to vector<16xi32>
      %add3A_798 = arith.addi %add3A_797, %add3A_170 : vector<16xi32>
      tpu.vector_store_idx %arg8[%add3A_795, %add3A_798], %gather3A : memref<64x512xf32, #tpu.memory_space<vmem>>[vector<16xi32>, vector<16xi32>], vector<16xf32>,
    }
    %scan3A_176 = arith.constant 64 : i32
    %get3A_177 = arith.constant 112 : index
    %get3A_178 = tpu.vector_load %arg5[%get3A_177] {strides = array<i32>} : memref<512xi32, #tpu.memory_space<vmem>>, vector<16xi32>,
    %and3A_179 = arith.constant 1 : i32
    %and3A_180 = vector.broadcast %and3A_179 : i32 to vector<16xi32>
    %and3A_181 = arith.andi %get3A_178, %and3A_180 : vector<16xi32>
    %mul3A_182 = arith.constant 64 : i32
    %mul3A_183 = vector.broadcast %mul3A_182 : i32 to vector<16xi32>
    %mul3A_184 = arith.muli %and3A_181, %mul3A_183 : vector<16xi32>
    %add3A_185 = arith.constant 112 : i32
    %add3A_186 = vector.broadcast %add3A_185 : i32 to vector<16xi32>
    %add3A_187 = arith.addi %add3A_186, %iota3A : vector<16xi32>
    %scan3A_188 = arith.constant 0 : i32
    %scan3A_189 = arith.constant 0 : i32
    %scan3A_190 = arith.constant 64 : i32
    %scan3A_191 = arith.addi %scan3A_189, %scan3A_190 : i32
    %scan3A_192 = arith.constant 1 : i32
    scf.for %scan3A_788 = %scan3A_189 to %scan3A_191 step %scan3A_192  : i32 {
      %add3A_789 = vector.broadcast %scan3A_788 : i32 to vector<16xi32>
      %add3A_790 = arith.addi %mul3A_184, %add3A_789 : vector<16xi32>
      %gather3A = tpu.vector_load_idx %arg7[%add3A_187, %add3A_790] : memref<128x128xf32, #tpu.memory_space<vmem>>[vector<16xi32>, vector<16xi32>], vector<16xf32>,
      %mul3A_791 = arith.constant 0 : i32
      %mul3A_792 = vector.broadcast %mul3A_791 : i32 to vector<16xi32>
      %mul3A_793 = arith.muli %iota3A, %mul3A_792 : vector<16xi32>
      %add3A_794 = vector.broadcast %scan3A_788 : i32 to vector<16xi32>
      %add3A_795 = arith.addi %mul3A_793, %add3A_794 : vector<16xi32>
      %add3A_796 = arith.constant 0 : i32
      %add3A_797 = vector.broadcast %add3A_796 : i32 to vector<16xi32>
      %add3A_798 = arith.addi %add3A_797, %add3A_187 : vector<16xi32>
      tpu.vector_store_idx %arg8[%add3A_795, %add3A_798], %gather3A : memref<64x512xf32, #tpu.memory_space<vmem>>[vector<16xi32>, vector<16xi32>], vector<16xf32>,
    }
    %scan3A_193 = arith.constant 64 : i32
    %get3A_194 = arith.constant 128 : index
    %get3A_195 = tpu.vector_load %arg5[%get3A_194] {strides = array<i32>} : memref<512xi32, #tpu.memory_space<vmem>>, vector<16xi32>,
    %shift_right_arithmetic3A_196 = arith.constant 1 : i32
    %shift_right_arithmetic3A_197 = vector.broadcast %shift_right_arithmetic3A_196 : i32 to vector<16xi32>
    %shift_right_arithmetic3A_198 = arith.shrsi %get3A_195, %shift_right_arithmetic3A_197 : vector<16xi32>
    %swap3A_199 = arith.constant 0 : index
    %swap3A_200 = tpu.vector_load %arg6[%swap3A_199] {strides = array<i32>} : memref<128xi32, #tpu.memory_space<vmem>>, vector<16xi32>,
    tpu.vector_store %arg6[%swap3A_199], %shift_right_arithmetic3A_198 {strides = array<i32>} : memref<128xi32, #tpu.memory_space<vmem>>, vector<16xi32>,
    %get3A_201 = arith.constant 144 : index
    %get3A_202 = tpu.vector_load %arg5[%get3A_201] {strides = array<i32>} : memref<512xi32, #tpu.memory_space<vmem>>, vector<16xi32>,
    %shift_right_arithmetic3A_203 = arith.constant 1 : i32
    %shift_right_arithmetic3A_204 = vector.broadcast %shift_right_arithmetic3A_203 : i32 to vector<16xi32>
    %shift_right_arithmetic3A_205 = arith.shrsi %get3A_202, %shift_right_arithmetic3A_204 : vector<16xi32>
    %swap3A_206 = arith.constant 16 : index
    %swap3A_207 = tpu.vector_load %arg6[%swap3A_206] {strides = array<i32>} : memref<128xi32, #tpu.memory_space<vmem>>, vector<16xi32>,
    tpu.vector_store %arg6[%swap3A_206], %shift_right_arithmetic3A_205 {strides = array<i32>} : memref<128xi32, #tpu.memory_space<vmem>>, vector<16xi32>,
    %get3A_208 = arith.constant 160 : index
    %get3A_209 = tpu.vector_load %arg5[%get3A_208] {strides = array<i32>} : memref<512xi32, #tpu.memory_space<vmem>>, vector<16xi32>,
    %shift_right_arithmetic3A_210 = arith.constant 1 : i32
    %shift_right_arithmetic3A_211 = vector.broadcast %shift_right_arithmetic3A_210 : i32 to vector<16xi32>
    %shift_right_arithmetic3A_212 = arith.shrsi %get3A_209, %shift_right_arithmetic3A_211 : vector<16xi32>
    %swap3A_213 = arith.constant 32 : index
    %swap3A_214 = tpu.vector_load %arg6[%swap3A_213] {strides = array<i32>} : memref<128xi32, #tpu.memory_space<vmem>>, vector<16xi32>,
    tpu.vector_store %arg6[%swap3A_213], %shift_right_arithmetic3A_212 {strides = array<i32>} : memref<128xi32, #tpu.memory_space<vmem>>, vector<16xi32>,
    %get3A_215 = arith.constant 176 : index
    %get3A_216 = tpu.vector_load %arg5[%get3A_215] {strides = array<i32>} : memref<512xi32, #tpu.memory_space<vmem>>, vector<16xi32>,
    %shift_right_arithmetic3A_217 = arith.constant 1 : i32
    %shift_right_arithmetic3A_218 = vector.broadcast %shift_right_arithmetic3A_217 : i32 to vector<16xi32>
    %shift_right_arithmetic3A_219 = arith.shrsi %get3A_216, %shift_right_arithmetic3A_218 : vector<16xi32>
    %swap3A_220 = arith.constant 48 : index
    %swap3A_221 = tpu.vector_load %arg6[%swap3A_220] {strides = array<i32>} : memref<128xi32, #tpu.memory_space<vmem>>, vector<16xi32>,
    tpu.vector_store %arg6[%swap3A_220], %shift_right_arithmetic3A_219 {strides = array<i32>} : memref<128xi32, #tpu.memory_space<vmem>>, vector<16xi32>,
    %get3A_222 = arith.constant 192 : index
    %get3A_223 = tpu.vector_load %arg5[%get3A_222] {strides = array<i32>} : memref<512xi32, #tpu.memory_space<vmem>>, vector<16xi32>,
    %shift_right_arithmetic3A_224 = arith.constant 1 : i32
    %shift_right_arithmetic3A_225 = vector.broadcast %shift_right_arithmetic3A_224 : i32 to vector<16xi32>
    %shift_right_arithmetic3A_226 = arith.shrsi %get3A_223, %shift_right_arithmetic3A_225 : vector<16xi32>
    %swap3A_227 = arith.constant 64 : index
    %swap3A_228 = tpu.vector_load %arg6[%swap3A_227] {strides = array<i32>} : memref<128xi32, #tpu.memory_space<vmem>>, vector<16xi32>,
    tpu.vector_store %arg6[%swap3A_227], %shift_right_arithmetic3A_226 {strides = array<i32>} : memref<128xi32, #tpu.memory_space<vmem>>, vector<16xi32>,
    %get3A_229 = arith.constant 208 : index
    %get3A_230 = tpu.vector_load %arg5[%get3A_229] {strides = array<i32>} : memref<512xi32, #tpu.memory_space<vmem>>, vector<16xi32>,
    %shift_right_arithmetic3A_231 = arith.constant 1 : i32
    %shift_right_arithmetic3A_232 = vector.broadcast %shift_right_arithmetic3A_231 : i32 to vector<16xi32>
    %shift_right_arithmetic3A_233 = arith.shrsi %get3A_230, %shift_right_arithmetic3A_232 : vector<16xi32>
    %swap3A_234 = arith.constant 80 : index
    %swap3A_235 = tpu.vector_load %arg6[%swap3A_234] {strides = array<i32>} : memref<128xi32, #tpu.memory_space<vmem>>, vector<16xi32>,
    tpu.vector_store %arg6[%swap3A_234], %shift_right_arithmetic3A_233 {strides = array<i32>} : memref<128xi32, #tpu.memory_space<vmem>>, vector<16xi32>,
    %get3A_236 = arith.constant 224 : index
    %get3A_237 = tpu.vector_load %arg5[%get3A_236] {strides = array<i32>} : memref<512xi32, #tpu.memory_space<vmem>>, vector<16xi32>,
    %shift_right_arithmetic3A_238 = arith.constant 1 : i32
    %shift_right_arithmetic3A_239 = vector.broadcast %shift_right_arithmetic3A_238 : i32 to vector<16xi32>
    %shift_right_arithmetic3A_240 = arith.shrsi %get3A_237, %shift_right_arithmetic3A_239 : vector<16xi32>
    %swap3A_241 = arith.constant 96 : index
    %swap3A_242 = tpu.vector_load %arg6[%swap3A_241] {strides = array<i32>} : memref<128xi32, #tpu.memory_space<vmem>>, vector<16xi32>,
    tpu.vector_store %arg6[%swap3A_241], %shift_right_arithmetic3A_240 {strides = array<i32>} : memref<128xi32, #tpu.memory_space<vmem>>, vector<16xi32>,
    %get3A_243 = arith.constant 240 : index
    %get3A_244 = tpu.vector_load %arg5[%get3A_243] {strides = array<i32>} : memref<512xi32, #tpu.memory_space<vmem>>, vector<16xi32>,
    %shift_right_arithmetic3A_245 = arith.constant 1 : i32
    %shift_right_arithmetic3A_246 = vector.broadcast %shift_right_arithmetic3A_245 : i32 to vector<16xi32>
    %shift_right_arithmetic3A_247 = arith.shrsi %get3A_244, %shift_right_arithmetic3A_246 : vector<16xi32>
    %swap3A_248 = arith.constant 112 : index
    %swap3A_249 = tpu.vector_load %arg6[%swap3A_248] {strides = array<i32>} : memref<128xi32, #tpu.memory_space<vmem>>, vector<16xi32>,
    tpu.vector_store %arg6[%swap3A_248], %shift_right_arithmetic3A_247 {strides = array<i32>} : memref<128xi32, #tpu.memory_space<vmem>>, vector<16xi32>,
    %dma_start3A_250 = arith.constant 0 : i32
    %dma_start3A_251 = arith.constant 0 : i32
    %dma_start3A_252 = tpu.memref_slice %arg2[%dma_start3A_250, %dma_start3A_251] : memref<8192x128xf32, #tpu.memory_space<hbm>> -> memref<8192x128xf32, #tpu.memory_space<hbm>>
    tpu.enqueue_indirect_dma source(%dma_start3A_252 : memref<8192x128xf32, #tpu.memory_space<hbm>>) target(%arg7 : memref<128x128xf32, #tpu.memory_space<vmem>>) offsets(%arg6 : memref<128xi32, #tpu.memory_space<vmem>>) semaphore(%arg9 : memref<!tpu.dma_semaphore, #tpu.memory_space<semaphore_mem>>)
    %dma_wait3A_253 = arith.constant 0 : i32
    %dma_wait3A_254 = arith.constant 0 : i32
    %dma_wait3A_255 = tpu.memref_slice %arg2[%dma_wait3A_253, %dma_wait3A_254] : memref<8192x128xf32, #tpu.memory_space<hbm>> -> memref<8192x128xf32, #tpu.memory_space<hbm>>
    tpu.wait_indirect_dma semaphore(%arg9 : memref<!tpu.dma_semaphore, #tpu.memory_space<semaphore_mem>>) src(%dma_wait3A_255 : memref<8192x128xf32, #tpu.memory_space<hbm>>) dst(%arg7 : memref<128x128xf32, #tpu.memory_space<vmem>>)
    %get3A_256 = arith.constant 128 : index
    %get3A_257 = tpu.vector_load %arg5[%get3A_256] {strides = array<i32>} : memref<512xi32, #tpu.memory_space<vmem>>, vector<16xi32>,
    %and3A_258 = arith.constant 1 : i32
    %and3A_259 = vector.broadcast %and3A_258 : i32 to vector<16xi32>
    %and3A_260 = arith.andi %get3A_257, %and3A_259 : vector<16xi32>
    %mul3A_261 = arith.constant 64 : i32
    %mul3A_262 = vector.broadcast %mul3A_261 : i32 to vector<16xi32>
    %mul3A_263 = arith.muli %and3A_260, %mul3A_262 : vector<16xi32>
    %add3A_264 = arith.constant 0 : i32
    %add3A_265 = vector.broadcast %add3A_264 : i32 to vector<16xi32>
    %add3A_266 = arith.addi %add3A_265, %iota3A : vector<16xi32>
    %scan3A_267 = arith.constant 0 : i32
    %scan3A_268 = arith.constant 0 : i32
    %scan3A_269 = arith.constant 64 : i32
    %scan3A_270 = arith.addi %scan3A_268, %scan3A_269 : i32
    %scan3A_271 = arith.constant 1 : i32
    scf.for %scan3A_788 = %scan3A_268 to %scan3A_270 step %scan3A_271  : i32 {
      %add3A_789 = vector.broadcast %scan3A_788 : i32 to vector<16xi32>
      %add3A_790 = arith.addi %mul3A_263, %add3A_789 : vector<16xi32>
      %gather3A = tpu.vector_load_idx %arg7[%add3A_266, %add3A_790] : memref<128x128xf32, #tpu.memory_space<vmem>>[vector<16xi32>, vector<16xi32>], vector<16xf32>,
      %mul3A_791 = arith.constant 0 : i32
      %mul3A_792 = vector.broadcast %mul3A_791 : i32 to vector<16xi32>
      %mul3A_793 = arith.muli %iota3A, %mul3A_792 : vector<16xi32>
      %add3A_794 = vector.broadcast %scan3A_788 : i32 to vector<16xi32>
      %add3A_795 = arith.addi %mul3A_793, %add3A_794 : vector<16xi32>
      %add3A_796 = arith.constant 128 : i32
      %add3A_797 = vector.broadcast %add3A_796 : i32 to vector<16xi32>
      %add3A_798 = arith.addi %add3A_797, %add3A_266 : vector<16xi32>
      tpu.vector_store_idx %arg8[%add3A_795, %add3A_798], %gather3A : memref<64x512xf32, #tpu.memory_space<vmem>>[vector<16xi32>, vector<16xi32>], vector<16xf32>,
    }
    %scan3A_272 = arith.constant 64 : i32
    %get3A_273 = arith.constant 144 : index
    %get3A_274 = tpu.vector_load %arg5[%get3A_273] {strides = array<i32>} : memref<512xi32, #tpu.memory_space<vmem>>, vector<16xi32>,
    %and3A_275 = arith.constant 1 : i32
    %and3A_276 = vector.broadcast %and3A_275 : i32 to vector<16xi32>
    %and3A_277 = arith.andi %get3A_274, %and3A_276 : vector<16xi32>
    %mul3A_278 = arith.constant 64 : i32
    %mul3A_279 = vector.broadcast %mul3A_278 : i32 to vector<16xi32>
    %mul3A_280 = arith.muli %and3A_277, %mul3A_279 : vector<16xi32>
    %add3A_281 = arith.constant 16 : i32
    %add3A_282 = vector.broadcast %add3A_281 : i32 to vector<16xi32>
    %add3A_283 = arith.addi %add3A_282, %iota3A : vector<16xi32>
    %scan3A_284 = arith.constant 0 : i32
    %scan3A_285 = arith.constant 0 : i32
    %scan3A_286 = arith.constant 64 : i32
    %scan3A_287 = arith.addi %scan3A_285, %scan3A_286 : i32
    %scan3A_288 = arith.constant 1 : i32
    scf.for %scan3A_788 = %scan3A_285 to %scan3A_287 step %scan3A_288  : i32 {
      %add3A_789 = vector.broadcast %scan3A_788 : i32 to vector<16xi32>
      %add3A_790 = arith.addi %mul3A_280, %add3A_789 : vector<16xi32>
      %gather3A = tpu.vector_load_idx %arg7[%add3A_283, %add3A_790] : memref<128x128xf32, #tpu.memory_space<vmem>>[vector<16xi32>, vector<16xi32>], vector<16xf32>,
      %mul3A_791 = arith.constant 0 : i32
      %mul3A_792 = vector.broadcast %mul3A_791 : i32 to vector<16xi32>
      %mul3A_793 = arith.muli %iota3A, %mul3A_792 : vector<16xi32>
      %add3A_794 = vector.broadcast %scan3A_788 : i32 to vector<16xi32>
      %add3A_795 = arith.addi %mul3A_793, %add3A_794 : vector<16xi32>
      %add3A_796 = arith.constant 128 : i32
      %add3A_797 = vector.broadcast %add3A_796 : i32 to vector<16xi32>
      %add3A_798 = arith.addi %add3A_797, %add3A_283 : vector<16xi32>
      tpu.vector_store_idx %arg8[%add3A_795, %add3A_798], %gather3A : memref<64x512xf32, #tpu.memory_space<vmem>>[vector<16xi32>, vector<16xi32>], vector<16xf32>,
    }
    %scan3A_289 = arith.constant 64 : i32
    %get3A_290 = arith.constant 160 : index
    %get3A_291 = tpu.vector_load %arg5[%get3A_290] {strides = array<i32>} : memref<512xi32, #tpu.memory_space<vmem>>, vector<16xi32>,
    %and3A_292 = arith.constant 1 : i32
    %and3A_293 = vector.broadcast %and3A_292 : i32 to vector<16xi32>
    %and3A_294 = arith.andi %get3A_291, %and3A_293 : vector<16xi32>
    %mul3A_295 = arith.constant 64 : i32
    %mul3A_296 = vector.broadcast %mul3A_295 : i32 to vector<16xi32>
    %mul3A_297 = arith.muli %and3A_294, %mul3A_296 : vector<16xi32>
    %add3A_298 = arith.constant 32 : i32
    %add3A_299 = vector.broadcast %add3A_298 : i32 to vector<16xi32>
    %add3A_300 = arith.addi %add3A_299, %iota3A : vector<16xi32>
    %scan3A_301 = arith.constant 0 : i32
    %scan3A_302 = arith.constant 0 : i32
    %scan3A_303 = arith.constant 64 : i32
    %scan3A_304 = arith.addi %scan3A_302, %scan3A_303 : i32
    %scan3A_305 = arith.constant 1 : i32
    scf.for %scan3A_788 = %scan3A_302 to %scan3A_304 step %scan3A_305  : i32 {
      %add3A_789 = vector.broadcast %scan3A_788 : i32 to vector<16xi32>
      %add3A_790 = arith.addi %mul3A_297, %add3A_789 : vector<16xi32>
      %gather3A = tpu.vector_load_idx %arg7[%add3A_300, %add3A_790] : memref<128x128xf32, #tpu.memory_space<vmem>>[vector<16xi32>, vector<16xi32>], vector<16xf32>,
      %mul3A_791 = arith.constant 0 : i32
      %mul3A_792 = vector.broadcast %mul3A_791 : i32 to vector<16xi32>
      %mul3A_793 = arith.muli %iota3A, %mul3A_792 : vector<16xi32>
      %add3A_794 = vector.broadcast %scan3A_788 : i32 to vector<16xi32>
      %add3A_795 = arith.addi %mul3A_793, %add3A_794 : vector<16xi32>
      %add3A_796 = arith.constant 128 : i32
      %add3A_797 = vector.broadcast %add3A_796 : i32 to vector<16xi32>
      %add3A_798 = arith.addi %add3A_797, %add3A_300 : vector<16xi32>
      tpu.vector_store_idx %arg8[%add3A_795, %add3A_798], %gather3A : memref<64x512xf32, #tpu.memory_space<vmem>>[vector<16xi32>, vector<16xi32>], vector<16xf32>,
    }
    %scan3A_306 = arith.constant 64 : i32
    %get3A_307 = arith.constant 176 : index
    %get3A_308 = tpu.vector_load %arg5[%get3A_307] {strides = array<i32>} : memref<512xi32, #tpu.memory_space<vmem>>, vector<16xi32>,
    %and3A_309 = arith.constant 1 : i32
    %and3A_310 = vector.broadcast %and3A_309 : i32 to vector<16xi32>
    %and3A_311 = arith.andi %get3A_308, %and3A_310 : vector<16xi32>
    %mul3A_312 = arith.constant 64 : i32
    %mul3A_313 = vector.broadcast %mul3A_312 : i32 to vector<16xi32>
    %mul3A_314 = arith.muli %and3A_311, %mul3A_313 : vector<16xi32>
    %add3A_315 = arith.constant 48 : i32
    %add3A_316 = vector.broadcast %add3A_315 : i32 to vector<16xi32>
    %add3A_317 = arith.addi %add3A_316, %iota3A : vector<16xi32>
    %scan3A_318 = arith.constant 0 : i32
    %scan3A_319 = arith.constant 0 : i32
    %scan3A_320 = arith.constant 64 : i32
    %scan3A_321 = arith.addi %scan3A_319, %scan3A_320 : i32
    %scan3A_322 = arith.constant 1 : i32
    scf.for %scan3A_788 = %scan3A_319 to %scan3A_321 step %scan3A_322  : i32 {
      %add3A_789 = vector.broadcast %scan3A_788 : i32 to vector<16xi32>
      %add3A_790 = arith.addi %mul3A_314, %add3A_789 : vector<16xi32>
      %gather3A = tpu.vector_load_idx %arg7[%add3A_317, %add3A_790] : memref<128x128xf32, #tpu.memory_space<vmem>>[vector<16xi32>, vector<16xi32>], vector<16xf32>,
      %mul3A_791 = arith.constant 0 : i32
      %mul3A_792 = vector.broadcast %mul3A_791 : i32 to vector<16xi32>
      %mul3A_793 = arith.muli %iota3A, %mul3A_792 : vector<16xi32>
      %add3A_794 = vector.broadcast %scan3A_788 : i32 to vector<16xi32>
      %add3A_795 = arith.addi %mul3A_793, %add3A_794 : vector<16xi32>
      %add3A_796 = arith.constant 128 : i32
      %add3A_797 = vector.broadcast %add3A_796 : i32 to vector<16xi32>
      %add3A_798 = arith.addi %add3A_797, %add3A_317 : vector<16xi32>
      tpu.vector_store_idx %arg8[%add3A_795, %add3A_798], %gather3A : memref<64x512xf32, #tpu.memory_space<vmem>>[vector<16xi32>, vector<16xi32>], vector<16xf32>,
    }
    %scan3A_323 = arith.constant 64 : i32
    %get3A_324 = arith.constant 192 : index
    %get3A_325 = tpu.vector_load %arg5[%get3A_324] {strides = array<i32>} : memref<512xi32, #tpu.memory_space<vmem>>, vector<16xi32>,
    %and3A_326 = arith.constant 1 : i32
    %and3A_327 = vector.broadcast %and3A_326 : i32 to vector<16xi32>
    %and3A_328 = arith.andi %get3A_325, %and3A_327 : vector<16xi32>
    %mul3A_329 = arith.constant 64 : i32
    %mul3A_330 = vector.broadcast %mul3A_329 : i32 to vector<16xi32>
    %mul3A_331 = arith.muli %and3A_328, %mul3A_330 : vector<16xi32>
    %add3A_332 = arith.constant 64 : i32
    %add3A_333 = vector.broadcast %add3A_332 : i32 to vector<16xi32>
    %add3A_334 = arith.addi %add3A_333, %iota3A : vector<16xi32>
    %scan3A_335 = arith.constant 0 : i32
    %scan3A_336 = arith.constant 0 : i32
    %scan3A_337 = arith.constant 64 : i32
    %scan3A_338 = arith.addi %scan3A_336, %scan3A_337 : i32
    %scan3A_339 = arith.constant 1 : i32
    scf.for %scan3A_788 = %scan3A_336 to %scan3A_338 step %scan3A_339  : i32 {
      %add3A_789 = vector.broadcast %scan3A_788 : i32 to vector<16xi32>
      %add3A_790 = arith.addi %mul3A_331, %add3A_789 : vector<16xi32>
      %gather3A = tpu.vector_load_idx %arg7[%add3A_334, %add3A_790] : memref<128x128xf32, #tpu.memory_space<vmem>>[vector<16xi32>, vector<16xi32>], vector<16xf32>,
      %mul3A_791 = arith.constant 0 : i32
      %mul3A_792 = vector.broadcast %mul3A_791 : i32 to vector<16xi32>
      %mul3A_793 = arith.muli %iota3A, %mul3A_792 : vector<16xi32>
      %add3A_794 = vector.broadcast %scan3A_788 : i32 to vector<16xi32>
      %add3A_795 = arith.addi %mul3A_793, %add3A_794 : vector<16xi32>
      %add3A_796 = arith.constant 128 : i32
      %add3A_797 = vector.broadcast %add3A_796 : i32 to vector<16xi32>
      %add3A_798 = arith.addi %add3A_797, %add3A_334 : vector<16xi32>
      tpu.vector_store_idx %arg8[%add3A_795, %add3A_798], %gather3A : memref<64x512xf32, #tpu.memory_space<vmem>>[vector<16xi32>, vector<16xi32>], vector<16xf32>,
    }
    %scan3A_340 = arith.constant 64 : i32
    %get3A_341 = arith.constant 208 : index
    %get3A_342 = tpu.vector_load %arg5[%get3A_341] {strides = array<i32>} : memref<512xi32, #tpu.memory_space<vmem>>, vector<16xi32>,
    %and3A_343 = arith.constant 1 : i32
    %and3A_344 = vector.broadcast %and3A_343 : i32 to vector<16xi32>
    %and3A_345 = arith.andi %get3A_342, %and3A_344 : vector<16xi32>
    %mul3A_346 = arith.constant 64 : i32
    %mul3A_347 = vector.broadcast %mul3A_346 : i32 to vector<16xi32>
    %mul3A_348 = arith.muli %and3A_345, %mul3A_347 : vector<16xi32>
    %add3A_349 = arith.constant 80 : i32
    %add3A_350 = vector.broadcast %add3A_349 : i32 to vector<16xi32>
    %add3A_351 = arith.addi %add3A_350, %iota3A : vector<16xi32>
    %scan3A_352 = arith.constant 0 : i32
    %scan3A_353 = arith.constant 0 : i32
    %scan3A_354 = arith.constant 64 : i32
    %scan3A_355 = arith.addi %scan3A_353, %scan3A_354 : i32
    %scan3A_356 = arith.constant 1 : i32
    scf.for %scan3A_788 = %scan3A_353 to %scan3A_355 step %scan3A_356  : i32 {
      %add3A_789 = vector.broadcast %scan3A_788 : i32 to vector<16xi32>
      %add3A_790 = arith.addi %mul3A_348, %add3A_789 : vector<16xi32>
      %gather3A = tpu.vector_load_idx %arg7[%add3A_351, %add3A_790] : memref<128x128xf32, #tpu.memory_space<vmem>>[vector<16xi32>, vector<16xi32>], vector<16xf32>,
      %mul3A_791 = arith.constant 0 : i32
      %mul3A_792 = vector.broadcast %mul3A_791 : i32 to vector<16xi32>
      %mul3A_793 = arith.muli %iota3A, %mul3A_792 : vector<16xi32>
      %add3A_794 = vector.broadcast %scan3A_788 : i32 to vector<16xi32>
      %add3A_795 = arith.addi %mul3A_793, %add3A_794 : vector<16xi32>
      %add3A_796 = arith.constant 128 : i32
      %add3A_797 = vector.broadcast %add3A_796 : i32 to vector<16xi32>
      %add3A_798 = arith.addi %add3A_797, %add3A_351 : vector<16xi32>
      tpu.vector_store_idx %arg8[%add3A_795, %add3A_798], %gather3A : memref<64x512xf32, #tpu.memory_space<vmem>>[vector<16xi32>, vector<16xi32>], vector<16xf32>,
    }
    %scan3A_357 = arith.constant 64 : i32
    %get3A_358 = arith.constant 224 : index
    %get3A_359 = tpu.vector_load %arg5[%get3A_358] {strides = array<i32>} : memref<512xi32, #tpu.memory_space<vmem>>, vector<16xi32>,
    %and3A_360 = arith.constant 1 : i32
    %and3A_361 = vector.broadcast %and3A_360 : i32 to vector<16xi32>
    %and3A_362 = arith.andi %get3A_359, %and3A_361 : vector<16xi32>
    %mul3A_363 = arith.constant 64 : i32
    %mul3A_364 = vector.broadcast %mul3A_363 : i32 to vector<16xi32>
    %mul3A_365 = arith.muli %and3A_362, %mul3A_364 : vector<16xi32>
    %add3A_366 = arith.constant 96 : i32
    %add3A_367 = vector.broadcast %add3A_366 : i32 to vector<16xi32>
    %add3A_368 = arith.addi %add3A_367, %iota3A : vector<16xi32>
    %scan3A_369 = arith.constant 0 : i32
    %scan3A_370 = arith.constant 0 : i32
    %scan3A_371 = arith.constant 64 : i32
    %scan3A_372 = arith.addi %scan3A_370, %scan3A_371 : i32
    %scan3A_373 = arith.constant 1 : i32
    scf.for %scan3A_788 = %scan3A_370 to %scan3A_372 step %scan3A_373  : i32 {
      %add3A_789 = vector.broadcast %scan3A_788 : i32 to vector<16xi32>
      %add3A_790 = arith.addi %mul3A_365, %add3A_789 : vector<16xi32>
      %gather3A = tpu.vector_load_idx %arg7[%add3A_368, %add3A_790] : memref<128x128xf32, #tpu.memory_space<vmem>>[vector<16xi32>, vector<16xi32>], vector<16xf32>,
      %mul3A_791 = arith.constant 0 : i32
      %mul3A_792 = vector.broadcast %mul3A_791 : i32 to vector<16xi32>
      %mul3A_793 = arith.muli %iota3A, %mul3A_792 : vector<16xi32>
      %add3A_794 = vector.broadcast %scan3A_788 : i32 to vector<16xi32>
      %add3A_795 = arith.addi %mul3A_793, %add3A_794 : vector<16xi32>
      %add3A_796 = arith.constant 128 : i32
      %add3A_797 = vector.broadcast %add3A_796 : i32 to vector<16xi32>
      %add3A_798 = arith.addi %add3A_797, %add3A_368 : vector<16xi32>
      tpu.vector_store_idx %arg8[%add3A_795, %add3A_798], %gather3A : memref<64x512xf32, #tpu.memory_space<vmem>>[vector<16xi32>, vector<16xi32>], vector<16xf32>,
    }
    %scan3A_374 = arith.constant 64 : i32
    %get3A_375 = arith.constant 240 : index
    %get3A_376 = tpu.vector_load %arg5[%get3A_375] {strides = array<i32>} : memref<512xi32, #tpu.memory_space<vmem>>, vector<16xi32>,
    %and3A_377 = arith.constant 1 : i32
    %and3A_378 = vector.broadcast %and3A_377 : i32 to vector<16xi32>
    %and3A_379 = arith.andi %get3A_376, %and3A_378 : vector<16xi32>
    %mul3A_380 = arith.constant 64 : i32
    %mul3A_381 = vector.broadcast %mul3A_380 : i32 to vector<16xi32>
    %mul3A_382 = arith.muli %and3A_379, %mul3A_381 : vector<16xi32>
    %add3A_383 = arith.constant 112 : i32
    %add3A_384 = vector.broadcast %add3A_383 : i32 to vector<16xi32>
    %add3A_385 = arith.addi %add3A_384, %iota3A : vector<16xi32>
    %scan3A_386 = arith.constant 0 : i32
    %scan3A_387 = arith.constant 0 : i32
    %scan3A_388 = arith.constant 64 : i32
    %scan3A_389 = arith.addi %scan3A_387, %scan3A_388 : i32
    %scan3A_390 = arith.constant 1 : i32
    scf.for %scan3A_788 = %scan3A_387 to %scan3A_389 step %scan3A_390  : i32 {
      %add3A_789 = vector.broadcast %scan3A_788 : i32 to vector<16xi32>
      %add3A_790 = arith.addi %mul3A_382, %add3A_789 : vector<16xi32>
      %gather3A = tpu.vector_load_idx %arg7[%add3A_385, %add3A_790] : memref<128x128xf32, #tpu.memory_space<vmem>>[vector<16xi32>, vector<16xi32>], vector<16xf32>,
      %mul3A_791 = arith.constant 0 : i32
      %mul3A_792 = vector.broadcast %mul3A_791 : i32 to vector<16xi32>
      %mul3A_793 = arith.muli %iota3A, %mul3A_792 : vector<16xi32>
      %add3A_794 = vector.broadcast %scan3A_788 : i32 to vector<16xi32>
      %add3A_795 = arith.addi %mul3A_793, %add3A_794 : vector<16xi32>
      %add3A_796 = arith.constant 128 : i32
      %add3A_797 = vector.broadcast %add3A_796 : i32 to vector<16xi32>
      %add3A_798 = arith.addi %add3A_797, %add3A_385 : vector<16xi32>
      tpu.vector_store_idx %arg8[%add3A_795, %add3A_798], %gather3A : memref<64x512xf32, #tpu.memory_space<vmem>>[vector<16xi32>, vector<16xi32>], vector<16xf32>,
    }
    %scan3A_391 = arith.constant 64 : i32
    %get3A_392 = arith.constant 256 : index
    %get3A_393 = tpu.vector_load %arg5[%get3A_392] {strides = array<i32>} : memref<512xi32, #tpu.memory_space<vmem>>, vector<16xi32>,
    %shift_right_arithmetic3A_394 = arith.constant 1 : i32
    %shift_right_arithmetic3A_395 = vector.broadcast %shift_right_arithmetic3A_394 : i32 to vector<16xi32>
    %shift_right_arithmetic3A_396 = arith.shrsi %get3A_393, %shift_right_arithmetic3A_395 : vector<16xi32>
    %swap3A_397 = arith.constant 0 : index
    %swap3A_398 = tpu.vector_load %arg6[%swap3A_397] {strides = array<i32>} : memref<128xi32, #tpu.memory_space<vmem>>, vector<16xi32>,
    tpu.vector_store %arg6[%swap3A_397], %shift_right_arithmetic3A_396 {strides = array<i32>} : memref<128xi32, #tpu.memory_space<vmem>>, vector<16xi32>,
    %get3A_399 = arith.constant 272 : index
    %get3A_400 = tpu.vector_load %arg5[%get3A_399] {strides = array<i32>} : memref<512xi32, #tpu.memory_space<vmem>>, vector<16xi32>,
    %shift_right_arithmetic3A_401 = arith.constant 1 : i32
    %shift_right_arithmetic3A_402 = vector.broadcast %shift_right_arithmetic3A_401 : i32 to vector<16xi32>
    %shift_right_arithmetic3A_403 = arith.shrsi %get3A_400, %shift_right_arithmetic3A_402 : vector<16xi32>
    %swap3A_404 = arith.constant 16 : index
    %swap3A_405 = tpu.vector_load %arg6[%swap3A_404] {strides = array<i32>} : memref<128xi32, #tpu.memory_space<vmem>>, vector<16xi32>,
    tpu.vector_store %arg6[%swap3A_404], %shift_right_arithmetic3A_403 {strides = array<i32>} : memref<128xi32, #tpu.memory_space<vmem>>, vector<16xi32>,
    %get3A_406 = arith.constant 288 : index
    %get3A_407 = tpu.vector_load %arg5[%get3A_406] {strides = array<i32>} : memref<512xi32, #tpu.memory_space<vmem>>, vector<16xi32>,
    %shift_right_arithmetic3A_408 = arith.constant 1 : i32
    %shift_right_arithmetic3A_409 = vector.broadcast %shift_right_arithmetic3A_408 : i32 to vector<16xi32>
    %shift_right_arithmetic3A_410 = arith.shrsi %get3A_407, %shift_right_arithmetic3A_409 : vector<16xi32>
    %swap3A_411 = arith.constant 32 : index
    %swap3A_412 = tpu.vector_load %arg6[%swap3A_411] {strides = array<i32>} : memref<128xi32, #tpu.memory_space<vmem>>, vector<16xi32>,
    tpu.vector_store %arg6[%swap3A_411], %shift_right_arithmetic3A_410 {strides = array<i32>} : memref<128xi32, #tpu.memory_space<vmem>>, vector<16xi32>,
    %get3A_413 = arith.constant 304 : index
    %get3A_414 = tpu.vector_load %arg5[%get3A_413] {strides = array<i32>} : memref<512xi32, #tpu.memory_space<vmem>>, vector<16xi32>,
    %shift_right_arithmetic3A_415 = arith.constant 1 : i32
    %shift_right_arithmetic3A_416 = vector.broadcast %shift_right_arithmetic3A_415 : i32 to vector<16xi32>
    %shift_right_arithmetic3A_417 = arith.shrsi %get3A_414, %shift_right_arithmetic3A_416 : vector<16xi32>
    %swap3A_418 = arith.constant 48 : index
    %swap3A_419 = tpu.vector_load %arg6[%swap3A_418] {strides = array<i32>} : memref<128xi32, #tpu.memory_space<vmem>>, vector<16xi32>,
    tpu.vector_store %arg6[%swap3A_418], %shift_right_arithmetic3A_417 {strides = array<i32>} : memref<128xi32, #tpu.memory_space<vmem>>, vector<16xi32>,
    %get3A_420 = arith.constant 320 : index
    %get3A_421 = tpu.vector_load %arg5[%get3A_420] {strides = array<i32>} : memref<512xi32, #tpu.memory_space<vmem>>, vector<16xi32>,
    %shift_right_arithmetic3A_422 = arith.constant 1 : i32
    %shift_right_arithmetic3A_423 = vector.broadcast %shift_right_arithmetic3A_422 : i32 to vector<16xi32>
    %shift_right_arithmetic3A_424 = arith.shrsi %get3A_421, %shift_right_arithmetic3A_423 : vector<16xi32>
    %swap3A_425 = arith.constant 64 : index
    %swap3A_426 = tpu.vector_load %arg6[%swap3A_425] {strides = array<i32>} : memref<128xi32, #tpu.memory_space<vmem>>, vector<16xi32>,
    tpu.vector_store %arg6[%swap3A_425], %shift_right_arithmetic3A_424 {strides = array<i32>} : memref<128xi32, #tpu.memory_space<vmem>>, vector<16xi32>,
    %get3A_427 = arith.constant 336 : index
    %get3A_428 = tpu.vector_load %arg5[%get3A_427] {strides = array<i32>} : memref<512xi32, #tpu.memory_space<vmem>>, vector<16xi32>,
    %shift_right_arithmetic3A_429 = arith.constant 1 : i32
    %shift_right_arithmetic3A_430 = vector.broadcast %shift_right_arithmetic3A_429 : i32 to vector<16xi32>
    %shift_right_arithmetic3A_431 = arith.shrsi %get3A_428, %shift_right_arithmetic3A_430 : vector<16xi32>
    %swap3A_432 = arith.constant 80 : index
    %swap3A_433 = tpu.vector_load %arg6[%swap3A_432] {strides = array<i32>} : memref<128xi32, #tpu.memory_space<vmem>>, vector<16xi32>,
    tpu.vector_store %arg6[%swap3A_432], %shift_right_arithmetic3A_431 {strides = array<i32>} : memref<128xi32, #tpu.memory_space<vmem>>, vector<16xi32>,
    %get3A_434 = arith.constant 352 : index
    %get3A_435 = tpu.vector_load %arg5[%get3A_434] {strides = array<i32>} : memref<512xi32, #tpu.memory_space<vmem>>, vector<16xi32>,
    %shift_right_arithmetic3A_436 = arith.constant 1 : i32
    %shift_right_arithmetic3A_437 = vector.broadcast %shift_right_arithmetic3A_436 : i32 to vector<16xi32>
    %shift_right_arithmetic3A_438 = arith.shrsi %get3A_435, %shift_right_arithmetic3A_437 : vector<16xi32>
    %swap3A_439 = arith.constant 96 : index
    %swap3A_440 = tpu.vector_load %arg6[%swap3A_439] {strides = array<i32>} : memref<128xi32, #tpu.memory_space<vmem>>, vector<16xi32>,
    tpu.vector_store %arg6[%swap3A_439], %shift_right_arithmetic3A_438 {strides = array<i32>} : memref<128xi32, #tpu.memory_space<vmem>>, vector<16xi32>,
    %get3A_441 = arith.constant 368 : index
    %get3A_442 = tpu.vector_load %arg5[%get3A_441] {strides = array<i32>} : memref<512xi32, #tpu.memory_space<vmem>>, vector<16xi32>,
    %shift_right_arithmetic3A_443 = arith.constant 1 : i32
    %shift_right_arithmetic3A_444 = vector.broadcast %shift_right_arithmetic3A_443 : i32 to vector<16xi32>
    %shift_right_arithmetic3A_445 = arith.shrsi %get3A_442, %shift_right_arithmetic3A_444 : vector<16xi32>
    %swap3A_446 = arith.constant 112 : index
    %swap3A_447 = tpu.vector_load %arg6[%swap3A_446] {strides = array<i32>} : memref<128xi32, #tpu.memory_space<vmem>>, vector<16xi32>,
    tpu.vector_store %arg6[%swap3A_446], %shift_right_arithmetic3A_445 {strides = array<i32>} : memref<128xi32, #tpu.memory_space<vmem>>, vector<16xi32>,
    %dma_start3A_448 = arith.constant 0 : i32
    %dma_start3A_449 = arith.constant 0 : i32
    %dma_start3A_450 = tpu.memref_slice %arg2[%dma_start3A_448, %dma_start3A_449] : memref<8192x128xf32, #tpu.memory_space<hbm>> -> memref<8192x128xf32, #tpu.memory_space<hbm>>
    tpu.enqueue_indirect_dma source(%dma_start3A_450 : memref<8192x128xf32, #tpu.memory_space<hbm>>) target(%arg7 : memref<128x128xf32, #tpu.memory_space<vmem>>) offsets(%arg6 : memref<128xi32, #tpu.memory_space<vmem>>) semaphore(%arg9 : memref<!tpu.dma_semaphore, #tpu.memory_space<semaphore_mem>>)
    %dma_wait3A_451 = arith.constant 0 : i32
    %dma_wait3A_452 = arith.constant 0 : i32
    %dma_wait3A_453 = tpu.memref_slice %arg2[%dma_wait3A_451, %dma_wait3A_452] : memref<8192x128xf32, #tpu.memory_space<hbm>> -> memref<8192x128xf32, #tpu.memory_space<hbm>>
    tpu.wait_indirect_dma semaphore(%arg9 : memref<!tpu.dma_semaphore, #tpu.memory_space<semaphore_mem>>) src(%dma_wait3A_453 : memref<8192x128xf32, #tpu.memory_space<hbm>>) dst(%arg7 : memref<128x128xf32, #tpu.memory_space<vmem>>)
    %get3A_454 = arith.constant 256 : index
    %get3A_455 = tpu.vector_load %arg5[%get3A_454] {strides = array<i32>} : memref<512xi32, #tpu.memory_space<vmem>>, vector<16xi32>,
    %and3A_456 = arith.constant 1 : i32
    %and3A_457 = vector.broadcast %and3A_456 : i32 to vector<16xi32>
    %and3A_458 = arith.andi %get3A_455, %and3A_457 : vector<16xi32>
    %mul3A_459 = arith.constant 64 : i32
    %mul3A_460 = vector.broadcast %mul3A_459 : i32 to vector<16xi32>
    %mul3A_461 = arith.muli %and3A_458, %mul3A_460 : vector<16xi32>
    %add3A_462 = arith.constant 0 : i32
    %add3A_463 = vector.broadcast %add3A_462 : i32 to vector<16xi32>
    %add3A_464 = arith.addi %add3A_463, %iota3A : vector<16xi32>
    %scan3A_465 = arith.constant 0 : i32
    %scan3A_466 = arith.constant 0 : i32
    %scan3A_467 = arith.constant 64 : i32
    %scan3A_468 = arith.addi %scan3A_466, %scan3A_467 : i32
    %scan3A_469 = arith.constant 1 : i32
    scf.for %scan3A_788 = %scan3A_466 to %scan3A_468 step %scan3A_469  : i32 {
      %add3A_789 = vector.broadcast %scan3A_788 : i32 to vector<16xi32>
      %add3A_790 = arith.addi %mul3A_461, %add3A_789 : vector<16xi32>
      %gather3A = tpu.vector_load_idx %arg7[%add3A_464, %add3A_790] : memref<128x128xf32, #tpu.memory_space<vmem>>[vector<16xi32>, vector<16xi32>], vector<16xf32>,
      %mul3A_791 = arith.constant 0 : i32
      %mul3A_792 = vector.broadcast %mul3A_791 : i32 to vector<16xi32>
      %mul3A_793 = arith.muli %iota3A, %mul3A_792 : vector<16xi32>
      %add3A_794 = vector.broadcast %scan3A_788 : i32 to vector<16xi32>
      %add3A_795 = arith.addi %mul3A_793, %add3A_794 : vector<16xi32>
      %add3A_796 = arith.constant 256 : i32
      %add3A_797 = vector.broadcast %add3A_796 : i32 to vector<16xi32>
      %add3A_798 = arith.addi %add3A_797, %add3A_464 : vector<16xi32>
      tpu.vector_store_idx %arg8[%add3A_795, %add3A_798], %gather3A : memref<64x512xf32, #tpu.memory_space<vmem>>[vector<16xi32>, vector<16xi32>], vector<16xf32>,
    }
    %scan3A_470 = arith.constant 64 : i32
    %get3A_471 = arith.constant 272 : index
    %get3A_472 = tpu.vector_load %arg5[%get3A_471] {strides = array<i32>} : memref<512xi32, #tpu.memory_space<vmem>>, vector<16xi32>,
    %and3A_473 = arith.constant 1 : i32
    %and3A_474 = vector.broadcast %and3A_473 : i32 to vector<16xi32>
    %and3A_475 = arith.andi %get3A_472, %and3A_474 : vector<16xi32>
    %mul3A_476 = arith.constant 64 : i32
    %mul3A_477 = vector.broadcast %mul3A_476 : i32 to vector<16xi32>
    %mul3A_478 = arith.muli %and3A_475, %mul3A_477 : vector<16xi32>
    %add3A_479 = arith.constant 16 : i32
    %add3A_480 = vector.broadcast %add3A_479 : i32 to vector<16xi32>
    %add3A_481 = arith.addi %add3A_480, %iota3A : vector<16xi32>
    %scan3A_482 = arith.constant 0 : i32
    %scan3A_483 = arith.constant 0 : i32
    %scan3A_484 = arith.constant 64 : i32
    %scan3A_485 = arith.addi %scan3A_483, %scan3A_484 : i32
    %scan3A_486 = arith.constant 1 : i32
    scf.for %scan3A_788 = %scan3A_483 to %scan3A_485 step %scan3A_486  : i32 {
      %add3A_789 = vector.broadcast %scan3A_788 : i32 to vector<16xi32>
      %add3A_790 = arith.addi %mul3A_478, %add3A_789 : vector<16xi32>
      %gather3A = tpu.vector_load_idx %arg7[%add3A_481, %add3A_790] : memref<128x128xf32, #tpu.memory_space<vmem>>[vector<16xi32>, vector<16xi32>], vector<16xf32>,
      %mul3A_791 = arith.constant 0 : i32
      %mul3A_792 = vector.broadcast %mul3A_791 : i32 to vector<16xi32>
      %mul3A_793 = arith.muli %iota3A, %mul3A_792 : vector<16xi32>
      %add3A_794 = vector.broadcast %scan3A_788 : i32 to vector<16xi32>
      %add3A_795 = arith.addi %mul3A_793, %add3A_794 : vector<16xi32>
      %add3A_796 = arith.constant 256 : i32
      %add3A_797 = vector.broadcast %add3A_796 : i32 to vector<16xi32>
      %add3A_798 = arith.addi %add3A_797, %add3A_481 : vector<16xi32>
      tpu.vector_store_idx %arg8[%add3A_795, %add3A_798], %gather3A : memref<64x512xf32, #tpu.memory_space<vmem>>[vector<16xi32>, vector<16xi32>], vector<16xf32>,
    }
    %scan3A_487 = arith.constant 64 : i32
    %get3A_488 = arith.constant 288 : index
    %get3A_489 = tpu.vector_load %arg5[%get3A_488] {strides = array<i32>} : memref<512xi32, #tpu.memory_space<vmem>>, vector<16xi32>,
    %and3A_490 = arith.constant 1 : i32
    %and3A_491 = vector.broadcast %and3A_490 : i32 to vector<16xi32>
    %and3A_492 = arith.andi %get3A_489, %and3A_491 : vector<16xi32>
    %mul3A_493 = arith.constant 64 : i32
    %mul3A_494 = vector.broadcast %mul3A_493 : i32 to vector<16xi32>
    %mul3A_495 = arith.muli %and3A_492, %mul3A_494 : vector<16xi32>
    %add3A_496 = arith.constant 32 : i32
    %add3A_497 = vector.broadcast %add3A_496 : i32 to vector<16xi32>
    %add3A_498 = arith.addi %add3A_497, %iota3A : vector<16xi32>
    %scan3A_499 = arith.constant 0 : i32
    %scan3A_500 = arith.constant 0 : i32
    %scan3A_501 = arith.constant 64 : i32
    %scan3A_502 = arith.addi %scan3A_500, %scan3A_501 : i32
    %scan3A_503 = arith.constant 1 : i32
    scf.for %scan3A_788 = %scan3A_500 to %scan3A_502 step %scan3A_503  : i32 {
      %add3A_789 = vector.broadcast %scan3A_788 : i32 to vector<16xi32>
      %add3A_790 = arith.addi %mul3A_495, %add3A_789 : vector<16xi32>
      %gather3A = tpu.vector_load_idx %arg7[%add3A_498, %add3A_790] : memref<128x128xf32, #tpu.memory_space<vmem>>[vector<16xi32>, vector<16xi32>], vector<16xf32>,
      %mul3A_791 = arith.constant 0 : i32
      %mul3A_792 = vector.broadcast %mul3A_791 : i32 to vector<16xi32>
      %mul3A_793 = arith.muli %iota3A, %mul3A_792 : vector<16xi32>
      %add3A_794 = vector.broadcast %scan3A_788 : i32 to vector<16xi32>
      %add3A_795 = arith.addi %mul3A_793, %add3A_794 : vector<16xi32>
      %add3A_796 = arith.constant 256 : i32
      %add3A_797 = vector.broadcast %add3A_796 : i32 to vector<16xi32>
      %add3A_798 = arith.addi %add3A_797, %add3A_498 : vector<16xi32>
      tpu.vector_store_idx %arg8[%add3A_795, %add3A_798], %gather3A : memref<64x512xf32, #tpu.memory_space<vmem>>[vector<16xi32>, vector<16xi32>], vector<16xf32>,
    }
    %scan3A_504 = arith.constant 64 : i32
    %get3A_505 = arith.constant 304 : index
    %get3A_506 = tpu.vector_load %arg5[%get3A_505] {strides = array<i32>} : memref<512xi32, #tpu.memory_space<vmem>>, vector<16xi32>,
    %and3A_507 = arith.constant 1 : i32
    %and3A_508 = vector.broadcast %and3A_507 : i32 to vector<16xi32>
    %and3A_509 = arith.andi %get3A_506, %and3A_508 : vector<16xi32>
    %mul3A_510 = arith.constant 64 : i32
    %mul3A_511 = vector.broadcast %mul3A_510 : i32 to vector<16xi32>
    %mul3A_512 = arith.muli %and3A_509, %mul3A_511 : vector<16xi32>
    %add3A_513 = arith.constant 48 : i32
    %add3A_514 = vector.broadcast %add3A_513 : i32 to vector<16xi32>
    %add3A_515 = arith.addi %add3A_514, %iota3A : vector<16xi32>
    %scan3A_516 = arith.constant 0 : i32
    %scan3A_517 = arith.constant 0 : i32
    %scan3A_518 = arith.constant 64 : i32
    %scan3A_519 = arith.addi %scan3A_517, %scan3A_518 : i32
    %scan3A_520 = arith.constant 1 : i32
    scf.for %scan3A_788 = %scan3A_517 to %scan3A_519 step %scan3A_520  : i32 {
      %add3A_789 = vector.broadcast %scan3A_788 : i32 to vector<16xi32>
      %add3A_790 = arith.addi %mul3A_512, %add3A_789 : vector<16xi32>
      %gather3A = tpu.vector_load_idx %arg7[%add3A_515, %add3A_790] : memref<128x128xf32, #tpu.memory_space<vmem>>[vector<16xi32>, vector<16xi32>], vector<16xf32>,
      %mul3A_791 = arith.constant 0 : i32
      %mul3A_792 = vector.broadcast %mul3A_791 : i32 to vector<16xi32>
      %mul3A_793 = arith.muli %iota3A, %mul3A_792 : vector<16xi32>
      %add3A_794 = vector.broadcast %scan3A_788 : i32 to vector<16xi32>
      %add3A_795 = arith.addi %mul3A_793, %add3A_794 : vector<16xi32>
      %add3A_796 = arith.constant 256 : i32
      %add3A_797 = vector.broadcast %add3A_796 : i32 to vector<16xi32>
      %add3A_798 = arith.addi %add3A_797, %add3A_515 : vector<16xi32>
      tpu.vector_store_idx %arg8[%add3A_795, %add3A_798], %gather3A : memref<64x512xf32, #tpu.memory_space<vmem>>[vector<16xi32>, vector<16xi32>], vector<16xf32>,
    }
    %scan3A_521 = arith.constant 64 : i32
    %get3A_522 = arith.constant 320 : index
    %get3A_523 = tpu.vector_load %arg5[%get3A_522] {strides = array<i32>} : memref<512xi32, #tpu.memory_space<vmem>>, vector<16xi32>,
    %and3A_524 = arith.constant 1 : i32
    %and3A_525 = vector.broadcast %and3A_524 : i32 to vector<16xi32>
    %and3A_526 = arith.andi %get3A_523, %and3A_525 : vector<16xi32>
    %mul3A_527 = arith.constant 64 : i32
    %mul3A_528 = vector.broadcast %mul3A_527 : i32 to vector<16xi32>
    %mul3A_529 = arith.muli %and3A_526, %mul3A_528 : vector<16xi32>
    %add3A_530 = arith.constant 64 : i32
    %add3A_531 = vector.broadcast %add3A_530 : i32 to vector<16xi32>
    %add3A_532 = arith.addi %add3A_531, %iota3A : vector<16xi32>
    %scan3A_533 = arith.constant 0 : i32
    %scan3A_534 = arith.constant 0 : i32
    %scan3A_535 = arith.constant 64 : i32
    %scan3A_536 = arith.addi %scan3A_534, %scan3A_535 : i32
    %scan3A_537 = arith.constant 1 : i32
    scf.for %scan3A_788 = %scan3A_534 to %scan3A_536 step %scan3A_537  : i32 {
      %add3A_789 = vector.broadcast %scan3A_788 : i32 to vector<16xi32>
      %add3A_790 = arith.addi %mul3A_529, %add3A_789 : vector<16xi32>
      %gather3A = tpu.vector_load_idx %arg7[%add3A_532, %add3A_790] : memref<128x128xf32, #tpu.memory_space<vmem>>[vector<16xi32>, vector<16xi32>], vector<16xf32>,
      %mul3A_791 = arith.constant 0 : i32
      %mul3A_792 = vector.broadcast %mul3A_791 : i32 to vector<16xi32>
      %mul3A_793 = arith.muli %iota3A, %mul3A_792 : vector<16xi32>
      %add3A_794 = vector.broadcast %scan3A_788 : i32 to vector<16xi32>
      %add3A_795 = arith.addi %mul3A_793, %add3A_794 : vector<16xi32>
      %add3A_796 = arith.constant 256 : i32
      %add3A_797 = vector.broadcast %add3A_796 : i32 to vector<16xi32>
      %add3A_798 = arith.addi %add3A_797, %add3A_532 : vector<16xi32>
      tpu.vector_store_idx %arg8[%add3A_795, %add3A_798], %gather3A : memref<64x512xf32, #tpu.memory_space<vmem>>[vector<16xi32>, vector<16xi32>], vector<16xf32>,
    }
    %scan3A_538 = arith.constant 64 : i32
    %get3A_539 = arith.constant 336 : index
    %get3A_540 = tpu.vector_load %arg5[%get3A_539] {strides = array<i32>} : memref<512xi32, #tpu.memory_space<vmem>>, vector<16xi32>,
    %and3A_541 = arith.constant 1 : i32
    %and3A_542 = vector.broadcast %and3A_541 : i32 to vector<16xi32>
    %and3A_543 = arith.andi %get3A_540, %and3A_542 : vector<16xi32>
    %mul3A_544 = arith.constant 64 : i32
    %mul3A_545 = vector.broadcast %mul3A_544 : i32 to vector<16xi32>
    %mul3A_546 = arith.muli %and3A_543, %mul3A_545 : vector<16xi32>
    %add3A_547 = arith.constant 80 : i32
    %add3A_548 = vector.broadcast %add3A_547 : i32 to vector<16xi32>
    %add3A_549 = arith.addi %add3A_548, %iota3A : vector<16xi32>
    %scan3A_550 = arith.constant 0 : i32
    %scan3A_551 = arith.constant 0 : i32
    %scan3A_552 = arith.constant 64 : i32
    %scan3A_553 = arith.addi %scan3A_551, %scan3A_552 : i32
    %scan3A_554 = arith.constant 1 : i32
    scf.for %scan3A_788 = %scan3A_551 to %scan3A_553 step %scan3A_554  : i32 {
      %add3A_789 = vector.broadcast %scan3A_788 : i32 to vector<16xi32>
      %add3A_790 = arith.addi %mul3A_546, %add3A_789 : vector<16xi32>
      %gather3A = tpu.vector_load_idx %arg7[%add3A_549, %add3A_790] : memref<128x128xf32, #tpu.memory_space<vmem>>[vector<16xi32>, vector<16xi32>], vector<16xf32>,
      %mul3A_791 = arith.constant 0 : i32
      %mul3A_792 = vector.broadcast %mul3A_791 : i32 to vector<16xi32>
      %mul3A_793 = arith.muli %iota3A, %mul3A_792 : vector<16xi32>
      %add3A_794 = vector.broadcast %scan3A_788 : i32 to vector<16xi32>
      %add3A_795 = arith.addi %mul3A_793, %add3A_794 : vector<16xi32>
      %add3A_796 = arith.constant 256 : i32
      %add3A_797 = vector.broadcast %add3A_796 : i32 to vector<16xi32>
      %add3A_798 = arith.addi %add3A_797, %add3A_549 : vector<16xi32>
      tpu.vector_store_idx %arg8[%add3A_795, %add3A_798], %gather3A : memref<64x512xf32, #tpu.memory_space<vmem>>[vector<16xi32>, vector<16xi32>], vector<16xf32>,
    }
    %scan3A_555 = arith.constant 64 : i32
    %get3A_556 = arith.constant 352 : index
    %get3A_557 = tpu.vector_load %arg5[%get3A_556] {strides = array<i32>} : memref<512xi32, #tpu.memory_space<vmem>>, vector<16xi32>,
    %and3A_558 = arith.constant 1 : i32
    %and3A_559 = vector.broadcast %and3A_558 : i32 to vector<16xi32>
    %and3A_560 = arith.andi %get3A_557, %and3A_559 : vector<16xi32>
    %mul3A_561 = arith.constant 64 : i32
    %mul3A_562 = vector.broadcast %mul3A_561 : i32 to vector<16xi32>
    %mul3A_563 = arith.muli %and3A_560, %mul3A_562 : vector<16xi32>
    %add3A_564 = arith.constant 96 : i32
    %add3A_565 = vector.broadcast %add3A_564 : i32 to vector<16xi32>
    %add3A_566 = arith.addi %add3A_565, %iota3A : vector<16xi32>
    %scan3A_567 = arith.constant 0 : i32
    %scan3A_568 = arith.constant 0 : i32
    %scan3A_569 = arith.constant 64 : i32
    %scan3A_570 = arith.addi %scan3A_568, %scan3A_569 : i32
    %scan3A_571 = arith.constant 1 : i32
    scf.for %scan3A_788 = %scan3A_568 to %scan3A_570 step %scan3A_571  : i32 {
      %add3A_789 = vector.broadcast %scan3A_788 : i32 to vector<16xi32>
      %add3A_790 = arith.addi %mul3A_563, %add3A_789 : vector<16xi32>
      %gather3A = tpu.vector_load_idx %arg7[%add3A_566, %add3A_790] : memref<128x128xf32, #tpu.memory_space<vmem>>[vector<16xi32>, vector<16xi32>], vector<16xf32>,
      %mul3A_791 = arith.constant 0 : i32
      %mul3A_792 = vector.broadcast %mul3A_791 : i32 to vector<16xi32>
      %mul3A_793 = arith.muli %iota3A, %mul3A_792 : vector<16xi32>
      %add3A_794 = vector.broadcast %scan3A_788 : i32 to vector<16xi32>
      %add3A_795 = arith.addi %mul3A_793, %add3A_794 : vector<16xi32>
      %add3A_796 = arith.constant 256 : i32
      %add3A_797 = vector.broadcast %add3A_796 : i32 to vector<16xi32>
      %add3A_798 = arith.addi %add3A_797, %add3A_566 : vector<16xi32>
      tpu.vector_store_idx %arg8[%add3A_795, %add3A_798], %gather3A : memref<64x512xf32, #tpu.memory_space<vmem>>[vector<16xi32>, vector<16xi32>], vector<16xf32>,
    }
    %scan3A_572 = arith.constant 64 : i32
    %get3A_573 = arith.constant 368 : index
    %get3A_574 = tpu.vector_load %arg5[%get3A_573] {strides = array<i32>} : memref<512xi32, #tpu.memory_space<vmem>>, vector<16xi32>,
    %and3A_575 = arith.constant 1 : i32
    %and3A_576 = vector.broadcast %and3A_575 : i32 to vector<16xi32>
    %and3A_577 = arith.andi %get3A_574, %and3A_576 : vector<16xi32>
    %mul3A_578 = arith.constant 64 : i32
    %mul3A_579 = vector.broadcast %mul3A_578 : i32 to vector<16xi32>
    %mul3A_580 = arith.muli %and3A_577, %mul3A_579 : vector<16xi32>
    %add3A_581 = arith.constant 112 : i32
    %add3A_582 = vector.broadcast %add3A_581 : i32 to vector<16xi32>
    %add3A_583 = arith.addi %add3A_582, %iota3A : vector<16xi32>
    %scan3A_584 = arith.constant 0 : i32
    %scan3A_585 = arith.constant 0 : i32
    %scan3A_586 = arith.constant 64 : i32
    %scan3A_587 = arith.addi %scan3A_585, %scan3A_586 : i32
    %scan3A_588 = arith.constant 1 : i32
    scf.for %scan3A_788 = %scan3A_585 to %scan3A_587 step %scan3A_588  : i32 {
      %add3A_789 = vector.broadcast %scan3A_788 : i32 to vector<16xi32>
      %add3A_790 = arith.addi %mul3A_580, %add3A_789 : vector<16xi32>
      %gather3A = tpu.vector_load_idx %arg7[%add3A_583, %add3A_790] : memref<128x128xf32, #tpu.memory_space<vmem>>[vector<16xi32>, vector<16xi32>], vector<16xf32>,
      %mul3A_791 = arith.constant 0 : i32
      %mul3A_792 = vector.broadcast %mul3A_791 : i32 to vector<16xi32>
      %mul3A_793 = arith.muli %iota3A, %mul3A_792 : vector<16xi32>
      %add3A_794 = vector.broadcast %scan3A_788 : i32 to vector<16xi32>
      %add3A_795 = arith.addi %mul3A_793, %add3A_794 : vector<16xi32>
      %add3A_796 = arith.constant 256 : i32
      %add3A_797 = vector.broadcast %add3A_796 : i32 to vector<16xi32>
      %add3A_798 = arith.addi %add3A_797, %add3A_583 : vector<16xi32>
      tpu.vector_store_idx %arg8[%add3A_795, %add3A_798], %gather3A : memref<64x512xf32, #tpu.memory_space<vmem>>[vector<16xi32>, vector<16xi32>], vector<16xf32>,
    }
    %scan3A_589 = arith.constant 64 : i32
    %get3A_590 = arith.constant 384 : index
    %get3A_591 = tpu.vector_load %arg5[%get3A_590] {strides = array<i32>} : memref<512xi32, #tpu.memory_space<vmem>>, vector<16xi32>,
    %shift_right_arithmetic3A_592 = arith.constant 1 : i32
    %shift_right_arithmetic3A_593 = vector.broadcast %shift_right_arithmetic3A_592 : i32 to vector<16xi32>
    %shift_right_arithmetic3A_594 = arith.shrsi %get3A_591, %shift_right_arithmetic3A_593 : vector<16xi32>
    %swap3A_595 = arith.constant 0 : index
    %swap3A_596 = tpu.vector_load %arg6[%swap3A_595] {strides = array<i32>} : memref<128xi32, #tpu.memory_space<vmem>>, vector<16xi32>,
    tpu.vector_store %arg6[%swap3A_595], %shift_right_arithmetic3A_594 {strides = array<i32>} : memref<128xi32, #tpu.memory_space<vmem>>, vector<16xi32>,
    %get3A_597 = arith.constant 400 : index
    %get3A_598 = tpu.vector_load %arg5[%get3A_597] {strides = array<i32>} : memref<512xi32, #tpu.memory_space<vmem>>, vector<16xi32>,
    %shift_right_arithmetic3A_599 = arith.constant 1 : i32
    %shift_right_arithmetic3A_600 = vector.broadcast %shift_right_arithmetic3A_599 : i32 to vector<16xi32>
    %shift_right_arithmetic3A_601 = arith.shrsi %get3A_598, %shift_right_arithmetic3A_600 : vector<16xi32>
    %swap3A_602 = arith.constant 16 : index
    %swap3A_603 = tpu.vector_load %arg6[%swap3A_602] {strides = array<i32>} : memref<128xi32, #tpu.memory_space<vmem>>, vector<16xi32>,
    tpu.vector_store %arg6[%swap3A_602], %shift_right_arithmetic3A_601 {strides = array<i32>} : memref<128xi32, #tpu.memory_space<vmem>>, vector<16xi32>,
    %get3A_604 = arith.constant 416 : index
    %get3A_605 = tpu.vector_load %arg5[%get3A_604] {strides = array<i32>} : memref<512xi32, #tpu.memory_space<vmem>>, vector<16xi32>,
    %shift_right_arithmetic3A_606 = arith.constant 1 : i32
    %shift_right_arithmetic3A_607 = vector.broadcast %shift_right_arithmetic3A_606 : i32 to vector<16xi32>
    %shift_right_arithmetic3A_608 = arith.shrsi %get3A_605, %shift_right_arithmetic3A_607 : vector<16xi32>
    %swap3A_609 = arith.constant 32 : index
    %swap3A_610 = tpu.vector_load %arg6[%swap3A_609] {strides = array<i32>} : memref<128xi32, #tpu.memory_space<vmem>>, vector<16xi32>,
    tpu.vector_store %arg6[%swap3A_609], %shift_right_arithmetic3A_608 {strides = array<i32>} : memref<128xi32, #tpu.memory_space<vmem>>, vector<16xi32>,
    %get3A_611 = arith.constant 432 : index
    %get3A_612 = tpu.vector_load %arg5[%get3A_611] {strides = array<i32>} : memref<512xi32, #tpu.memory_space<vmem>>, vector<16xi32>,
    %shift_right_arithmetic3A_613 = arith.constant 1 : i32
    %shift_right_arithmetic3A_614 = vector.broadcast %shift_right_arithmetic3A_613 : i32 to vector<16xi32>
    %shift_right_arithmetic3A_615 = arith.shrsi %get3A_612, %shift_right_arithmetic3A_614 : vector<16xi32>
    %swap3A_616 = arith.constant 48 : index
    %swap3A_617 = tpu.vector_load %arg6[%swap3A_616] {strides = array<i32>} : memref<128xi32, #tpu.memory_space<vmem>>, vector<16xi32>,
    tpu.vector_store %arg6[%swap3A_616], %shift_right_arithmetic3A_615 {strides = array<i32>} : memref<128xi32, #tpu.memory_space<vmem>>, vector<16xi32>,
    %get3A_618 = arith.constant 448 : index
    %get3A_619 = tpu.vector_load %arg5[%get3A_618] {strides = array<i32>} : memref<512xi32, #tpu.memory_space<vmem>>, vector<16xi32>,
    %shift_right_arithmetic3A_620 = arith.constant 1 : i32
    %shift_right_arithmetic3A_621 = vector.broadcast %shift_right_arithmetic3A_620 : i32 to vector<16xi32>
    %shift_right_arithmetic3A_622 = arith.shrsi %get3A_619, %shift_right_arithmetic3A_621 : vector<16xi32>
    %swap3A_623 = arith.constant 64 : index
    %swap3A_624 = tpu.vector_load %arg6[%swap3A_623] {strides = array<i32>} : memref<128xi32, #tpu.memory_space<vmem>>, vector<16xi32>,
    tpu.vector_store %arg6[%swap3A_623], %shift_right_arithmetic3A_622 {strides = array<i32>} : memref<128xi32, #tpu.memory_space<vmem>>, vector<16xi32>,
    %get3A_625 = arith.constant 464 : index
    %get3A_626 = tpu.vector_load %arg5[%get3A_625] {strides = array<i32>} : memref<512xi32, #tpu.memory_space<vmem>>, vector<16xi32>,
    %shift_right_arithmetic3A_627 = arith.constant 1 : i32
    %shift_right_arithmetic3A_628 = vector.broadcast %shift_right_arithmetic3A_627 : i32 to vector<16xi32>
    %shift_right_arithmetic3A_629 = arith.shrsi %get3A_626, %shift_right_arithmetic3A_628 : vector<16xi32>
    %swap3A_630 = arith.constant 80 : index
    %swap3A_631 = tpu.vector_load %arg6[%swap3A_630] {strides = array<i32>} : memref<128xi32, #tpu.memory_space<vmem>>, vector<16xi32>,
    tpu.vector_store %arg6[%swap3A_630], %shift_right_arithmetic3A_629 {strides = array<i32>} : memref<128xi32, #tpu.memory_space<vmem>>, vector<16xi32>,
    %get3A_632 = arith.constant 480 : index
    %get3A_633 = tpu.vector_load %arg5[%get3A_632] {strides = array<i32>} : memref<512xi32, #tpu.memory_space<vmem>>, vector<16xi32>,
    %shift_right_arithmetic3A_634 = arith.constant 1 : i32
    %shift_right_arithmetic3A_635 = vector.broadcast %shift_right_arithmetic3A_634 : i32 to vector<16xi32>
    %shift_right_arithmetic3A_636 = arith.shrsi %get3A_633, %shift_right_arithmetic3A_635 : vector<16xi32>
    %swap3A_637 = arith.constant 96 : index
    %swap3A_638 = tpu.vector_load %arg6[%swap3A_637] {strides = array<i32>} : memref<128xi32, #tpu.memory_space<vmem>>, vector<16xi32>,
    tpu.vector_store %arg6[%swap3A_637], %shift_right_arithmetic3A_636 {strides = array<i32>} : memref<128xi32, #tpu.memory_space<vmem>>, vector<16xi32>,
    %get3A_639 = arith.constant 496 : index
    %get3A_640 = tpu.vector_load %arg5[%get3A_639] {strides = array<i32>} : memref<512xi32, #tpu.memory_space<vmem>>, vector<16xi32>,
    %shift_right_arithmetic3A_641 = arith.constant 1 : i32
    %shift_right_arithmetic3A_642 = vector.broadcast %shift_right_arithmetic3A_641 : i32 to vector<16xi32>
    %shift_right_arithmetic3A_643 = arith.shrsi %get3A_640, %shift_right_arithmetic3A_642 : vector<16xi32>
    %swap3A_644 = arith.constant 112 : index
    %swap3A_645 = tpu.vector_load %arg6[%swap3A_644] {strides = array<i32>} : memref<128xi32, #tpu.memory_space<vmem>>, vector<16xi32>,
    tpu.vector_store %arg6[%swap3A_644], %shift_right_arithmetic3A_643 {strides = array<i32>} : memref<128xi32, #tpu.memory_space<vmem>>, vector<16xi32>,
    %dma_start3A_646 = arith.constant 0 : i32
    %dma_start3A_647 = arith.constant 0 : i32
    %dma_start3A_648 = tpu.memref_slice %arg2[%dma_start3A_646, %dma_start3A_647] : memref<8192x128xf32, #tpu.memory_space<hbm>> -> memref<8192x128xf32, #tpu.memory_space<hbm>>
    tpu.enqueue_indirect_dma source(%dma_start3A_648 : memref<8192x128xf32, #tpu.memory_space<hbm>>) target(%arg7 : memref<128x128xf32, #tpu.memory_space<vmem>>) offsets(%arg6 : memref<128xi32, #tpu.memory_space<vmem>>) semaphore(%arg9 : memref<!tpu.dma_semaphore, #tpu.memory_space<semaphore_mem>>)
    %dma_wait3A_649 = arith.constant 0 : i32
    %dma_wait3A_650 = arith.constant 0 : i32
    %dma_wait3A_651 = tpu.memref_slice %arg2[%dma_wait3A_649, %dma_wait3A_650] : memref<8192x128xf32, #tpu.memory_space<hbm>> -> memref<8192x128xf32, #tpu.memory_space<hbm>>
    tpu.wait_indirect_dma semaphore(%arg9 : memref<!tpu.dma_semaphore, #tpu.memory_space<semaphore_mem>>) src(%dma_wait3A_651 : memref<8192x128xf32, #tpu.memory_space<hbm>>) dst(%arg7 : memref<128x128xf32, #tpu.memory_space<vmem>>)
    %get3A_652 = arith.constant 384 : index
    %get3A_653 = tpu.vector_load %arg5[%get3A_652] {strides = array<i32>} : memref<512xi32, #tpu.memory_space<vmem>>, vector<16xi32>,
    %and3A_654 = arith.constant 1 : i32
    %and3A_655 = vector.broadcast %and3A_654 : i32 to vector<16xi32>
    %and3A_656 = arith.andi %get3A_653, %and3A_655 : vector<16xi32>
    %mul3A_657 = arith.constant 64 : i32
    %mul3A_658 = vector.broadcast %mul3A_657 : i32 to vector<16xi32>
    %mul3A_659 = arith.muli %and3A_656, %mul3A_658 : vector<16xi32>
    %add3A_660 = arith.constant 0 : i32
    %add3A_661 = vector.broadcast %add3A_660 : i32 to vector<16xi32>
    %add3A_662 = arith.addi %add3A_661, %iota3A : vector<16xi32>
    %scan3A_663 = arith.constant 0 : i32
    %scan3A_664 = arith.constant 0 : i32
    %scan3A_665 = arith.constant 64 : i32
    %scan3A_666 = arith.addi %scan3A_664, %scan3A_665 : i32
    %scan3A_667 = arith.constant 1 : i32
    scf.for %scan3A_788 = %scan3A_664 to %scan3A_666 step %scan3A_667  : i32 {
      %add3A_789 = vector.broadcast %scan3A_788 : i32 to vector<16xi32>
      %add3A_790 = arith.addi %mul3A_659, %add3A_789 : vector<16xi32>
      %gather3A = tpu.vector_load_idx %arg7[%add3A_662, %add3A_790] : memref<128x128xf32, #tpu.memory_space<vmem>>[vector<16xi32>, vector<16xi32>], vector<16xf32>,
      %mul3A_791 = arith.constant 0 : i32
      %mul3A_792 = vector.broadcast %mul3A_791 : i32 to vector<16xi32>
      %mul3A_793 = arith.muli %iota3A, %mul3A_792 : vector<16xi32>
      %add3A_794 = vector.broadcast %scan3A_788 : i32 to vector<16xi32>
      %add3A_795 = arith.addi %mul3A_793, %add3A_794 : vector<16xi32>
      %add3A_796 = arith.constant 384 : i32
      %add3A_797 = vector.broadcast %add3A_796 : i32 to vector<16xi32>
      %add3A_798 = arith.addi %add3A_797, %add3A_662 : vector<16xi32>
      tpu.vector_store_idx %arg8[%add3A_795, %add3A_798], %gather3A : memref<64x512xf32, #tpu.memory_space<vmem>>[vector<16xi32>, vector<16xi32>], vector<16xf32>,
    }
    %scan3A_668 = arith.constant 64 : i32
    %get3A_669 = arith.constant 400 : index
    %get3A_670 = tpu.vector_load %arg5[%get3A_669] {strides = array<i32>} : memref<512xi32, #tpu.memory_space<vmem>>, vector<16xi32>,
    %and3A_671 = arith.constant 1 : i32
    %and3A_672 = vector.broadcast %and3A_671 : i32 to vector<16xi32>
    %and3A_673 = arith.andi %get3A_670, %and3A_672 : vector<16xi32>
    %mul3A_674 = arith.constant 64 : i32
    %mul3A_675 = vector.broadcast %mul3A_674 : i32 to vector<16xi32>
    %mul3A_676 = arith.muli %and3A_673, %mul3A_675 : vector<16xi32>
    %add3A_677 = arith.constant 16 : i32
    %add3A_678 = vector.broadcast %add3A_677 : i32 to vector<16xi32>
    %add3A_679 = arith.addi %add3A_678, %iota3A : vector<16xi32>
    %scan3A_680 = arith.constant 0 : i32
    %scan3A_681 = arith.constant 0 : i32
    %scan3A_682 = arith.constant 64 : i32
    %scan3A_683 = arith.addi %scan3A_681, %scan3A_682 : i32
    %scan3A_684 = arith.constant 1 : i32
    scf.for %scan3A_788 = %scan3A_681 to %scan3A_683 step %scan3A_684  : i32 {
      %add3A_789 = vector.broadcast %scan3A_788 : i32 to vector<16xi32>
      %add3A_790 = arith.addi %mul3A_676, %add3A_789 : vector<16xi32>
      %gather3A = tpu.vector_load_idx %arg7[%add3A_679, %add3A_790] : memref<128x128xf32, #tpu.memory_space<vmem>>[vector<16xi32>, vector<16xi32>], vector<16xf32>,
      %mul3A_791 = arith.constant 0 : i32
      %mul3A_792 = vector.broadcast %mul3A_791 : i32 to vector<16xi32>
      %mul3A_793 = arith.muli %iota3A, %mul3A_792 : vector<16xi32>
      %add3A_794 = vector.broadcast %scan3A_788 : i32 to vector<16xi32>
      %add3A_795 = arith.addi %mul3A_793, %add3A_794 : vector<16xi32>
      %add3A_796 = arith.constant 384 : i32
      %add3A_797 = vector.broadcast %add3A_796 : i32 to vector<16xi32>
      %add3A_798 = arith.addi %add3A_797, %add3A_679 : vector<16xi32>
      tpu.vector_store_idx %arg8[%add3A_795, %add3A_798], %gather3A : memref<64x512xf32, #tpu.memory_space<vmem>>[vector<16xi32>, vector<16xi32>], vector<16xf32>,
    }
    %scan3A_685 = arith.constant 64 : i32
    %get3A_686 = arith.constant 416 : index
    %get3A_687 = tpu.vector_load %arg5[%get3A_686] {strides = array<i32>} : memref<512xi32, #tpu.memory_space<vmem>>, vector<16xi32>,
    %and3A_688 = arith.constant 1 : i32
    %and3A_689 = vector.broadcast %and3A_688 : i32 to vector<16xi32>
    %and3A_690 = arith.andi %get3A_687, %and3A_689 : vector<16xi32>
    %mul3A_691 = arith.constant 64 : i32
    %mul3A_692 = vector.broadcast %mul3A_691 : i32 to vector<16xi32>
    %mul3A_693 = arith.muli %and3A_690, %mul3A_692 : vector<16xi32>
    %add3A_694 = arith.constant 32 : i32
    %add3A_695 = vector.broadcast %add3A_694 : i32 to vector<16xi32>
    %add3A_696 = arith.addi %add3A_695, %iota3A : vector<16xi32>
    %scan3A_697 = arith.constant 0 : i32
    %scan3A_698 = arith.constant 0 : i32
    %scan3A_699 = arith.constant 64 : i32
    %scan3A_700 = arith.addi %scan3A_698, %scan3A_699 : i32
    %scan3A_701 = arith.constant 1 : i32
    scf.for %scan3A_788 = %scan3A_698 to %scan3A_700 step %scan3A_701  : i32 {
      %add3A_789 = vector.broadcast %scan3A_788 : i32 to vector<16xi32>
      %add3A_790 = arith.addi %mul3A_693, %add3A_789 : vector<16xi32>
      %gather3A = tpu.vector_load_idx %arg7[%add3A_696, %add3A_790] : memref<128x128xf32, #tpu.memory_space<vmem>>[vector<16xi32>, vector<16xi32>], vector<16xf32>,
      %mul3A_791 = arith.constant 0 : i32
      %mul3A_792 = vector.broadcast %mul3A_791 : i32 to vector<16xi32>
      %mul3A_793 = arith.muli %iota3A, %mul3A_792 : vector<16xi32>
      %add3A_794 = vector.broadcast %scan3A_788 : i32 to vector<16xi32>
      %add3A_795 = arith.addi %mul3A_793, %add3A_794 : vector<16xi32>
      %add3A_796 = arith.constant 384 : i32
      %add3A_797 = vector.broadcast %add3A_796 : i32 to vector<16xi32>
      %add3A_798 = arith.addi %add3A_797, %add3A_696 : vector<16xi32>
      tpu.vector_store_idx %arg8[%add3A_795, %add3A_798], %gather3A : memref<64x512xf32, #tpu.memory_space<vmem>>[vector<16xi32>, vector<16xi32>], vector<16xf32>,
    }
    %scan3A_702 = arith.constant 64 : i32
    %get3A_703 = arith.constant 432 : index
    %get3A_704 = tpu.vector_load %arg5[%get3A_703] {strides = array<i32>} : memref<512xi32, #tpu.memory_space<vmem>>, vector<16xi32>,
    %and3A_705 = arith.constant 1 : i32
    %and3A_706 = vector.broadcast %and3A_705 : i32 to vector<16xi32>
    %and3A_707 = arith.andi %get3A_704, %and3A_706 : vector<16xi32>
    %mul3A_708 = arith.constant 64 : i32
    %mul3A_709 = vector.broadcast %mul3A_708 : i32 to vector<16xi32>
    %mul3A_710 = arith.muli %and3A_707, %mul3A_709 : vector<16xi32>
    %add3A_711 = arith.constant 48 : i32
    %add3A_712 = vector.broadcast %add3A_711 : i32 to vector<16xi32>
    %add3A_713 = arith.addi %add3A_712, %iota3A : vector<16xi32>
    %scan3A_714 = arith.constant 0 : i32
    %scan3A_715 = arith.constant 0 : i32
    %scan3A_716 = arith.constant 64 : i32
    %scan3A_717 = arith.addi %scan3A_715, %scan3A_716 : i32
    %scan3A_718 = arith.constant 1 : i32
    scf.for %scan3A_788 = %scan3A_715 to %scan3A_717 step %scan3A_718  : i32 {
      %add3A_789 = vector.broadcast %scan3A_788 : i32 to vector<16xi32>
      %add3A_790 = arith.addi %mul3A_710, %add3A_789 : vector<16xi32>
      %gather3A = tpu.vector_load_idx %arg7[%add3A_713, %add3A_790] : memref<128x128xf32, #tpu.memory_space<vmem>>[vector<16xi32>, vector<16xi32>], vector<16xf32>,
      %mul3A_791 = arith.constant 0 : i32
      %mul3A_792 = vector.broadcast %mul3A_791 : i32 to vector<16xi32>
      %mul3A_793 = arith.muli %iota3A, %mul3A_792 : vector<16xi32>
      %add3A_794 = vector.broadcast %scan3A_788 : i32 to vector<16xi32>
      %add3A_795 = arith.addi %mul3A_793, %add3A_794 : vector<16xi32>
      %add3A_796 = arith.constant 384 : i32
      %add3A_797 = vector.broadcast %add3A_796 : i32 to vector<16xi32>
      %add3A_798 = arith.addi %add3A_797, %add3A_713 : vector<16xi32>
      tpu.vector_store_idx %arg8[%add3A_795, %add3A_798], %gather3A : memref<64x512xf32, #tpu.memory_space<vmem>>[vector<16xi32>, vector<16xi32>], vector<16xf32>,
    }
    %scan3A_719 = arith.constant 64 : i32
    %get3A_720 = arith.constant 448 : index
    %get3A_721 = tpu.vector_load %arg5[%get3A_720] {strides = array<i32>} : memref<512xi32, #tpu.memory_space<vmem>>, vector<16xi32>,
    %and3A_722 = arith.constant 1 : i32
    %and3A_723 = vector.broadcast %and3A_722 : i32 to vector<16xi32>
    %and3A_724 = arith.andi %get3A_721, %and3A_723 : vector<16xi32>
    %mul3A_725 = arith.constant 64 : i32
    %mul3A_726 = vector.broadcast %mul3A_725 : i32 to vector<16xi32>
    %mul3A_727 = arith.muli %and3A_724, %mul3A_726 : vector<16xi32>
    %add3A_728 = arith.constant 64 : i32
    %add3A_729 = vector.broadcast %add3A_728 : i32 to vector<16xi32>
    %add3A_730 = arith.addi %add3A_729, %iota3A : vector<16xi32>
    %scan3A_731 = arith.constant 0 : i32
    %scan3A_732 = arith.constant 0 : i32
    %scan3A_733 = arith.constant 64 : i32
    %scan3A_734 = arith.addi %scan3A_732, %scan3A_733 : i32
    %scan3A_735 = arith.constant 1 : i32
    scf.for %scan3A_788 = %scan3A_732 to %scan3A_734 step %scan3A_735  : i32 {
      %add3A_789 = vector.broadcast %scan3A_788 : i32 to vector<16xi32>
      %add3A_790 = arith.addi %mul3A_727, %add3A_789 : vector<16xi32>
      %gather3A = tpu.vector_load_idx %arg7[%add3A_730, %add3A_790] : memref<128x128xf32, #tpu.memory_space<vmem>>[vector<16xi32>, vector<16xi32>], vector<16xf32>,
      %mul3A_791 = arith.constant 0 : i32
      %mul3A_792 = vector.broadcast %mul3A_791 : i32 to vector<16xi32>
      %mul3A_793 = arith.muli %iota3A, %mul3A_792 : vector<16xi32>
      %add3A_794 = vector.broadcast %scan3A_788 : i32 to vector<16xi32>
      %add3A_795 = arith.addi %mul3A_793, %add3A_794 : vector<16xi32>
      %add3A_796 = arith.constant 384 : i32
      %add3A_797 = vector.broadcast %add3A_796 : i32 to vector<16xi32>
      %add3A_798 = arith.addi %add3A_797, %add3A_730 : vector<16xi32>
      tpu.vector_store_idx %arg8[%add3A_795, %add3A_798], %gather3A : memref<64x512xf32, #tpu.memory_space<vmem>>[vector<16xi32>, vector<16xi32>], vector<16xf32>,
    }
    %scan3A_736 = arith.constant 64 : i32
    %get3A_737 = arith.constant 464 : index
    %get3A_738 = tpu.vector_load %arg5[%get3A_737] {strides = array<i32>} : memref<512xi32, #tpu.memory_space<vmem>>, vector<16xi32>,
    %and3A_739 = arith.constant 1 : i32
    %and3A_740 = vector.broadcast %and3A_739 : i32 to vector<16xi32>
    %and3A_741 = arith.andi %get3A_738, %and3A_740 : vector<16xi32>
    %mul3A_742 = arith.constant 64 : i32
    %mul3A_743 = vector.broadcast %mul3A_742 : i32 to vector<16xi32>
    %mul3A_744 = arith.muli %and3A_741, %mul3A_743 : vector<16xi32>
    %add3A_745 = arith.constant 80 : i32
    %add3A_746 = vector.broadcast %add3A_745 : i32 to vector<16xi32>
    %add3A_747 = arith.addi %add3A_746, %iota3A : vector<16xi32>
    %scan3A_748 = arith.constant 0 : i32
    %scan3A_749 = arith.constant 0 : i32
    %scan3A_750 = arith.constant 64 : i32
    %scan3A_751 = arith.addi %scan3A_749, %scan3A_750 : i32
    %scan3A_752 = arith.constant 1 : i32
    scf.for %scan3A_788 = %scan3A_749 to %scan3A_751 step %scan3A_752  : i32 {
      %add3A_789 = vector.broadcast %scan3A_788 : i32 to vector<16xi32>
      %add3A_790 = arith.addi %mul3A_744, %add3A_789 : vector<16xi32>
      %gather3A = tpu.vector_load_idx %arg7[%add3A_747, %add3A_790] : memref<128x128xf32, #tpu.memory_space<vmem>>[vector<16xi32>, vector<16xi32>], vector<16xf32>,
      %mul3A_791 = arith.constant 0 : i32
      %mul3A_792 = vector.broadcast %mul3A_791 : i32 to vector<16xi32>
      %mul3A_793 = arith.muli %iota3A, %mul3A_792 : vector<16xi32>
      %add3A_794 = vector.broadcast %scan3A_788 : i32 to vector<16xi32>
      %add3A_795 = arith.addi %mul3A_793, %add3A_794 : vector<16xi32>
      %add3A_796 = arith.constant 384 : i32
      %add3A_797 = vector.broadcast %add3A_796 : i32 to vector<16xi32>
      %add3A_798 = arith.addi %add3A_797, %add3A_747 : vector<16xi32>
      tpu.vector_store_idx %arg8[%add3A_795, %add3A_798], %gather3A : memref<64x512xf32, #tpu.memory_space<vmem>>[vector<16xi32>, vector<16xi32>], vector<16xf32>,
    }
    %scan3A_753 = arith.constant 64 : i32
    %get3A_754 = arith.constant 480 : index
    %get3A_755 = tpu.vector_load %arg5[%get3A_754] {strides = array<i32>} : memref<512xi32, #tpu.memory_space<vmem>>, vector<16xi32>,
    %and3A_756 = arith.constant 1 : i32
    %and3A_757 = vector.broadcast %and3A_756 : i32 to vector<16xi32>
    %and3A_758 = arith.andi %get3A_755, %and3A_757 : vector<16xi32>
    %mul3A_759 = arith.constant 64 : i32
    %mul3A_760 = vector.broadcast %mul3A_759 : i32 to vector<16xi32>
    %mul3A_761 = arith.muli %and3A_758, %mul3A_760 : vector<16xi32>
    %add3A_762 = arith.constant 96 : i32
    %add3A_763 = vector.broadcast %add3A_762 : i32 to vector<16xi32>
    %add3A_764 = arith.addi %add3A_763, %iota3A : vector<16xi32>
    %scan3A_765 = arith.constant 0 : i32
    %scan3A_766 = arith.constant 0 : i32
    %scan3A_767 = arith.constant 64 : i32
    %scan3A_768 = arith.addi %scan3A_766, %scan3A_767 : i32
    %scan3A_769 = arith.constant 1 : i32
    scf.for %scan3A_788 = %scan3A_766 to %scan3A_768 step %scan3A_769  : i32 {
      %add3A_789 = vector.broadcast %scan3A_788 : i32 to vector<16xi32>
      %add3A_790 = arith.addi %mul3A_761, %add3A_789 : vector<16xi32>
      %gather3A = tpu.vector_load_idx %arg7[%add3A_764, %add3A_790] : memref<128x128xf32, #tpu.memory_space<vmem>>[vector<16xi32>, vector<16xi32>], vector<16xf32>,
      %mul3A_791 = arith.constant 0 : i32
      %mul3A_792 = vector.broadcast %mul3A_791 : i32 to vector<16xi32>
      %mul3A_793 = arith.muli %iota3A, %mul3A_792 : vector<16xi32>
      %add3A_794 = vector.broadcast %scan3A_788 : i32 to vector<16xi32>
      %add3A_795 = arith.addi %mul3A_793, %add3A_794 : vector<16xi32>
      %add3A_796 = arith.constant 384 : i32
      %add3A_797 = vector.broadcast %add3A_796 : i32 to vector<16xi32>
      %add3A_798 = arith.addi %add3A_797, %add3A_764 : vector<16xi32>
      tpu.vector_store_idx %arg8[%add3A_795, %add3A_798], %gather3A : memref<64x512xf32, #tpu.memory_space<vmem>>[vector<16xi32>, vector<16xi32>], vector<16xf32>,
    }
    %scan3A_770 = arith.constant 64 : i32
    %get3A_771 = arith.constant 496 : index
    %get3A_772 = tpu.vector_load %arg5[%get3A_771] {strides = array<i32>} : memref<512xi32, #tpu.memory_space<vmem>>, vector<16xi32>,
    %and3A_773 = arith.constant 1 : i32
    %and3A_774 = vector.broadcast %and3A_773 : i32 to vector<16xi32>
    %and3A_775 = arith.andi %get3A_772, %and3A_774 : vector<16xi32>
    %mul3A_776 = arith.constant 64 : i32
    %mul3A_777 = vector.broadcast %mul3A_776 : i32 to vector<16xi32>
    %mul3A_778 = arith.muli %and3A_775, %mul3A_777 : vector<16xi32>
    %add3A_779 = arith.constant 112 : i32
    %add3A_780 = vector.broadcast %add3A_779 : i32 to vector<16xi32>
    %add3A_781 = arith.addi %add3A_780, %iota3A : vector<16xi32>
    %scan3A_782 = arith.constant 0 : i32
    %scan3A_783 = arith.constant 0 : i32
    %scan3A_784 = arith.constant 64 : i32
    %scan3A_785 = arith.addi %scan3A_783, %scan3A_784 : i32
    %scan3A_786 = arith.constant 1 : i32
    scf.for %scan3A_788 = %scan3A_783 to %scan3A_785 step %scan3A_786  : i32 {
      %add3A_789 = vector.broadcast %scan3A_788 : i32 to vector<16xi32>
      %add3A_790 = arith.addi %mul3A_778, %add3A_789 : vector<16xi32>
      %gather3A = tpu.vector_load_idx %arg7[%add3A_781, %add3A_790] : memref<128x128xf32, #tpu.memory_space<vmem>>[vector<16xi32>, vector<16xi32>], vector<16xf32>,
      %mul3A_791 = arith.constant 0 : i32
      %mul3A_792 = vector.broadcast %mul3A_791 : i32 to vector<16xi32>
      %mul3A_793 = arith.muli %iota3A, %mul3A_792 : vector<16xi32>
      %add3A_794 = vector.broadcast %scan3A_788 : i32 to vector<16xi32>
      %add3A_795 = arith.addi %mul3A_793, %add3A_794 : vector<16xi32>
      %add3A_796 = arith.constant 384 : i32
      %add3A_797 = vector.broadcast %add3A_796 : i32 to vector<16xi32>
      %add3A_798 = arith.addi %add3A_797, %add3A_781 : vector<16xi32>
      tpu.vector_store_idx %arg8[%add3A_795, %add3A_798], %gather3A : memref<64x512xf32, #tpu.memory_space<vmem>>[vector<16xi32>, vector<16xi32>], vector<16xf32>,
    }
    %scan3A_787 = arith.constant 64 : i32
    "tpu.region"() ({
      %run_scoped3A = tpu.sem_alloc : memref<!tpu.dma_semaphore, #tpu.memory_space<semaphore_mem>>
      %dma_start3A_788 = arith.constant 0 : i32
      %dma_start3A_789 = tpu.memref_slice %arg4[%dma_start3A_788, %mul3A_2] : memref<64x16384xf32, #tpu.memory_space<hbm>> -> memref<64x512xf32, #tpu.memory_space<hbm>>
      %dma_start3A_790 = arith.constant 0 : i32
      %dma_start3A_791 = tpu.memref_slice %arg4[%dma_start3A_790, %mul3A_2] : memref<64x16384xf32, #tpu.memory_space<hbm>> -> memref<64x512xf32, #tpu.memory_space<hbm>>
      tpu.enqueue_dma source(%arg8 : memref<64x512xf32, #tpu.memory_space<vmem>>) target(%dma_start3A_791 : memref<64x512xf32, #tpu.memory_space<hbm>>) target_semaphore(%run_scoped3A : memref<!tpu.dma_semaphore, #tpu.memory_space<semaphore_mem>>)
      %dma_wait3A_792 = arith.constant 0 : i32
      %dma_wait3A_793 = tpu.memref_slice %arg4[%dma_wait3A_792, %mul3A_2] : memref<64x16384xf32, #tpu.memory_space<hbm>> -> memref<64x512xf32, #tpu.memory_space<hbm>>
      %dma_wait3A_794 = arith.constant 0 : i32
      %dma_wait3A_795 = tpu.memref_slice %arg4[%dma_wait3A_794, %mul3A_2] : memref<64x16384xf32, #tpu.memory_space<hbm>> -> memref<64x512xf32, #tpu.memory_space<hbm>>
      tpu.wait_dma2 semaphore(%run_scoped3A : memref<!tpu.dma_semaphore, #tpu.memory_space<semaphore_mem>>) src(%arg8 : memref<64x512xf32, #tpu.memory_space<vmem>>) dst(%dma_wait3A_795 : memref<64x512xf32, #tpu.memory_space<hbm>>)
      tpu.yield
    }) : () -> ()
    return
  }
}

</mosaic_0001>

<sc_bundles>
// kernel: kernel.4.cloned.1.call-start
scs
__scs_entry_jumppad:
0x0: {  	(pc) =	sbr.rel $0x88, $3  }
0x1: {  	(tag) =	ssettag $0x0;
	lr =	simm.s32 $0x1  }
0x2: {  	[smem:$0x3F9E] =	sst lr;
	_ =	strace $0xD0000000  }
0x3: {  	_ = 	snop  }
0x4: {  	_ = 	snop  }
0x5: {  	_ = 	snop  }
0x6: {  	_ = 	snop  }
0x7: {  	_ = 	snop  }
__scs_overlays_trampoline_lowered:
0x8: {  	[smem:$0x3FAD] =	sst s0  }
0x9: {  	[smem:$0x3FAE] =	sst s1  }
0xa: {  	[smem:$0x3FAF] =	sst s2  }
0xb: {  	[smem:$0x3FB0] =	sst s3  }
0xc: {  	[smem:$0x3FB1] =	sst s4  }
0xd: {  	[smem:$0x3FB2] =	sst s5  }
0xe: {  	[smem:$0x3FB3] =	sst s6  }
0xf: {  	[smem:$0x3FB4] =	sst s7  }
0x10: {  	[smem:$0x3FB5] =	sst s8  }
0x11: {  	[smem:$0x3FB6] =	sst s9;
	s0 =	simm.s32 @!p0 $0x0  }
0x12: {  	s1 =	sld [smem:$0x3F9C];
	s0 =	simm.s32 @p0 $0x1  }
0x13: {  	[smem:$0x3FB7] =	sst s0;
	s0 =	simm.s32 @!p1 $0x0  }
0x14: {  	s2 =	sld [smem:$0x3F9B];
	s0 =	simm.s32 @p1 $0x1  }
0x15: {  	[smem:$0x3FB8] =	sst s0;
	s0 =	simm.s32 @!p2 $0x0  }
0x16: {  	s3 =	sld [smem:$0x3FDB];
	s0 =	simm.s32 @p2 $0x1  }
0x17: {  	s4 =	simm.s32 $0x1BF5;
	[smem:$0x3FBA] =	sst s0  }
0x18: {  	s0 =	sld [smem:$0x3F9D];
	_ =	swait.ge [sflag:s4], $0x0  }
0x19: {  	s7 =	sld [smem:$0x3F9E]  }
0x1a: {  	s8 =	sadd.s32 $0xFFFFE003, lr  }
0x1b: {  	s9 =	sadd.s32 $0xFFFFFEF7, lr;
	s5 =	simm.s32 $0xFFFFFFFF;
	p2 =	slt.u32 s8, $0xFFFFF086  }
0x1c: {  	p1 =	slt.u32 s9, $0xF7A;
	s5 =	simm.s32 @!p2 $0x0  }
0x1d: {  	s5 =	simm.s32 @p1 $0x1;
	p0 =	seq.s32 s7, s2  }
0x1e: {  	s7 =	smul.u32 @!p0 $0xF7A, s2;
	p2 =	seq.s32 @!p0 s5, $0x0  }
0x1f: {  	s9 =	smul.u32 $0xF7A, s1;
	s8 =	simm.s32 @!p0 $0x1BF5;
	p2 =	por !p2, p0  }
0x20: {  	[sflag:s8] =	ssyncset.s32 @!p0 $0xFFFFF086;
	s6 =	sadd.s32 @!p0 s3, s7;
	s7 =	simm.s32 @!p0 $0x108  }
0x21: {  	s3 =	sadd.s32 s3, s9;
	s6 =	sadd.s32 @!p0 $0x88, s6;
	s7 =	simm.s32 @p2 $0x1082  }
0x22: {  	[simem:s7], [sflag:s8] =	dma.local @!p0 [hbm:s6], $0xF7A  }
0x23: {  	s9 =	sor.u32 $0xD0000000, s2;
	s6 =	simm.s32 $0x108;
	_ =	swait.ge @!p0 [sflag:s8], $0x0  }
0x24: {  	s3 =	sadd.s32 $0x88, s3;
	s6 =	simm.s32 @!p1 $0x1082;
	[sflag:s4] =	ssyncset.s32 $0xFFFFF086  }
0x25: {  	[simem:s6], [sflag:s4] =	dma.local [hbm:s3], $0xF7A  }
0x26: {  	[smem:$0x3F9E] =	sst s1;
	(tag) =	ssettag s2;
	_ =	strace s9  }
0x27: {  	s1 =	sld [smem:$0x3FAE]  }
0x28: {  	s2 =	sld [smem:$0x3FAF]  }
0x29: {  	s4 =	sld [smem:$0x3FB1]  }
0x2a: {  	p0 =	seq.s32 s5, $0x0;
	s5 =	sld [smem:$0x3FB2]  }
0x2b: {  	s6 =	sld [smem:$0x3FB3]  }
0x2c: {  	s7 =	sld [smem:$0x3FB4]  }
0x2d: {  	s3 =	simm.s32 $0x108;
	s8 =	sld [smem:$0x3FB5]  }
0x2e: {  	s3 =	simm.s32 @!p0 $0x1082;
	s9 =	sld [smem:$0x3FB6]  }
0x2f: {  	lr =	sadd.s32 s0, s3;
	s0 =	sld [smem:$0x3FAD]  }
0x30: {  	s3 =	sld [smem:$0x3FB0]  }
0x31: {  	[smem:$0x3FB9] =	sst s10  }
0x32: {  	s10 =	sld [smem:$0x3FB7];
	_ =	sdelay $0x3  }
0x33: {  	p0 =	seq.s32 s10, $0x1;
	s10 =	sld [smem:$0x3FB9];
	_ =	sdelay $0x3  }
0x34: {  	[smem:$0x3FB9] =	sst s10  }
0x35: {  	s10 =	sld [smem:$0x3FB8];
	_ =	sdelay $0x3  }
0x36: {  	p1 =	seq.s32 s10, $0x1;
	s10 =	sld [smem:$0x3FB9];
	_ =	sdelay $0x3  }
0x37: {  	[smem:$0x3FB9] =	sst s10  }
0x38: {  	s10 =	sld [smem:$0x3FBA]  }
0x39: {  	_ = 	snop;
	(pc) =	sbr.ind lr, $3  }
0x3a: {  	_ = 	snop  }
0x3b: {  	_ = 	snop  }
0x3c: {  	p2 =	seq.s32 s10, $0x1;
	s10 =	sld [smem:$0x3FB9]  }
0x3d: {  	_ =	shalt  }
0x3e: {  	_ =	shalt  }
0x3f: {  	_ =	shalt  }
0x40: {  	_ =	shalt  }
0x41: {  	_ =	shalt  }
0x42: {  	_ =	shalt  }
0x43: {  	_ =	shalt  }
0x44: {  	_ =	shalt  }
0x45: {  	_ =	shalt  }
0x46: {  	_ =	shalt  }
0x47: {  	_ =	shalt  }
0x48: {  	_ =	shalt  }
0x49: {  	_ =	shalt  }
0x4a: {  	_ =	shalt  }
0x4b: {  	_ =	shalt  }
0x4c: {  	_ =	shalt  }
0x4d: {  	_ =	shalt  }
0x4e: {  	_ =	shalt  }
0x4f: {  	_ =	shalt  }
0x50: {  	_ =	shalt  }
0x51: {  	_ =	shalt  }
0x52: {  	_ =	shalt  }
0x53: {  	_ =	shalt  }
0x54: {  	_ =	shalt  }
0x55: {  	_ =	shalt  }
0x56: {  	_ =	shalt  }
0x57: {  	_ =	shalt  }
0x58: {  	_ =	shalt  }
0x59: {  	_ =	shalt  }
0x5a: {  	_ =	shalt  }
0x5b: {  	_ =	shalt  }
0x5c: {  	_ =	shalt  }
0x5d: {  	_ =	shalt  }
0x5e: {  	_ =	shalt  }
0x5f: {  	_ =	shalt  }
0x60: {  	_ =	shalt  }
0x61: {  	_ =	shalt  }
0x62: {  	_ =	shalt  }
0x63: {  	_ =	shalt  }
0x64: {  	_ =	shalt  }
0x65: {  	_ =	shalt  }
0x66: {  	_ =	shalt  }
0x67: {  	_ =	shalt  }
0x68: {  	_ =	shalt  }
0x69: {  	_ =	shalt  }
0x6a: {  	_ =	shalt  }
0x6b: {  	_ =	shalt  }
0x6c: {  	_ =	shalt  }
0x6d: {  	_ =	shalt  }
0x6e: {  	_ =	shalt  }
0x6f: {  	_ =	shalt  }
0x70: {  	_ =	shalt  }
0x71: {  	_ =	shalt  }
0x72: {  	_ =	shalt  }
0x73: {  	_ =	shalt  }
0x74: {  	_ =	shalt  }
0x75: {  	_ =	shalt  }
0x76: {  	_ =	shalt  }
0x77: {  	_ =	shalt  }
0x78: {  	_ =	shalt  }
0x79: {  	_ =	shalt  }
0x7a: {  	_ =	shalt  }
0x7b: {  	_ =	shalt  }
0x7c: {  	_ =	shalt  }
0x7d: {  	_ =	shalt  }
0x7e: {  	_ =	shalt  }
0x7f: {  	_ =	shalt  }
0x80: {  	_ =	shalt  }
0x81: {  	_ =	shalt  }
0x82: {  	_ =	shalt  }
0x83: {  	_ =	shalt  }
0x84: {  	_ =	shalt  }
0x85: {  	_ =	shalt  }
0x86: {  	_ =	shalt  }
0x87: {  	_ =	shalt  }
.Lfunc_end0:
.L_simem_size_0:
called_computation_lowered:
.L_overlay_start_0:
0x88: {  	s2 =	sld [smem:$0x3FD9]  }
0x89: {  	s3 =	sld [smem:$0x3FFE];
	_ =	sdelay $0x1  }
0x8a: {  	s1 =	srdreg.scid  }
0x8b: {  	s0 =	sand.u32 $0x1, s1  }
0x8c: {  	s14 =	sshll.u32 s0, $0xA;
	s2 =	sadd.s32 s3, s2  }
0x8d: {  	s2 =	sadd.s32 s2, s14  }
0x8e: {  	[smem:$0x3FC5] =	sst s2  }
0x8f: {  	_ = 	snop  }
0x90: {  	s2 =	sld [smem:$0x3FD0];
	_ =	sdelay $0x1  }
0x91: {  	s15 =	sld [smem:$0x3FC9]  }
0x92: {  	s5 =	simm.s32 $0xA;
	s6 =	simm.s32 $0x10;
	s4 =	sld [smem:$0x3FC7]  }
0x93: {  	[smem:s6], [sflag:s5] =	dma.local [hbm:s2], $0x1  }
0x94: {  	_ =	swait.eq [sflag:s5], $0x1  }
0x95: {  	[sflag:s5] =	ssyncset.done $0x0  }
0x96: {  	[sflag:s5] =	ssyncadd.s32 $0xFFFFFFFF  }
0x97: {  	s16 =	sld [smem:$0x11];
	(tm) =	ssettm $0x1  }
0x98: {  	s17 =	sld [smem:$0x3FFB];
	_ =	sdelay $0x3  }
0x99: {  	_ =	strace s17  }
0x9a: {  	s5 =	sld [smem:$0x3FFC];
	_ =	sdelay $0x3  }
0x9b: {  	_ =	strace s5  }
0x9c: {  	s5 =	sld [smem:$0x3FFD];
	_ =	sdelay $0x3  }
0x9d: {  	_ =	strace s5  }
0x9e: {  	_ =	strace $0x8FFFFFFF  }
0x9f: {  	s18 =	sld [smem:$0x3FDB];
	_ =	sdelay $0x1  }
0xa0: {  	s19 =	simm.s32 $_scs_section_size  }
0xa1: {  	s7 =	simm.s32 $_size__tile_overlayer_lowered;
	s8 =	simm.s32 $_tile_overlayer_lowered  }
0xa2: {  	s22 =	simm.s32 $0x1BFF;
	s21 =	sshll.u32 s8, $0x1;
	s5 =	sadd.s32 s19, s18  }
0xa3: {  	s9 =	simm.s32 $0x0;
	s20 =	sshll.u32 s7, $0x1;
	s7 =	sadd.s32 s21, s5  }
0xa4: {  	[timem:s9], [sflag:s22] =	dma.local [hbm:s7], s20  }
0xa5: {  	_ =	swait.ge [sflag:s22], s20  }
0xa6: {  	s6 =	ssub.s32 $0x0, s20;
	[sflag:s22] =	ssyncset.done $0x0  }
0xa7: {  	[sflag:s22] =	ssyncadd.s32 s6;
	_ =	sdelay $0x1  }
0xa8: {  	s23 =	simm.s32 $0x1B8B  }
0xa9: {  	_ =	swait.ge [sflag:s23], $0x1  }
0xaa: {  	[sflag:s23] =	ssyncset.done $0x0  }
0xab: {  	s25 =	simm.s32 $0x1B8E;
	s24 =	sld [smem:$0x3FFE];
	[sflag:s23] =	ssyncadd.s32 $0xFFFFFFFF  }
0xac: {  	s26 =	simm.s32 $execute0_lowered;
	[smem:$0x3FD2] =	sst s25  }
0xad: {  	s7 =	sshll.u32 s26, $0x1;
	_ =	strace $0x80000046;
	[dreg:$0x1] =	wrdreg $0xFFFFFFFF  }
0xae: {  	s28 =	simm.s32 $_size_execute0_lowered;
	s5 =	sadd.s32 s5, s7;
	[dreg:$0x0] =	wrdreg $0x0  }
0xaf: {  	s7 =	sshll.u32 s28, $0x1;
	[dreg:$0x2] =	wrdreg s5  }
0xb0: {  	[dreg:$0x3] =	wrdreg s7  }
0xb1: {  	[dreg:$0x4] =	wrdreg $0xC0  }
0xb2: {  	_ =	task [dreg:s9], $0x5FFFF  }
0xb3: {  	[dreg:$0x1] =	wrdreg $0xFFFFFFFF  }
0xb4: {  	[dreg:$0x0] =	wrdreg $0x60  }
0xb5: {  	[dreg:$0x2] =	wrdreg s15  }
0xb6: {  	[dreg:$0x3] =	wrdreg s24  }
0xb7: {  	[dreg:$0x4] =	wrdreg s4  }
0xb8: {  	[dreg:$0x5] =	wrdreg s16  }
0xb9: {  	[dreg:$0x6] =	wrdreg $0x9  }
0xba: {  	_ =	task.clear_ibuf [dreg:s9], $0x7FFFF;
	_ =	strace $0x90000046  }
0xbb: {  	s29 =	simm.s32 $0x9;
	_ =	strace $0x80000048  }
0xbc: {  	_ =	swait.ge [sflag:s29], $0x1  }
0xbd: {  	[sflag:s29] =	ssyncadd.s32 $0xFFFFFFFF  }
0xbe: {  	_ =	strace $0x90000048  }
0xbf: {  	_ =	sfence  }
0xc0: {  	s30 =	sld [smem:$0x0];
	_ =	sdelay $0x2  }
0xc1: {  	s31 =	sshll.u32 s1, $0xD;
	s1 =	sshrl.u32 s1, $0x2  }
0xc2: {  	s3 =	sand.u32 $0x4000, s31;
	s1 =	sadd.s32 s1, s30  }
0xc3: {  	s0 =	sor.u32 s3, s0;
	s1 =	sshll.u32 s1, $0x11  }
0xc4: {  	s0 =	sor.u32 s1, s0  }
0xc5: {  	s0 =	sadd.s32 $0x8F2B, s0  }
0xc6: {  	[sflag:s0] =	ssyncadd.remote.s32 $0x1  }
0xc7: {  	_ =	sfence.sel $0xFFFF  }
0xc8: {  	[dreg:$0x0] =	wrdreg $0xFFFFFFFF;
	(pc) =	sbr.abs _section_cstart, $3  }
0xc9: {  	[dreg:$0x1] =	wrdreg $0xFFFFFFFF  }
0xca: {  	_ =	task.clear_ibuf [dreg:s9], $0x2FFFF;
	_ =	strace $0x9FFFFFFF  }
0xcb: {  	(tm) =	ssettm $0x7FFFFFFF  }
tec
execute0_lowered:
.L_overlay_start_1:
0x0: {  	(tag) =	ssettag $0x1  }
0x1: {  	s22 =	rddreg [dreg:$0x0]  }
0x2: {  	s0 =	rddreg [dreg:$0x1]  }
0x3: {  	s1 =	rddreg [dreg:$0x3];
	s3 =	simm.s32 $0x0  }
0x4: {  	s2 =	srdreg.scid;
	s7 =	stileid.u32;
	s9 =	simm.s32 $0xF5  }
0x5: {  	s23 =	simm.s32 $0x13C00;
	s24 =	simm.s32 $0x13C80;
	s25 =	simm.s32 $0x6  }
0x6: {  	s30 =	simm.s32 $0x13D00;
	s31 =	simm.s32 $0x15D00;
	s10 =	simm.s32 $0x0  }
0x7: {  	[smem:$0x7FF] =	sst s3;
	s2 =	sand.u32 $0x1, s2;
	s16 =	sshll.u32 s7, $0x1  }
0x8: {  	s4 =	sadd.s32 $0x40E00, s0;
	s6 =	sadd.s32 $0x61000, s0;
	p0 =	slt.u32 s7, $0x2  }
0x9: {  	s7 =	simm.s32 $0x40;
	s0 =	sadd.s32 $0x60E00, s0;
	_ =	strace $0x80000047  }
0xa: {  	[dreg:$0x5] =	wrdreg s4;
	s3 =	sor.u32 s2, s16;
	s2 =	ssub.s32 $0x2, s2  }
0xb: {  	s9 =	simm.s32 @!p0 $0xF4;
	[dreg:$0x8] =	wrdreg s0;
	s17 =	smul.u32 $0xF4, s3  }
0xc: {  	s5 =	smin.u32 s3, $0x4;
	p1 =	seq.s32 s3, $0x1F;
	s18 =	sshll.u32 s9, $0x7  }
0xd: {  	s19 =	sshrl.u32 s2, $0x1;
	[dreg:$0x6] =	wrdreg s9;
	s26 =	sshll.u32 s9, $0x3  }
0xe: {  	s7 =	simm.s32 @!p1 $0x0;
	s20 =	ssub.s32 s2, s19;
	[dreg:$0x9] =	wrdreg s26  }
0xf: {  	s29 =	sadd.s32 $0x4000, s18;
	s19 =	simm.s32 $0xBB00;
	s26 =	simm.s32 $0x17E00  }
0x10: {  	s2 =	simm.s32 $0x1BE80;
	s8 =	sadd.s32 s5, s17;
	s7 =	sor.u32 s18, s7  }
0x11: {  	[dreg:$0xe] =	wrdreg s29;
	s0 =	smax.u32 s20, $0x1;
	s18 =	simm.s32 $0x4000  }
0x12: {  	s20 =	simm.s32 $0xFB80;
	[dreg:$0x7] =	wrdreg s8;
	s8 =	sshll.u32 s8, $0x7  }
.Ltmp0:
0x13: {  	[dreg:$0xf] =	wrdreg s0;
	s28 =	sadd.s32 s22, s8;
	(pc) =	sbr.rel .LBB2_1-.Ltmp0, $4  }
0x14: {  	s21 =	sadd.s32 s7, s8;
	s1 =	sadd.s32 s1, s8;
	[dreg:$0xa] =	wrdreg s28  }
0x15: {  	s7 =	simm.s32 $0x7B;
	s5 =	sadd.s32 $0x80, s28;
	[dreg:$0xd] =	wrdreg s1  }
0x16: {  	v2 =	vimm.s32 $0xFFFFFFFF;
	v3 =	vlaneseq.u32;
	s0 =	simm.s32 $0x17D00;
	s7 =	simm.s32 @!p0 $0x7A;
	[dreg:$0xc] =	wrdreg s5  }
0x17: {  	v4 =	vimm.s32 $0x0;
	v0 =	vmov s8;
	p0 =	sne.s32 s3, $0x1F;
	v1 =	vmov s21;
	s3 =	simm.s32 $0x17D80;
	[dreg:$0xb] =	wrdreg s7  }
.LBB2_37:
0x18: {  	s1 =	simm.s32 $0x3  }
0x19: {  	_ =	swait.ge [sflag:s1], $0x2000  }
0x1a: {  	[sflag:s1] =	ssyncset.done $0x0  }
0x1b: {  	s28 =	simm.s32 $0x4;
	[sflag:s1] =	ssyncadd.s32 $0xFFFFE000  }
0x1c: {  	_ =	swait.ge [sflag:s28], $0x2000  }
0x1d: {  	[sflag:s28] =	ssyncset.done $0x0;
	s4 =	rddreg [dreg:$0x8]  }
0x1e: {  	s1 =	simm.s32 @!p0 $0x0;
	s5 =	rddreg [dreg:$0xe];
	[sflag:s28] =	ssyncadd.s32 $0xFFFFE000  }
0x1f: {  	[hbm4b:s4+s1] =	stream.linear.scatter @!p0 [tilespmem:s5], [sflag:$0x7], $0x40, $0x38;
	[tilespmem:$0x1FE80] =	vst v63  }
0x20: {  	s1 =	simm.s32 @!p0 $0x7  }
0x21: {  	_ =	swait.ge @!p0 [sflag:s1], $0x40  }
0x22: {  	s10 =	rddreg [dreg:$0x10]  }
0x23: {  	s29 =	rddreg [dreg:$0xf];
	s10 =	sadd.s32 $0x1, s10  }
0x24: {  	p1 =	sne.s32 s10, s29  }
.Ltmp1:
0x25: {  	_ = 	snop;
	(pc) =	sbr.rel @!p1 .LBB2_38-.Ltmp1, $3  }
0x26: {  	_ =	sdelay $0x1  }
0x27: {  	[sflag:s1] =	ssyncset.done @!p0 $0x0  }
0x28: {  	[sflag:s1] =	ssyncadd.s32 @!p0 $0xFFFFFFC0  }
.LBB2_1:
0x29: {  	s1 =	rddreg [dreg:$0x2];
	s4 =	simm.s32 $0x0;
	s29 =	simm.s32 $0x7  }
0x2a: {  	[tilespmem:s4], [sflag:$0x7] =	stream.linear.gather [hbm4b:s1+s4], $0x4000, $0x38;
	[tilespmem:$0x1FE80] =	vst v63  }
0x2b: {  	_ =	swait.ge [sflag:s29], $0x4000  }
0x2c: {  	[sflag:s29] =	ssyncset.done $0x0  }
0x2d: {  	s1 =	simm.s32 $0x40;
	s4 =	simm.s32 $0x0;
	[sflag:s29] =	ssyncadd.s32 $0xFFFFC000  }
.LBB2_2:
0x2e: {  	p1 =	sne.s32 s1, $0x1EBC0;
	[tilespmem:s4+$0x4000] =	vst v2;
	s4 =	smov.u32 s1;
	s1 =	sadd.s32 $0x40, s1  }
.Ltmp2:
0x2f: {  	(pc) =	sbr.rel @p1 .LBB2_2-.Ltmp2, $2  }
0x30: {  	_ =	sdelay $0x2  }
0x31: {  	s4 =	sshra.s32 s4, $0x2  }
0x32: {  	[tilespmem:s4+$0x4000] =	vst v2;
	s4 =	simm.s32 $0x0;
	s1 =	simm.s32 $0x0;
	s5 =	simm.s32 $0x0  }
.LBB2_4:
0x33: {  	v5 =	vld [tilespmem:s1+$0x0];
	_ =	sdelay $0x4  }
0x34: {  	v6 =	vsub.s32 v5, v0  }
0x35: {  	vm0 =	vge.s32 v5, v0;
	vm1 =	vlt.s32 v5, v1;
	vm2 =	vgt.s32 v6, $0x0  }
0x36: {  	vm0 =	vmand vm0, vm1;
	v5 =	vnsel vm2, $0x0, v6  }
0x37: {  	v5 =	vmin.u32 v5, $0x7AFF;
	_ =	sdelay $0x3  }
0x38: {  	v6 =	vor.u32 s5, v3  }
0x39: {  	[tilespmem:v5+s18+$0x0] =	vst.idx.msk vm0, v6  }
0x3a: {  	v7 =	vld.idx.msk [tilespmem:v5+s18+$0x0], vm0;
	_ =	sdelay $0x4  }
0x3b: {  	vm15 =	vne.s32 v7, v6  }
0x3c: {  	vm1 =	vmand vm0, vm15  }
0x3d: {  	v7 =	vsel vm1, $0x1, v4  }
0x3e: {  	(xrf0) =	vadd.scan.msk.s32 $0xffff, v7;
	_ =	sdelay $0x5  }
0x3f: {  	v7, _, _ =	vpop (xrf0)  }
0x40: {  	(v2sf) =	vpush v7, $0xF;
	_ =	sdelay $0xe  }
0x41: {  	s7 =	spop (v2sf)  }
0x42: {  	p1 =	slt.s32 s7, $0x1  }
0x43: {  	vm1 =	vmmov @!p1 $0x1  }
0x44: {  	vm2 =	vcmask @!p1 $0x704;
	vm1 =	vmand @!p1 vm0, vm1  }
0x45: {  	vm3 =	vcmask @!p1 $0xB08;
	vm2 =	vmand @!p1 vm0, vm2  }
0x46: {  	vm4 =	vcmask @!p1 $0xF0C;
	vm3 =	vmand @!p1 vm0, vm3  }
0x47: {  	vm5 =	vcmask @!p1 $0x1310;
	vm4 =	vmand @!p1 vm0, vm4  }
0x48: {  	vm6 =	vcmask @!p1 $0x1714;
	vm5 =	vmand @!p1 vm0, vm5  }
0x49: {  	s7 =	simm.s32 @!p1 $0x4000;
	vm7 =	vcmask @!p1 $0x1B18;
	vm6 =	vmand @!p1 vm0, vm6  }
0x4a: {  	[tilespmem:v5+s7+$0x0] =	vst.idx.msk @!p1 vm1, v6;
	vm1 =	vmand @!p1 vm0, vm7;
	vm7 =	vcmask @!p1 $0x1F1C  }
0x4b: {  	[tilespmem:v5+s7+$0x0] =	vst.idx.msk @!p1 vm2, v6;
	vm2 =	vmand @!p1 vm0, vm7;
	vm7 =	vcmask @!p1 $0x2320  }
0x4c: {  	[tilespmem:v5+s7+$0x0] =	vst.idx.msk @!p1 vm3, v6;
	vm3 =	vmand @!p1 vm0, vm7;
	vm7 =	vcmask @!p1 $0x2724  }
0x4d: {  	[tilespmem:v5+s7+$0x0] =	vst.idx.msk @!p1 vm4, v6;
	vm4 =	vmand @!p1 vm0, vm7;
	vm7 =	vcmask @!p1 $0x2B28  }
0x4e: {  	[tilespmem:v5+s7+$0x0] =	vst.idx.msk @!p1 vm5, v6;
	vm5 =	vmand @!p1 vm0, vm7;
	vm7 =	vcmask @!p1 $0x2F2C  }
0x4f: {  	[tilespmem:v5+s7+$0x0] =	vst.idx.msk @!p1 vm6, v6;
	vm6 =	vmand @!p1 vm0, vm7;
	vm7 =	vcmask @!p1 $0x3330  }
0x50: {  	[tilespmem:v5+s7+$0x0] =	vst.idx.msk @!p1 vm1, v6;
	vm1 =	vmand @!p1 vm0, vm7;
	vm7 =	vcmask @!p1 $0x3734  }
0x51: {  	[tilespmem:v5+s7+$0x0] =	vst.idx.msk @!p1 vm2, v6;
	vm2 =	vmand @!p1 vm0, vm7;
	vm7 =	vcmask @!p1 $0x3B38  }
0x52: {  	[tilespmem:v5+s7+$0x0] =	vst.idx.msk @!p1 vm3, v6;
	vm3 =	vmand @!p1 vm0, vm7;
	vm7 =	vcmask @!p1 $0x3F3C  }
0x53: {  	s5 =	sadd.s32 $0x10, s5;
	[tilespmem:v5+s7+$0x0] =	vst.idx.msk @!p1 vm4, v6;
	vm0 =	vmand @!p1 vm0, vm7  }
0x54: {  	p2 =	sne.s32 s5, $0x4000;
	[tilespmem:v5+s7+$0x0] =	vst.idx.msk @!p1 vm5, v6  }
.Ltmp3:
0x55: {  	[tilespmem:v5+s7+$0x0] =	vst.idx.msk @!p1 vm6, v6;
	(pc) =	sbr.rel @p2 .LBB2_4-.Ltmp3, $4  }
0x56: {  	[tilespmem:v5+s7+$0x0] =	vst.idx.msk @!p1 vm1, v6  }
0x57: {  	[tilespmem:v5+s7+$0x0] =	vst.idx.msk @!p1 vm2, v6  }
0x58: {  	[tilespmem:v5+s7+$0x0] =	vst.idx.msk @!p1 vm3, v6  }
0x59: {  	s1 =	sadd.s32 $0x10, s1;
	[tilespmem:v5+s7+$0x0] =	vst.idx.msk @!p1 vm0, v6  }
0x5a: {  	v5 =	vld [tilespmem:s4+$0x0];
	_ =	sdelay $0x4  }
0x5b: {  	vm0 =	vge.s32 v5, v0;
	vm1 =	vlt.s32 v5, v1  }
0x5c: {  	vm0 =	vmand vm0, vm1  }
0x5d: {  	v6 =	vsel vm0, $0x1, v4  }
0x5e: {  	(xrf0) =	vadd.scan.msk.s32 $0xffff, v6;
	_ =	sdelay $0x1  }
0x5f: {  	v5 =	vsub.s32 v5, v0  }
0x60: {  	vm1 =	vgt.s32 v5, $0x0;
	v6 =	vmov s4  }
0x61: {  	v5 =	vnsel vm1, $0x0, v5;
	v6 =	vadd.s32 $0xFFFFFFFF, v6  }
0x62: {  	v5 =	vmin.u32 v5, $0x7AFF;
	v6 =	vbroadcast v6, $0x0  }
0x63: {  	v7, _, _ =	vpop (xrf0)  }
0x64: {  	v6 =	vadd.s32 v7, v6;
	(v2sf) =	vpush v7, $0xF  }
0x65: {  	vm1 =	vgt.s32 v6, $0x0  }
0x66: {  	v6 =	vnsel vm1, $0x0, v6  }
0x67: {  	v5 =	vld.idx.msk [tilespmem:v5+s18+$0x0], vm0;
	_ =	sdelay $0x2  }
0x68: {  	v7 =	vor.u32 s4, v3  }
0x69: {  	[tilespmem:v6+s19+$0x0] =	vst.idx.msk vm0, v7  }
0x6a: {  	s1 =	simm.s32 $0x10;
	[tilespmem:v6+s20+$0x0] =	vst.idx.msk vm0, v5  }
0x6b: {  	v5 =	vld [tilespmem:s1+$0x0];
	_ =	sdelay $0x4  }
0x6c: {  	vm0 =	vge.s32 v5, v0;
	vm1 =	vlt.s32 v5, v1;
	v5 =	vsub.s32 v5, v0  }
0x6d: {  	s5 =	simm.s32 $0x20;
	s8 =	simm.s32 $0x10;
	vm0 =	vmand vm0, vm1;
	vm1 =	vgt.s32 v5, $0x0;
	s7 =	spop (v2sf)  }
.LBB2_6:
0x6e: {  	p1 =	sne.s32 s5, $0x3FF0  }
0x6f: {  	v6 =	vsel vm0, $0x1, v4;
	s4 =	sadd.s32 s4, s7;
	s7 =	smov.u32 s5;
	s5 =	sadd.s32 $0x10, s5  }
0x70: {  	v7 =	vmov s4;
	(xrf0) =	vadd.scan.msk.s32 $0xffff, v6  }
0x71: {  	v6 =	vadd.s32 $0xFFFFFFFF, v7;
	_ =	sdelay $0x1  }
0x72: {  	v5 =	vnsel vm1, $0x0, v5  }
0x73: {  	v5 =	vmin.u32 v5, $0x7AFF  }
0x74: {  	v6 =	vbroadcast v6, $0x0  }
0x75: {  	v7, _, _ =	vpop (xrf0)  }
0x76: {  	v6 =	vadd.s32 v7, v6;
	(v2sf) =	vpush v7, $0xF  }
0x77: {  	vm1 =	vgt.s32 v6, $0x0  }
0x78: {  	v5 =	vld.idx.msk [tilespmem:v5+s18+$0x0], vm0;
	v6 =	vnsel vm1, $0x0, v6;
	_ =	sdelay $0x3  }
0x79: {  	v7 =	vor.u32 s1, v3;
	s1 =	smov.u32 s7  }
0x7a: {  	[tilespmem:v6+s19+$0x0] =	vst.idx.msk vm0, v7  }
0x7b: {  	s8 =	sadd.s32 $0x10, s8;
	[tilespmem:v6+s20+$0x0] =	vst.idx.msk vm0, v5  }
0x7c: {  	v5 =	vld [tilespmem:s8+$0x0];
	_ =	sdelay $0x1  }
.Ltmp4:
0x7d: {  	(pc) =	sbr.rel @p1 .LBB2_6-.Ltmp4, $3  }
0x7e: {  	_ =	sdelay $0x1  }
0x7f: {  	vm0 =	vge.s32 v5, v0;
	vm1 =	vlt.s32 v5, v1;
	v5 =	vsub.s32 v5, v0  }
0x80: {  	vm0 =	vmand vm0, vm1;
	vm1 =	vgt.s32 v5, $0x0;
	s7 =	spop (v2sf)  }
0x81: {  	v6 =	vsel vm0, $0x1, v4  }
0x82: {  	(xrf0) =	vadd.scan.msk.s32 $0xffff, v6;
	_ =	sdelay $0x5  }
0x83: {  	v6, _, _ =	vpop (xrf0)  }
0x84: {  	(v2sf) =	vpush v6, $0xF;
	_ =	sdelay $0xe  }
0x85: {  	s4 =	sadd.s32 s4, s7;
	s5 =	spop (v2sf)  }
0x86: {  	v7 =	vmov s4;
	s4 =	sadd.s32 s4, s5  }
0x87: {  	s5 =	sadd.s32 $0x7F, s4  }
0x88: {  	v5 =	vnsel vm1, $0x0, v5;
	v7 =	vadd.s32 $0xFFFFFFFF, v7;
	s28 =	sand.u32 $0x7F, s5  }
0x89: {  	v5 =	vmin.u32 v5, $0x7AFF;
	v7 =	vbroadcast v7, $0x0;
	s29 =	sshra.s32 s5, $0x1F;
	p2 =	slt.s32 s5, $0x1;
	p1 =	sne.s32 s28, $0x0  }
0x8a: {  	s7 =	sshrl.u32 s29, $0x19;
	p1 =	por !p2, !p1  }
0x8b: {  	v6 =	vadd.s32 v6, v7;
	s5 =	sadd.s32 s7, s5;
	s7 =	simm.s32 $0x1;
	p1 =	por !p1, !p1  }
0x8c: {  	vm15 =	vgt.s32 v6, $0x0;
	s5 =	sshra.s32 s5, $0x7;
	s7 =	simm.s32 @!p1 $0x0  }
0x8d: {  	v7 =	vor.u32 s1, v3;
	v6 =	vnsel vm15, $0x0, v6;
	s1 =	ssub.s32 s5, s7  }
0x8e: {  	v5 =	vld.idx.msk [tilespmem:v5+s18+$0x0], vm0;
	p1 =	slt.s32 s1, $0x1  }
.Ltmp5:
0x8f: {  	_ = 	snop;
	(pc) =	sbr.rel @p1 .LBB2_13-.Ltmp5, $3  }
0x90: {  	_ =	sdelay $0x1  }
0x91: {  	[tilespmem:v6+s19+$0x0] =	vst.idx.msk vm0, v7  }
0x92: {  	[tilespmem:v6+s20+$0x0] =	vst.idx.msk vm0, v5  }
0x93: {  	p2 =	sne.s32 s1, $0x1  }
.Ltmp6:
0x94: {  	_ = 	snop;
	(pc) =	sbr.rel @!p2 .LBB2_9-.Ltmp6, $4  }
0x95: {  	s4 =	sadd.s32 $0xFFFFFFFF, s4;
	s5 =	simm.s32 $0x0  }
0x96: {  	v5 =	vmov s4;
	v6 =	vor.u32 s5, v3  }
0x97: {  	vm0 =	vlt.s32 v6, v5  }
0x98: {  	s1 =	sadd.s32 $0xFFFFFFFF, s1;
	p1 =	por $0x0, $0x0;
	s4 =	simm.s32 $0x70;
	v6 =	vsel vm0, v6, v5  }
0x99: {  	_ =	sdelay $0x3  }
0x9a: {  	v7 =	vld.idx.msk [tilespmem:v6+s19+$0x0], $0xffff;
	_ =	sdelay $0x3  }
0x9b: {  	s5 =	simm.s32 $0x10  }
0x9c: {  	[tilespmem:$0x13C00] =	vst v7;
	v7 =	vor.u32 s5, v3  }
0x9d: {  	v6 =	vld.idx.msk [tilespmem:v6+s20+$0x0], $0xffff;
	vm0 =	vlt.s32 v7, v5  }
0x9e: {  	v7 =	vsel vm0, v7, v5;
	_ =	sdelay $0x3  }
0x9f: {  	[tilespmem:$0x13C80] =	vst v6  }
0xa0: {  	v6 =	vld.idx.msk [tilespmem:v7+s19+$0x0], $0xffff;
	_ =	sdelay $0x3  }
0xa1: {  	s15 =	simm.s32 $0x20  }
0xa2: {  	[tilespmem:$0x13C10] =	vst v6;
	v6 =	vor.u32 s15, v3  }
0xa3: {  	v7 =	vld.idx.msk [tilespmem:v7+s20+$0x0], $0xffff;
	vm9 =	vlt.s32 v6, v5  }
0xa4: {  	v6 =	vsel vm9, v6, v5;
	_ =	sdelay $0x3  }
0xa5: {  	[tilespmem:$0x13C90] =	vst v7  }
0xa6: {  	v7 =	vld.idx.msk [tilespmem:v6+s19+$0x0], $0xffff;
	_ =	sdelay $0x3  }
0xa7: {  	s16 =	simm.s32 $0x30  }
0xa8: {  	[tilespmem:$0x13C20] =	vst v7;
	v7 =	vor.u32 s16, v3  }
0xa9: {  	v6 =	vld.idx.msk [tilespmem:v6+s20+$0x0], $0xffff;
	vm10 =	vlt.s32 v7, v5  }
0xaa: {  	v7 =	vsel vm10, v7, v5;
	_ =	sdelay $0x3  }
0xab: {  	[tilespmem:$0x13CA0] =	vst v6  }
0xac: {  	v6 =	vld.idx.msk [tilespmem:v7+s19+$0x0], $0xffff;
	_ =	sdelay $0x3  }
0xad: {  	s17 =	simm.s32 $0x40  }
0xae: {  	[tilespmem:$0x13C30] =	vst v6;
	v6 =	vor.u32 s17, v3  }
0xaf: {  	v7 =	vld.idx.msk [tilespmem:v7+s20+$0x0], $0xffff;
	vm11 =	vlt.s32 v6, v5  }
0xb0: {  	v6 =	vsel vm11, v6, v5;
	_ =	sdelay $0x3  }
0xb1: {  	[tilespmem:$0x13CB0] =	vst v7  }
0xb2: {  	v7 =	vld.idx.msk [tilespmem:v6+s19+$0x0], $0xffff;
	_ =	sdelay $0x3  }
0xb3: {  	s21 =	simm.s32 $0x50  }
0xb4: {  	[tilespmem:$0x13C40] =	vst v7;
	v7 =	vor.u32 s21, v3  }
0xb5: {  	v6 =	vld.idx.msk [tilespmem:v6+s20+$0x0], $0xffff;
	vm12 =	vlt.s32 v7, v5  }
0xb6: {  	v7 =	vsel vm12, v7, v5;
	_ =	sdelay $0x3  }
0xb7: {  	[tilespmem:$0x13CC0] =	vst v6  }
0xb8: {  	v6 =	vld.idx.msk [tilespmem:v7+s19+$0x0], $0xffff;
	_ =	sdelay $0x3  }
0xb9: {  	s28 =	simm.s32 $0x60  }
0xba: {  	[tilespmem:$0x13C50] =	vst v6;
	v6 =	vor.u32 s28, v3  }
0xbb: {  	v7 =	vld.idx.msk [tilespmem:v7+s20+$0x0], $0xffff;
	vm13 =	vlt.s32 v6, v5  }
0xbc: {  	v6 =	vsel vm13, v6, v5;
	_ =	sdelay $0x3  }
0xbd: {  	[tilespmem:$0x13CD0] =	vst v7  }
0xbe: {  	v7 =	vld.idx.msk [tilespmem:v6+s19+$0x0], $0xffff;
	_ =	sdelay $0x4  }
0xbf: {  	[tilespmem:$0x13C60] =	vst v7;
	v7 =	vor.u32 s4, v3  }
0xc0: {  	v6 =	vld.idx.msk [tilespmem:v6+s20+$0x0], $0xffff;
	vm14 =	vlt.s32 v7, v5  }
0xc1: {  	v7 =	vsel vm14, v7, v5;
	_ =	sdelay $0x3  }
0xc2: {  	[tilespmem:$0x13CE0] =	vst v6  }
0xc3: {  	v6 =	vld.idx.msk [tilespmem:v7+s19+$0x0], $0xffff;
	_ =	sdelay $0x4  }
0xc4: {  	[tilespmem:$0x13C70] =	vst v6  }
0xc5: {  	v6 =	vld.idx.msk [tilespmem:v7+s20+$0x0], $0xffff;
	_ =	sdelay $0x3  }
0xc6: {  	s29 =	simm.s32 $0x80  }
0xc7: {  	p2 =	sne.s32 s1, $0x1;
	[tilespmem:$0x13CF0] =	vst v6;
	v6 =	vor.u32 s29, v3  }
.Ltmp7:
0xc8: {  	vm15 =	vlt.s32 v6, v5;
	(pc) =	sbr.rel @!p2 .LBB2_12-.Ltmp7, $4  }
0xc9: {  	s5 =	simm.s32 $0x80;
	v6 =	vsel vm15, v6, v5  }
0xca: {  	[hbm4b:s6+s5] =	stream.indirect.scatter [tilespmem:s24], [sflag:$0x6], $0x1, s23, s5, $0xb8;
	[tilespmem:$0x1FE80] =	vst v63  }
0xcb: {  	s9 =	sadd.s32 $0xFFFFFFFF, s1;
	_ =	swait.ge [sflag:s25], $0x80  }
0xcc: {  	p1 =	por $0x1, $0x1;
	s4 =	simm.s32 $0xF0;
	[sflag:s25] =	ssyncset.done $0x0  }
.LBB2_11:
0xcd: {  	p2 =	sne.s32 s9, $0x1;
	s9 =	sadd.s32 $0xFFFFFFFF, s9;
	[sflag:s25] =	ssyncadd.s32 $0xFFFFFF80  }
0xce: {  	v7 =	vld.idx.msk [tilespmem:v6+s19+$0x0], $0xffff;
	_ =	sdelay $0x5  }
0xcf: {  	s1 =	sadd.s32 $0xFFFFFFA0, s4;
	[tilespmem:$0x13C00] =	vst v7  }
0xd0: {  	v7 =	vor.u32 s1, v3;
	v6 =	vld.idx.msk [tilespmem:v6+s20+$0x0], $0xffff  }
0xd1: {  	vm0 =	vlt.s32 v7, v5  }
0xd2: {  	v7 =	vsel vm0, v7, v5;
	_ =	sdelay $0x3  }
0xd3: {  	[tilespmem:$0x13C80] =	vst v6  }
0xd4: {  	v6 =	vld.idx.msk [tilespmem:v7+s19+$0x0], $0xffff;
	_ =	sdelay $0x5  }
0xd5: {  	s1 =	sadd.s32 $0xFFFFFFB0, s4;
	[tilespmem:$0x13C10] =	vst v6  }
0xd6: {  	v6 =	vld.idx.msk [tilespmem:v7+s20+$0x0], $0xffff;
	v7 =	vor.u32 s1, v3  }
0xd7: {  	vm0 =	vlt.s32 v7, v5  }
0xd8: {  	v7 =	vsel vm0, v7, v5;
	_ =	sdelay $0x3  }
0xd9: {  	[tilespmem:$0x13C90] =	vst v6  }
0xda: {  	v6 =	vld.idx.msk [tilespmem:v7+s19+$0x0], $0xffff;
	_ =	sdelay $0x5  }
0xdb: {  	s1 =	sadd.s32 $0xFFFFFFC0, s4;
	[tilespmem:$0x13C20] =	vst v6  }
0xdc: {  	v6 =	vld.idx.msk [tilespmem:v7+s20+$0x0], $0xffff;
	v7 =	vor.u32 s1, v3  }
0xdd: {  	vm0 =	vlt.s32 v7, v5  }
0xde: {  	v7 =	vsel vm0, v7, v5;
	_ =	sdelay $0x3  }
0xdf: {  	[tilespmem:$0x13CA0] =	vst v6  }
0xe0: {  	v6 =	vld.idx.msk [tilespmem:v7+s19+$0x0], $0xffff;
	_ =	sdelay $0x5  }
0xe1: {  	s1 =	sadd.s32 $0xFFFFFFD0, s4;
	[tilespmem:$0x13C30] =	vst v6  }
0xe2: {  	v6 =	vld.idx.msk [tilespmem:v7+s20+$0x0], $0xffff;
	v7 =	vor.u32 s1, v3  }
0xe3: {  	vm0 =	vlt.s32 v7, v5  }
0xe4: {  	v7 =	vsel vm0, v7, v5;
	_ =	sdelay $0x3  }
0xe5: {  	[tilespmem:$0x13CB0] =	vst v6  }
0xe6: {  	v6 =	vld.idx.msk [tilespmem:v7+s19+$0x0], $0xffff;
	_ =	sdelay $0x5  }
0xe7: {  	s1 =	sadd.s32 $0xFFFFFFE0, s4;
	[tilespmem:$0x13C40] =	vst v6  }
0xe8: {  	v6 =	vld.idx.msk [tilespmem:v7+s20+$0x0], $0xffff;
	v7 =	vor.u32 s1, v3  }
0xe9: {  	vm0 =	vlt.s32 v7, v5  }
0xea: {  	v7 =	vsel vm0, v7, v5;
	_ =	sdelay $0x3  }
0xeb: {  	[tilespmem:$0x13CC0] =	vst v6  }
0xec: {  	v6 =	vld.idx.msk [tilespmem:v7+s19+$0x0], $0xffff;
	_ =	sdelay $0x5  }
0xed: {  	s1 =	sadd.s32 $0xFFFFFFF0, s4;
	[tilespmem:$0x13C50] =	vst v6  }
0xee: {  	v6 =	vld.idx.msk [tilespmem:v7+s20+$0x0], $0xffff;
	v7 =	vor.u32 s1, v3  }
0xef: {  	vm0 =	vlt.s32 v7, v5  }
0xf0: {  	v7 =	vsel vm0, v7, v5;
	_ =	sdelay $0x3  }
0xf1: {  	[tilespmem:$0x13CD0] =	vst v6  }
0xf2: {  	v6 =	vld.idx.msk [tilespmem:v7+s19+$0x0], $0xffff;
	_ =	sdelay $0x5  }
0xf3: {  	[tilespmem:$0x13C60] =	vst v6  }
0xf4: {  	v6 =	vld.idx.msk [tilespmem:v7+s20+$0x0], $0xffff;
	v7 =	vor.u32 s4, v3  }
0xf5: {  	vm0 =	vlt.s32 v7, v5  }
0xf6: {  	v7 =	vsel vm0, v7, v5;
	_ =	sdelay $0x3  }
0xf7: {  	[tilespmem:$0x13CE0] =	vst v6  }
0xf8: {  	v6 =	vld.idx.msk [tilespmem:v7+s19+$0x0], $0xffff;
	_ =	sdelay $0x5  }
0xf9: {  	[tilespmem:$0x13C70] =	vst v6  }
0xfa: {  	v7 =	vld.idx.msk [tilespmem:v7+s20+$0x0], $0xffff;
	_ =	sdelay $0x1  }
0xfb: {  	s4 =	sadd.s32 $0x80, s4  }
0xfc: {  	s1 =	sadd.s32 $0xFFFFFF90, s4  }
0xfd: {  	v6 =	vor.u32 s1, v3  }
.Ltmp8:
0xfe: {  	vm0 =	vlt.s32 v6, v5;
	(pc) =	sbr.rel @p2 .LBB2_11-.Ltmp8, $4  }
0xff: {  	v6 =	vsel vm0, v6, v5;
	[tilespmem:$0x13CF0] =	vst v7  }
0x100: {  	[hbm4b:s6+s5] =	stream.indirect.scatter [tilespmem:s24], [sflag:$0x6], $0x1, s23, s5, $0xb8;
	[tilespmem:$0x1FE80] =	vst v63  }
0x101: {  	_ =	swait.ge [sflag:s25], $0x80  }
0x102: {  	[sflag:s25] =	ssyncset.done $0x0  }
.LBB2_12:
0x103: {  	_ =	sdelay $0x2  }
0x104: {  	[sflag:s25] =	ssyncadd.s32 @p1 $0xFFFFFF80  }
0x105: {  	v7 =	vld.idx.msk [tilespmem:v6+s19+$0x0], $0xffff;
	_ =	sdelay $0x3  }
0x106: {  	s1 =	sadd.s32 $0xFFFFFFA0, s4  }
0x107: {  	[tilespmem:$0x13C00] =	vst v7;
	v7 =	vor.u32 s1, v3  }
0x108: {  	v6 =	vld.idx.msk [tilespmem:v6+s20+$0x0], $0xffff;
	vm0 =	vlt.s32 v7, v5  }
0x109: {  	v7 =	vsel vm0, v7, v5;
	_ =	sdelay $0x3  }
0x10a: {  	[tilespmem:$0x13C80] =	vst v6  }
0x10b: {  	v6 =	vld.idx.msk [tilespmem:v7+s19+$0x0], $0xffff;
	_ =	sdelay $0x3  }
0x10c: {  	s16 =	sadd.s32 $0xFFFFFFB0, s4  }
0x10d: {  	[tilespmem:$0x13C10] =	vst v6;
	v6 =	vor.u32 s16, v3  }
0x10e: {  	v7 =	vld.idx.msk [tilespmem:v7+s20+$0x0], $0xffff;
	vm10 =	vlt.s32 v6, v5  }
0x10f: {  	v6 =	vsel vm10, v6, v5;
	_ =	sdelay $0x3  }
0x110: {  	[tilespmem:$0x13C90] =	vst v7  }
0x111: {  	v7 =	vld.idx.msk [tilespmem:v6+s19+$0x0], $0xffff;
	_ =	sdelay $0x3  }
0x112: {  	s17 =	sadd.s32 $0xFFFFFFC0, s4  }
0x113: {  	[tilespmem:$0x13C20] =	vst v7;
	v7 =	vor.u32 s17, v3  }
0x114: {  	v6 =	vld.idx.msk [tilespmem:v6+s20+$0x0], $0xffff;
	vm11 =	vlt.s32 v7, v5  }
0x115: {  	v7 =	vsel vm11, v7, v5;
	_ =	sdelay $0x3  }
0x116: {  	[tilespmem:$0x13CA0] =	vst v6  }
0x117: {  	v6 =	vld.idx.msk [tilespmem:v7+s19+$0x0], $0xffff;
	_ =	sdelay $0x3  }
0x118: {  	s21 =	sadd.s32 $0xFFFFFFD0, s4  }
0x119: {  	[tilespmem:$0x13C30] =	vst v6;
	v6 =	vor.u32 s21, v3  }
0x11a: {  	v7 =	vld.idx.msk [tilespmem:v7+s20+$0x0], $0xffff;
	vm12 =	vlt.s32 v6, v5  }
0x11b: {  	v6 =	vsel vm12, v6, v5;
	_ =	sdelay $0x3  }
0x11c: {  	[tilespmem:$0x13CB0] =	vst v7  }
0x11d: {  	v7 =	vld.idx.msk [tilespmem:v6+s19+$0x0], $0xffff;
	_ =	sdelay $0x3  }
0x11e: {  	s28 =	sadd.s32 $0xFFFFFFE0, s4  }
0x11f: {  	[tilespmem:$0x13C40] =	vst v7;
	v7 =	vor.u32 s28, v3  }
0x120: {  	v6 =	vld.idx.msk [tilespmem:v6+s20+$0x0], $0xffff;
	vm13 =	vlt.s32 v7, v5  }
0x121: {  	v7 =	vsel vm13, v7, v5;
	_ =	sdelay $0x3  }
0x122: {  	[tilespmem:$0x13CC0] =	vst v6  }
0x123: {  	v6 =	vld.idx.msk [tilespmem:v7+s19+$0x0], $0xffff;
	_ =	sdelay $0x3  }
0x124: {  	s29 =	sadd.s32 $0xFFFFFFF0, s4  }
0x125: {  	[tilespmem:$0x13C50] =	vst v6;
	v6 =	vor.u32 s29, v3  }
0x126: {  	v7 =	vld.idx.msk [tilespmem:v7+s20+$0x0], $0xffff;
	vm14 =	vlt.s32 v6, v5  }
0x127: {  	v6 =	vsel vm14, v6, v5;
	_ =	sdelay $0x3  }
0x128: {  	[tilespmem:$0x13CD0] =	vst v7  }
0x129: {  	v7 =	vld.idx.msk [tilespmem:v6+s19+$0x0], $0xffff;
	_ =	sdelay $0x4  }
0x12a: {  	[tilespmem:$0x13C60] =	vst v7;
	v7 =	vor.u32 s4, v3  }
0x12b: {  	v6 =	vld.idx.msk [tilespmem:v6+s20+$0x0], $0xffff;
	vm15 =	vlt.s32 v7, v5  }
0x12c: {  	v5 =	vsel vm15, v7, v5;
	_ =	sdelay $0x3  }
0x12d: {  	[tilespmem:$0x13CE0] =	vst v6  }
0x12e: {  	v6 =	vld.idx.msk [tilespmem:v5+s19+$0x0], $0xffff;
	_ =	sdelay $0x4  }
0x12f: {  	[tilespmem:$0x13C70] =	vst v6  }
0x130: {  	v5 =	vld.idx.msk [tilespmem:v5+s20+$0x0], $0xffff;
	_ =	sdelay $0x4  }
0x131: {  	[tilespmem:$0x13CF0] =	vst v5  }
0x132: {  	[hbm4b:s6+s5] =	stream.indirect.scatter [tilespmem:s24], [sflag:$0x6], $0x1, s23, s5, $0xb8;
	[tilespmem:$0x1FE80] =	vst v63  }
0x133: {  	_ =	swait.ge [sflag:s25], $0x80  }
0x134: {  	[sflag:s25] =	ssyncset.done $0x0  }
0x135: {  	[sflag:s25] =	ssyncadd.s32 $0xFFFFFF80  }
.LBB2_13:
0x136: {  	s1 =	rddreg [dreg:$0x9]  }
0x137: {  	p2 =	sne.s32 s1, $0x1  }
.Ltmp9:
0x138: {  	_ = 	snop;
	(pc) =	sbr.rel @!p2 .LBB2_14-.Ltmp9, $3  }
0x139: {  	_ =	sdelay $0x1  }
0x13a: {  	s16 =	simm.s32 $0x4000;
	s11 =	simm.s32 $0x0  }
0x13b: {  	p1 =	por $0x0, $0x0;
	[dreg:$0x10] =	wrdreg s10;
	v5 =	vld [tilespmem:s16+$0x0];
	s1 =	sadd.s32 $0xFFFFFFFF, s1  }
0x13c: {  	_ =	sdelay $0x3  }
0x13d: {  	vm0 =	vgt.s32 v5, $0xFFFFFFFF  }
0x13e: {  	v6 =	vsel vm0, $0x1, v4  }
0x13f: {  	(xrf0) =	vadd.scan.msk.s32 $0xffff, v6;
	_ =	sdelay $0x2  }
0x140: {  	v6 =	vmov s11  }
0x141: {  	v6 =	vadd.s32 $0xFFFFFFFF, v6  }
0x142: {  	v6 =	vbroadcast v6, $0x0  }
0x143: {  	v7, _, _ =	vpop (xrf0)  }
0x144: {  	v6 =	vadd.s32 v7, v6;
	(v2sf) =	vpush v7, $0xF  }
0x145: {  	vm1 =	vgt.s32 v6, $0x0  }
0x146: {  	v6 =	vnsel vm1, $0x0, v6  }
0x147: {  	p2 =	sne.s32 s1, $0x1  }
.Ltmp10:
0x148: {  	_ = 	snop;
	(pc) =	sbr.rel @!p2 .LBB2_16-.Ltmp10, $4  }
0x149: {  	_ = 	snop  }
0x14a: {  	v5 =	vshra.s32 v5, $0x1  }
0x14b: {  	s4 =	simm.s32 $0x4010;
	[tilespmem:v6+s26+$0x0] =	vst.idx.msk vm0, v5  }
0x14c: {  	s5 =	sadd.s32 $0xFFFFFFFF, s1;
	p1 =	por $0x1, $0x1;
	s1 =	simm.s32 $0x0;
	v5 =	vld [tilespmem:s4+$0x0]  }
.LBB2_17:
0x14d: {  	p2 =	sne.s32 s5, $0x1;
	_ =	sdelay $0x3  }
0x14e: {  	vm0 =	vgt.s32 v5, $0xFFFFFFFF;
	v5 =	vshra.s32 v5, $0x1  }
0x14f: {  	v6 =	vsel vm0, $0x1, v4  }
0x150: {  	(xrf0) =	vadd.scan.msk.s32 $0xffff, v6;
	s7 =	spop (v2sf)  }
0x151: {  	s1 =	sadd.s32 s1, s7  }
0x152: {  	v6 =	vmov s1  }
0x153: {  	v6 =	vadd.s32 $0xFFFFFFFF, v6  }
0x154: {  	v6 =	vbroadcast v6, $0x0;
	_ =	sdelay $0x1  }
0x155: {  	v7, _, _ =	vpop (xrf0)  }
0x156: {  	v6 =	vadd.s32 v7, v6;
	(v2sf) =	vpush v7, $0xF  }
0x157: {  	vm1 =	vgt.s32 v6, $0x0  }
0x158: {  	v6 =	vnsel vm1, $0x0, v6;
	_ =	sdelay $0x1  }
.Ltmp11:
0x159: {  	(pc) =	sbr.rel @p2 .LBB2_17-.Ltmp11, $3  }
0x15a: {  	_ =	sdelay $0x1  }
0x15b: {  	s4 =	sadd.s32 $0x10, s4;
	[tilespmem:v6+s26+$0x0] =	vst.idx.msk vm0, v5  }
0x15c: {  	s5 =	sadd.s32 $0xFFFFFFFF, s5;
	v5 =	vld [tilespmem:s4+$0x0]  }
.LBB2_18:
0x15d: {  	_ =	sdelay $0x3  }
0x15e: {  	vm0 =	vgt.s32 v5, $0xFFFFFFFF  }
0x15f: {  	v6 =	vsel vm0, $0x1, v4  }
0x160: {  	(xrf0) =	vadd.scan.msk.s32 $0xffff, v6;
	_ =	sdelay $0x5  }
0x161: {  	v6, _, _ =	vpop (xrf0)  }
0x162: {  	(v2sf) =	vpush v6, $0xF;
	_ =	sdelay $0x9  }
0x163: {  	s4 =	spop @p1 (v2sf)  }
0x164: {  	s1 =	sadd.s32 @p1 s1, s4;
	s4 =	simm.s32 $0x0  }
0x165: {  	s4 =	smov.u32 @p1 s1  }
0x166: {  	v7 =	vmov s4  }
0x167: {  	v7 =	vadd.s32 $0xFFFFFFFF, v7  }
0x168: {  	v7 =	vbroadcast v7, $0x0;
	s15 =	spop (v2sf)  }
0x169: {  	s1 =	sadd.s32 s4, s15  }
0x16a: {  	v6 =	vadd.s32 v6, v7;
	p1 =	slt.s32 s1, $0x1;
	s1 =	sadd.s32 $0xFFFFFFFF, s1  }
0x16b: {  	vm1 =	vgt.s32 v6, $0x0;
	v7 =	vmov @!p1 s1;
	v8 =	vlaneseq.u32 @!p1  }
0x16c: {  	v6 =	vnsel vm1, $0x0, v6;
	vm1 =	vlt.s32 @!p1 v7, v8  }
0x16d: {  	v9 =	vsel @!p1 vm1, s1, v8;
	_ =	sdelay $0x2  }
0x16e: {  	v5 =	vshra.s32 v5, $0x1  }
0x16f: {  	[tilespmem:v6+s26+$0x0] =	vst.idx.msk vm0, v5;
	s4 =	simm.s32 @!p1 $0x17E00;
	v5 =	vor.u32 @!p1 $0x10, v8  }
0x170: {  	vm0 =	vlt.s32 @!p1 v7, v5;
	v6 =	vld.idx.msk @!p1 [tilespmem:v9+s4+$0x0], $0xffff  }
0x171: {  	v5 =	vsel @!p1 vm0, s1, v5;
	_ =	sdelay $0x3  }
0x172: {  	[tilespmem:$0x13C00] =	vst @!p1 v6;
	v6 =	vor.u32 @!p1 $0x20, v8  }
0x173: {  	v5 =	vld.idx.msk @!p1 [tilespmem:v5+s4+$0x0], $0xffff;
	vm0 =	vlt.s32 @!p1 v7, v6  }
0x174: {  	v6 =	vsel @!p1 vm0, s1, v6;
	_ =	sdelay $0x3  }
0x175: {  	[tilespmem:$0x13C10] =	vst @!p1 v5;
	v5 =	vor.u32 @!p1 $0x30, v8  }
0x176: {  	v6 =	vld.idx.msk @!p1 [tilespmem:v6+s4+$0x0], $0xffff;
	vm0 =	vlt.s32 @!p1 v7, v5  }
0x177: {  	v5 =	vsel @!p1 vm0, s1, v5;
	_ =	sdelay $0x3  }
0x178: {  	[tilespmem:$0x13C20] =	vst @!p1 v6;
	v6 =	vor.u32 @!p1 $0x40, v8  }
0x179: {  	v5 =	vld.idx.msk @!p1 [tilespmem:v5+s4+$0x0], $0xffff;
	vm0 =	vlt.s32 @!p1 v7, v6  }
0x17a: {  	v6 =	vsel @!p1 vm0, s1, v6;
	_ =	sdelay $0x3  }
0x17b: {  	[tilespmem:$0x13C30] =	vst @!p1 v5;
	v5 =	vor.u32 @!p1 $0x50, v8  }
0x17c: {  	v6 =	vld.idx.msk @!p1 [tilespmem:v6+s4+$0x0], $0xffff;
	vm0 =	vlt.s32 @!p1 v7, v5  }
0x17d: {  	v5 =	vsel @!p1 vm0, s1, v5;
	_ =	sdelay $0x3  }
0x17e: {  	[tilespmem:$0x13C40] =	vst @!p1 v6;
	v6 =	vor.u32 @!p1 $0x60, v8  }
0x17f: {  	v5 =	vld.idx.msk @!p1 [tilespmem:v5+s4+$0x0], $0xffff;
	vm0 =	vlt.s32 @!p1 v7, v6  }
0x180: {  	v6 =	vsel @!p1 vm0, s1, v6;
	_ =	sdelay $0x3  }
0x181: {  	[tilespmem:$0x13C50] =	vst @!p1 v5;
	v5 =	vor.u32 @!p1 $0x70, v8  }
0x182: {  	v6 =	vld.idx.msk @!p1 [tilespmem:v6+s4+$0x0], $0xffff;
	vm0 =	vlt.s32 @!p1 v7, v5  }
0x183: {  	v5 =	vsel @!p1 vm0, s1, v5;
	_ =	sdelay $0x3  }
0x184: {  	[tilespmem:$0x13C60] =	vst @!p1 v6  }
0x185: {  	v5 =	vld.idx.msk @!p1 [tilespmem:v5+s4+$0x0], $0xffff;
	_ =	sdelay $0x3  }
0x186: {  	s8 =	rddreg [dreg:$0x5]  }
0x187: {  	s5 =	simm.s32 @!p1 $0x13C00;
	s7 =	simm.s32 @!p1 $0x1BE80;
	s4 =	simm.s32 @!p1 $0x80;
	[tilespmem:$0x13C70] =	vst @!p1 v5  }
0x188: {  	[tilespmem:s7], [sflag:$0x5] =	stream.indirect.gather @!p1 [hbm4b:s8+s4], $0x80, s5, s4, $0xb8;
	[tilespmem:$0x1FE80] =	vst v63  }
0x189: {  	s21 =	simm.s32 $0x400;
	s4 =	simm.s32 @!p1 $0x5  }
0x18a: {  	s28 =	simm.s32 $0x7A1400;
	s9 =	simm.s32 $0x0;
	_ =	swait.ge @!p1 [sflag:s4], $0x4000  }
.Ltmp12:
0x18b: {  	s13 =	simm.s32 $0x0;
	[sflag:s4] =	ssyncset.done @!p1 $0x0;
	(pc) =	sbr.rel .LBB2_19-.Ltmp12, $4  }
0x18c: {  	s17 =	rddreg [dreg:$0xa];
	[sflag:s4] =	ssyncadd.s32 @!p1 $0xFFFFC000;
	p1 =	sgt.s32 s1, $0x0  }
0x18d: {  	[tilespmem:s30], [sflag:$0x1] =	stream.strided.gather [hbm4b:s17+s21], $0x2000, s28, s21, $0x38;
	[tilespmem:$0x1FE80] =	vst v63  }
0x18e: {  	s29 =	rddreg [dreg:$0xc];
	s1 =	simm.s32 @!p1 $0x0;
	s17 =	simm.s32 $0x4080  }
0x18f: {  	v5 =	vmov s1;
	[tilespmem:s31], [sflag:$0x2] =	stream.strided.gather [hbm4b:s29+s21], $0x2000, s28, s21, $0x38;
	[tilespmem:$0x1FE80] =	vst v63  }
.LBB2_27:
0x190: {  	s11 =	smov.u32 s10  }
.LBB2_36:
0x191: {  	s1 =	sadd.s32 $0x2, s15;
	s8 =	rddreg [dreg:$0x6]  }
0x192: {  	s10 =	rddreg [dreg:$0x7];
	p1 =	sge.u32 s1, s8  }
0x193: {  	s4 =	simm.s32 @!p1 $0x3;
	s1 =	sadd.s32 @!p1 s10, s1  }
0x194: {  	s5 =	simm.s32 @!p1 $0x7A1400;
	_ =	swait.ge @!p1 [sflag:s4], $0x2000;
	s1 =	sshll.u32 @!p1 s1, $0x7  }
0x195: {  	s7 =	simm.s32 @!p1 $0x13D00;
	[sflag:s4] =	ssyncset.done @!p1 $0x0;
	s1 =	sand.u32 @!p1 $0x1FFFFF80, s1  }
0x196: {  	[sflag:s4] =	ssyncadd.s32 @!p1 $0xFFFFE000;
	s1 =	sadd.s32 @!p1 s22, s1;
	s4 =	simm.s32 @!p1 $0x400  }
0x197: {  	[tilespmem:s7], [sflag:$0x1] =	stream.strided.gather @!p1 [hbm4b:s1+s4], $0x2000, s5, s4, $0x38;
	[tilespmem:$0x1FE80] =	vst v63  }
0x198: {  	s1 =	sadd.s32 $0x3, s15  }
0x199: {  	s13 =	sadd.s32 $0x1, s13;
	p1 =	sge.u32 s1, s8  }
0x19a: {  	s4 =	simm.s32 @!p1 $0x4;
	s1 =	sadd.s32 @!p1 s10, s1;
	s5 =	simm.s32 @!p1 $0x7A1400  }
0x19b: {  	s7 =	simm.s32 @!p1 $0x15D00;
	_ =	swait.ge @!p1 [sflag:s4], $0x2000;
	s1 =	sshll.u32 @!p1 s1, $0x7  }
0x19c: {  	[sflag:s4] =	ssyncset.done @!p1 $0x0;
	s1 =	sand.u32 @!p1 $0x1FFFFF80, s1;
	s29 =	rddreg [dreg:$0xb]  }
0x19d: {  	[sflag:s4] =	ssyncadd.s32 @!p1 $0xFFFFE000;
	s1 =	sadd.s32 @!p1 s22, s1;
	s4 =	simm.s32 @!p1 $0x400  }
0x19e: {  	[tilespmem:s7], [sflag:$0x2] =	stream.strided.gather @!p1 [hbm4b:s1+s4], $0x2000, s5, s4, $0x38;
	[tilespmem:$0x1FE80] =	vst v63  }
0x19f: {  	p1 =	sne.s32 s13, s29  }
.Ltmp13:
0x1a0: {  	_ = 	snop;
	(pc) =	sbr.rel @!p1 .LBB2_37-.Ltmp13, $2  }
0x1a1: {  	_ =	sdelay $0x2  }
0x1a2: {  	s16 =	sadd.s32 $0x100, s16;
	s17 =	sadd.s32 $0x100, s17  }
.LBB2_19:
0x1a3: {  	s1 =	simm.s32 $0x1  }
0x1a4: {  	_ =	swait.ge [sflag:s1], $0x2000  }
0x1a5: {  	[sflag:s1] =	ssyncset.done $0x0  }
0x1a6: {  	s4 =	sshll.u32 s13, $0x8;
	[sflag:s1] =	ssyncadd.s32 $0xFFFFE000  }
0x1a7: {  	v6 =	vld [tilespmem:s4+$0x4000]  }
0x1a8: {  	v7 =	vld [tilespmem:s4+$0x4010]  }
0x1a9: {  	v8 =	vld [tilespmem:s4+$0x4020]  }
0x1aa: {  	v9 =	vld [tilespmem:s4+$0x4030]  }
0x1ab: {  	v10 =	vld [tilespmem:s4+$0x4040]  }
0x1ac: {  	vm0 =	vgt.s32 v6, $0xFFFFFFFF;
	v6 =	vld [tilespmem:s4+$0x4050]  }
0x1ad: {  	vm9 =	vgt.s32 v7, $0xFFFFFFFF;
	v7 =	vld [tilespmem:s4+$0x4060];
	v11 =	vsel vm0, $0x1, v4  }
0x1ae: {  	v61 =	vld [tilespmem:s4+$0x4070];
	vm10 =	vgt.s32 v8, $0xFFFFFFFF;
	v60 =	vsel vm9, $0x1, v4;
	(xrf0) =	vadd.scan.msk.s32 $0xffff, v11  }
0x1af: {  	vm11 =	vgt.s32 v9, $0xFFFFFFFF;
	v62 =	vsel vm10, $0x1, v4;
	(xrf0) =	vadd.scan.msk.s32 $0xffff, v60  }
0x1b0: {  	vm12 =	vgt.s32 v10, $0xFFFFFFFF;
	v9 =	vsel vm11, $0x1, v4;
	(xrf0) =	vadd.scan.msk.s32 $0xffff, v62  }
0x1b1: {  	v63 =	vsel vm12, $0x1, v4;
	(xrf0) =	vadd.scan.msk.s32 $0xffff, v9;
	vm13 =	vgt.s32 v6, $0xFFFFFFFF  }
0x1b2: {  	vm14 =	vgt.s32 v7, $0xFFFFFFFF;
	(xrf0) =	vadd.scan.msk.s32 $0xffff, v63;
	v6 =	vsel vm13, $0x1, v4  }
0x1b3: {  	vm15 =	vgt.s32 v61, $0xFFFFFFFF;
	(xrf0) =	vadd.scan.msk.s32 $0xffff, v6;
	v6 =	vsel vm14, $0x1, v4  }
0x1b4: {  	v7, _, _ =	vpop (xrf0);
	(xrf0) =	vadd.scan.msk.s32 $0xffff, v6;
	v6 =	vsel vm15, $0x1, v4;
	_ =	sdelay $0x1  }
0x1b5: {  	(v2sf) =	vpush v7, $0xF;
	v7, _, _ =	vpop (xrf0);
	(xrf0) =	vadd.scan.msk.s32 $0xffff, v6  }
0x1b6: {  	(v2sf) =	vpush v7, $0xF;
	v6, _, _ =	vpop (xrf0)  }
0x1b7: {  	v7, _, _ =	vpop (xrf0);
	(v2sf) =	vpush v6, $0xF  }
0x1b8: {  	v6, _, _ =	vpop (xrf0);
	(v2sf) =	vpush v7, $0xF  }
0x1b9: {  	v7, _, _ =	vpop (xrf0);
	(v2sf) =	vpush v6, $0xF  }
0x1ba: {  	v6, _, _ =	vpop (xrf0);
	(v2sf) =	vpush v7, $0xF  }
0x1bb: {  	(v2sf) =	vpush v6, $0xF;
	v6, _, _ =	vpop (xrf0)  }
0x1bc: {  	(v2sf) =	vpush v6, $0xF;
	_ =	sdelay $0x7  }
0x1bd: {  	s14 =	spop (v2sf)  }
0x1be: {  	s5 =	spop (v2sf)  }
0x1bf: {  	s1 =	sadd.s32 s14, s5;
	s7 =	spop (v2sf)  }
0x1c0: {  	s15 =	spop (v2sf);
	s1 =	sadd.s32 s1, s7  }
0x1c1: {  	s21 =	spop (v2sf);
	s1 =	sadd.s32 s1, s15  }
0x1c2: {  	s29 =	spop (v2sf);
	s1 =	sadd.s32 s1, s21  }
0x1c3: {  	s8 =	spop (v2sf);
	s1 =	sadd.s32 s1, s29  }
0x1c4: {  	s1 =	sadd.s32 s1, s8;
	s10 =	spop (v2sf)  }
0x1c5: {  	s15 =	sadd.s32 s1, s10  }
0x1c6: {  	s1 =	sadd.s32 $0x80, s9;
	s10 =	sadd.s32 s11, s15  }
0x1c7: {  	p1 =	sle.s32 s10, s1  }
0x1c8: {  	v6 =	vlaneseq.u32 @!p1  }
0x1c9: {  	v7 =	vadd.s32 @!p1 s11, v6  }
0x1ca: {  	vm0 =	vlt.s32 @!p1 v7, v5  }
0x1cb: {  	v7 =	vsel @!p1 vm0, v7, v5;
	_ =	sdelay $0x2  }
0x1cc: {  	s5 =	sadd.s32 @!p1 $0x10, s11  }
0x1cd: {  	s7 =	simm.s32 @!p1 $0x17E00;
	v8 =	vadd.s32 @!p1 s5, v6  }
0x1ce: {  	vm0 =	vlt.s32 @!p1 v8, v5;
	v7 =	vld.idx.msk @!p1 [tilespmem:v7+s7+$0x0], $0xffff  }
0x1cf: {  	v8 =	vsel @!p1 vm0, v8, v5;
	_ =	sdelay $0x2  }
0x1d0: {  	s5 =	sadd.s32 @!p1 $0x20, s11  }
0x1d1: {  	[tilespmem:$0x13C00] =	vst @!p1 v7;
	v7 =	vadd.s32 @!p1 s5, v6  }
0x1d2: {  	v8 =	vld.idx.msk @!p1 [tilespmem:v8+s7+$0x0], $0xffff;
	vm0 =	vlt.s32 @!p1 v7, v5  }
0x1d3: {  	v7 =	vsel @!p1 vm0, v7, v5;
	_ =	sdelay $0x2  }
0x1d4: {  	s5 =	sadd.s32 @!p1 $0x30, s11  }
0x1d5: {  	[tilespmem:$0x13C10] =	vst @!p1 v8;
	v8 =	vadd.s32 @!p1 s5, v6  }
0x1d6: {  	v7 =	vld.idx.msk @!p1 [tilespmem:v7+s7+$0x0], $0xffff;
	vm0 =	vlt.s32 @!p1 v8, v5  }
0x1d7: {  	v8 =	vsel @!p1 vm0, v8, v5;
	_ =	sdelay $0x2  }
0x1d8: {  	s5 =	sadd.s32 @!p1 $0x40, s11  }
0x1d9: {  	[tilespmem:$0x13C20] =	vst @!p1 v7;
	v7 =	vadd.s32 @!p1 s5, v6  }
0x1da: {  	v8 =	vld.idx.msk @!p1 [tilespmem:v8+s7+$0x0], $0xffff;
	vm0 =	vlt.s32 @!p1 v7, v5  }
0x1db: {  	v7 =	vsel @!p1 vm0, v7, v5;
	_ =	sdelay $0x2  }
0x1dc: {  	s5 =	sadd.s32 @!p1 $0x50, s11  }
0x1dd: {  	[tilespmem:$0x13C30] =	vst @!p1 v8;
	v8 =	vadd.s32 @!p1 s5, v6  }
0x1de: {  	v7 =	vld.idx.msk @!p1 [tilespmem:v7+s7+$0x0], $0xffff;
	vm0 =	vlt.s32 @!p1 v8, v5  }
0x1df: {  	v8 =	vsel @!p1 vm0, v8, v5;
	_ =	sdelay $0x2  }
0x1e0: {  	s5 =	sadd.s32 @!p1 $0x60, s11  }
0x1e1: {  	[tilespmem:$0x13C40] =	vst @!p1 v7;
	v7 =	vadd.s32 @!p1 s5, v6  }
0x1e2: {  	v8 =	vld.idx.msk @!p1 [tilespmem:v8+s7+$0x0], $0xffff;
	vm0 =	vlt.s32 @!p1 v7, v5  }
0x1e3: {  	v7 =	vsel @!p1 vm0, v7, v5;
	_ =	sdelay $0x2  }
0x1e4: {  	s5 =	sadd.s32 @!p1 $0x70, s11  }
0x1e5: {  	v6 =	vadd.s32 @!p1 s5, v6;
	[tilespmem:$0x13C50] =	vst @!p1 v8  }
0x1e6: {  	vm0 =	vlt.s32 @!p1 v6, v5;
	v7 =	vld.idx.msk @!p1 [tilespmem:v7+s7+$0x0], $0xffff  }
0x1e7: {  	v6 =	vsel @!p1 vm0, v6, v5;
	_ =	sdelay $0x3  }
0x1e8: {  	[tilespmem:$0x13C60] =	vst @!p1 v7  }
0x1e9: {  	v6 =	vld.idx.msk @!p1 [tilespmem:v6+s7+$0x0], $0xffff;
	_ =	sdelay $0x3  }
0x1ea: {  	s12 =	rddreg [dreg:$0x5]  }
0x1eb: {  	s8 =	simm.s32 @!p1 $0x1BE80;
	s5 =	simm.s32 @!p1 $0x80;
	s7 =	simm.s32 @!p1 $0x13C00;
	[tilespmem:$0x13C70] =	vst @!p1 v6  }
0x1ec: {  	[tilespmem:s8], [sflag:$0x5] =	stream.indirect.gather @!p1 [hbm4b:s12+s5], $0x80, s7, s5, $0xb8;
	[tilespmem:$0x1FE80] =	vst v63  }
0x1ed: {  	s12 =	sadd.s32 $0xF, s15  }
0x1ee: {  	s14 =	sand.u32 $0xF, s12  }
0x1ef: {  	s21 =	sshra.s32 s12, $0x1F;
	p2 =	slt.s32 s12, $0x1;
	p3 =	sne.s32 s14, $0x0  }
0x1f0: {  	s29 =	sshrl.u32 s21, $0x1C;
	p2 =	por !p2, !p3  }
0x1f1: {  	s7 =	simm.s32 $0x1;
	s5 =	sadd.s32 s29, s12;
	p2 =	por !p2, !p2  }
0x1f2: {  	s5 =	sshra.s32 s5, $0x4;
	s7 =	simm.s32 @!p2 $0x0  }
0x1f3: {  	s28 =	ssub.s32 s5, s7  }
0x1f4: {  	p3 =	slt.s32 s28, $0x1  }
.Ltmp14:
0x1f5: {  	_ = 	snop;
	(pc) =	sbr.rel @p3 .LBB2_26-.Ltmp14, $4  }
0x1f6: {  	s8 =	simm.s32 @!p1 $0x5  }
0x1f7: {  	_ =	swait.ge @!p1 [sflag:s8], $0x4000  }
0x1f8: {  	[sflag:s8] =	ssyncset.done @!p1 $0x0;
	p2 =	sgt.s32 s10, s1  }
0x1f9: {  	[sflag:s8] =	ssyncadd.s32 @!p1 $0xFFFFC000;
	s9 =	smov.u32 @p2 s11  }
0x1fa: {  	s29 =	simm.s32 $0x0;
	s1 =	simm.s32 $0x0  }
.LBB2_21:
0x1fb: {  	v8 =	vld [tilespmem:s16+$0x0];
	_ =	sdelay $0x4  }
0x1fc: {  	vm0 =	vgt.s32 v8, $0xFFFFFFFF  }
0x1fd: {  	v6 =	vsel vm0, $0x1, v4  }
0x1fe: {  	(xrf0) =	vadd.scan.msk.s32 $0xffff, v6;
	_ =	sdelay $0x2  }
0x1ff: {  	v6 =	vmov s29  }
0x200: {  	s12 =	sshll.u32 s1, $0x4;
	v6 =	vadd.s32 $0xFFFFFFFF, v6  }
0x201: {  	s5 =	sadd.s32 $0x10, s12;
	v9 =	vbroadcast v6, $0x0  }
0x202: {  	v7 =	vmov s5;
	v10, _, _ =	vpop (xrf0)  }
0x203: {  	v6 =	vmov s12;
	v9 =	vadd.s32 v10, v9;
	(v2sf) =	vpush v10, $0xF  }
0x204: {  	vm1 =	vge.s32 v9, v6;
	vm2 =	vlt.s32 v9, v7;
	v9 =	vsub.s32 v9, v6  }
0x205: {  	vm1 =	vmand vm1, vm2;
	vm15 =	vgt.s32 v9, $0x0  }
0x206: {  	vm0 =	vmand vm0, vm1;
	v9 =	vnsel vm15, $0x0, v9  }
0x207: {  	v9 =	vmin.u32 v9, $0xF;
	_ =	sdelay $0x3  }
0x208: {  	v11 =	vor.u32 s29, v3  }
0x209: {  	[tilespmem:v9+s0+$0x0] =	vst.idx.msk vm0, v11  }
0x20a: {  	s21 =	sadd.s32 $0x10, s16;
	[tilespmem:v9+s3+$0x0] =	vst.idx.msk vm0, v8  }
0x20b: {  	s14 =	simm.s32 $0x10;
	s8 =	simm.s32 $0x20;
	s5 =	simm.s32 $0x0;
	v8 =	vld [tilespmem:s21+$0x0]  }
.LBB2_22:
0x20c: {  	p1 =	sne.s32 s8, $0x70;
	_ =	sdelay $0x2  }
0x20d: {  	s7 =	spop (v2sf)  }
0x20e: {  	vm0 =	vgt.s32 v8, $0xFFFFFFFF;
	s5 =	sadd.s32 s5, s7  }
0x20f: {  	v9 =	vsel vm0, $0x1, v4;
	v10 =	vmov s5  }
0x210: {  	v10 =	vadd.s32 $0xFFFFFFFF, v10;
	(xrf0) =	vadd.scan.msk.s32 $0xffff, v9  }
0x211: {  	v9 =	vbroadcast v10, $0x0;
	_ =	sdelay $0x4  }
0x212: {  	v10, _, _ =	vpop (xrf0)  }
0x213: {  	v9 =	vadd.s32 v10, v9;
	(v2sf) =	vpush v10, $0xF  }
0x214: {  	vm1 =	vge.s32 v9, v6;
	vm2 =	vlt.s32 v9, v7;
	v9 =	vsub.s32 v9, v6  }
0x215: {  	vm1 =	vmand vm1, vm2;
	vm2 =	vgt.s32 v9, $0x0  }
0x216: {  	vm0 =	vmand vm0, vm1;
	v9 =	vnsel vm2, $0x0, v9  }
0x217: {  	v9 =	vmin.u32 v9, $0xF;
	_ =	sdelay $0x2  }
.Ltmp15:
0x218: {  	(pc) =	sbr.rel @p1 .LBB2_22-.Ltmp15, $4  }
0x219: {  	v10 =	vor.u32 s14, v3;
	s14 =	smov.u32 s8  }
0x21a: {  	[tilespmem:v9+s0+$0x0] =	vst.idx.msk vm0, v10  }
0x21b: {  	s21 =	sadd.s32 $0x10, s21;
	[tilespmem:v9+s3+$0x0] =	vst.idx.msk vm0, v8  }
0x21c: {  	s8 =	sadd.s32 $0x10, s8;
	v8 =	vld [tilespmem:s21+$0x0]  }
0x21d: {  	_ =	sdelay $0x3  }
0x21e: {  	vm0 =	vgt.s32 v8, $0xFFFFFFFF  }
0x21f: {  	v9 =	vsel vm0, $0x1, v4  }
0x220: {  	(xrf0) =	vadd.scan.msk.s32 $0xffff, v9  }
0x221: {  	s7 =	spop (v2sf)  }
0x222: {  	s5 =	sadd.s32 s5, s7  }
0x223: {  	v9 =	vmov s5  }
0x224: {  	v9 =	vadd.s32 $0xFFFFFFFF, v9  }
0x225: {  	v9 =	vbroadcast v9, $0x0  }
0x226: {  	v10, _, _ =	vpop (xrf0)  }
0x227: {  	v9 =	vadd.s32 v10, v9  }
0x228: {  	vm1 =	vge.s32 v9, v6;
	vm2 =	vlt.s32 v9, v7;
	v6 =	vsub.s32 v9, v6  }
0x229: {  	vm1 =	vmand vm1, vm2;
	vm2 =	vgt.s32 v6, $0x0  }
0x22a: {  	vm0 =	vmand vm0, vm1;
	v6 =	vnsel vm2, $0x0, v6  }
0x22b: {  	v6 =	vmin.u32 v6, $0xF;
	_ =	sdelay $0x3  }
0x22c: {  	(v2sf) =	vpush v10, $0xF;
	v7 =	vor.u32 s14, v3  }
0x22d: {  	[tilespmem:v6+s0+$0x0] =	vst.idx.msk vm0, v7  }
0x22e: {  	[tilespmem:v6+s3+$0x0] =	vst.idx.msk vm0, v8  }
0x22f: {  	s14 =	sadd.s32 s11, s12;
	v6 =	vld.idx.msk [tilespmem:v3+s0+$0x0], $0xffff  }
0x230: {  	s5 =	ssub.s32 s14, s9;
	v7 =	vld.idx.msk [tilespmem:v3+s3+$0x0], $0xffff  }
0x231: {  	v8 =	vadd.s32 s5, v3;
	s5 =	ssub.s32 s15, s12  }
0x232: {  	vm0 =	vgt.s32 v8, $0x0;
	p1 =	slt.s32 s5, $0x10  }
0x233: {  	v8 =	vnsel vm0, $0x0, v8;
	s5 =	simm.s32 @!p1 $0x10  }
0x234: {  	v8 =	vmin.u32 v8, $0x7F;
	v9 =	vmov s5  }
0x235: {  	v8 =	vshll.u32 v8, $0x7;
	v7 =	vshll.u32 v7, $0x6;
	vm0 =	vgt.s32 v6, $0x0  }
0x236: {  	v6 =	vnsel vm0, $0x0, v6;
	v7 =	vand.u32 $0x40, v7;
	vm0 =	vgt.s32 v9, v3  }
0x237: {  	v7 =	vor.u32 v8, v7;
	_ =	sdelay $0x2  }
0x238: {  	s5 =	simm.s32 $0x0  }
0x239: {  	s7 =	simm.s32 $0x1;
	s21 =	spop (v2sf);
	v9 =	vmov s5;
	v6 =	vmin.u32 v6, $0x7F;
	v8 =	vor.u32 $0x1, v7  }
.LBB2_24:
0x23a: {  	p1 =	sne.s32 s7, $0x3F;
	v10 =	vld.idx.msk [tilespmem:v7+s2+$0x0], vm0;
	v7 =	vshll.u32 v9, $0x7  }
0x23b: {  	v11 =	vor.u32 v6, v7  }
.Ltmp16:
0x23c: {  	v7 =	vadd.s32 s5, v8;
	s5 =	smov.u32 s7;
	(pc) =	sbr.rel @p1 .LBB2_24-.Ltmp16, $2  }
0x23d: {  	_ =	sdelay $0x2  }
0x23e: {  	s7 =	sadd.s32 $0x1, s7;
	v9 =	vmov s5;
	[tilespmem:v11+s30+$0x0] =	vst.idx.msk vm0, v10  }
0x23f: {  	_ =	sdelay $0x3  }
0x240: {  	v8 =	vshll.u32 v9, $0x7;
	s1 =	sadd.s32 $0x1, s1  }
0x241: {  	v7 =	vld.idx.msk [tilespmem:v7+s2+$0x0], vm0;
	v6 =	vor.u32 v6, v8;
	p1 =	sne.s32 s1, s28  }
.Ltmp17:
0x242: {  	_ = 	snop;
	(pc) =	sbr.rel @p1 .LBB2_21-.Ltmp17, $2  }
0x243: {  	_ =	sdelay $0x2  }
0x244: {  	[tilespmem:v6+s30+$0x0] =	vst.idx.msk vm0, v7  }
.LBB2_26:
0x245: {  	s15 =	sshll.u32 s13, $0x1;
	s1 =	rddreg [dreg:$0xd]  }
0x246: {  	s28 =	simm.s32 $0x400;
	s5 =	simm.s32 $0x7A1400;
	s1 =	sadd.s32 s4, s1  }
0x247: {  	[hbm4b:s1+s28] =	stream.strided.scatter [tilespmem:s30], [sflag:$0x3], $0x2000, s5, s28, $0x38;
	[tilespmem:$0x1FE80] =	vst v63  }
0x248: {  	s29 =	rddreg [dreg:$0x6];
	s1 =	sor.u32 $0x1, s15  }
0x249: {  	p1 =	sge.u32 s1, s29  }
.Ltmp18:
0x24a: {  	_ = 	snop;
	(pc) =	sbr.rel @p1 .LBB2_27-.Ltmp18, $1  }
0x24b: {  	_ =	sdelay $0x3  }
0x24c: {  	s4 =	simm.s32 $0x2  }
0x24d: {  	_ =	swait.ge [sflag:s4], $0x2000  }
0x24e: {  	[sflag:s4] =	ssyncset.done $0x0  }
0x24f: {  	[sflag:s4] =	ssyncadd.s32 $0xFFFFE000;
	s4 =	sshll.u32 s1, $0x7  }
0x250: {  	v6 =	vld [tilespmem:s4+$0x4000]  }
0x251: {  	v7 =	vld [tilespmem:s4+$0x4010]  }
0x252: {  	v8 =	vld [tilespmem:s4+$0x4020]  }
0x253: {  	v9 =	vld [tilespmem:s4+$0x4030]  }
0x254: {  	v10 =	vld [tilespmem:s4+$0x4040]  }
0x255: {  	vm0 =	vgt.s32 v6, $0xFFFFFFFF;
	v6 =	vld [tilespmem:s4+$0x4050]  }
0x256: {  	vm9 =	vgt.s32 v7, $0xFFFFFFFF;
	v7 =	vld [tilespmem:s4+$0x4060];
	v11 =	vsel vm0, $0x1, v4  }
0x257: {  	v61 =	vld [tilespmem:s4+$0x4070];
	vm10 =	vgt.s32 v8, $0xFFFFFFFF;
	v60 =	vsel vm9, $0x1, v4;
	(xrf0) =	vadd.scan.msk.s32 $0xffff, v11  }
0x258: {  	vm11 =	vgt.s32 v9, $0xFFFFFFFF;
	v62 =	vsel vm10, $0x1, v4;
	(xrf0) =	vadd.scan.msk.s32 $0xffff, v60  }
0x259: {  	vm12 =	vgt.s32 v10, $0xFFFFFFFF;
	v9 =	vsel vm11, $0x1, v4;
	(xrf0) =	vadd.scan.msk.s32 $0xffff, v62  }
0x25a: {  	v63 =	vsel vm12, $0x1, v4;
	(xrf0) =	vadd.scan.msk.s32 $0xffff, v9;
	vm13 =	vgt.s32 v6, $0xFFFFFFFF  }
0x25b: {  	vm14 =	vgt.s32 v7, $0xFFFFFFFF;
	(xrf0) =	vadd.scan.msk.s32 $0xffff, v63;
	v6 =	vsel vm13, $0x1, v4  }
0x25c: {  	vm15 =	vgt.s32 v61, $0xFFFFFFFF;
	(xrf0) =	vadd.scan.msk.s32 $0xffff, v6;
	v6 =	vsel vm14, $0x1, v4  }
0x25d: {  	v7, _, _ =	vpop (xrf0);
	(xrf0) =	vadd.scan.msk.s32 $0xffff, v6;
	v6 =	vsel vm15, $0x1, v4;
	_ =	sdelay $0x1  }
0x25e: {  	(v2sf) =	vpush v7, $0xF;
	v7, _, _ =	vpop (xrf0);
	(xrf0) =	vadd.scan.msk.s32 $0xffff, v6  }
0x25f: {  	(v2sf) =	vpush v7, $0xF;
	v6, _, _ =	vpop (xrf0)  }
0x260: {  	v7, _, _ =	vpop (xrf0);
	(v2sf) =	vpush v6, $0xF  }
0x261: {  	v6, _, _ =	vpop (xrf0);
	(v2sf) =	vpush v7, $0xF  }
0x262: {  	v7, _, _ =	vpop (xrf0);
	(v2sf) =	vpush v6, $0xF  }
0x263: {  	v6, _, _ =	vpop (xrf0);
	(v2sf) =	vpush v7, $0xF  }
0x264: {  	(v2sf) =	vpush v6, $0xF;
	v6, _, _ =	vpop (xrf0)  }
0x265: {  	(v2sf) =	vpush v6, $0xF;
	_ =	sdelay $0x7  }
0x266: {  	s12 =	spop (v2sf)  }
0x267: {  	s5 =	spop (v2sf)  }
0x268: {  	s1 =	sadd.s32 s12, s5;
	s7 =	spop (v2sf)  }
0x269: {  	s14 =	spop (v2sf);
	s1 =	sadd.s32 s1, s7  }
0x26a: {  	s21 =	spop (v2sf);
	s1 =	sadd.s32 s1, s14  }
0x26b: {  	s22 =	spop (v2sf);
	s1 =	sadd.s32 s1, s21  }
0x26c: {  	s8 =	spop (v2sf);
	s1 =	sadd.s32 s1, s22  }
0x26d: {  	s1 =	sadd.s32 s1, s8;
	s11 =	spop (v2sf)  }
0x26e: {  	s28 =	sadd.s32 s1, s11  }
0x26f: {  	s1 =	sadd.s32 $0x80, s9;
	s11 =	sadd.s32 s10, s28  }
0x270: {  	p1 =	sle.s32 s11, s1  }
0x271: {  	v6 =	vlaneseq.u32 @!p1  }
0x272: {  	v7 =	vadd.s32 @!p1 s10, v6  }
0x273: {  	vm0 =	vlt.s32 @!p1 v7, v5  }
0x274: {  	v7 =	vsel @!p1 vm0, v7, v5;
	_ =	sdelay $0x2  }
0x275: {  	s5 =	sadd.s32 @!p1 $0x10, s10  }
0x276: {  	s7 =	simm.s32 @!p1 $0x17E00;
	v8 =	vadd.s32 @!p1 s5, v6  }
0x277: {  	vm0 =	vlt.s32 @!p1 v8, v5;
	v7 =	vld.idx.msk @!p1 [tilespmem:v7+s7+$0x0], $0xffff  }
0x278: {  	v8 =	vsel @!p1 vm0, v8, v5;
	_ =	sdelay $0x2  }
0x279: {  	s5 =	sadd.s32 @!p1 $0x20, s10  }
0x27a: {  	[tilespmem:$0x13C00] =	vst @!p1 v7;
	v7 =	vadd.s32 @!p1 s5, v6  }
0x27b: {  	v8 =	vld.idx.msk @!p1 [tilespmem:v8+s7+$0x0], $0xffff;
	vm0 =	vlt.s32 @!p1 v7, v5  }
0x27c: {  	v7 =	vsel @!p1 vm0, v7, v5;
	_ =	sdelay $0x2  }
0x27d: {  	s5 =	sadd.s32 @!p1 $0x30, s10  }
0x27e: {  	[tilespmem:$0x13C10] =	vst @!p1 v8;
	v8 =	vadd.s32 @!p1 s5, v6  }
0x27f: {  	v7 =	vld.idx.msk @!p1 [tilespmem:v7+s7+$0x0], $0xffff;
	vm0 =	vlt.s32 @!p1 v8, v5  }
0x280: {  	v8 =	vsel @!p1 vm0, v8, v5;
	_ =	sdelay $0x2  }
0x281: {  	s5 =	sadd.s32 @!p1 $0x40, s10  }
0x282: {  	[tilespmem:$0x13C20] =	vst @!p1 v7;
	v7 =	vadd.s32 @!p1 s5, v6  }
0x283: {  	v8 =	vld.idx.msk @!p1 [tilespmem:v8+s7+$0x0], $0xffff;
	vm0 =	vlt.s32 @!p1 v7, v5  }
0x284: {  	v7 =	vsel @!p1 vm0, v7, v5;
	_ =	sdelay $0x2  }
0x285: {  	s5 =	sadd.s32 @!p1 $0x50, s10  }
0x286: {  	[tilespmem:$0x13C30] =	vst @!p1 v8;
	v8 =	vadd.s32 @!p1 s5, v6  }
0x287: {  	v7 =	vld.idx.msk @!p1 [tilespmem:v7+s7+$0x0], $0xffff;
	vm0 =	vlt.s32 @!p1 v8, v5  }
0x288: {  	v8 =	vsel @!p1 vm0, v8, v5;
	_ =	sdelay $0x2  }
0x289: {  	s5 =	sadd.s32 @!p1 $0x60, s10  }
0x28a: {  	[tilespmem:$0x13C40] =	vst @!p1 v7;
	v7 =	vadd.s32 @!p1 s5, v6  }
0x28b: {  	v8 =	vld.idx.msk @!p1 [tilespmem:v8+s7+$0x0], $0xffff;
	vm0 =	vlt.s32 @!p1 v7, v5  }
0x28c: {  	v7 =	vsel @!p1 vm0, v7, v5;
	_ =	sdelay $0x2  }
0x28d: {  	s5 =	sadd.s32 @!p1 $0x70, s10  }
0x28e: {  	v6 =	vadd.s32 @!p1 s5, v6;
	[tilespmem:$0x13C50] =	vst @!p1 v8  }
0x28f: {  	vm0 =	vlt.s32 @!p1 v6, v5;
	v7 =	vld.idx.msk @!p1 [tilespmem:v7+s7+$0x0], $0xffff  }
0x290: {  	v6 =	vsel @!p1 vm0, v6, v5;
	_ =	sdelay $0x3  }
0x291: {  	[tilespmem:$0x13C60] =	vst @!p1 v7  }
0x292: {  	v6 =	vld.idx.msk @!p1 [tilespmem:v6+s7+$0x0], $0xffff;
	_ =	sdelay $0x3  }
0x293: {  	s12 =	rddreg [dreg:$0x5]  }
0x294: {  	s8 =	simm.s32 @!p1 $0x1BE80;
	s5 =	simm.s32 @!p1 $0x80;
	s7 =	simm.s32 @!p1 $0x13C00;
	[tilespmem:$0x13C70] =	vst @!p1 v6  }
0x295: {  	[tilespmem:s8], [sflag:$0x5] =	stream.indirect.gather @!p1 [hbm4b:s12+s5], $0x80, s7, s5, $0xb8;
	[tilespmem:$0x1FE80] =	vst v63  }
0x296: {  	s12 =	sadd.s32 $0xF, s28  }
0x297: {  	s14 =	sand.u32 $0xF, s12  }
0x298: {  	s21 =	sshra.s32 s12, $0x1F;
	p2 =	slt.s32 s12, $0x1;
	p3 =	sne.s32 s14, $0x0  }
0x299: {  	s22 =	sshrl.u32 s21, $0x1C;
	p2 =	por !p2, !p3  }
0x29a: {  	s7 =	simm.s32 $0x1;
	s5 =	sadd.s32 s22, s12;
	p2 =	por !p2, !p2  }
0x29b: {  	s5 =	sshra.s32 s5, $0x4;
	s7 =	simm.s32 @!p2 $0x0  }
0x29c: {  	s29 =	ssub.s32 s5, s7  }
0x29d: {  	p3 =	slt.s32 s29, $0x1  }
.Ltmp19:
0x29e: {  	_ = 	snop;
	(pc) =	sbr.rel @p3 .LBB2_35-.Ltmp19, $4  }
0x29f: {  	s8 =	simm.s32 @!p1 $0x5  }
0x2a0: {  	_ =	swait.ge @!p1 [sflag:s8], $0x4000  }
0x2a1: {  	[sflag:s8] =	ssyncset.done @!p1 $0x0;
	p2 =	sgt.s32 s11, s1  }
0x2a2: {  	[sflag:s8] =	ssyncadd.s32 @!p1 $0xFFFFC000;
	s9 =	smov.u32 @p2 s10  }
0x2a3: {  	s1 =	simm.s32 $0x0;
	s12 =	simm.s32 $0x0  }
.LBB2_30:
0x2a4: {  	v8 =	vld [tilespmem:s17+$0x0];
	_ =	sdelay $0x4  }
0x2a5: {  	vm0 =	vgt.s32 v8, $0xFFFFFFFF  }
0x2a6: {  	v6 =	vsel vm0, $0x1, v4  }
0x2a7: {  	(xrf0) =	vadd.scan.msk.s32 $0xffff, v6;
	_ =	sdelay $0x2  }
0x2a8: {  	v6 =	vmov s1  }
0x2a9: {  	s14 =	sshll.u32 s12, $0x4;
	v6 =	vadd.s32 $0xFFFFFFFF, v6  }
0x2aa: {  	s5 =	sadd.s32 $0x10, s14;
	v9 =	vbroadcast v6, $0x0  }
0x2ab: {  	v7 =	vmov s5;
	v10, _, _ =	vpop (xrf0)  }
0x2ac: {  	v6 =	vmov s14;
	v9 =	vadd.s32 v10, v9;
	(v2sf) =	vpush v10, $0xF  }
0x2ad: {  	vm1 =	vge.s32 v9, v6;
	vm2 =	vlt.s32 v9, v7;
	v9 =	vsub.s32 v9, v6  }
0x2ae: {  	vm1 =	vmand vm1, vm2;
	vm15 =	vgt.s32 v9, $0x0  }
0x2af: {  	vm0 =	vmand vm0, vm1;
	v9 =	vnsel vm15, $0x0, v9  }
0x2b0: {  	v9 =	vmin.u32 v9, $0xF;
	_ =	sdelay $0x3  }
0x2b1: {  	v11 =	vor.u32 s1, v3  }
0x2b2: {  	[tilespmem:v9+s0+$0x0] =	vst.idx.msk vm0, v11  }
0x2b3: {  	s8 =	sadd.s32 $0x10, s17;
	[tilespmem:v9+s3+$0x0] =	vst.idx.msk vm0, v8  }
0x2b4: {  	s7 =	simm.s32 $0x20;
	s21 =	simm.s32 $0x0;
	s5 =	simm.s32 $0x10;
	v8 =	vld [tilespmem:s8+$0x0]  }
.LBB2_31:
0x2b5: {  	p1 =	sne.s32 s7, $0x70;
	_ =	sdelay $0x2  }
0x2b6: {  	s22 =	spop (v2sf)  }
0x2b7: {  	vm0 =	vgt.s32 v8, $0xFFFFFFFF;
	s21 =	sadd.s32 s21, s22  }
0x2b8: {  	v9 =	vsel vm0, $0x1, v4;
	v10 =	vmov s21  }
0x2b9: {  	v10 =	vadd.s32 $0xFFFFFFFF, v10;
	(xrf0) =	vadd.scan.msk.s32 $0xffff, v9  }
0x2ba: {  	v9 =	vbroadcast v10, $0x0;
	_ =	sdelay $0x4  }
0x2bb: {  	v10, _, _ =	vpop (xrf0)  }
0x2bc: {  	v9 =	vadd.s32 v10, v9;
	(v2sf) =	vpush v10, $0xF  }
0x2bd: {  	vm1 =	vge.s32 v9, v6;
	vm2 =	vlt.s32 v9, v7;
	v9 =	vsub.s32 v9, v6  }
0x2be: {  	vm1 =	vmand vm1, vm2;
	vm2 =	vgt.s32 v9, $0x0  }
0x2bf: {  	vm0 =	vmand vm0, vm1;
	v9 =	vnsel vm2, $0x0, v9  }
0x2c0: {  	v9 =	vmin.u32 v9, $0xF;
	_ =	sdelay $0x2  }
.Ltmp20:
0x2c1: {  	(pc) =	sbr.rel @p1 .LBB2_31-.Ltmp20, $4  }
0x2c2: {  	v10 =	vor.u32 s5, v3;
	s5 =	smov.u32 s7  }
0x2c3: {  	[tilespmem:v9+s0+$0x0] =	vst.idx.msk vm0, v10  }
0x2c4: {  	s8 =	sadd.s32 $0x10, s8;
	[tilespmem:v9+s3+$0x0] =	vst.idx.msk vm0, v8  }
0x2c5: {  	s7 =	sadd.s32 $0x10, s7;
	v8 =	vld [tilespmem:s8+$0x0]  }
0x2c6: {  	_ =	sdelay $0x3  }
0x2c7: {  	vm0 =	vgt.s32 v8, $0xFFFFFFFF  }
0x2c8: {  	v9 =	vsel vm0, $0x1, v4  }
0x2c9: {  	(xrf0) =	vadd.scan.msk.s32 $0xffff, v9  }
0x2ca: {  	s7 =	spop (v2sf)  }
0x2cb: {  	s7 =	sadd.s32 s21, s7  }
0x2cc: {  	v9 =	vmov s7  }
0x2cd: {  	v9 =	vadd.s32 $0xFFFFFFFF, v9  }
0x2ce: {  	v9 =	vbroadcast v9, $0x0  }
0x2cf: {  	v10, _, _ =	vpop (xrf0)  }
0x2d0: {  	v9 =	vadd.s32 v10, v9  }
0x2d1: {  	vm1 =	vge.s32 v9, v6;
	vm2 =	vlt.s32 v9, v7;
	v6 =	vsub.s32 v9, v6  }
0x2d2: {  	vm1 =	vmand vm1, vm2;
	vm2 =	vgt.s32 v6, $0x0  }
0x2d3: {  	vm0 =	vmand vm0, vm1;
	v6 =	vnsel vm2, $0x0, v6  }
0x2d4: {  	v6 =	vmin.u32 v6, $0xF;
	_ =	sdelay $0x3  }
0x2d5: {  	(v2sf) =	vpush v10, $0xF;
	v7 =	vor.u32 s5, v3  }
0x2d6: {  	[tilespmem:v6+s0+$0x0] =	vst.idx.msk vm0, v7  }
0x2d7: {  	[tilespmem:v6+s3+$0x0] =	vst.idx.msk vm0, v8  }
0x2d8: {  	s21 =	sadd.s32 s10, s14;
	v6 =	vld.idx.msk [tilespmem:v3+s0+$0x0], $0xffff  }
0x2d9: {  	s5 =	ssub.s32 s21, s9;
	v7 =	vld.idx.msk [tilespmem:v3+s3+$0x0], $0xffff  }
0x2da: {  	v8 =	vadd.s32 s5, v3;
	s5 =	ssub.s32 s28, s14  }
0x2db: {  	vm0 =	vgt.s32 v8, $0x0;
	p1 =	slt.s32 s5, $0x10  }
0x2dc: {  	v8 =	vnsel vm0, $0x0, v8;
	s5 =	simm.s32 @!p1 $0x10  }
0x2dd: {  	v8 =	vmin.u32 v8, $0x7F;
	v9 =	vmov s5  }
0x2de: {  	v8 =	vshll.u32 v8, $0x7;
	v7 =	vshll.u32 v7, $0x6;
	vm0 =	vgt.s32 v6, $0x0  }
0x2df: {  	v6 =	vnsel vm0, $0x0, v6;
	v7 =	vand.u32 $0x40, v7;
	vm0 =	vgt.s32 v9, v3  }
0x2e0: {  	v7 =	vor.u32 v8, v7;
	_ =	sdelay $0x2  }
0x2e1: {  	s5 =	simm.s32 $0x0  }
0x2e2: {  	s7 =	simm.s32 $0x1;
	s22 =	spop (v2sf);
	v9 =	vmov s5;
	v6 =	vmin.u32 v6, $0x7F;
	v8 =	vor.u32 $0x1, v7  }
.LBB2_33:
0x2e3: {  	p1 =	sne.s32 s7, $0x3F;
	v10 =	vld.idx.msk [tilespmem:v7+s2+$0x0], vm0;
	v7 =	vshll.u32 v9, $0x7  }
0x2e4: {  	v11 =	vor.u32 v6, v7  }
.Ltmp21:
0x2e5: {  	v7 =	vadd.s32 s5, v8;
	s5 =	smov.u32 s7;
	(pc) =	sbr.rel @p1 .LBB2_33-.Ltmp21, $2  }
0x2e6: {  	_ =	sdelay $0x2  }
0x2e7: {  	s7 =	sadd.s32 $0x1, s7;
	v9 =	vmov s5;
	[tilespmem:v11+s31+$0x0] =	vst.idx.msk vm0, v10  }
0x2e8: {  	_ =	sdelay $0x3  }
0x2e9: {  	v8 =	vshll.u32 v9, $0x7;
	s12 =	sadd.s32 $0x1, s12  }
0x2ea: {  	v7 =	vld.idx.msk [tilespmem:v7+s2+$0x0], vm0;
	v6 =	vor.u32 v6, v8;
	p1 =	sne.s32 s12, s29  }
.Ltmp22:
0x2eb: {  	_ = 	snop;
	(pc) =	sbr.rel @p1 .LBB2_30-.Ltmp22, $2  }
0x2ec: {  	_ =	sdelay $0x2  }
0x2ed: {  	[tilespmem:v6+s31+$0x0] =	vst.idx.msk vm0, v7  }
.LBB2_35:
.Ltmp23:
0x2ee: {  	(pc) =	sbr.rel .LBB2_36-.Ltmp23, $4  }
0x2ef: {  	_ = 	snop  }
0x2f0: {  	s1 =	rddreg [dreg:$0xd];
	s29 =	simm.s32 $0x400  }
0x2f1: {  	s5 =	simm.s32 $0x7A1400;
	s22 =	rddreg [dreg:$0x0];
	s1 =	sadd.s32 s4, s1  }
0x2f2: {  	[hbm4b:s1+s29] =	stream.strided.scatter [tilespmem:s31], [sflag:$0x4], $0x2000, s5, s29, $0x38;
	[tilespmem:$0x1FE80] =	vst v63  }
.LBB2_14:
.Ltmp24:
0x2f3: {  	(pc) =	sbr.rel .LBB2_18-.Ltmp24, $2  }
0x2f4: {  	_ =	sdelay $0x2  }
0x2f5: {  	s1 =	simm.s32 $0x0  }
.LBB2_16:
.Ltmp25:
0x2f6: {  	(pc) =	sbr.rel .LBB2_18-.Ltmp25, $2  }
0x2f7: {  	_ =	sdelay $0x2  }
0x2f8: {  	s1 =	simm.s32 $0x0  }
.LBB2_9:
.Ltmp26:
0x2f9: {  	(pc) =	sbr.rel .LBB2_12-.Ltmp26, $2  }
0x2fa: {  	_ =	sdelay $0x2  }
0x2fb: {  	s5 =	simm.s32 $0x80  }
.LBB2_38:
0x2fc: {  	_ =	sfence.sel $0x180000  }
0x2fd: {  	[bflag:$0x0] =	sbarrier.arrive $0xFFFF  }
0x2fe: {  	_ =	strace $0x90000047  }
0x2ff: {  	s0 =	stileid.u32;
	[bflag:$0x2] =	sbarrier.arrive $0xFFFF  }
0x300: {  	p0 =	sne.s32 s0, $0x0;
	s0 =	rddreg [dreg:$0x4]  }
0x301: {  	s0 =	sadd.s32 @!p0 $0x100000, s0  }
0x302: {  	[sflag:s0] =	ssyncadd.tile.s32 @!p0 $0x1;
	_ =	shalt  }
.Lfunc_end2:
_tile_overlayer_lowered:
.L_overlay_start_2:
0x303: {  	(tag) =	ssettag $0x2  }
0x304: {  	s0 =	rddreg [dreg:$0x0];
	s2 =	stileid.u32  }
0x305: {  	s1 =	rddreg [dreg:$0x1];
	p0 =	sne.s32 s2, $0x0  }
0x306: {  	s3 =	rddreg [dreg:$0x2];
	[bflag:$0x3] =	sbarrier.arrive $0xFFFF;
	s2 =	simm.s32 @!p0 $0x1C07  }
0x307: {  	[timem:s3], [sflag:s2] =	dma.local @!p0 [hbm:s0], s1  }
0x308: {  	s0 =	simm.s32 @!p0 $0x7  }
0x309: {  	_ =	swait.ge @!p0 [sflag:s0], s1  }
0x30a: {  	s1 =	ssub.s32 @!p0 $0x0, s1;
	[sflag:s0] =	ssyncset.done @!p0 $0x0  }
0x30b: {  	[sflag:s0] =	ssyncadd.s32 @!p0 s1  }
0x30c: {  	[bflag:$0x3] =	sbarrier.arrive $0xFFFF  }
0x30d: {  	_ =	shalt  }

// kernel: kernel.7.cloned.1.call-start
scs
__scs_entry_jumppad:
0x0: {  	(pc) =	sbr.rel $0x88, $3  }
0x1: {  	(tag) =	ssettag $0x0;
	lr =	simm.s32 $0x1  }
0x2: {  	[smem:$0x3F9E] =	sst lr;
	_ =	strace $0xD0000000  }
0x3: {  	_ = 	snop  }
0x4: {  	_ = 	snop  }
0x5: {  	_ = 	snop  }
0x6: {  	_ = 	snop  }
0x7: {  	_ = 	snop  }
__scs_overlays_trampoline_lowered:
0x8: {  	[smem:$0x3FAD] =	sst s0  }
0x9: {  	[smem:$0x3FAE] =	sst s1  }
0xa: {  	[smem:$0x3FAF] =	sst s2  }
0xb: {  	[smem:$0x3FB0] =	sst s3  }
0xc: {  	[smem:$0x3FB1] =	sst s4  }
0xd: {  	[smem:$0x3FB2] =	sst s5  }
0xe: {  	[smem:$0x3FB3] =	sst s6  }
0xf: {  	[smem:$0x3FB4] =	sst s7  }
0x10: {  	[smem:$0x3FB5] =	sst s8  }
0x11: {  	[smem:$0x3FB6] =	sst s9;
	s0 =	simm.s32 @!p0 $0x0  }
0x12: {  	s1 =	sld [smem:$0x3F9C];
	s0 =	simm.s32 @p0 $0x1  }
0x13: {  	[smem:$0x3FB7] =	sst s0;
	s0 =	simm.s32 @!p1 $0x0  }
0x14: {  	s2 =	sld [smem:$0x3F9B];
	s0 =	simm.s32 @p1 $0x1  }
0x15: {  	[smem:$0x3FB8] =	sst s0;
	s0 =	simm.s32 @!p2 $0x0  }
0x16: {  	s3 =	sld [smem:$0x3FDB];
	s0 =	simm.s32 @p2 $0x1  }
0x17: {  	s4 =	simm.s32 $0x1BF5;
	[smem:$0x3FBA] =	sst s0  }
0x18: {  	s0 =	sld [smem:$0x3F9D];
	_ =	swait.ge [sflag:s4], $0x0  }
0x19: {  	s7 =	sld [smem:$0x3F9E]  }
0x1a: {  	s8 =	sadd.s32 $0xFFFFE003, lr  }
0x1b: {  	s9 =	sadd.s32 $0xFFFFFEF7, lr;
	s5 =	simm.s32 $0xFFFFFFFF;
	p2 =	slt.u32 s8, $0xFFFFF086  }
0x1c: {  	p1 =	slt.u32 s9, $0xF7A;
	s5 =	simm.s32 @!p2 $0x0  }
0x1d: {  	s5 =	simm.s32 @p1 $0x1;
	p0 =	seq.s32 s7, s2  }
0x1e: {  	s7 =	smul.u32 @!p0 $0xF7A, s2;
	p2 =	seq.s32 @!p0 s5, $0x0  }
0x1f: {  	s9 =	smul.u32 $0xF7A, s1;
	s8 =	simm.s32 @!p0 $0x1BF5;
	p2 =	por !p2, p0  }
0x20: {  	[sflag:s8] =	ssyncset.s32 @!p0 $0xFFFFF086;
	s6 =	sadd.s32 @!p0 s3, s7;
	s7 =	simm.s32 @!p0 $0x108  }
0x21: {  	s3 =	sadd.s32 s3, s9;
	s6 =	sadd.s32 @!p0 $0x88, s6;
	s7 =	simm.s32 @p2 $0x1082  }
0x22: {  	[simem:s7], [sflag:s8] =	dma.local @!p0 [hbm:s6], $0xF7A  }
0x23: {  	s9 =	sor.u32 $0xD0000000, s2;
	s6 =	simm.s32 $0x108;
	_ =	swait.ge @!p0 [sflag:s8], $0x0  }
0x24: {  	s3 =	sadd.s32 $0x88, s3;
	s6 =	simm.s32 @!p1 $0x1082;
	[sflag:s4] =	ssyncset.s32 $0xFFFFF086  }
0x25: {  	[simem:s6], [sflag:s4] =	dma.local [hbm:s3], $0xF7A  }
0x26: {  	[smem:$0x3F9E] =	sst s1;
	(tag) =	ssettag s2;
	_ =	strace s9  }
0x27: {  	s1 =	sld [smem:$0x3FAE]  }
0x28: {  	s2 =	sld [smem:$0x3FAF]  }
0x29: {  	s4 =	sld [smem:$0x3FB1]  }
0x2a: {  	p0 =	seq.s32 s5, $0x0;
	s5 =	sld [smem:$0x3FB2]  }
0x2b: {  	s6 =	sld [smem:$0x3FB3]  }
0x2c: {  	s7 =	sld [smem:$0x3FB4]  }
0x2d: {  	s3 =	simm.s32 $0x108;
	s8 =	sld [smem:$0x3FB5]  }
0x2e: {  	s3 =	simm.s32 @!p0 $0x1082;
	s9 =	sld [smem:$0x3FB6]  }
0x2f: {  	lr =	sadd.s32 s0, s3;
	s0 =	sld [smem:$0x3FAD]  }
0x30: {  	s3 =	sld [smem:$0x3FB0]  }
0x31: {  	[smem:$0x3FB9] =	sst s10  }
0x32: {  	s10 =	sld [smem:$0x3FB7];
	_ =	sdelay $0x3  }
0x33: {  	p0 =	seq.s32 s10, $0x1;
	s10 =	sld [smem:$0x3FB9];
	_ =	sdelay $0x3  }
0x34: {  	[smem:$0x3FB9] =	sst s10  }
0x35: {  	s10 =	sld [smem:$0x3FB8];
	_ =	sdelay $0x3  }
0x36: {  	p1 =	seq.s32 s10, $0x1;
	s10 =	sld [smem:$0x3FB9];
	_ =	sdelay $0x3  }
0x37: {  	[smem:$0x3FB9] =	sst s10  }
0x38: {  	s10 =	sld [smem:$0x3FBA]  }
0x39: {  	_ = 	snop;
	(pc) =	sbr.ind lr, $3  }
0x3a: {  	_ = 	snop  }
0x3b: {  	_ = 	snop  }
0x3c: {  	p2 =	seq.s32 s10, $0x1;
	s10 =	sld [smem:$0x3FB9]  }
0x3d: {  	_ =	shalt  }
0x3e: {  	_ =	shalt  }
0x3f: {  	_ =	shalt  }
0x40: {  	_ =	shalt  }
0x41: {  	_ =	shalt  }
0x42: {  	_ =	shalt  }
0x43: {  	_ =	shalt  }
0x44: {  	_ =	shalt  }
0x45: {  	_ =	shalt  }
0x46: {  	_ =	shalt  }
0x47: {  	_ =	shalt  }
0x48: {  	_ =	shalt  }
0x49: {  	_ =	shalt  }
0x4a: {  	_ =	shalt  }
0x4b: {  	_ =	shalt  }
0x4c: {  	_ =	shalt  }
0x4d: {  	_ =	shalt  }
0x4e: {  	_ =	shalt  }
0x4f: {  	_ =	shalt  }
0x50: {  	_ =	shalt  }
0x51: {  	_ =	shalt  }
0x52: {  	_ =	shalt  }
0x53: {  	_ =	shalt  }
0x54: {  	_ =	shalt  }
0x55: {  	_ =	shalt  }
0x56: {  	_ =	shalt  }
0x57: {  	_ =	shalt  }
0x58: {  	_ =	shalt  }
0x59: {  	_ =	shalt  }
0x5a: {  	_ =	shalt  }
0x5b: {  	_ =	shalt  }
0x5c: {  	_ =	shalt  }
0x5d: {  	_ =	shalt  }
0x5e: {  	_ =	shalt  }
0x5f: {  	_ =	shalt  }
0x60: {  	_ =	shalt  }
0x61: {  	_ =	shalt  }
0x62: {  	_ =	shalt  }
0x63: {  	_ =	shalt  }
0x64: {  	_ =	shalt  }
0x65: {  	_ =	shalt  }
0x66: {  	_ =	shalt  }
0x67: {  	_ =	shalt  }
0x68: {  	_ =	shalt  }
0x69: {  	_ =	shalt  }
0x6a: {  	_ =	shalt  }
0x6b: {  	_ =	shalt  }
0x6c: {  	_ =	shalt  }
0x6d: {  	_ =	shalt  }
0x6e: {  	_ =	shalt  }
0x6f: {  	_ =	shalt  }
0x70: {  	_ =	shalt  }
0x71: {  	_ =	shalt  }
0x72: {  	_ =	shalt  }
0x73: {  	_ =	shalt  }
0x74: {  	_ =	shalt  }
0x75: {  	_ =	shalt  }
0x76: {  	_ =	shalt  }
0x77: {  	_ =	shalt  }
0x78: {  	_ =	shalt  }
0x79: {  	_ =	shalt  }
0x7a: {  	_ =	shalt  }
0x7b: {  	_ =	shalt  }
0x7c: {  	_ =	shalt  }
0x7d: {  	_ =	shalt  }
0x7e: {  	_ =	shalt  }
0x7f: {  	_ =	shalt  }
0x80: {  	_ =	shalt  }
0x81: {  	_ =	shalt  }
0x82: {  	_ =	shalt  }
0x83: {  	_ =	shalt  }
0x84: {  	_ =	shalt  }
0x85: {  	_ =	shalt  }
0x86: {  	_ =	shalt  }
0x87: {  	_ =	shalt  }
.Lfunc_end0:
.L_simem_size_0:
called_computation.1_lowered:
.L_overlay_start_0:
0x88: {  	s2 =	sld [smem:$0x3FD9]  }
0x89: {  	s3 =	sld [smem:$0x3FFE];
	_ =	sdelay $0x1  }
0x8a: {  	s1 =	srdreg.scid  }
0x8b: {  	s0 =	sand.u32 $0x1, s1  }
0x8c: {  	s14 =	sshll.u32 s0, $0xA;
	s2 =	sadd.s32 s3, s2  }
0x8d: {  	s2 =	sadd.s32 s2, s14  }
0x8e: {  	[smem:$0x3FC5] =	sst s2  }
0x8f: {  	_ = 	snop  }
0x90: {  	s2 =	sld [smem:$0x3FD0];
	_ =	sdelay $0x2  }
0x91: {  	s15 =	simm.s32 $0xA;
	s4 =	simm.s32 $0x10  }
0x92: {  	[smem:s4], [sflag:s15] =	dma.local [hbm:s2], $0x1  }
0x93: {  	_ =	swait.eq [sflag:s15], $0x1  }
0x94: {  	[sflag:s15] =	ssyncset.done $0x0  }
0x95: {  	[sflag:s15] =	ssyncadd.s32 $0xFFFFFFFF  }
0x96: {  	s16 =	sld [smem:$0x10];
	(tm) =	ssettm $0x1  }
0x97: {  	s17 =	sld [smem:$0x3FFB];
	_ =	sdelay $0x3  }
0x98: {  	_ =	strace s17  }
0x99: {  	s3 =	sld [smem:$0x3FFC];
	_ =	sdelay $0x3  }
0x9a: {  	_ =	strace s3  }
0x9b: {  	s3 =	sld [smem:$0x3FFD];
	_ =	sdelay $0x3  }
0x9c: {  	_ =	strace s3  }
0x9d: {  	_ =	strace $0x8FFFFFFF  }
0x9e: {  	s18 =	sld [smem:$0x3FDB];
	_ =	sdelay $0x1  }
0x9f: {  	s19 =	simm.s32 $_scs_section_size  }
0xa0: {  	s5 =	simm.s32 $_size__tile_overlayer_lowered;
	s6 =	simm.s32 $_tile_overlayer_lowered  }
0xa1: {  	s22 =	simm.s32 $0x1BFF;
	s21 =	sshll.u32 s6, $0x1;
	s3 =	sadd.s32 s19, s18  }
0xa2: {  	s7 =	simm.s32 $0x0;
	s20 =	sshll.u32 s5, $0x1;
	s5 =	sadd.s32 s21, s3  }
0xa3: {  	[timem:s7], [sflag:s22] =	dma.local [hbm:s5], s20  }
0xa4: {  	_ =	swait.ge [sflag:s22], s20  }
0xa5: {  	s4 =	ssub.s32 $0x0, s20;
	[sflag:s22] =	ssyncset.done $0x0  }
0xa6: {  	[sflag:s22] =	ssyncadd.s32 s4;
	_ =	sdelay $0x1  }
0xa7: {  	s23 =	simm.s32 $0x1B8B  }
0xa8: {  	_ =	swait.ge [sflag:s23], $0x1  }
0xa9: {  	[sflag:s23] =	ssyncset.done $0x0  }
0xaa: {  	s25 =	simm.s32 $0x1B8E;
	s24 =	sld [smem:$0x3FFE];
	[sflag:s23] =	ssyncadd.s32 $0xFFFFFFFF  }
0xab: {  	s26 =	simm.s32 $execute0_lowered;
	[smem:$0x3FD2] =	sst s25  }
0xac: {  	s5 =	sshll.u32 s26, $0x1;
	_ =	strace $0x80000049;
	[dreg:$0x1] =	wrdreg $0xFFFFFFFF  }
0xad: {  	s28 =	simm.s32 $_size_execute0_lowered;
	s3 =	sadd.s32 s3, s5;
	[dreg:$0x0] =	wrdreg $0x0  }
0xae: {  	s5 =	sshll.u32 s28, $0x1;
	[dreg:$0x2] =	wrdreg s3  }
0xaf: {  	[dreg:$0x3] =	wrdreg s5  }
0xb0: {  	[dreg:$0x4] =	wrdreg $0xC0  }
0xb1: {  	_ =	task [dreg:s7], $0x5FFFF  }
0xb2: {  	[dreg:$0x1] =	wrdreg $0xFFFFFFFF  }
0xb3: {  	[dreg:$0x0] =	wrdreg $0x60  }
0xb4: {  	[dreg:$0x2] =	wrdreg s24  }
0xb5: {  	[dreg:$0x3] =	wrdreg s16  }
0xb6: {  	[dreg:$0x4] =	wrdreg $0x9  }
0xb7: {  	_ =	task.clear_ibuf [dreg:s7], $0x5FFFF;
	_ =	strace $0x90000049  }
0xb8: {  	s29 =	simm.s32 $0x9;
	_ =	strace $0x8000004B  }
0xb9: {  	_ =	swait.ge [sflag:s29], $0x1  }
0xba: {  	[sflag:s29] =	ssyncadd.s32 $0xFFFFFFFF  }
0xbb: {  	_ =	strace $0x9000004B  }
0xbc: {  	_ =	sfence  }
0xbd: {  	s30 =	sld [smem:$0x0];
	_ =	sdelay $0x2  }
0xbe: {  	s31 =	sshll.u32 s1, $0xD;
	s1 =	sshrl.u32 s1, $0x2  }
0xbf: {  	s3 =	sand.u32 $0x4000, s31;
	s1 =	sadd.s32 s1, s30  }
0xc0: {  	s0 =	sor.u32 s3, s0;
	s1 =	sshll.u32 s1, $0x11  }
0xc1: {  	s0 =	sor.u32 s1, s0  }
0xc2: {  	s0 =	sadd.s32 $0x8F2B, s0  }
0xc3: {  	[sflag:s0] =	ssyncadd.remote.s32 $0x1  }
0xc4: {  	_ =	sfence.sel $0xFFFF  }
0xc5: {  	[dreg:$0x0] =	wrdreg $0xFFFFFFFF;
	(pc) =	sbr.abs _section_cstart, $3  }
0xc6: {  	[dreg:$0x1] =	wrdreg $0xFFFFFFFF  }
0xc7: {  	_ =	task.clear_ibuf [dreg:s7], $0x2FFFF;
	_ =	strace $0x9FFFFFFF  }
0xc8: {  	(tm) =	ssettm $0x7FFFFFFF  }
0xc9: {  	_ =	shalt  }
tec
execute0_lowered:
.L_overlay_start_1:
0x0: {  	(tag) =	ssettag $0x1  }
0x1: {  	v0 =	vlaneseq.u32  }
0x2: {  	v1 =	vmul.u32 $0x80, v0;
	v3 =	vor.u32 $0x10, v0;
	v5 =	vor.u32 $0x20, v0  }
0x3: {  	v7 =	vor.u32 $0x30, v0;
	v9 =	vor.u32 $0x40, v0;
	v11 =	vor.u32 $0x50, v0  }
0x4: {  	s4 =	rddreg [dreg:$0x0];
	v13 =	vor.u32 $0x60, v0;
	v15 =	vor.u32 $0x70, v0;
	v16 =	vor.u32 $0x400, v0  }
0x5: {  	s5 =	rddreg [dreg:$0x1];
	s2 =	srdreg.scid;
	v17 =	vor.u32 $0x410, v0;
	v18 =	vor.u32 $0x420, v0;
	v19 =	vor.u32 $0x430, v0  }
0x6: {  	s0 =	rddreg [dreg:$0x2];
	s1 =	stileid.u32;
	s10 =	simm.s32 $0x280;
	v20 =	vor.u32 $0x440, v0;
	v21 =	vor.u32 $0x450, v0;
	v22 =	vor.u32 $0x460, v0  }
0x7: {  	s11 =	simm.s32 $0x1;
	s12 =	simm.s32 $0x4280;
	s13 =	simm.s32 $0x1000;
	v23 =	vor.u32 $0x470, v0;
	v24 =	vor.u32 $0x800, v0;
	v25 =	vor.u32 $0x810, v0  }
0x8: {  	s14 =	simm.s32 $0x20000;
	s15 =	simm.s32 $0x0;
	s3 =	sand.u32 $0x1, s2;
	v26 =	vor.u32 $0x820, v0;
	v27 =	vor.u32 $0x830, v0;
	v28 =	vor.u32 $0x840, v0  }
0x9: {  	s2 =	simm.s32 $0x0;
	s6 =	sshll.u32 s1, $0xA;
	v29 =	vor.u32 $0x850, v0;
	v30 =	vor.u32 $0x860, v0;
	v31 =	vor.u32 $0x870, v0;
	s7 =	sshll.u32 s3, $0x9  }
0xa: {  	v32 =	vor.u32 $0xC00, v0;
	v33 =	vor.u32 $0xC10, v0;
	v34 =	vor.u32 $0xC20, v0;
	[smem:$0x7FF] =	sst s2;
	s31 =	ssub.s32 $0x2, s3;
	s3 =	sadd.s32 $0x40E00, s4  }
0xb: {  	v35 =	vor.u32 $0xC30, v0;
	v36 =	vor.u32 $0xC40, v0;
	v37 =	vor.u32 $0xC50, v0;
	s6 =	sor.u32 s7, s6;
	_ =	strace $0x8000004A;
	s9 =	sshrl.u32 s31, $0x1  }
0xc: {  	v38 =	vor.u32 $0xC60, v0;
	v39 =	vor.u32 $0xC70, v0;
	v2 =	vor.u32 $0x800, v1;
	s8 =	sshrl.u32 s6, $0x3;
	s7 =	ssub.s32 s31, s9;
	s5 =	sadd.s32 s5, s6  }
0xd: {  	v4 =	vor.u32 $0x1000, v1;
	v6 =	vor.u32 $0x1800, v1;
	v8 =	vor.u32 $0x2000, v1;
	s9 =	simm.s32 $0x200;
	s4 =	sadd.s32 s8, s4;
	s6 =	smax.u32 s7, $0x1  }
0xe: {  	v10 =	vor.u32 $0x2800, v1;
	v12 =	vor.u32 $0x3000, v1;
	v14 =	vor.u32 $0x3800, v1;
	s7 =	simm.s32 $0x2;
	s8 =	simm.s32 $0x80;
	s4 =	sadd.s32 $0x61000, s4  }
.LBB2_1:
0xf: {  	[tilespmem:s2], [sflag:$0x2] =	stream.linear.gather [hbm4b:s4+s2], $0x200, $0x38;
	[tilespmem:$0xC280] =	vst v63  }
0x10: {  	_ =	swait.ge [sflag:s7], $0x200  }
0x11: {  	[sflag:s7] =	ssyncset.done $0x0  }
0x12: {  	[sflag:s7] =	ssyncadd.s32 $0xFFFFFE00  }
0x13: {  	v40 =	vld [tilespmem:$0x0]  }
0x14: {  	v41 =	vld [tilespmem:$0x10]  }
0x15: {  	v42 =	vld [tilespmem:$0x20]  }
0x16: {  	v43 =	vld [tilespmem:$0x30]  }
0x17: {  	v44 =	vld [tilespmem:$0x40]  }
0x18: {  	v45 =	vld [tilespmem:$0x50];
	v40 =	vshra.s32 v40, $0x1  }
0x19: {  	v52 =	vld [tilespmem:$0x60];
	v51 =	vshra.s32 v41, $0x1;
	[tilespmem:$0x200] =	vst v40  }
0x1a: {  	v54 =	vld [tilespmem:$0x70];
	v53 =	vshra.s32 v42, $0x1;
	[tilespmem:$0x210] =	vst v51  }
0x1b: {  	v55 =	vshra.s32 v43, $0x1;
	[tilespmem:$0x220] =	vst v53  }
0x1c: {  	v56 =	vshra.s32 v44, $0x1;
	[tilespmem:$0x230] =	vst v55  }
0x1d: {  	v57 =	vshra.s32 v45, $0x1;
	[tilespmem:$0x240] =	vst v56  }
0x1e: {  	v58 =	vshra.s32 v52, $0x1;
	[tilespmem:$0x250] =	vst v57  }
0x1f: {  	v59 =	vshra.s32 v54, $0x1;
	[tilespmem:$0x260] =	vst v58  }
0x20: {  	[tilespmem:$0x270] =	vst v59  }
0x21: {  	[tilespmem:s10], [sflag:$0x1] =	stream.indirect.gather [hbm4b:s3+s8], $0x80, s9, s8, $0xb8;
	[tilespmem:$0xC280] =	vst v63  }
0x22: {  	_ =	swait.ge [sflag:s11], $0x4000  }
0x23: {  	[sflag:s11] =	ssyncset.done $0x0  }
0x24: {  	[sflag:s11] =	ssyncadd.s32 $0xFFFFC000  }
0x25: {  	v60 =	vld [tilespmem:$0x0];
	_ =	sdelay $0x4  }
0x26: {  	v40 =	vshll.u32 v60, $0x6  }
0x27: {  	v40 =	vand.u32 $0x40, v40  }
0x28: {  	v40 =	vor.u32 v1, v40  }
0x29: {  	v61 =	vor.u32 s2, v40  }
0x2a: {  	v62 =	vmov s2  }
0x2b: {  	v63 =	vshll.u32 v62, $0x9;
	v42 =	vshll.u32 v62, $0x7  }
0x2c: {  	v43 =	vand.u32 $0x7000, v63;
	v42 =	vand.u32 $0x380, v42  }
0x2d: {  	v42 =	vor.u32 v43, v42  }
0x2e: {  	s16 =	simm.s32 $0x1;
	v43 =	vor.u32 v0, v42;
	v41 =	vld.idx.msk [tilespmem:v61+s10+$0x0], $0xffff  }
0x2f: {  	s17 =	simm.s32 $0x2;
	v42 =	vor.u32 s16, v40  }
.LBB2_2:
0x30: {  	p0 =	sne.s32 s17, $0x3F  }
0x31: {  	v44 =	vmov s16;
	s16 =	smov.u32 s17  }
.Ltmp0:
0x32: {  	v45 =	vshll.u32 v44, $0x9;
	v44 =	vshll.u32 v44, $0x7;
	(pc) =	sbr.rel @p0 .LBB2_2-.Ltmp0, $4  }
0x33: {  	v45 =	vand.u32 $0x7000, v45;
	v44 =	vand.u32 $0x380, v44;
	[tilespmem:v43+s12+$0x0] =	vst.idx.msk $0xffff, v41  }
0x34: {  	v41 =	vld.idx.msk [tilespmem:v42+s10+$0x0], $0xffff;
	v42 =	vor.u32 v45, v44  }
0x35: {  	v43 =	vor.u32 v0, v42  }
0x36: {  	s17 =	sadd.s32 $0x1, s17;
	v42 =	vor.u32 s16, v40  }
0x37: {  	_ = 	snop  }
0x38: {  	v40 =	vmov s16  }
0x39: {  	v44 =	vshll.u32 v40, $0x9;
	v40 =	vshll.u32 v40, $0x7  }
0x3a: {  	v44 =	vand.u32 $0x7000, v44;
	v40 =	vand.u32 $0x380, v40  }
0x3b: {  	[tilespmem:v43+s12+$0x0] =	vst.idx.msk $0xffff, v41;
	v40 =	vor.u32 v44, v40  }
0x3c: {  	v41 =	vld.idx.msk [tilespmem:v42+s10+$0x0], $0xffff;
	v40 =	vor.u32 v0, v40;
	_ =	sdelay $0x4  }
0x3d: {  	[tilespmem:v40+s12+$0x0] =	vst.idx.msk $0xffff, v41  }
0x3e: {  	v40 =	vld [tilespmem:$0x10];
	_ =	sdelay $0x4  }
0x3f: {  	v40 =	vshll.u32 v40, $0x6  }
0x40: {  	v40 =	vand.u32 $0x40, v40  }
0x41: {  	s31 =	simm.s32 $0x0;
	v40 =	vor.u32 v2, v40  }
0x42: {  	v61 =	vor.u32 s31, v40  }
0x43: {  	v62 =	vmov s31  }
0x44: {  	v63 =	vshll.u32 v62, $0x9;
	v42 =	vshll.u32 v62, $0x7  }
0x45: {  	v43 =	vand.u32 $0x7000, v63;
	v42 =	vand.u32 $0x380, v42  }
0x46: {  	v42 =	vor.u32 v43, v42  }
0x47: {  	s16 =	simm.s32 $0x1;
	v43 =	vor.u32 v3, v42;
	v41 =	vld.idx.msk [tilespmem:v61+s10+$0x0], $0xffff  }
0x48: {  	s17 =	simm.s32 $0x2;
	v42 =	vor.u32 s16, v40  }
.LBB2_4:
0x49: {  	p0 =	sne.s32 s17, $0x3F  }
0x4a: {  	v44 =	vmov s16;
	s16 =	smov.u32 s17  }
.Ltmp1:
0x4b: {  	v45 =	vshll.u32 v44, $0x9;
	v44 =	vshll.u32 v44, $0x7;
	(pc) =	sbr.rel @p0 .LBB2_4-.Ltmp1, $4  }
0x4c: {  	v45 =	vand.u32 $0x7000, v45;
	v44 =	vand.u32 $0x380, v44;
	[tilespmem:v43+s12+$0x0] =	vst.idx.msk $0xffff, v41  }
0x4d: {  	v41 =	vld.idx.msk [tilespmem:v42+s10+$0x0], $0xffff;
	v42 =	vor.u32 v45, v44  }
0x4e: {  	v43 =	vor.u32 v3, v42  }
0x4f: {  	s17 =	sadd.s32 $0x1, s17;
	v42 =	vor.u32 s16, v40  }
0x50: {  	_ = 	snop  }
0x51: {  	v40 =	vmov s16  }
0x52: {  	v44 =	vshll.u32 v40, $0x9;
	v40 =	vshll.u32 v40, $0x7  }
0x53: {  	v44 =	vand.u32 $0x7000, v44;
	v40 =	vand.u32 $0x380, v40  }
0x54: {  	[tilespmem:v43+s12+$0x0] =	vst.idx.msk $0xffff, v41;
	v40 =	vor.u32 v44, v40  }
0x55: {  	v41 =	vld.idx.msk [tilespmem:v42+s10+$0x0], $0xffff;
	v40 =	vor.u32 v3, v40;
	_ =	sdelay $0x4  }
0x56: {  	[tilespmem:v40+s12+$0x0] =	vst.idx.msk $0xffff, v41  }
0x57: {  	v40 =	vld [tilespmem:$0x20];
	_ =	sdelay $0x4  }
0x58: {  	v40 =	vshll.u32 v40, $0x6  }
0x59: {  	v40 =	vand.u32 $0x40, v40  }
0x5a: {  	s31 =	simm.s32 $0x0;
	v40 =	vor.u32 v4, v40  }
0x5b: {  	v61 =	vor.u32 s31, v40  }
0x5c: {  	v62 =	vmov s31  }
0x5d: {  	v63 =	vshll.u32 v62, $0x9;
	v42 =	vshll.u32 v62, $0x7  }
0x5e: {  	v43 =	vand.u32 $0x7000, v63;
	v42 =	vand.u32 $0x380, v42  }
0x5f: {  	v42 =	vor.u32 v43, v42  }
0x60: {  	s16 =	simm.s32 $0x1;
	v43 =	vor.u32 v5, v42;
	v41 =	vld.idx.msk [tilespmem:v61+s10+$0x0], $0xffff  }
0x61: {  	s17 =	simm.s32 $0x2;
	v42 =	vor.u32 s16, v40  }
.LBB2_6:
0x62: {  	p0 =	sne.s32 s17, $0x3F  }
0x63: {  	v44 =	vmov s16;
	s16 =	smov.u32 s17  }
.Ltmp2:
0x64: {  	v45 =	vshll.u32 v44, $0x9;
	v44 =	vshll.u32 v44, $0x7;
	(pc) =	sbr.rel @p0 .LBB2_6-.Ltmp2, $4  }
0x65: {  	v45 =	vand.u32 $0x7000, v45;
	v44 =	vand.u32 $0x380, v44;
	[tilespmem:v43+s12+$0x0] =	vst.idx.msk $0xffff, v41  }
0x66: {  	v41 =	vld.idx.msk [tilespmem:v42+s10+$0x0], $0xffff;
	v42 =	vor.u32 v45, v44  }
0x67: {  	v43 =	vor.u32 v5, v42  }
0x68: {  	s17 =	sadd.s32 $0x1, s17;
	v42 =	vor.u32 s16, v40  }
0x69: {  	_ = 	snop  }
0x6a: {  	v40 =	vmov s16  }
0x6b: {  	v44 =	vshll.u32 v40, $0x9;
	v40 =	vshll.u32 v40, $0x7  }
0x6c: {  	v44 =	vand.u32 $0x7000, v44;
	v40 =	vand.u32 $0x380, v40  }
0x6d: {  	[tilespmem:v43+s12+$0x0] =	vst.idx.msk $0xffff, v41;
	v40 =	vor.u32 v44, v40  }
0x6e: {  	v41 =	vld.idx.msk [tilespmem:v42+s10+$0x0], $0xffff;
	v40 =	vor.u32 v5, v40;
	_ =	sdelay $0x4  }
0x6f: {  	[tilespmem:v40+s12+$0x0] =	vst.idx.msk $0xffff, v41  }
0x70: {  	v40 =	vld [tilespmem:$0x30];
	_ =	sdelay $0x4  }
0x71: {  	v40 =	vshll.u32 v40, $0x6  }
0x72: {  	v40 =	vand.u32 $0x40, v40  }
0x73: {  	s31 =	simm.s32 $0x0;
	v40 =	vor.u32 v6, v40  }
0x74: {  	v61 =	vor.u32 s31, v40  }
0x75: {  	v62 =	vmov s31  }
0x76: {  	v63 =	vshll.u32 v62, $0x9;
	v42 =	vshll.u32 v62, $0x7  }
0x77: {  	v43 =	vand.u32 $0x7000, v63;
	v42 =	vand.u32 $0x380, v42  }
0x78: {  	v42 =	vor.u32 v43, v42  }
0x79: {  	s16 =	simm.s32 $0x1;
	v43 =	vor.u32 v7, v42;
	v41 =	vld.idx.msk [tilespmem:v61+s10+$0x0], $0xffff  }
0x7a: {  	s17 =	simm.s32 $0x2;
	v42 =	vor.u32 s16, v40  }
.LBB2_8:
0x7b: {  	p0 =	sne.s32 s17, $0x3F  }
0x7c: {  	v44 =	vmov s16;
	s16 =	smov.u32 s17  }
.Ltmp3:
0x7d: {  	v45 =	vshll.u32 v44, $0x9;
	v44 =	vshll.u32 v44, $0x7;
	(pc) =	sbr.rel @p0 .LBB2_8-.Ltmp3, $4  }
0x7e: {  	v45 =	vand.u32 $0x7000, v45;
	v44 =	vand.u32 $0x380, v44;
	[tilespmem:v43+s12+$0x0] =	vst.idx.msk $0xffff, v41  }
0x7f: {  	v41 =	vld.idx.msk [tilespmem:v42+s10+$0x0], $0xffff;
	v42 =	vor.u32 v45, v44  }
0x80: {  	v43 =	vor.u32 v7, v42  }
0x81: {  	s17 =	sadd.s32 $0x1, s17;
	v42 =	vor.u32 s16, v40  }
0x82: {  	_ = 	snop  }
0x83: {  	v40 =	vmov s16  }
0x84: {  	v44 =	vshll.u32 v40, $0x9;
	v40 =	vshll.u32 v40, $0x7  }
0x85: {  	v44 =	vand.u32 $0x7000, v44;
	v40 =	vand.u32 $0x380, v40  }
0x86: {  	[tilespmem:v43+s12+$0x0] =	vst.idx.msk $0xffff, v41;
	v40 =	vor.u32 v44, v40  }
0x87: {  	v41 =	vld.idx.msk [tilespmem:v42+s10+$0x0], $0xffff;
	v40 =	vor.u32 v7, v40;
	_ =	sdelay $0x4  }
0x88: {  	[tilespmem:v40+s12+$0x0] =	vst.idx.msk $0xffff, v41  }
0x89: {  	v40 =	vld [tilespmem:$0x40];
	_ =	sdelay $0x4  }
0x8a: {  	v40 =	vshll.u32 v40, $0x6  }
0x8b: {  	v40 =	vand.u32 $0x40, v40  }
0x8c: {  	s31 =	simm.s32 $0x0;
	v40 =	vor.u32 v8, v40  }
0x8d: {  	v61 =	vor.u32 s31, v40  }
0x8e: {  	v62 =	vmov s31  }
0x8f: {  	v63 =	vshll.u32 v62, $0x9;
	v42 =	vshll.u32 v62, $0x7  }
0x90: {  	v43 =	vand.u32 $0x7000, v63;
	v42 =	vand.u32 $0x380, v42  }
0x91: {  	v42 =	vor.u32 v43, v42  }
0x92: {  	s16 =	simm.s32 $0x1;
	v43 =	vor.u32 v9, v42;
	v41 =	vld.idx.msk [tilespmem:v61+s10+$0x0], $0xffff  }
0x93: {  	s17 =	simm.s32 $0x2;
	v42 =	vor.u32 s16, v40  }
.LBB2_10:
0x94: {  	p0 =	sne.s32 s17, $0x3F  }
0x95: {  	v44 =	vmov s16;
	s16 =	smov.u32 s17  }
.Ltmp4:
0x96: {  	v45 =	vshll.u32 v44, $0x9;
	v44 =	vshll.u32 v44, $0x7;
	(pc) =	sbr.rel @p0 .LBB2_10-.Ltmp4, $4  }
0x97: {  	v45 =	vand.u32 $0x7000, v45;
	v44 =	vand.u32 $0x380, v44;
	[tilespmem:v43+s12+$0x0] =	vst.idx.msk $0xffff, v41  }
0x98: {  	v41 =	vld.idx.msk [tilespmem:v42+s10+$0x0], $0xffff;
	v42 =	vor.u32 v45, v44  }
0x99: {  	v43 =	vor.u32 v9, v42  }
0x9a: {  	s17 =	sadd.s32 $0x1, s17;
	v42 =	vor.u32 s16, v40  }
0x9b: {  	_ = 	snop  }
0x9c: {  	v40 =	vmov s16  }
0x9d: {  	v44 =	vshll.u32 v40, $0x9;
	v40 =	vshll.u32 v40, $0x7  }
0x9e: {  	v44 =	vand.u32 $0x7000, v44;
	v40 =	vand.u32 $0x380, v40  }
0x9f: {  	[tilespmem:v43+s12+$0x0] =	vst.idx.msk $0xffff, v41;
	v40 =	vor.u32 v44, v40  }
0xa0: {  	v41 =	vld.idx.msk [tilespmem:v42+s10+$0x0], $0xffff;
	v40 =	vor.u32 v9, v40;
	_ =	sdelay $0x4  }
0xa1: {  	[tilespmem:v40+s12+$0x0] =	vst.idx.msk $0xffff, v41  }
0xa2: {  	v40 =	vld [tilespmem:$0x50];
	_ =	sdelay $0x4  }
0xa3: {  	v40 =	vshll.u32 v40, $0x6  }
0xa4: {  	v40 =	vand.u32 $0x40, v40  }
0xa5: {  	s31 =	simm.s32 $0x0;
	v40 =	vor.u32 v10, v40  }
0xa6: {  	v61 =	vor.u32 s31, v40  }
0xa7: {  	v62 =	vmov s31  }
0xa8: {  	v63 =	vshll.u32 v62, $0x9;
	v42 =	vshll.u32 v62, $0x7  }
0xa9: {  	v43 =	vand.u32 $0x7000, v63;
	v42 =	vand.u32 $0x380, v42  }
0xaa: {  	v42 =	vor.u32 v43, v42  }
0xab: {  	s16 =	simm.s32 $0x1;
	v43 =	vor.u32 v11, v42;
	v41 =	vld.idx.msk [tilespmem:v61+s10+$0x0], $0xffff  }
0xac: {  	s17 =	simm.s32 $0x2;
	v42 =	vor.u32 s16, v40  }
.LBB2_12:
0xad: {  	p0 =	sne.s32 s17, $0x3F  }
0xae: {  	v44 =	vmov s16;
	s16 =	smov.u32 s17  }
.Ltmp5:
0xaf: {  	v45 =	vshll.u32 v44, $0x9;
	v44 =	vshll.u32 v44, $0x7;
	(pc) =	sbr.rel @p0 .LBB2_12-.Ltmp5, $4  }
0xb0: {  	v45 =	vand.u32 $0x7000, v45;
	v44 =	vand.u32 $0x380, v44;
	[tilespmem:v43+s12+$0x0] =	vst.idx.msk $0xffff, v41  }
0xb1: {  	v41 =	vld.idx.msk [tilespmem:v42+s10+$0x0], $0xffff;
	v42 =	vor.u32 v45, v44  }
0xb2: {  	v43 =	vor.u32 v11, v42  }
0xb3: {  	s17 =	sadd.s32 $0x1, s17;
	v42 =	vor.u32 s16, v40  }
0xb4: {  	_ = 	snop  }
0xb5: {  	v40 =	vmov s16  }
0xb6: {  	v44 =	vshll.u32 v40, $0x9;
	v40 =	vshll.u32 v40, $0x7  }
0xb7: {  	v44 =	vand.u32 $0x7000, v44;
	v40 =	vand.u32 $0x380, v40  }
0xb8: {  	[tilespmem:v43+s12+$0x0] =	vst.idx.msk $0xffff, v41;
	v40 =	vor.u32 v44, v40  }
0xb9: {  	v41 =	vld.idx.msk [tilespmem:v42+s10+$0x0], $0xffff;
	v40 =	vor.u32 v11, v40;
	_ =	sdelay $0x4  }
0xba: {  	[tilespmem:v40+s12+$0x0] =	vst.idx.msk $0xffff, v41  }
0xbb: {  	v40 =	vld [tilespmem:$0x60];
	_ =	sdelay $0x4  }
0xbc: {  	v40 =	vshll.u32 v40, $0x6  }
0xbd: {  	v40 =	vand.u32 $0x40, v40  }
0xbe: {  	s31 =	simm.s32 $0x0;
	v40 =	vor.u32 v12, v40  }
0xbf: {  	v61 =	vor.u32 s31, v40  }
0xc0: {  	v62 =	vmov s31  }
0xc1: {  	v63 =	vshll.u32 v62, $0x9;
	v42 =	vshll.u32 v62, $0x7  }
0xc2: {  	v43 =	vand.u32 $0x7000, v63;
	v42 =	vand.u32 $0x380, v42  }
0xc3: {  	v42 =	vor.u32 v43, v42  }
0xc4: {  	s16 =	simm.s32 $0x1;
	v43 =	vor.u32 v13, v42;
	v41 =	vld.idx.msk [tilespmem:v61+s10+$0x0], $0xffff  }
0xc5: {  	s17 =	simm.s32 $0x2;
	v42 =	vor.u32 s16, v40  }
.LBB2_14:
0xc6: {  	p0 =	sne.s32 s17, $0x3F  }
0xc7: {  	v44 =	vmov s16;
	s16 =	smov.u32 s17  }
.Ltmp6:
0xc8: {  	v45 =	vshll.u32 v44, $0x9;
	v44 =	vshll.u32 v44, $0x7;
	(pc) =	sbr.rel @p0 .LBB2_14-.Ltmp6, $4  }
0xc9: {  	v45 =	vand.u32 $0x7000, v45;
	v44 =	vand.u32 $0x380, v44;
	[tilespmem:v43+s12+$0x0] =	vst.idx.msk $0xffff, v41  }
0xca: {  	v41 =	vld.idx.msk [tilespmem:v42+s10+$0x0], $0xffff;
	v42 =	vor.u32 v45, v44  }
0xcb: {  	v43 =	vor.u32 v13, v42  }
0xcc: {  	s17 =	sadd.s32 $0x1, s17;
	v42 =	vor.u32 s16, v40  }
0xcd: {  	_ = 	snop  }
0xce: {  	v40 =	vmov s16  }
0xcf: {  	v44 =	vshll.u32 v40, $0x9;
	v40 =	vshll.u32 v40, $0x7  }
0xd0: {  	v44 =	vand.u32 $0x7000, v44;
	v40 =	vand.u32 $0x380, v40  }
0xd1: {  	[tilespmem:v43+s12+$0x0] =	vst.idx.msk $0xffff, v41;
	v40 =	vor.u32 v44, v40  }
0xd2: {  	v41 =	vld.idx.msk [tilespmem:v42+s10+$0x0], $0xffff;
	v40 =	vor.u32 v13, v40;
	_ =	sdelay $0x4  }
0xd3: {  	[tilespmem:v40+s12+$0x0] =	vst.idx.msk $0xffff, v41  }
0xd4: {  	v40 =	vld [tilespmem:$0x70];
	_ =	sdelay $0x4  }
0xd5: {  	v40 =	vshll.u32 v40, $0x6  }
0xd6: {  	v40 =	vand.u32 $0x40, v40  }
0xd7: {  	s31 =	simm.s32 $0x0;
	v40 =	vor.u32 v14, v40  }
0xd8: {  	v61 =	vor.u32 s31, v40  }
0xd9: {  	v62 =	vmov s31  }
0xda: {  	v63 =	vshll.u32 v62, $0x9;
	v42 =	vshll.u32 v62, $0x7  }
0xdb: {  	v43 =	vand.u32 $0x7000, v63;
	v42 =	vand.u32 $0x380, v42  }
0xdc: {  	v42 =	vor.u32 v43, v42  }
0xdd: {  	s16 =	simm.s32 $0x1;
	v43 =	vor.u32 v15, v42;
	v41 =	vld.idx.msk [tilespmem:v61+s10+$0x0], $0xffff  }
0xde: {  	s17 =	simm.s32 $0x2;
	v42 =	vor.u32 s16, v40  }
.LBB2_16:
0xdf: {  	p0 =	sne.s32 s17, $0x3F  }
0xe0: {  	v44 =	vmov s16;
	s16 =	smov.u32 s17  }
.Ltmp7:
0xe1: {  	v45 =	vshll.u32 v44, $0x9;
	v44 =	vshll.u32 v44, $0x7;
	(pc) =	sbr.rel @p0 .LBB2_16-.Ltmp7, $4  }
0xe2: {  	v45 =	vand.u32 $0x7000, v45;
	v44 =	vand.u32 $0x380, v44;
	[tilespmem:v43+s12+$0x0] =	vst.idx.msk $0xffff, v41  }
0xe3: {  	v41 =	vld.idx.msk [tilespmem:v42+s10+$0x0], $0xffff;
	v42 =	vor.u32 v45, v44  }
0xe4: {  	v43 =	vor.u32 v15, v42  }
0xe5: {  	s17 =	sadd.s32 $0x1, s17;
	v42 =	vor.u32 s16, v40  }
0xe6: {  	_ = 	snop  }
0xe7: {  	v40 =	vmov s16  }
0xe8: {  	v44 =	vshll.u32 v40, $0x9;
	v40 =	vshll.u32 v40, $0x7  }
0xe9: {  	v44 =	vand.u32 $0x7000, v44;
	v40 =	vand.u32 $0x380, v40  }
0xea: {  	[tilespmem:v43+s12+$0x0] =	vst.idx.msk $0xffff, v41;
	v40 =	vor.u32 v44, v40  }
0xeb: {  	v41 =	vld.idx.msk [tilespmem:v42+s10+$0x0], $0xffff;
	v40 =	vor.u32 v15, v40;
	_ =	sdelay $0x4  }
0xec: {  	[tilespmem:v40+s12+$0x0] =	vst.idx.msk $0xffff, v41  }
0xed: {  	v40 =	vld [tilespmem:$0x80]  }
0xee: {  	v41 =	vld [tilespmem:$0x90]  }
0xef: {  	v49 =	vld [tilespmem:$0xA0]  }
0xf0: {  	v43 =	vld [tilespmem:$0xB0]  }
0xf1: {  	v50 =	vld [tilespmem:$0xC0]  }
0xf2: {  	v45 =	vld [tilespmem:$0xD0];
	v40 =	vshra.s32 v40, $0x1  }
0xf3: {  	v52 =	vld [tilespmem:$0xE0];
	v51 =	vshra.s32 v41, $0x1;
	[tilespmem:$0x200] =	vst v40  }
0xf4: {  	v54 =	vld [tilespmem:$0xF0];
	v53 =	vshra.s32 v49, $0x1;
	[tilespmem:$0x210] =	vst v51  }
0xf5: {  	v55 =	vshra.s32 v43, $0x1;
	[tilespmem:$0x220] =	vst v53  }
0xf6: {  	v56 =	vshra.s32 v50, $0x1;
	[tilespmem:$0x230] =	vst v55  }
0xf7: {  	v57 =	vshra.s32 v45, $0x1;
	[tilespmem:$0x240] =	vst v56  }
0xf8: {  	v58 =	vshra.s32 v52, $0x1;
	[tilespmem:$0x250] =	vst v57  }
0xf9: {  	v59 =	vshra.s32 v54, $0x1;
	[tilespmem:$0x260] =	vst v58  }
0xfa: {  	[tilespmem:$0x270] =	vst v59  }
0xfb: {  	[tilespmem:s10], [sflag:$0x1] =	stream.indirect.gather [hbm4b:s3+s8], $0x80, s9, s8, $0xb8;
	[tilespmem:$0xC280] =	vst v63  }
0xfc: {  	_ =	swait.ge [sflag:s11], $0x4000  }
0xfd: {  	[sflag:s11] =	ssyncset.done $0x0  }
0xfe: {  	[sflag:s11] =	ssyncadd.s32 $0xFFFFC000  }
0xff: {  	v60 =	vld [tilespmem:$0x80];
	_ =	sdelay $0x4  }
0x100: {  	v40 =	vshll.u32 v60, $0x6  }
0x101: {  	v40 =	vand.u32 $0x40, v40  }
0x102: {  	s31 =	simm.s32 $0x0;
	v40 =	vor.u32 v1, v40  }
0x103: {  	v61 =	vor.u32 s31, v40  }
0x104: {  	v62 =	vmov s31  }
0x105: {  	v63 =	vshll.u32 v62, $0x9;
	v42 =	vshll.u32 v62, $0x7  }
0x106: {  	v42 =	vand.u32 $0x380, v42;
	v43 =	vand.u32 $0x7000, v63  }
0x107: {  	v42 =	vor.u32 v42, v43  }
0x108: {  	s16 =	simm.s32 $0x1;
	v43 =	vor.u32 v16, v42;
	v41 =	vld.idx.msk [tilespmem:v61+s10+$0x0], $0xffff  }
0x109: {  	s17 =	simm.s32 $0x2;
	v42 =	vor.u32 s16, v40  }
.LBB2_18:
0x10a: {  	p0 =	sne.s32 s17, $0x3F  }
0x10b: {  	v44 =	vmov s16;
	s16 =	smov.u32 s17  }
.Ltmp8:
0x10c: {  	v45 =	vshll.u32 v44, $0x9;
	v44 =	vshll.u32 v44, $0x7;
	(pc) =	sbr.rel @p0 .LBB2_18-.Ltmp8, $4  }
0x10d: {  	v45 =	vand.u32 $0x7000, v45;
	v44 =	vand.u32 $0x380, v44;
	[tilespmem:v43+s12+$0x0] =	vst.idx.msk $0xffff, v41  }
0x10e: {  	v41 =	vld.idx.msk [tilespmem:v42+s10+$0x0], $0xffff;
	v42 =	vor.u32 v44, v45  }
0x10f: {  	v43 =	vor.u32 v16, v42  }
0x110: {  	s17 =	sadd.s32 $0x1, s17;
	v42 =	vor.u32 s16, v40  }
0x111: {  	_ = 	snop  }
0x112: {  	v40 =	vmov s16  }
0x113: {  	v44 =	vshll.u32 v40, $0x9;
	v40 =	vshll.u32 v40, $0x7  }
0x114: {  	v44 =	vand.u32 $0x7000, v44;
	v40 =	vand.u32 $0x380, v40  }
0x115: {  	[tilespmem:v43+s12+$0x0] =	vst.idx.msk $0xffff, v41;
	v40 =	vor.u32 v40, v44  }
0x116: {  	v41 =	vld.idx.msk [tilespmem:v42+s10+$0x0], $0xffff;
	v40 =	vor.u32 v16, v40;
	_ =	sdelay $0x4  }
0x117: {  	[tilespmem:v40+s12+$0x0] =	vst.idx.msk $0xffff, v41  }
0x118: {  	v40 =	vld [tilespmem:$0x90];
	_ =	sdelay $0x4  }
0x119: {  	v40 =	vshll.u32 v40, $0x6  }
0x11a: {  	v40 =	vand.u32 $0x40, v40  }
0x11b: {  	s31 =	simm.s32 $0x0;
	v40 =	vor.u32 v2, v40  }
0x11c: {  	v61 =	vor.u32 s31, v40  }
0x11d: {  	v62 =	vmov s31  }
0x11e: {  	v63 =	vshll.u32 v62, $0x9;
	v42 =	vshll.u32 v62, $0x7  }
0x11f: {  	v43 =	vand.u32 $0x7000, v63;
	v42 =	vand.u32 $0x380, v42  }
0x120: {  	v42 =	vor.u32 v42, v43  }
0x121: {  	s16 =	simm.s32 $0x1;
	v43 =	vor.u32 v17, v42;
	v41 =	vld.idx.msk [tilespmem:v61+s10+$0x0], $0xffff  }
0x122: {  	s17 =	simm.s32 $0x2;
	v42 =	vor.u32 s16, v40  }
.LBB2_20:
0x123: {  	p0 =	sne.s32 s17, $0x3F  }
0x124: {  	v44 =	vmov s16;
	s16 =	smov.u32 s17  }
.Ltmp9:
0x125: {  	v45 =	vshll.u32 v44, $0x9;
	v44 =	vshll.u32 v44, $0x7;
	(pc) =	sbr.rel @p0 .LBB2_20-.Ltmp9, $4  }
0x126: {  	v45 =	vand.u32 $0x7000, v45;
	v44 =	vand.u32 $0x380, v44;
	[tilespmem:v43+s12+$0x0] =	vst.idx.msk $0xffff, v41  }
0x127: {  	v41 =	vld.idx.msk [tilespmem:v42+s10+$0x0], $0xffff;
	v42 =	vor.u32 v44, v45  }
0x128: {  	v43 =	vor.u32 v17, v42  }
0x129: {  	s17 =	sadd.s32 $0x1, s17;
	v42 =	vor.u32 s16, v40  }
0x12a: {  	_ = 	snop  }
0x12b: {  	v40 =	vmov s16  }
0x12c: {  	v44 =	vshll.u32 v40, $0x9;
	v40 =	vshll.u32 v40, $0x7  }
0x12d: {  	v44 =	vand.u32 $0x7000, v44;
	v40 =	vand.u32 $0x380, v40  }
0x12e: {  	[tilespmem:v43+s12+$0x0] =	vst.idx.msk $0xffff, v41;
	v40 =	vor.u32 v40, v44  }
0x12f: {  	v41 =	vld.idx.msk [tilespmem:v42+s10+$0x0], $0xffff;
	v40 =	vor.u32 v17, v40;
	_ =	sdelay $0x4  }
0x130: {  	[tilespmem:v40+s12+$0x0] =	vst.idx.msk $0xffff, v41  }
0x131: {  	v40 =	vld [tilespmem:$0xA0];
	_ =	sdelay $0x4  }
0x132: {  	v40 =	vshll.u32 v40, $0x6  }
0x133: {  	v40 =	vand.u32 $0x40, v40  }
0x134: {  	s31 =	simm.s32 $0x0;
	v40 =	vor.u32 v4, v40  }
0x135: {  	v61 =	vor.u32 s31, v40  }
0x136: {  	v62 =	vmov s31  }
0x137: {  	v63 =	vshll.u32 v62, $0x9;
	v42 =	vshll.u32 v62, $0x7  }
0x138: {  	v43 =	vand.u32 $0x7000, v63;
	v42 =	vand.u32 $0x380, v42  }
0x139: {  	v42 =	vor.u32 v42, v43  }
0x13a: {  	s16 =	simm.s32 $0x1;
	v43 =	vor.u32 v18, v42;
	v41 =	vld.idx.msk [tilespmem:v61+s10+$0x0], $0xffff  }
0x13b: {  	s17 =	simm.s32 $0x2;
	v42 =	vor.u32 s16, v40  }
.LBB2_22:
0x13c: {  	p0 =	sne.s32 s17, $0x3F  }
0x13d: {  	v44 =	vmov s16;
	s16 =	smov.u32 s17  }
.Ltmp10:
0x13e: {  	v45 =	vshll.u32 v44, $0x9;
	v44 =	vshll.u32 v44, $0x7;
	(pc) =	sbr.rel @p0 .LBB2_22-.Ltmp10, $4  }
0x13f: {  	v45 =	vand.u32 $0x7000, v45;
	v44 =	vand.u32 $0x380, v44;
	[tilespmem:v43+s12+$0x0] =	vst.idx.msk $0xffff, v41  }
0x140: {  	v41 =	vld.idx.msk [tilespmem:v42+s10+$0x0], $0xffff;
	v42 =	vor.u32 v44, v45  }
0x141: {  	v43 =	vor.u32 v18, v42  }
0x142: {  	s17 =	sadd.s32 $0x1, s17;
	v42 =	vor.u32 s16, v40  }
0x143: {  	_ = 	snop  }
0x144: {  	v40 =	vmov s16  }
0x145: {  	v44 =	vshll.u32 v40, $0x9;
	v40 =	vshll.u32 v40, $0x7  }
0x146: {  	v44 =	vand.u32 $0x7000, v44;
	v40 =	vand.u32 $0x380, v40  }
0x147: {  	[tilespmem:v43+s12+$0x0] =	vst.idx.msk $0xffff, v41;
	v40 =	vor.u32 v40, v44  }
0x148: {  	v41 =	vld.idx.msk [tilespmem:v42+s10+$0x0], $0xffff;
	v40 =	vor.u32 v18, v40;
	_ =	sdelay $0x4  }
0x149: {  	[tilespmem:v40+s12+$0x0] =	vst.idx.msk $0xffff, v41  }
0x14a: {  	v40 =	vld [tilespmem:$0xB0];
	_ =	sdelay $0x4  }
0x14b: {  	v40 =	vshll.u32 v40, $0x6  }
0x14c: {  	v40 =	vand.u32 $0x40, v40  }
0x14d: {  	s31 =	simm.s32 $0x0;
	v40 =	vor.u32 v6, v40  }
0x14e: {  	v61 =	vor.u32 s31, v40  }
0x14f: {  	v62 =	vmov s31  }
0x150: {  	v63 =	vshll.u32 v62, $0x9;
	v42 =	vshll.u32 v62, $0x7  }
0x151: {  	v43 =	vand.u32 $0x7000, v63;
	v42 =	vand.u32 $0x380, v42  }
0x152: {  	v42 =	vor.u32 v42, v43  }
0x153: {  	s16 =	simm.s32 $0x1;
	v43 =	vor.u32 v19, v42;
	v41 =	vld.idx.msk [tilespmem:v61+s10+$0x0], $0xffff  }
0x154: {  	s17 =	simm.s32 $0x2;
	v42 =	vor.u32 s16, v40  }
.LBB2_24:
0x155: {  	p0 =	sne.s32 s17, $0x3F  }
0x156: {  	v44 =	vmov s16;
	s16 =	smov.u32 s17  }
.Ltmp11:
0x157: {  	v45 =	vshll.u32 v44, $0x9;
	v44 =	vshll.u32 v44, $0x7;
	(pc) =	sbr.rel @p0 .LBB2_24-.Ltmp11, $4  }
0x158: {  	v45 =	vand.u32 $0x7000, v45;
	v44 =	vand.u32 $0x380, v44;
	[tilespmem:v43+s12+$0x0] =	vst.idx.msk $0xffff, v41  }
0x159: {  	v41 =	vld.idx.msk [tilespmem:v42+s10+$0x0], $0xffff;
	v42 =	vor.u32 v44, v45  }
0x15a: {  	v43 =	vor.u32 v19, v42  }
0x15b: {  	s17 =	sadd.s32 $0x1, s17;
	v42 =	vor.u32 s16, v40  }
0x15c: {  	_ = 	snop  }
0x15d: {  	v40 =	vmov s16  }
0x15e: {  	v44 =	vshll.u32 v40, $0x9;
	v40 =	vshll.u32 v40, $0x7  }
0x15f: {  	v44 =	vand.u32 $0x7000, v44;
	v40 =	vand.u32 $0x380, v40  }
0x160: {  	[tilespmem:v43+s12+$0x0] =	vst.idx.msk $0xffff, v41;
	v40 =	vor.u32 v40, v44  }
0x161: {  	v41 =	vld.idx.msk [tilespmem:v42+s10+$0x0], $0xffff;
	v40 =	vor.u32 v19, v40;
	_ =	sdelay $0x4  }
0x162: {  	[tilespmem:v40+s12+$0x0] =	vst.idx.msk $0xffff, v41  }
0x163: {  	v40 =	vld [tilespmem:$0xC0];
	_ =	sdelay $0x4  }
0x164: {  	v40 =	vshll.u32 v40, $0x6  }
0x165: {  	v40 =	vand.u32 $0x40, v40  }
0x166: {  	s31 =	simm.s32 $0x0;
	v40 =	vor.u32 v8, v40  }
0x167: {  	v61 =	vor.u32 s31, v40  }
0x168: {  	v62 =	vmov s31  }
0x169: {  	v63 =	vshll.u32 v62, $0x9;
	v42 =	vshll.u32 v62, $0x7  }
0x16a: {  	v43 =	vand.u32 $0x7000, v63;
	v42 =	vand.u32 $0x380, v42  }
0x16b: {  	v42 =	vor.u32 v42, v43  }
0x16c: {  	s16 =	simm.s32 $0x1;
	v43 =	vor.u32 v20, v42;
	v41 =	vld.idx.msk [tilespmem:v61+s10+$0x0], $0xffff  }
0x16d: {  	s17 =	simm.s32 $0x2;
	v42 =	vor.u32 s16, v40  }
.LBB2_26:
0x16e: {  	p0 =	sne.s32 s17, $0x3F  }
0x16f: {  	v44 =	vmov s16;
	s16 =	smov.u32 s17  }
.Ltmp12:
0x170: {  	v45 =	vshll.u32 v44, $0x9;
	v44 =	vshll.u32 v44, $0x7;
	(pc) =	sbr.rel @p0 .LBB2_26-.Ltmp12, $4  }
0x171: {  	v45 =	vand.u32 $0x7000, v45;
	v44 =	vand.u32 $0x380, v44;
	[tilespmem:v43+s12+$0x0] =	vst.idx.msk $0xffff, v41  }
0x172: {  	v41 =	vld.idx.msk [tilespmem:v42+s10+$0x0], $0xffff;
	v42 =	vor.u32 v44, v45  }
0x173: {  	v43 =	vor.u32 v20, v42  }
0x174: {  	s17 =	sadd.s32 $0x1, s17;
	v42 =	vor.u32 s16, v40  }
0x175: {  	_ = 	snop  }
0x176: {  	v40 =	vmov s16  }
0x177: {  	v44 =	vshll.u32 v40, $0x9;
	v40 =	vshll.u32 v40, $0x7  }
0x178: {  	v44 =	vand.u32 $0x7000, v44;
	v40 =	vand.u32 $0x380, v40  }
0x179: {  	[tilespmem:v43+s12+$0x0] =	vst.idx.msk $0xffff, v41;
	v40 =	vor.u32 v40, v44  }
0x17a: {  	v41 =	vld.idx.msk [tilespmem:v42+s10+$0x0], $0xffff;
	v40 =	vor.u32 v20, v40;
	_ =	sdelay $0x4  }
0x17b: {  	[tilespmem:v40+s12+$0x0] =	vst.idx.msk $0xffff, v41  }
0x17c: {  	v40 =	vld [tilespmem:$0xD0];
	_ =	sdelay $0x4  }
0x17d: {  	v40 =	vshll.u32 v40, $0x6  }
0x17e: {  	v40 =	vand.u32 $0x40, v40  }
0x17f: {  	s31 =	simm.s32 $0x0;
	v40 =	vor.u32 v10, v40  }
0x180: {  	v61 =	vor.u32 s31, v40  }
0x181: {  	v62 =	vmov s31  }
0x182: {  	v63 =	vshll.u32 v62, $0x9;
	v42 =	vshll.u32 v62, $0x7  }
0x183: {  	v43 =	vand.u32 $0x7000, v63;
	v42 =	vand.u32 $0x380, v42  }
0x184: {  	v42 =	vor.u32 v42, v43  }
0x185: {  	s16 =	simm.s32 $0x1;
	v43 =	vor.u32 v21, v42;
	v41 =	vld.idx.msk [tilespmem:v61+s10+$0x0], $0xffff  }
0x186: {  	s17 =	simm.s32 $0x2;
	v42 =	vor.u32 s16, v40  }
.LBB2_28:
0x187: {  	p0 =	sne.s32 s17, $0x3F  }
0x188: {  	v44 =	vmov s16;
	s16 =	smov.u32 s17  }
.Ltmp13:
0x189: {  	v45 =	vshll.u32 v44, $0x9;
	v44 =	vshll.u32 v44, $0x7;
	(pc) =	sbr.rel @p0 .LBB2_28-.Ltmp13, $4  }
0x18a: {  	v45 =	vand.u32 $0x7000, v45;
	v44 =	vand.u32 $0x380, v44;
	[tilespmem:v43+s12+$0x0] =	vst.idx.msk $0xffff, v41  }
0x18b: {  	v41 =	vld.idx.msk [tilespmem:v42+s10+$0x0], $0xffff;
	v42 =	vor.u32 v44, v45  }
0x18c: {  	v43 =	vor.u32 v21, v42  }
0x18d: {  	s17 =	sadd.s32 $0x1, s17;
	v42 =	vor.u32 s16, v40  }
0x18e: {  	_ = 	snop  }
0x18f: {  	v40 =	vmov s16  }
0x190: {  	v44 =	vshll.u32 v40, $0x9;
	v40 =	vshll.u32 v40, $0x7  }
0x191: {  	v44 =	vand.u32 $0x7000, v44;
	v40 =	vand.u32 $0x380, v40  }
0x192: {  	[tilespmem:v43+s12+$0x0] =	vst.idx.msk $0xffff, v41;
	v40 =	vor.u32 v40, v44  }
0x193: {  	v41 =	vld.idx.msk [tilespmem:v42+s10+$0x0], $0xffff;
	v40 =	vor.u32 v21, v40;
	_ =	sdelay $0x4  }
0x194: {  	[tilespmem:v40+s12+$0x0] =	vst.idx.msk $0xffff, v41  }
0x195: {  	v40 =	vld [tilespmem:$0xE0];
	_ =	sdelay $0x4  }
0x196: {  	v40 =	vshll.u32 v40, $0x6  }
0x197: {  	v40 =	vand.u32 $0x40, v40  }
0x198: {  	s31 =	simm.s32 $0x0;
	v40 =	vor.u32 v12, v40  }
0x199: {  	v61 =	vor.u32 s31, v40  }
0x19a: {  	v62 =	vmov s31  }
0x19b: {  	v63 =	vshll.u32 v62, $0x9;
	v42 =	vshll.u32 v62, $0x7  }
0x19c: {  	v43 =	vand.u32 $0x7000, v63;
	v42 =	vand.u32 $0x380, v42  }
0x19d: {  	v42 =	vor.u32 v42, v43  }
0x19e: {  	s16 =	simm.s32 $0x1;
	v43 =	vor.u32 v22, v42;
	v41 =	vld.idx.msk [tilespmem:v61+s10+$0x0], $0xffff  }
0x19f: {  	s17 =	simm.s32 $0x2;
	v42 =	vor.u32 s16, v40  }
.LBB2_30:
0x1a0: {  	p0 =	sne.s32 s17, $0x3F  }
0x1a1: {  	v44 =	vmov s16;
	s16 =	smov.u32 s17  }
.Ltmp14:
0x1a2: {  	v45 =	vshll.u32 v44, $0x9;
	v44 =	vshll.u32 v44, $0x7;
	(pc) =	sbr.rel @p0 .LBB2_30-.Ltmp14, $4  }
0x1a3: {  	v45 =	vand.u32 $0x7000, v45;
	v44 =	vand.u32 $0x380, v44;
	[tilespmem:v43+s12+$0x0] =	vst.idx.msk $0xffff, v41  }
0x1a4: {  	v41 =	vld.idx.msk [tilespmem:v42+s10+$0x0], $0xffff;
	v42 =	vor.u32 v44, v45  }
0x1a5: {  	v43 =	vor.u32 v22, v42  }
0x1a6: {  	s17 =	sadd.s32 $0x1, s17;
	v42 =	vor.u32 s16, v40  }
0x1a7: {  	_ = 	snop  }
0x1a8: {  	v40 =	vmov s16  }
0x1a9: {  	v44 =	vshll.u32 v40, $0x9;
	v40 =	vshll.u32 v40, $0x7  }
0x1aa: {  	v44 =	vand.u32 $0x7000, v44;
	v40 =	vand.u32 $0x380, v40  }
0x1ab: {  	[tilespmem:v43+s12+$0x0] =	vst.idx.msk $0xffff, v41;
	v40 =	vor.u32 v40, v44  }
0x1ac: {  	v41 =	vld.idx.msk [tilespmem:v42+s10+$0x0], $0xffff;
	v40 =	vor.u32 v22, v40;
	_ =	sdelay $0x4  }
0x1ad: {  	[tilespmem:v40+s12+$0x0] =	vst.idx.msk $0xffff, v41  }
0x1ae: {  	v40 =	vld [tilespmem:$0xF0];
	_ =	sdelay $0x4  }
0x1af: {  	v40 =	vshll.u32 v40, $0x6  }
0x1b0: {  	v40 =	vand.u32 $0x40, v40  }
0x1b1: {  	s31 =	simm.s32 $0x0;
	v40 =	vor.u32 v14, v40  }
0x1b2: {  	v61 =	vor.u32 s31, v40  }
0x1b3: {  	v62 =	vmov s31  }
0x1b4: {  	v63 =	vshll.u32 v62, $0x9;
	v42 =	vshll.u32 v62, $0x7  }
0x1b5: {  	v43 =	vand.u32 $0x7000, v63;
	v42 =	vand.u32 $0x380, v42  }
0x1b6: {  	v42 =	vor.u32 v42, v43  }
0x1b7: {  	s16 =	simm.s32 $0x1;
	v43 =	vor.u32 v23, v42;
	v41 =	vld.idx.msk [tilespmem:v61+s10+$0x0], $0xffff  }
0x1b8: {  	s17 =	simm.s32 $0x2;
	v42 =	vor.u32 s16, v40  }
.LBB2_32:
0x1b9: {  	p0 =	sne.s32 s17, $0x3F  }
0x1ba: {  	v44 =	vmov s16;
	s16 =	smov.u32 s17  }
.Ltmp15:
0x1bb: {  	v45 =	vshll.u32 v44, $0x9;
	v44 =	vshll.u32 v44, $0x7;
	(pc) =	sbr.rel @p0 .LBB2_32-.Ltmp15, $4  }
0x1bc: {  	v45 =	vand.u32 $0x7000, v45;
	v44 =	vand.u32 $0x380, v44;
	[tilespmem:v43+s12+$0x0] =	vst.idx.msk $0xffff, v41  }
0x1bd: {  	v41 =	vld.idx.msk [tilespmem:v42+s10+$0x0], $0xffff;
	v42 =	vor.u32 v44, v45  }
0x1be: {  	v43 =	vor.u32 v23, v42  }
0x1bf: {  	s17 =	sadd.s32 $0x1, s17;
	v42 =	vor.u32 s16, v40  }
0x1c0: {  	_ = 	snop  }
0x1c1: {  	v40 =	vmov s16  }
0x1c2: {  	v44 =	vshll.u32 v40, $0x9;
	v40 =	vshll.u32 v40, $0x7  }
0x1c3: {  	v44 =	vand.u32 $0x7000, v44;
	v40 =	vand.u32 $0x380, v40  }
0x1c4: {  	[tilespmem:v43+s12+$0x0] =	vst.idx.msk $0xffff, v41;
	v40 =	vor.u32 v40, v44  }
0x1c5: {  	v41 =	vld.idx.msk [tilespmem:v42+s10+$0x0], $0xffff;
	v40 =	vor.u32 v23, v40;
	_ =	sdelay $0x4  }
0x1c6: {  	[tilespmem:v40+s12+$0x0] =	vst.idx.msk $0xffff, v41  }
0x1c7: {  	v40 =	vld [tilespmem:$0x100]  }
0x1c8: {  	v41 =	vld [tilespmem:$0x110]  }
0x1c9: {  	v49 =	vld [tilespmem:$0x120]  }
0x1ca: {  	v43 =	vld [tilespmem:$0x130]  }
0x1cb: {  	v50 =	vld [tilespmem:$0x140]  }
0x1cc: {  	v45 =	vld [tilespmem:$0x150];
	v40 =	vshra.s32 v40, $0x1  }
0x1cd: {  	v52 =	vld [tilespmem:$0x160];
	v51 =	vshra.s32 v41, $0x1;
	[tilespmem:$0x200] =	vst v40  }
0x1ce: {  	v54 =	vld [tilespmem:$0x170];
	v53 =	vshra.s32 v49, $0x1;
	[tilespmem:$0x210] =	vst v51  }
0x1cf: {  	v55 =	vshra.s32 v43, $0x1;
	[tilespmem:$0x220] =	vst v53  }
0x1d0: {  	v56 =	vshra.s32 v50, $0x1;
	[tilespmem:$0x230] =	vst v55  }
0x1d1: {  	v57 =	vshra.s32 v45, $0x1;
	[tilespmem:$0x240] =	vst v56  }
0x1d2: {  	v58 =	vshra.s32 v52, $0x1;
	[tilespmem:$0x250] =	vst v57  }
0x1d3: {  	v59 =	vshra.s32 v54, $0x1;
	[tilespmem:$0x260] =	vst v58  }
0x1d4: {  	[tilespmem:$0x270] =	vst v59  }
0x1d5: {  	[tilespmem:s10], [sflag:$0x1] =	stream.indirect.gather [hbm4b:s3+s8], $0x80, s9, s8, $0xb8;
	[tilespmem:$0xC280] =	vst v63  }
0x1d6: {  	_ =	swait.ge [sflag:s11], $0x4000  }
0x1d7: {  	[sflag:s11] =	ssyncset.done $0x0  }
0x1d8: {  	[sflag:s11] =	ssyncadd.s32 $0xFFFFC000  }
0x1d9: {  	v60 =	vld [tilespmem:$0x100];
	_ =	sdelay $0x4  }
0x1da: {  	v40 =	vshll.u32 v60, $0x6  }
0x1db: {  	v40 =	vand.u32 $0x40, v40  }
0x1dc: {  	s31 =	simm.s32 $0x0;
	v40 =	vor.u32 v1, v40  }
0x1dd: {  	v61 =	vor.u32 s31, v40  }
0x1de: {  	v62 =	vmov s31  }
0x1df: {  	v63 =	vshll.u32 v62, $0x9;
	v42 =	vshll.u32 v62, $0x7  }
0x1e0: {  	v42 =	vand.u32 $0x380, v42;
	v43 =	vand.u32 $0x7000, v63  }
0x1e1: {  	v42 =	vor.u32 v42, v43  }
0x1e2: {  	s16 =	simm.s32 $0x1;
	v43 =	vor.u32 v24, v42;
	v41 =	vld.idx.msk [tilespmem:v61+s10+$0x0], $0xffff  }
0x1e3: {  	s17 =	simm.s32 $0x2;
	v42 =	vor.u32 s16, v40  }
.LBB2_34:
0x1e4: {  	p0 =	sne.s32 s17, $0x3F  }
0x1e5: {  	v44 =	vmov s16;
	s16 =	smov.u32 s17  }
.Ltmp16:
0x1e6: {  	v45 =	vshll.u32 v44, $0x9;
	v44 =	vshll.u32 v44, $0x7;
	(pc) =	sbr.rel @p0 .LBB2_34-.Ltmp16, $4  }
0x1e7: {  	v45 =	vand.u32 $0x7000, v45;
	v44 =	vand.u32 $0x380, v44;
	[tilespmem:v43+s12+$0x0] =	vst.idx.msk $0xffff, v41  }
0x1e8: {  	v41 =	vld.idx.msk [tilespmem:v42+s10+$0x0], $0xffff;
	v42 =	vor.u32 v44, v45  }
0x1e9: {  	v43 =	vor.u32 v24, v42  }
0x1ea: {  	s17 =	sadd.s32 $0x1, s17;
	v42 =	vor.u32 s16, v40  }
0x1eb: {  	_ = 	snop  }
0x1ec: {  	v40 =	vmov s16  }
0x1ed: {  	v44 =	vshll.u32 v40, $0x9;
	v40 =	vshll.u32 v40, $0x7  }
0x1ee: {  	v44 =	vand.u32 $0x7000, v44;
	v40 =	vand.u32 $0x380, v40  }
0x1ef: {  	[tilespmem:v43+s12+$0x0] =	vst.idx.msk $0xffff, v41;
	v40 =	vor.u32 v40, v44  }
0x1f0: {  	v41 =	vld.idx.msk [tilespmem:v42+s10+$0x0], $0xffff;
	v40 =	vor.u32 v24, v40;
	_ =	sdelay $0x4  }
0x1f1: {  	[tilespmem:v40+s12+$0x0] =	vst.idx.msk $0xffff, v41  }
0x1f2: {  	v40 =	vld [tilespmem:$0x110];
	_ =	sdelay $0x4  }
0x1f3: {  	v40 =	vshll.u32 v40, $0x6  }
0x1f4: {  	v40 =	vand.u32 $0x40, v40  }
0x1f5: {  	s31 =	simm.s32 $0x0;
	v40 =	vor.u32 v2, v40  }
0x1f6: {  	v61 =	vor.u32 s31, v40  }
0x1f7: {  	v62 =	vmov s31  }
0x1f8: {  	v63 =	vshll.u32 v62, $0x9;
	v42 =	vshll.u32 v62, $0x7  }
0x1f9: {  	v43 =	vand.u32 $0x7000, v63;
	v42 =	vand.u32 $0x380, v42  }
0x1fa: {  	v42 =	vor.u32 v42, v43  }
0x1fb: {  	s16 =	simm.s32 $0x1;
	v43 =	vor.u32 v25, v42;
	v41 =	vld.idx.msk [tilespmem:v61+s10+$0x0], $0xffff  }
0x1fc: {  	s17 =	simm.s32 $0x2;
	v42 =	vor.u32 s16, v40  }
.LBB2_36:
0x1fd: {  	p0 =	sne.s32 s17, $0x3F  }
0x1fe: {  	v44 =	vmov s16;
	s16 =	smov.u32 s17  }
.Ltmp17:
0x1ff: {  	v45 =	vshll.u32 v44, $0x9;
	v44 =	vshll.u32 v44, $0x7;
	(pc) =	sbr.rel @p0 .LBB2_36-.Ltmp17, $4  }
0x200: {  	v45 =	vand.u32 $0x7000, v45;
	v44 =	vand.u32 $0x380, v44;
	[tilespmem:v43+s12+$0x0] =	vst.idx.msk $0xffff, v41  }
0x201: {  	v41 =	vld.idx.msk [tilespmem:v42+s10+$0x0], $0xffff;
	v42 =	vor.u32 v44, v45  }
0x202: {  	v43 =	vor.u32 v25, v42  }
0x203: {  	s17 =	sadd.s32 $0x1, s17;
	v42 =	vor.u32 s16, v40  }
0x204: {  	_ = 	snop  }
0x205: {  	v40 =	vmov s16  }
0x206: {  	v44 =	vshll.u32 v40, $0x9;
	v40 =	vshll.u32 v40, $0x7  }
0x207: {  	v44 =	vand.u32 $0x7000, v44;
	v40 =	vand.u32 $0x380, v40  }
0x208: {  	[tilespmem:v43+s12+$0x0] =	vst.idx.msk $0xffff, v41;
	v40 =	vor.u32 v40, v44  }
0x209: {  	v41 =	vld.idx.msk [tilespmem:v42+s10+$0x0], $0xffff;
	v40 =	vor.u32 v25, v40;
	_ =	sdelay $0x4  }
0x20a: {  	[tilespmem:v40+s12+$0x0] =	vst.idx.msk $0xffff, v41  }
0x20b: {  	v40 =	vld [tilespmem:$0x120];
	_ =	sdelay $0x4  }
0x20c: {  	v40 =	vshll.u32 v40, $0x6  }
0x20d: {  	v40 =	vand.u32 $0x40, v40  }
0x20e: {  	s31 =	simm.s32 $0x0;
	v40 =	vor.u32 v4, v40  }
0x20f: {  	v61 =	vor.u32 s31, v40  }
0x210: {  	v62 =	vmov s31  }
0x211: {  	v63 =	vshll.u32 v62, $0x9;
	v42 =	vshll.u32 v62, $0x7  }
0x212: {  	v43 =	vand.u32 $0x7000, v63;
	v42 =	vand.u32 $0x380, v42  }
0x213: {  	v42 =	vor.u32 v42, v43  }
0x214: {  	s16 =	simm.s32 $0x1;
	v43 =	vor.u32 v26, v42;
	v41 =	vld.idx.msk [tilespmem:v61+s10+$0x0], $0xffff  }
0x215: {  	s17 =	simm.s32 $0x2;
	v42 =	vor.u32 s16, v40  }
.LBB2_38:
0x216: {  	p0 =	sne.s32 s17, $0x3F  }
0x217: {  	v44 =	vmov s16;
	s16 =	smov.u32 s17  }
.Ltmp18:
0x218: {  	v45 =	vshll.u32 v44, $0x9;
	v44 =	vshll.u32 v44, $0x7;
	(pc) =	sbr.rel @p0 .LBB2_38-.Ltmp18, $4  }
0x219: {  	v45 =	vand.u32 $0x7000, v45;
	v44 =	vand.u32 $0x380, v44;
	[tilespmem:v43+s12+$0x0] =	vst.idx.msk $0xffff, v41  }
0x21a: {  	v41 =	vld.idx.msk [tilespmem:v42+s10+$0x0], $0xffff;
	v42 =	vor.u32 v44, v45  }
0x21b: {  	v43 =	vor.u32 v26, v42  }
0x21c: {  	s17 =	sadd.s32 $0x1, s17;
	v42 =	vor.u32 s16, v40  }
0x21d: {  	_ = 	snop  }
0x21e: {  	v40 =	vmov s16  }
0x21f: {  	v44 =	vshll.u32 v40, $0x9;
	v40 =	vshll.u32 v40, $0x7  }
0x220: {  	v44 =	vand.u32 $0x7000, v44;
	v40 =	vand.u32 $0x380, v40  }
0x221: {  	[tilespmem:v43+s12+$0x0] =	vst.idx.msk $0xffff, v41;
	v40 =	vor.u32 v40, v44  }
0x222: {  	v41 =	vld.idx.msk [tilespmem:v42+s10+$0x0], $0xffff;
	v40 =	vor.u32 v26, v40;
	_ =	sdelay $0x4  }
0x223: {  	[tilespmem:v40+s12+$0x0] =	vst.idx.msk $0xffff, v41  }
0x224: {  	v40 =	vld [tilespmem:$0x130];
	_ =	sdelay $0x4  }
0x225: {  	v40 =	vshll.u32 v40, $0x6  }
0x226: {  	v40 =	vand.u32 $0x40, v40  }
0x227: {  	s31 =	simm.s32 $0x0;
	v40 =	vor.u32 v6, v40  }
0x228: {  	v61 =	vor.u32 s31, v40  }
0x229: {  	v62 =	vmov s31  }
0x22a: {  	v63 =	vshll.u32 v62, $0x9;
	v42 =	vshll.u32 v62, $0x7  }
0x22b: {  	v43 =	vand.u32 $0x7000, v63;
	v42 =	vand.u32 $0x380, v42  }
0x22c: {  	v42 =	vor.u32 v42, v43  }
0x22d: {  	s16 =	simm.s32 $0x1;
	v43 =	vor.u32 v27, v42;
	v41 =	vld.idx.msk [tilespmem:v61+s10+$0x0], $0xffff  }
0x22e: {  	s17 =	simm.s32 $0x2;
	v42 =	vor.u32 s16, v40  }
.LBB2_40:
0x22f: {  	p0 =	sne.s32 s17, $0x3F  }
0x230: {  	v44 =	vmov s16;
	s16 =	smov.u32 s17  }
.Ltmp19:
0x231: {  	v45 =	vshll.u32 v44, $0x9;
	v44 =	vshll.u32 v44, $0x7;
	(pc) =	sbr.rel @p0 .LBB2_40-.Ltmp19, $4  }
0x232: {  	v45 =	vand.u32 $0x7000, v45;
	v44 =	vand.u32 $0x380, v44;
	[tilespmem:v43+s12+$0x0] =	vst.idx.msk $0xffff, v41  }
0x233: {  	v41 =	vld.idx.msk [tilespmem:v42+s10+$0x0], $0xffff;
	v42 =	vor.u32 v44, v45  }
0x234: {  	v43 =	vor.u32 v27, v42  }
0x235: {  	s17 =	sadd.s32 $0x1, s17;
	v42 =	vor.u32 s16, v40  }
0x236: {  	_ = 	snop  }
0x237: {  	v40 =	vmov s16  }
0x238: {  	v44 =	vshll.u32 v40, $0x9;
	v40 =	vshll.u32 v40, $0x7  }
0x239: {  	v44 =	vand.u32 $0x7000, v44;
	v40 =	vand.u32 $0x380, v40  }
0x23a: {  	[tilespmem:v43+s12+$0x0] =	vst.idx.msk $0xffff, v41;
	v40 =	vor.u32 v40, v44  }
0x23b: {  	v41 =	vld.idx.msk [tilespmem:v42+s10+$0x0], $0xffff;
	v40 =	vor.u32 v27, v40;
	_ =	sdelay $0x4  }
0x23c: {  	[tilespmem:v40+s12+$0x0] =	vst.idx.msk $0xffff, v41  }
0x23d: {  	v40 =	vld [tilespmem:$0x140];
	_ =	sdelay $0x4  }
0x23e: {  	v40 =	vshll.u32 v40, $0x6  }
0x23f: {  	v40 =	vand.u32 $0x40, v40  }
0x240: {  	s31 =	simm.s32 $0x0;
	v40 =	vor.u32 v8, v40  }
0x241: {  	v61 =	vor.u32 s31, v40  }
0x242: {  	v62 =	vmov s31  }
0x243: {  	v63 =	vshll.u32 v62, $0x9;
	v42 =	vshll.u32 v62, $0x7  }
0x244: {  	v43 =	vand.u32 $0x7000, v63;
	v42 =	vand.u32 $0x380, v42  }
0x245: {  	v42 =	vor.u32 v42, v43  }
0x246: {  	s16 =	simm.s32 $0x1;
	v43 =	vor.u32 v28, v42;
	v41 =	vld.idx.msk [tilespmem:v61+s10+$0x0], $0xffff  }
0x247: {  	s17 =	simm.s32 $0x2;
	v42 =	vor.u32 s16, v40  }
.LBB2_42:
0x248: {  	p0 =	sne.s32 s17, $0x3F  }
0x249: {  	v44 =	vmov s16;
	s16 =	smov.u32 s17  }
.Ltmp20:
0x24a: {  	v45 =	vshll.u32 v44, $0x9;
	v44 =	vshll.u32 v44, $0x7;
	(pc) =	sbr.rel @p0 .LBB2_42-.Ltmp20, $4  }
0x24b: {  	v45 =	vand.u32 $0x7000, v45;
	v44 =	vand.u32 $0x380, v44;
	[tilespmem:v43+s12+$0x0] =	vst.idx.msk $0xffff, v41  }
0x24c: {  	v41 =	vld.idx.msk [tilespmem:v42+s10+$0x0], $0xffff;
	v42 =	vor.u32 v44, v45  }
0x24d: {  	v43 =	vor.u32 v28, v42  }
0x24e: {  	s17 =	sadd.s32 $0x1, s17;
	v42 =	vor.u32 s16, v40  }
0x24f: {  	_ = 	snop  }
0x250: {  	v40 =	vmov s16  }
0x251: {  	v44 =	vshll.u32 v40, $0x9;
	v40 =	vshll.u32 v40, $0x7  }
0x252: {  	v44 =	vand.u32 $0x7000, v44;
	v40 =	vand.u32 $0x380, v40  }
0x253: {  	[tilespmem:v43+s12+$0x0] =	vst.idx.msk $0xffff, v41;
	v40 =	vor.u32 v40, v44  }
0x254: {  	v41 =	vld.idx.msk [tilespmem:v42+s10+$0x0], $0xffff;
	v40 =	vor.u32 v28, v40;
	_ =	sdelay $0x4  }
0x255: {  	[tilespmem:v40+s12+$0x0] =	vst.idx.msk $0xffff, v41  }
0x256: {  	v40 =	vld [tilespmem:$0x150];
	_ =	sdelay $0x4  }
0x257: {  	v40 =	vshll.u32 v40, $0x6  }
0x258: {  	v40 =	vand.u32 $0x40, v40  }
0x259: {  	s31 =	simm.s32 $0x0;
	v40 =	vor.u32 v10, v40  }
0x25a: {  	v61 =	vor.u32 s31, v40  }
0x25b: {  	v62 =	vmov s31  }
0x25c: {  	v63 =	vshll.u32 v62, $0x9;
	v42 =	vshll.u32 v62, $0x7  }
0x25d: {  	v43 =	vand.u32 $0x7000, v63;
	v42 =	vand.u32 $0x380, v42  }
0x25e: {  	v42 =	vor.u32 v42, v43  }
0x25f: {  	s16 =	simm.s32 $0x1;
	v43 =	vor.u32 v29, v42;
	v41 =	vld.idx.msk [tilespmem:v61+s10+$0x0], $0xffff  }
0x260: {  	s17 =	simm.s32 $0x2;
	v42 =	vor.u32 s16, v40  }
.LBB2_44:
0x261: {  	p0 =	sne.s32 s17, $0x3F  }
0x262: {  	v44 =	vmov s16;
	s16 =	smov.u32 s17  }
.Ltmp21:
0x263: {  	v45 =	vshll.u32 v44, $0x9;
	v44 =	vshll.u32 v44, $0x7;
	(pc) =	sbr.rel @p0 .LBB2_44-.Ltmp21, $4  }
0x264: {  	v45 =	vand.u32 $0x7000, v45;
	v44 =	vand.u32 $0x380, v44;
	[tilespmem:v43+s12+$0x0] =	vst.idx.msk $0xffff, v41  }
0x265: {  	v41 =	vld.idx.msk [tilespmem:v42+s10+$0x0], $0xffff;
	v42 =	vor.u32 v44, v45  }
0x266: {  	v43 =	vor.u32 v29, v42  }
0x267: {  	s17 =	sadd.s32 $0x1, s17;
	v42 =	vor.u32 s16, v40  }
0x268: {  	_ = 	snop  }
0x269: {  	v40 =	vmov s16  }
0x26a: {  	v44 =	vshll.u32 v40, $0x9;
	v40 =	vshll.u32 v40, $0x7  }
0x26b: {  	v44 =	vand.u32 $0x7000, v44;
	v40 =	vand.u32 $0x380, v40  }
0x26c: {  	[tilespmem:v43+s12+$0x0] =	vst.idx.msk $0xffff, v41;
	v40 =	vor.u32 v40, v44  }
0x26d: {  	v41 =	vld.idx.msk [tilespmem:v42+s10+$0x0], $0xffff;
	v40 =	vor.u32 v29, v40;
	_ =	sdelay $0x4  }
0x26e: {  	[tilespmem:v40+s12+$0x0] =	vst.idx.msk $0xffff, v41  }
0x26f: {  	v40 =	vld [tilespmem:$0x160];
	_ =	sdelay $0x4  }
0x270: {  	v40 =	vshll.u32 v40, $0x6  }
0x271: {  	v40 =	vand.u32 $0x40, v40  }
0x272: {  	s31 =	simm.s32 $0x0;
	v40 =	vor.u32 v12, v40  }
0x273: {  	v61 =	vor.u32 s31, v40  }
0x274: {  	v62 =	vmov s31  }
0x275: {  	v63 =	vshll.u32 v62, $0x9;
	v42 =	vshll.u32 v62, $0x7  }
0x276: {  	v43 =	vand.u32 $0x7000, v63;
	v42 =	vand.u32 $0x380, v42  }
0x277: {  	v42 =	vor.u32 v42, v43  }
0x278: {  	s16 =	simm.s32 $0x1;
	v43 =	vor.u32 v30, v42;
	v41 =	vld.idx.msk [tilespmem:v61+s10+$0x0], $0xffff  }
0x279: {  	s17 =	simm.s32 $0x2;
	v42 =	vor.u32 s16, v40  }
.LBB2_46:
0x27a: {  	p0 =	sne.s32 s17, $0x3F  }
0x27b: {  	v44 =	vmov s16;
	s16 =	smov.u32 s17  }
.Ltmp22:
0x27c: {  	v45 =	vshll.u32 v44, $0x9;
	v44 =	vshll.u32 v44, $0x7;
	(pc) =	sbr.rel @p0 .LBB2_46-.Ltmp22, $4  }
0x27d: {  	v45 =	vand.u32 $0x7000, v45;
	v44 =	vand.u32 $0x380, v44;
	[tilespmem:v43+s12+$0x0] =	vst.idx.msk $0xffff, v41  }
0x27e: {  	v41 =	vld.idx.msk [tilespmem:v42+s10+$0x0], $0xffff;
	v42 =	vor.u32 v44, v45  }
0x27f: {  	v43 =	vor.u32 v30, v42  }
0x280: {  	s17 =	sadd.s32 $0x1, s17;
	v42 =	vor.u32 s16, v40  }
0x281: {  	_ = 	snop  }
0x282: {  	v40 =	vmov s16  }
0x283: {  	v44 =	vshll.u32 v40, $0x9;
	v40 =	vshll.u32 v40, $0x7  }
0x284: {  	v44 =	vand.u32 $0x7000, v44;
	v40 =	vand.u32 $0x380, v40  }
0x285: {  	[tilespmem:v43+s12+$0x0] =	vst.idx.msk $0xffff, v41;
	v40 =	vor.u32 v40, v44  }
0x286: {  	v41 =	vld.idx.msk [tilespmem:v42+s10+$0x0], $0xffff;
	v40 =	vor.u32 v30, v40;
	_ =	sdelay $0x4  }
0x287: {  	[tilespmem:v40+s12+$0x0] =	vst.idx.msk $0xffff, v41  }
0x288: {  	v40 =	vld [tilespmem:$0x170];
	_ =	sdelay $0x4  }
0x289: {  	v40 =	vshll.u32 v40, $0x6  }
0x28a: {  	v40 =	vand.u32 $0x40, v40  }
0x28b: {  	s31 =	simm.s32 $0x0;
	v40 =	vor.u32 v14, v40  }
0x28c: {  	v61 =	vor.u32 s31, v40  }
0x28d: {  	v62 =	vmov s31  }
0x28e: {  	v63 =	vshll.u32 v62, $0x9;
	v42 =	vshll.u32 v62, $0x7  }
0x28f: {  	v43 =	vand.u32 $0x7000, v63;
	v42 =	vand.u32 $0x380, v42  }
0x290: {  	v42 =	vor.u32 v42, v43  }
0x291: {  	s16 =	simm.s32 $0x1;
	v43 =	vor.u32 v31, v42;
	v41 =	vld.idx.msk [tilespmem:v61+s10+$0x0], $0xffff  }
0x292: {  	s17 =	simm.s32 $0x2;
	v42 =	vor.u32 s16, v40  }
.LBB2_48:
0x293: {  	p0 =	sne.s32 s17, $0x3F  }
0x294: {  	v44 =	vmov s16;
	s16 =	smov.u32 s17  }
.Ltmp23:
0x295: {  	v45 =	vshll.u32 v44, $0x9;
	v44 =	vshll.u32 v44, $0x7;
	(pc) =	sbr.rel @p0 .LBB2_48-.Ltmp23, $4  }
0x296: {  	v45 =	vand.u32 $0x7000, v45;
	v44 =	vand.u32 $0x380, v44;
	[tilespmem:v43+s12+$0x0] =	vst.idx.msk $0xffff, v41  }
0x297: {  	v41 =	vld.idx.msk [tilespmem:v42+s10+$0x0], $0xffff;
	v42 =	vor.u32 v44, v45  }
0x298: {  	v43 =	vor.u32 v31, v42  }
0x299: {  	s17 =	sadd.s32 $0x1, s17;
	v42 =	vor.u32 s16, v40  }
0x29a: {  	_ = 	snop  }
0x29b: {  	v40 =	vmov s16  }
0x29c: {  	v44 =	vshll.u32 v40, $0x9;
	v40 =	vshll.u32 v40, $0x7  }
0x29d: {  	v44 =	vand.u32 $0x7000, v44;
	v40 =	vand.u32 $0x380, v40  }
0x29e: {  	[tilespmem:v43+s12+$0x0] =	vst.idx.msk $0xffff, v41;
	v40 =	vor.u32 v40, v44  }
0x29f: {  	v41 =	vld.idx.msk [tilespmem:v42+s10+$0x0], $0xffff;
	v40 =	vor.u32 v31, v40;
	_ =	sdelay $0x4  }
0x2a0: {  	[tilespmem:v40+s12+$0x0] =	vst.idx.msk $0xffff, v41  }
0x2a1: {  	v40 =	vld [tilespmem:$0x180]  }
0x2a2: {  	v41 =	vld [tilespmem:$0x190]  }
0x2a3: {  	v49 =	vld [tilespmem:$0x1A0]  }
0x2a4: {  	v43 =	vld [tilespmem:$0x1B0]  }
0x2a5: {  	v50 =	vld [tilespmem:$0x1C0]  }
0x2a6: {  	v45 =	vld [tilespmem:$0x1D0];
	v40 =	vshra.s32 v40, $0x1  }
0x2a7: {  	v52 =	vld [tilespmem:$0x1E0];
	v51 =	vshra.s32 v41, $0x1;
	[tilespmem:$0x200] =	vst v40  }
0x2a8: {  	v54 =	vld [tilespmem:$0x1F0];
	v53 =	vshra.s32 v49, $0x1;
	[tilespmem:$0x210] =	vst v51  }
0x2a9: {  	v55 =	vshra.s32 v43, $0x1;
	[tilespmem:$0x220] =	vst v53  }
0x2aa: {  	v56 =	vshra.s32 v50, $0x1;
	[tilespmem:$0x230] =	vst v55  }
0x2ab: {  	v57 =	vshra.s32 v45, $0x1;
	[tilespmem:$0x240] =	vst v56  }
0x2ac: {  	v58 =	vshra.s32 v52, $0x1;
	[tilespmem:$0x250] =	vst v57  }
0x2ad: {  	v59 =	vshra.s32 v54, $0x1;
	[tilespmem:$0x260] =	vst v58  }
0x2ae: {  	[tilespmem:$0x270] =	vst v59  }
0x2af: {  	[tilespmem:s10], [sflag:$0x1] =	stream.indirect.gather [hbm4b:s3+s8], $0x80, s9, s8, $0xb8;
	[tilespmem:$0xC280] =	vst v63  }
0x2b0: {  	_ =	swait.ge [sflag:s11], $0x4000  }
0x2b1: {  	[sflag:s11] =	ssyncset.done $0x0  }
0x2b2: {  	[sflag:s11] =	ssyncadd.s32 $0xFFFFC000  }
0x2b3: {  	v60 =	vld [tilespmem:$0x180];
	_ =	sdelay $0x4  }
0x2b4: {  	v40 =	vshll.u32 v60, $0x6  }
0x2b5: {  	v40 =	vand.u32 $0x40, v40  }
0x2b6: {  	s31 =	simm.s32 $0x0;
	v40 =	vor.u32 v1, v40  }
0x2b7: {  	v61 =	vor.u32 s31, v40  }
0x2b8: {  	v62 =	vmov s31  }
0x2b9: {  	v63 =	vshll.u32 v62, $0x9;
	v42 =	vshll.u32 v62, $0x7  }
0x2ba: {  	v42 =	vand.u32 $0x380, v42;
	v43 =	vand.u32 $0x7000, v63  }
0x2bb: {  	v42 =	vor.u32 v42, v43  }
0x2bc: {  	s16 =	simm.s32 $0x1;
	v43 =	vor.u32 v32, v42;
	v41 =	vld.idx.msk [tilespmem:v61+s10+$0x0], $0xffff  }
0x2bd: {  	s17 =	simm.s32 $0x2;
	v42 =	vor.u32 s16, v40  }
.LBB2_50:
0x2be: {  	p0 =	sne.s32 s17, $0x3F  }
0x2bf: {  	v44 =	vmov s16;
	s16 =	smov.u32 s17  }
.Ltmp24:
0x2c0: {  	v45 =	vshll.u32 v44, $0x9;
	v44 =	vshll.u32 v44, $0x7;
	(pc) =	sbr.rel @p0 .LBB2_50-.Ltmp24, $4  }
0x2c1: {  	v45 =	vand.u32 $0x7000, v45;
	v44 =	vand.u32 $0x380, v44;
	[tilespmem:v43+s12+$0x0] =	vst.idx.msk $0xffff, v41  }
0x2c2: {  	v41 =	vld.idx.msk [tilespmem:v42+s10+$0x0], $0xffff;
	v42 =	vor.u32 v44, v45  }
0x2c3: {  	v43 =	vor.u32 v32, v42  }
0x2c4: {  	s17 =	sadd.s32 $0x1, s17;
	v42 =	vor.u32 s16, v40  }
0x2c5: {  	_ = 	snop  }
0x2c6: {  	v40 =	vmov s16  }
0x2c7: {  	v44 =	vshll.u32 v40, $0x9;
	v40 =	vshll.u32 v40, $0x7  }
0x2c8: {  	v44 =	vand.u32 $0x7000, v44;
	v40 =	vand.u32 $0x380, v40  }
0x2c9: {  	[tilespmem:v43+s12+$0x0] =	vst.idx.msk $0xffff, v41;
	v40 =	vor.u32 v40, v44  }
0x2ca: {  	v41 =	vld.idx.msk [tilespmem:v42+s10+$0x0], $0xffff;
	v40 =	vor.u32 v32, v40;
	_ =	sdelay $0x4  }
0x2cb: {  	[tilespmem:v40+s12+$0x0] =	vst.idx.msk $0xffff, v41  }
0x2cc: {  	v40 =	vld [tilespmem:$0x190];
	_ =	sdelay $0x4  }
0x2cd: {  	v40 =	vshll.u32 v40, $0x6  }
0x2ce: {  	v40 =	vand.u32 $0x40, v40  }
0x2cf: {  	s31 =	simm.s32 $0x0;
	v40 =	vor.u32 v2, v40  }
0x2d0: {  	v61 =	vor.u32 s31, v40  }
0x2d1: {  	v62 =	vmov s31  }
0x2d2: {  	v63 =	vshll.u32 v62, $0x9;
	v42 =	vshll.u32 v62, $0x7  }
0x2d3: {  	v43 =	vand.u32 $0x7000, v63;
	v42 =	vand.u32 $0x380, v42  }
0x2d4: {  	v42 =	vor.u32 v42, v43  }
0x2d5: {  	s16 =	simm.s32 $0x1;
	v43 =	vor.u32 v33, v42;
	v41 =	vld.idx.msk [tilespmem:v61+s10+$0x0], $0xffff  }
0x2d6: {  	s17 =	simm.s32 $0x2;
	v42 =	vor.u32 s16, v40  }
.LBB2_52:
0x2d7: {  	p0 =	sne.s32 s17, $0x3F  }
0x2d8: {  	v44 =	vmov s16;
	s16 =	smov.u32 s17  }
.Ltmp25:
0x2d9: {  	v45 =	vshll.u32 v44, $0x9;
	v44 =	vshll.u32 v44, $0x7;
	(pc) =	sbr.rel @p0 .LBB2_52-.Ltmp25, $4  }
0x2da: {  	v45 =	vand.u32 $0x7000, v45;
	v44 =	vand.u32 $0x380, v44;
	[tilespmem:v43+s12+$0x0] =	vst.idx.msk $0xffff, v41  }
0x2db: {  	v41 =	vld.idx.msk [tilespmem:v42+s10+$0x0], $0xffff;
	v42 =	vor.u32 v44, v45  }
0x2dc: {  	v43 =	vor.u32 v33, v42  }
0x2dd: {  	s17 =	sadd.s32 $0x1, s17;
	v42 =	vor.u32 s16, v40  }
0x2de: {  	_ = 	snop  }
0x2df: {  	v40 =	vmov s16  }
0x2e0: {  	v44 =	vshll.u32 v40, $0x9;
	v40 =	vshll.u32 v40, $0x7  }
0x2e1: {  	v44 =	vand.u32 $0x7000, v44;
	v40 =	vand.u32 $0x380, v40  }
0x2e2: {  	[tilespmem:v43+s12+$0x0] =	vst.idx.msk $0xffff, v41;
	v40 =	vor.u32 v40, v44  }
0x2e3: {  	v41 =	vld.idx.msk [tilespmem:v42+s10+$0x0], $0xffff;
	v40 =	vor.u32 v33, v40;
	_ =	sdelay $0x4  }
0x2e4: {  	[tilespmem:v40+s12+$0x0] =	vst.idx.msk $0xffff, v41  }
0x2e5: {  	v40 =	vld [tilespmem:$0x1A0];
	_ =	sdelay $0x4  }
0x2e6: {  	v40 =	vshll.u32 v40, $0x6  }
0x2e7: {  	v40 =	vand.u32 $0x40, v40  }
0x2e8: {  	s31 =	simm.s32 $0x0;
	v40 =	vor.u32 v4, v40  }
0x2e9: {  	v61 =	vor.u32 s31, v40  }
0x2ea: {  	v62 =	vmov s31  }
0x2eb: {  	v63 =	vshll.u32 v62, $0x9;
	v42 =	vshll.u32 v62, $0x7  }
0x2ec: {  	v43 =	vand.u32 $0x7000, v63;
	v42 =	vand.u32 $0x380, v42  }
0x2ed: {  	v42 =	vor.u32 v42, v43  }
0x2ee: {  	s16 =	simm.s32 $0x1;
	v43 =	vor.u32 v34, v42;
	v41 =	vld.idx.msk [tilespmem:v61+s10+$0x0], $0xffff  }
0x2ef: {  	s17 =	simm.s32 $0x2;
	v42 =	vor.u32 s16, v40  }
.LBB2_54:
0x2f0: {  	p0 =	sne.s32 s17, $0x3F  }
0x2f1: {  	v44 =	vmov s16;
	s16 =	smov.u32 s17  }
.Ltmp26:
0x2f2: {  	v45 =	vshll.u32 v44, $0x9;
	v44 =	vshll.u32 v44, $0x7;
	(pc) =	sbr.rel @p0 .LBB2_54-.Ltmp26, $4  }
0x2f3: {  	v45 =	vand.u32 $0x7000, v45;
	v44 =	vand.u32 $0x380, v44;
	[tilespmem:v43+s12+$0x0] =	vst.idx.msk $0xffff, v41  }
0x2f4: {  	v41 =	vld.idx.msk [tilespmem:v42+s10+$0x0], $0xffff;
	v42 =	vor.u32 v44, v45  }
0x2f5: {  	v43 =	vor.u32 v34, v42  }
0x2f6: {  	s17 =	sadd.s32 $0x1, s17;
	v42 =	vor.u32 s16, v40  }
0x2f7: {  	_ = 	snop  }
0x2f8: {  	v40 =	vmov s16  }
0x2f9: {  	v44 =	vshll.u32 v40, $0x9;
	v40 =	vshll.u32 v40, $0x7  }
0x2fa: {  	v44 =	vand.u32 $0x7000, v44;
	v40 =	vand.u32 $0x380, v40  }
0x2fb: {  	[tilespmem:v43+s12+$0x0] =	vst.idx.msk $0xffff, v41;
	v40 =	vor.u32 v40, v44  }
0x2fc: {  	v41 =	vld.idx.msk [tilespmem:v42+s10+$0x0], $0xffff;
	v40 =	vor.u32 v34, v40;
	_ =	sdelay $0x4  }
0x2fd: {  	[tilespmem:v40+s12+$0x0] =	vst.idx.msk $0xffff, v41  }
0x2fe: {  	v40 =	vld [tilespmem:$0x1B0];
	_ =	sdelay $0x4  }
0x2ff: {  	v40 =	vshll.u32 v40, $0x6  }
0x300: {  	v40 =	vand.u32 $0x40, v40  }
0x301: {  	s31 =	simm.s32 $0x0;
	v40 =	vor.u32 v6, v40  }
0x302: {  	v61 =	vor.u32 s31, v40  }
0x303: {  	v62 =	vmov s31  }
0x304: {  	v63 =	vshll.u32 v62, $0x9;
	v42 =	vshll.u32 v62, $0x7  }
0x305: {  	v43 =	vand.u32 $0x7000, v63;
	v42 =	vand.u32 $0x380, v42  }
0x306: {  	v42 =	vor.u32 v42, v43  }
0x307: {  	s16 =	simm.s32 $0x1;
	v43 =	vor.u32 v35, v42;
	v41 =	vld.idx.msk [tilespmem:v61+s10+$0x0], $0xffff  }
0x308: {  	s17 =	simm.s32 $0x2;
	v42 =	vor.u32 s16, v40  }
.LBB2_56:
0x309: {  	p0 =	sne.s32 s17, $0x3F  }
0x30a: {  	v44 =	vmov s16;
	s16 =	smov.u32 s17  }
.Ltmp27:
0x30b: {  	v45 =	vshll.u32 v44, $0x9;
	v44 =	vshll.u32 v44, $0x7;
	(pc) =	sbr.rel @p0 .LBB2_56-.Ltmp27, $4  }
0x30c: {  	v45 =	vand.u32 $0x7000, v45;
	v44 =	vand.u32 $0x380, v44;
	[tilespmem:v43+s12+$0x0] =	vst.idx.msk $0xffff, v41  }
0x30d: {  	v41 =	vld.idx.msk [tilespmem:v42+s10+$0x0], $0xffff;
	v42 =	vor.u32 v44, v45  }
0x30e: {  	v43 =	vor.u32 v35, v42  }
0x30f: {  	s17 =	sadd.s32 $0x1, s17;
	v42 =	vor.u32 s16, v40  }
0x310: {  	_ = 	snop  }
0x311: {  	v40 =	vmov s16  }
0x312: {  	v44 =	vshll.u32 v40, $0x9;
	v40 =	vshll.u32 v40, $0x7  }
0x313: {  	v44 =	vand.u32 $0x7000, v44;
	v40 =	vand.u32 $0x380, v40  }
0x314: {  	[tilespmem:v43+s12+$0x0] =	vst.idx.msk $0xffff, v41;
	v40 =	vor.u32 v40, v44  }
0x315: {  	v41 =	vld.idx.msk [tilespmem:v42+s10+$0x0], $0xffff;
	v40 =	vor.u32 v35, v40;
	_ =	sdelay $0x4  }
0x316: {  	[tilespmem:v40+s12+$0x0] =	vst.idx.msk $0xffff, v41  }
0x317: {  	v40 =	vld [tilespmem:$0x1C0];
	_ =	sdelay $0x4  }
0x318: {  	v40 =	vshll.u32 v40, $0x6  }
0x319: {  	v40 =	vand.u32 $0x40, v40  }
0x31a: {  	s31 =	simm.s32 $0x0;
	v40 =	vor.u32 v8, v40  }
0x31b: {  	v61 =	vor.u32 s31, v40  }
0x31c: {  	v62 =	vmov s31  }
0x31d: {  	v63 =	vshll.u32 v62, $0x9;
	v42 =	vshll.u32 v62, $0x7  }
0x31e: {  	v43 =	vand.u32 $0x7000, v63;
	v42 =	vand.u32 $0x380, v42  }
0x31f: {  	v42 =	vor.u32 v42, v43  }
0x320: {  	s16 =	simm.s32 $0x1;
	v43 =	vor.u32 v36, v42;
	v41 =	vld.idx.msk [tilespmem:v61+s10+$0x0], $0xffff  }
0x321: {  	s17 =	simm.s32 $0x2;
	v42 =	vor.u32 s16, v40  }
.LBB2_58:
0x322: {  	p0 =	sne.s32 s17, $0x3F  }
0x323: {  	v44 =	vmov s16;
	s16 =	smov.u32 s17  }
.Ltmp28:
0x324: {  	v45 =	vshll.u32 v44, $0x9;
	v44 =	vshll.u32 v44, $0x7;
	(pc) =	sbr.rel @p0 .LBB2_58-.Ltmp28, $4  }
0x325: {  	v45 =	vand.u32 $0x7000, v45;
	v44 =	vand.u32 $0x380, v44;
	[tilespmem:v43+s12+$0x0] =	vst.idx.msk $0xffff, v41  }
0x326: {  	v41 =	vld.idx.msk [tilespmem:v42+s10+$0x0], $0xffff;
	v42 =	vor.u32 v44, v45  }
0x327: {  	v43 =	vor.u32 v36, v42  }
0x328: {  	s17 =	sadd.s32 $0x1, s17;
	v42 =	vor.u32 s16, v40  }
0x329: {  	_ = 	snop  }
0x32a: {  	v40 =	vmov s16  }
0x32b: {  	v44 =	vshll.u32 v40, $0x9;
	v40 =	vshll.u32 v40, $0x7  }
0x32c: {  	v44 =	vand.u32 $0x7000, v44;
	v40 =	vand.u32 $0x380, v40  }
0x32d: {  	[tilespmem:v43+s12+$0x0] =	vst.idx.msk $0xffff, v41;
	v40 =	vor.u32 v40, v44  }
0x32e: {  	v41 =	vld.idx.msk [tilespmem:v42+s10+$0x0], $0xffff;
	v40 =	vor.u32 v36, v40;
	_ =	sdelay $0x4  }
0x32f: {  	[tilespmem:v40+s12+$0x0] =	vst.idx.msk $0xffff, v41  }
0x330: {  	v40 =	vld [tilespmem:$0x1D0];
	_ =	sdelay $0x4  }
0x331: {  	v40 =	vshll.u32 v40, $0x6  }
0x332: {  	v40 =	vand.u32 $0x40, v40  }
0x333: {  	s31 =	simm.s32 $0x0;
	v40 =	vor.u32 v10, v40  }
0x334: {  	v61 =	vor.u32 s31, v40  }
0x335: {  	v62 =	vmov s31  }
0x336: {  	v63 =	vshll.u32 v62, $0x9;
	v42 =	vshll.u32 v62, $0x7  }
0x337: {  	v43 =	vand.u32 $0x7000, v63;
	v42 =	vand.u32 $0x380, v42  }
0x338: {  	v42 =	vor.u32 v42, v43  }
0x339: {  	s16 =	simm.s32 $0x1;
	v43 =	vor.u32 v37, v42;
	v41 =	vld.idx.msk [tilespmem:v61+s10+$0x0], $0xffff  }
0x33a: {  	s17 =	simm.s32 $0x2;
	v42 =	vor.u32 s16, v40  }
.LBB2_60:
0x33b: {  	p0 =	sne.s32 s17, $0x3F  }
0x33c: {  	v44 =	vmov s16;
	s16 =	smov.u32 s17  }
.Ltmp29:
0x33d: {  	v45 =	vshll.u32 v44, $0x9;
	v44 =	vshll.u32 v44, $0x7;
	(pc) =	sbr.rel @p0 .LBB2_60-.Ltmp29, $4  }
0x33e: {  	v45 =	vand.u32 $0x7000, v45;
	v44 =	vand.u32 $0x380, v44;
	[tilespmem:v43+s12+$0x0] =	vst.idx.msk $0xffff, v41  }
0x33f: {  	v41 =	vld.idx.msk [tilespmem:v42+s10+$0x0], $0xffff;
	v42 =	vor.u32 v44, v45  }
0x340: {  	v43 =	vor.u32 v37, v42  }
0x341: {  	s17 =	sadd.s32 $0x1, s17;
	v42 =	vor.u32 s16, v40  }
0x342: {  	_ = 	snop  }
0x343: {  	v40 =	vmov s16  }
0x344: {  	v44 =	vshll.u32 v40, $0x9;
	v40 =	vshll.u32 v40, $0x7  }
0x345: {  	v44 =	vand.u32 $0x7000, v44;
	v40 =	vand.u32 $0x380, v40  }
0x346: {  	[tilespmem:v43+s12+$0x0] =	vst.idx.msk $0xffff, v41;
	v40 =	vor.u32 v40, v44  }
0x347: {  	v41 =	vld.idx.msk [tilespmem:v42+s10+$0x0], $0xffff;
	v40 =	vor.u32 v37, v40;
	_ =	sdelay $0x4  }
0x348: {  	[tilespmem:v40+s12+$0x0] =	vst.idx.msk $0xffff, v41  }
0x349: {  	v40 =	vld [tilespmem:$0x1E0];
	_ =	sdelay $0x4  }
0x34a: {  	v40 =	vshll.u32 v40, $0x6  }
0x34b: {  	v40 =	vand.u32 $0x40, v40  }
0x34c: {  	s31 =	simm.s32 $0x0;
	v40 =	vor.u32 v12, v40  }
0x34d: {  	v61 =	vor.u32 s31, v40  }
0x34e: {  	v62 =	vmov s31  }
0x34f: {  	v63 =	vshll.u32 v62, $0x9;
	v42 =	vshll.u32 v62, $0x7  }
0x350: {  	v43 =	vand.u32 $0x7000, v63;
	v42 =	vand.u32 $0x380, v42  }
0x351: {  	v42 =	vor.u32 v42, v43  }
0x352: {  	s16 =	simm.s32 $0x1;
	v43 =	vor.u32 v38, v42;
	v41 =	vld.idx.msk [tilespmem:v61+s10+$0x0], $0xffff  }
0x353: {  	s17 =	simm.s32 $0x2;
	v42 =	vor.u32 s16, v40  }
.LBB2_62:
0x354: {  	p0 =	sne.s32 s17, $0x3F  }
0x355: {  	v44 =	vmov s16;
	s16 =	smov.u32 s17  }
.Ltmp30:
0x356: {  	v45 =	vshll.u32 v44, $0x9;
	v44 =	vshll.u32 v44, $0x7;
	(pc) =	sbr.rel @p0 .LBB2_62-.Ltmp30, $4  }
0x357: {  	v45 =	vand.u32 $0x7000, v45;
	v44 =	vand.u32 $0x380, v44;
	[tilespmem:v43+s12+$0x0] =	vst.idx.msk $0xffff, v41  }
0x358: {  	v41 =	vld.idx.msk [tilespmem:v42+s10+$0x0], $0xffff;
	v42 =	vor.u32 v44, v45  }
0x359: {  	v43 =	vor.u32 v38, v42  }
0x35a: {  	s17 =	sadd.s32 $0x1, s17;
	v42 =	vor.u32 s16, v40  }
0x35b: {  	_ = 	snop  }
0x35c: {  	v40 =	vmov s16  }
0x35d: {  	v44 =	vshll.u32 v40, $0x9;
	v40 =	vshll.u32 v40, $0x7  }
0x35e: {  	v44 =	vand.u32 $0x7000, v44;
	v40 =	vand.u32 $0x380, v40  }
0x35f: {  	[tilespmem:v43+s12+$0x0] =	vst.idx.msk $0xffff, v41;
	v40 =	vor.u32 v40, v44  }
0x360: {  	v41 =	vld.idx.msk [tilespmem:v42+s10+$0x0], $0xffff;
	v40 =	vor.u32 v38, v40;
	_ =	sdelay $0x4  }
0x361: {  	[tilespmem:v40+s12+$0x0] =	vst.idx.msk $0xffff, v41  }
0x362: {  	v40 =	vld [tilespmem:$0x1F0];
	_ =	sdelay $0x4  }
0x363: {  	v40 =	vshll.u32 v40, $0x6  }
0x364: {  	v40 =	vand.u32 $0x40, v40  }
0x365: {  	s31 =	simm.s32 $0x0;
	v40 =	vor.u32 v14, v40  }
0x366: {  	v61 =	vor.u32 s31, v40  }
0x367: {  	v62 =	vmov s31  }
0x368: {  	v63 =	vshll.u32 v62, $0x9;
	v42 =	vshll.u32 v62, $0x7  }
0x369: {  	v43 =	vand.u32 $0x7000, v63;
	v42 =	vand.u32 $0x380, v42  }
0x36a: {  	v42 =	vor.u32 v42, v43  }
0x36b: {  	s16 =	simm.s32 $0x1;
	v43 =	vor.u32 v39, v42;
	v41 =	vld.idx.msk [tilespmem:v61+s10+$0x0], $0xffff  }
0x36c: {  	s17 =	simm.s32 $0x2;
	v42 =	vor.u32 s16, v40  }
.LBB2_64:
0x36d: {  	p0 =	sne.s32 s17, $0x3F  }
0x36e: {  	v44 =	vmov s16;
	s16 =	smov.u32 s17  }
.Ltmp31:
0x36f: {  	v45 =	vshll.u32 v44, $0x9;
	v44 =	vshll.u32 v44, $0x7;
	(pc) =	sbr.rel @p0 .LBB2_64-.Ltmp31, $4  }
0x370: {  	v45 =	vand.u32 $0x7000, v45;
	v44 =	vand.u32 $0x380, v44;
	[tilespmem:v43+s12+$0x0] =	vst.idx.msk $0xffff, v41  }
0x371: {  	v41 =	vld.idx.msk [tilespmem:v42+s10+$0x0], $0xffff;
	v42 =	vor.u32 v44, v45  }
0x372: {  	v43 =	vor.u32 v39, v42  }
0x373: {  	s17 =	sadd.s32 $0x1, s17;
	v42 =	vor.u32 s16, v40  }
0x374: {  	_ = 	snop  }
0x375: {  	v40 =	vmov s16  }
0x376: {  	v44 =	vshll.u32 v40, $0x9;
	v40 =	vshll.u32 v40, $0x7  }
0x377: {  	v44 =	vand.u32 $0x7000, v44;
	v40 =	vand.u32 $0x380, v40  }
0x378: {  	[tilespmem:v43+s12+$0x0] =	vst.idx.msk $0xffff, v41;
	v40 =	vor.u32 v40, v44  }
0x379: {  	v41 =	vld.idx.msk [tilespmem:v42+s10+$0x0], $0xffff;
	v40 =	vor.u32 v39, v40;
	_ =	sdelay $0x2  }
0x37a: {  	s15 =	sadd.s32 $0x1, s15  }
0x37b: {  	p0 =	sne.s32 s15, s6  }
.Ltmp32:
0x37c: {  	[tilespmem:v40+s12+$0x0] =	vst.idx.msk $0xffff, v41;
	(pc) =	sbr.rel @p0 .LBB2_1-.Ltmp32, $4  }
0x37d: {  	[hbm4b:s5+s13] =	stream.strided.scatter [tilespmem:s12], [sflag:$0x2], $0x8000, s14, s13, $0x38;
	[tilespmem:$0xC280] =	vst v63  }
0x37e: {  	_ =	swait.ge [sflag:s7], $0x8000  }
0x37f: {  	[sflag:s7] =	ssyncset.done $0x0  }
0x380: {  	[sflag:s7] =	ssyncadd.s32 $0xFFFF8000  }
0x381: {  	_ =	sfence.sel $0x180000  }
0x382: {  	[bflag:$0x0] =	sbarrier.arrive $0xFFFF  }
0x383: {  	p0 =	sne.s32 s1, $0x0;
	_ =	strace $0x9000004A  }
0x384: {  	s0 =	sadd.s32 @!p0 $0x100000, s0;
	[bflag:$0x2] =	sbarrier.arrive $0xFFFF  }
0x385: {  	[sflag:s0] =	ssyncadd.tile.s32 @!p0 $0x1;
	_ =	shalt  }
.Lfunc_end2:
_tile_overlayer_lowered:
.L_overlay_start_2:
0x386: {  	(tag) =	ssettag $0x2  }
0x387: {  	s0 =	rddreg [dreg:$0x0];
	s2 =	stileid.u32  }
0x388: {  	s1 =	rddreg [dreg:$0x1];
	p0 =	sne.s32 s2, $0x0  }
0x389: {  	s3 =	rddreg [dreg:$0x2];
	[bflag:$0x3] =	sbarrier.arrive $0xFFFF;
	s2 =	simm.s32 @!p0 $0x1C02  }
0x38a: {  	[timem:s3], [sflag:s2] =	dma.local @!p0 [hbm:s0], s1  }
0x38b: {  	s0 =	simm.s32 @!p0 $0x2  }
0x38c: {  	_ =	swait.ge @!p0 [sflag:s0], s1  }
0x38d: {  	s1 =	ssub.s32 @!p0 $0x0, s1;
	[sflag:s0] =	ssyncset.done @!p0 $0x0  }
0x38e: {  	[sflag:s0] =	ssyncadd.s32 @!p0 s1  }
0x38f: {  	[bflag:$0x3] =	sbarrier.arrive $0xFFFF  }
0x390: {  	_ =	shalt  }

</sc_bundles>
